<compile_context>
chip_gen: v7x
topology: tpu7x:2x2x1
jax: 0.10.2.dev20260603
libtpu: 0.0.44.dev20260713+nightly
codegen_flags: <defaults>
</compile_context>

<pallas_src>
import functools

import jax
import jax.numpy as jnp
from jax import lax
from jax.experimental import pallas as pl
from jax.experimental.pallas import tpu as pltpu
from jax.experimental.pallas import tpu_sc as plsc

B = 4096
L = 200
D = 64
HID = 128
NUM_CLASSES = 2

NC = 2
NS = 16
NW = NC * NS
B_PER_W = B // NW
GROUPS = D // 16
ROW_UNROLL = 2

_mesh = plsc.VectorSubcoreMesh(core_axis_name="c", subcore_axis_name="s")

VOCAB_N = 1000000
FULL_BLOCKS = VOCAB_N // 128
REM = VOCAB_N - FULL_BLOCKS * 128


@functools.partial(
    pl.kernel,
    out_type=jax.ShapeDtypeStruct((VOCAB_N, 2 * D), jnp.float32),
    mesh=_mesh,
    compiler_params=pltpu.CompilerParams(needs_layout_passes=False),
    scratch_types=[
        pltpu.VMEM((D, 128), jnp.float32),
        pltpu.VMEM((D, 128), jnp.float32),
        pltpu.VMEM((D, 128), jnp.float32),
        pltpu.VMEM((D, 128), jnp.float32),
        pltpu.VMEM((128, 2 * D), jnp.float32),
        pltpu.VMEM((128, 2 * D), jnp.float32),
        pltpu.VMEM((128, 2 * D), jnp.float32),
        pltpu.VMEM((128, 2 * D), jnp.float32),
        pltpu.VMEM((D, REM), jnp.float32),
        pltpu.VMEM((D, 128), jnp.float32),
        pltpu.SemaphoreType.DMA,
        pltpu.SemaphoreType.DMA,
        pltpu.SemaphoreType.DMA,
        pltpu.SemaphoreType.DMA,
        pltpu.SemaphoreType.DMA,
        pltpu.SemaphoreType.DMA,
        pltpu.SemaphoreType.DMA,
        pltpu.SemaphoreType.DMA,
    ],
)
def _relayout(embt_hbm, tailt_hbm, out_hbm, vin0, vin1, vin2, vin3,
              vout0, vout1, vout2, vout3, vtail, vskew,
              si0, si1, si2, si3, so0, so1, so2, so3):
    wid = lax.axis_index("s") * NC + lax.axis_index("c")
    n_blk = FULL_BLOCKS // NW + jnp.where(wid < FULL_BLOCKS % NW, 1, 0)
    first = wid * (FULL_BLOCKS // NW) + jnp.minimum(wid, FULL_BLOCKS % NW)

    vins = (vin0, vin1, vin2, vin3)
    vouts = (vout0, vout1, vout2, vout3)
    sis = (si0, si1, si2, si3)
    sos = (so0, so1, so2, so3)
    nbuf = 4
    iota = lax.iota(jnp.int32, 16)

    def in_copy(i, p):
        off = pl.multiple_of((first + i) * 128, 128)
        return pltpu.make_async_copy(
            embt_hbm.at[:, pl.ds(off, 128)], vins[p], sis[p]
        )

    def out_copy(i, p):
        off = pl.multiple_of((first + i) * 128, 128)
        return pltpu.make_async_copy(
            vouts[p], out_hbm.at[pl.ds(off, 128)], sos[p]
        )

    def transpose(vin, vout, ncols):
        rvs = [iota + g * 16 for g in range(GROUPS)]

        def skew_body(dt, _):
            for du in range(4):
                d = dt * 4 + du
                rot = (iota + d) & 15
                vals = [
                    vin[d, pl.ds(cg * 16, 16)].at[rot].get(
                        mode="promise_in_bounds")
                    for cg in range(ncols // 16)
                ]
                for cg in range(ncols // 16):
                    vskew[d, pl.ds(cg * 16, 16)] = vals[cg]
            return 0

        lax.fori_loop(0, D // 4, skew_body, 0)

        def j_body(jt, _):
            for ju in range(2):
                j = jt * 2 + ju
                cvec = ((j - iota) & 15) + (j & 0x70)
                vals = [
                    plsc.load_gather(vskew, [rvs[g], cvec])
                    for g in range(GROUPS)
                ]
                for g in range(GROUPS):
                    vout[j, pl.ds(g * 16, 16)] = vals[g]
            return 0

        lax.fori_loop(0, ncols // 2, j_body, 0)

    for p in range(nbuf):
        in_copy(p, p).start()

    def t_body(t, _):
        for p in range(nbuf):
            i = t * nbuf + p

            @pl.when(i < n_blk)
            def _():
                in_copy(i, p).wait()

                @pl.when(i >= nbuf)
                def _():
                    out_copy(i - nbuf, p).wait()

                transpose(vins[p], vouts[p], 128)
                out_copy(i, p).start()

                @pl.when(i + nbuf < n_blk)
                def _():
                    in_copy(i + nbuf, p).start()

        return 0

    max_groups = (FULL_BLOCKS // NW + 1 + nbuf - 1) // nbuf
    lax.fori_loop(0, max_groups, t_body, 0)
    for p in range(nbuf):
        out_copy(p, p).wait()

    @pl.when(wid == NW - 1)
    def _():
        pltpu.sync_copy(tailt_hbm, vtail)
        transpose(vtail, vout0, REM)
        pltpu.sync_copy(
            vout0.at[pl.ds(0, REM)],
            out_hbm.at[pl.ds(FULL_BLOCKS * 128, REM)],
        )


@functools.partial(
    pl.kernel,
    out_type=jax.ShapeDtypeStruct((B, D), jnp.float32),
    mesh=_mesh,
    scratch_types=[
        pltpu.VMEM((L, B_PER_W), jnp.int32),
        pltpu.VMEM((B_PER_W, 2 * D), jnp.float32),
        pltpu.VMEM((B_PER_W, 2 * D), jnp.float32),
        pltpu.VMEM((B_PER_W, 2 * D), jnp.float32),
        pltpu.VMEM((B_PER_W, 2 * D), jnp.float32),
        pltpu.VMEM((B_PER_W, D), jnp.float32),
        pltpu.SemaphoreType.DMA,
        pltpu.SemaphoreType.DMA,
        pltpu.SemaphoreType.DMA,
        pltpu.SemaphoreType.DMA,
    ],
)
def _pool(xt_hbm, embp_hbm, out_hbm, idx_v, buf0, buf1, buf2, buf3, acc_v,
          sem0, sem1, sem2, sem3):
    wid = lax.axis_index("s") * NC + lax.axis_index("c")
    base = wid * B_PER_W

    pltpu.sync_copy(xt_hbm.at[:, pl.ds(base, B_PER_W)], idx_v)

    bufs = (buf0, buf1, buf2, buf3)
    sems = (sem0, sem1, sem2, sem3)
    pool_nbuf = 4

    def start(pos, half):
        pltpu.make_async_copy(
            embp_hbm.at[idx_v.at[pos]], bufs[half], sems[half]
        ).start()

    def wait(pos, half):
        pltpu.make_async_copy(
            embp_hbm.at[idx_v.at[pos]], bufs[half], sems[half]
        ).wait()

    zero = jnp.zeros((16,), jnp.float32)

    def zero_body(r, _):
        for u in range(ROW_UNROLL):
            row = r * ROW_UNROLL + u
            for g in range(GROUPS):
                acc_v[row, pl.ds(g * 16, 16)] = zero
        return 0

    lax.fori_loop(0, B_PER_W // ROW_UNROLL, zero_body, 0)

    for p in range(pool_nbuf):
        start(p, p)

    def accum(buf):
        def row_body(r, _):
            for u in range(ROW_UNROLL):
                row = r * ROW_UNROLL + u
                for g in range(GROUPS):
                    plsc.addupdate(
                        acc_v.at[row, pl.ds(g * 16, 16)],
                        buf[row, pl.ds(g * 16, 16)],
                    )
            return 0

        lax.fori_loop(0, B_PER_W // ROW_UNROLL, row_body, 0)

    def pos_body(i, _):
        for half in range(pool_nbuf):
            pos = i * pool_nbuf + half
            wait(pos, half)
            accum(bufs[half])

            @pl.when(pos + pool_nbuf < L)
            def _():
                start(pos + pool_nbuf, half)

        return 0

    lax.fori_loop(0, L // pool_nbuf, pos_body, 0)

    pltpu.sync_copy(acc_v, out_hbm.at[pl.ds(base, B_PER_W)])


def _mlp_body(m_ref, vw_ref, vb_ref, ww_ref, wb_ref, out_ref):
    m = m_ref[...]
    h = jnp.dot(m, vw_ref[...], preferred_element_type=jnp.float32)
    h = jnp.maximum(h + vb_ref[...], 0.0)
    logits = jnp.dot(h, ww_ref[...], preferred_element_type=jnp.float32)
    logits = logits + wb_ref[...]
    mx = jnp.max(logits, axis=1, keepdims=True)
    s = logits - mx
    lse = jnp.log(jnp.sum(jnp.exp(s), axis=1, keepdims=True))
    out_ref[...] = s - lse


def _mlp(m, vw_t, vb, ww_t, wb):
    return pl.pallas_call(
        _mlp_body,
        out_shape=jax.ShapeDtypeStruct((B, NUM_CLASSES), jnp.float32),
    )(m, vw_t, vb, ww_t, wb)


@jax.jit
def kernel(x, emb, V_w, V_b, W_w, W_b):
    xt = x.astype(jnp.int32).T
    tailt = emb[VOCAB_N - REM:].T
    embp = _relayout(emb.T, tailt)
    m_sum = _pool(xt, embp)
    vw_t = V_w.T * jnp.float32(1.0 / L)
    return _mlp(m_sum, vw_t, V_b.reshape(1, HID), W_w.T, W_b.reshape(1, NUM_CLASSES))

# --- scband reference (transcript-rebuilt; emitter-appended) ---
"""Pipeline reference for scband-neural-sentiment-classifier-30477087932892 (READ-ONLY COPY).

The authoritative reference and input builder live on the scoring server;
editing this copy changes nothing except your own understanding.
"""

import jax, jax.numpy as jnp
import numpy as np

VOCAB = 1000000
EMBED_DIM = 64
HID = 128
NUM_CLASSES = 2
B = 4096
L = 200


def setup_inputs(seed: int = 0) -> dict:
    key = jax.random.key(seed)
    k1, k2, k3, k4, k5, k6 = jax.random.split(key, 6)
    x = jax.random.randint(k1, (B, L), 0, VOCAB)
    emb = jax.random.normal(k2, (VOCAB, EMBED_DIM), dtype=jnp.float32) * 0.02
    emb = emb.at[0].set(0.0)  # padding_idx=0
    V_w = jax.random.normal(k3, (HID, EMBED_DIM), dtype=jnp.float32) * (1.0 / np.sqrt(EMBED_DIM))
    V_b = jax.random.normal(k4, (HID,), dtype=jnp.float32) * 0.01
    W_w = jax.random.normal(k5, (NUM_CLASSES, HID), dtype=jnp.float32) * (1.0 / np.sqrt(HID))
    W_b = jax.random.normal(k6, (NUM_CLASSES,), dtype=jnp.float32) * 0.01
    return {"x": x, "emb": emb, "V_w": V_w, "V_b": V_b, "W_w": W_w, "W_b": W_b}


def reference(x, emb, V_w, V_b, W_w, W_b):
    # embedding lookup (SparseCore-style gather)
    e = jnp.take(emb, x, axis=0)              # [B, L, D]
    m = jnp.mean(e, axis=1)                    # [B, D]
    h = jax.nn.relu(m @ V_w.T + V_b)           # [B, HID]
    # dropout p=0.0 -> identity
    logits = h @ W_w.T + W_b                   # [B, NUM_CLASSES]
    return jax.nn.log_softmax(logits, axis=1)

if __name__ == "__main__":
    import jax
    _d = setup_inputs()
    print(jax.jit(kernel)(*tuple(_d.values())))

</pallas_src>

<mosaic_0001>
#map = affine_map<(d0, d1) -> (0, 0)>
module attributes {stable_mosaic.version = 14 : i64} {
  func.func @_relayout(%arg0: i32, %arg1: i32, %arg2: memref<64x1000000xf32, #tpu.memory_space<hbm>>, %arg3: memref<64x64xf32, #tpu.memory_space<hbm>>, %arg4: memref<1000000x128xf32, #tpu.memory_space<hbm>>, %arg5: memref<64x128xf32, #tpu.memory_space<vmem>>, %arg6: memref<64x128xf32, #tpu.memory_space<vmem>>, %arg7: memref<64x128xf32, #tpu.memory_space<vmem>>, %arg8: memref<64x128xf32, #tpu.memory_space<vmem>>, %arg9: memref<128x128xf32, #tpu.memory_space<vmem>>, %arg10: memref<128x128xf32, #tpu.memory_space<vmem>>, %arg11: memref<128x128xf32, #tpu.memory_space<vmem>>, %arg12: memref<128x128xf32, #tpu.memory_space<vmem>>, %arg13: memref<64x64xf32, #tpu.memory_space<vmem>>, %arg14: memref<64x128xf32, #tpu.memory_space<vmem>>, %arg15: memref<!tpu.dma_semaphore, #tpu.memory_space<semaphore_mem>>, %arg16: memref<!tpu.dma_semaphore, #tpu.memory_space<semaphore_mem>>, %arg17: memref<!tpu.dma_semaphore, #tpu.memory_space<semaphore_mem>>, %arg18: memref<!tpu.dma_semaphore, #tpu.memory_space<semaphore_mem>>, %arg19: memref<!tpu.dma_semaphore, #tpu.memory_space<semaphore_mem>>, %arg20: memref<!tpu.dma_semaphore, #tpu.memory_space<semaphore_mem>>, %arg21: memref<!tpu.dma_semaphore, #tpu.memory_space<semaphore_mem>>, %arg22: memref<!tpu.dma_semaphore, #tpu.memory_space<semaphore_mem>>) attributes {dimension_semantics = [#tpu.dimension_semantics<core_parallel>, #tpu.dimension_semantics<subcore_parallel>], iteration_bounds = array<i64: 2, 16>, scalar_prefetch = 0 : i64, scratch_operands = 18 : i64, tpu.core_type = #tpu.core_type<sc_vector_subcore>, window_params = [{transform_indices = #map}, {transform_indices = #map}, {transform_indices = #map}]} {
    %mul3A = arith.constant 2 : i32
    %mul3A_0 = arith.muli %arg1, %mul3A : i32
    %add3A = arith.addi %mul3A_0, %arg0 : i32
    %lt3A = arith.constant 4 : i32
    %lt3A_1 = arith.cmpi slt, %add3A, %lt3A : i32
    %jit3A = arith.constant 1 : i32
    %jit3A_2 = arith.constant 0 : i32
    %select_n3A = arith.select %lt3A_1, %jit3A, %jit3A_2 : i32
    %add3A_3 = arith.constant 244 : i32
    %add3A_4 = arith.addi %add3A_3, %select_n3A : i32
    %mul3A_5 = arith.constant 244 : i32
    %mul3A_6 = arith.muli %add3A, %mul3A_5 : i32
    %min3A = arith.constant 4 : i32
    %min3A_7 = arith.minsi %add3A, %min3A : i32
    %add3A_8 = arith.addi %mul3A_6, %min3A_7 : i32
    %iota3A = tpu.iota {dimensions = array<i32: 0>} : vector<16xi32>
    %add3A_9 = arith.constant 0 : i32
    %add3A_10 = arith.addi %add3A_8, %add3A_9 : i32
    %mul3A_11 = arith.constant 128 : i32
    %mul3A_12 = arith.muli %add3A_10, %mul3A_11 : i32
    %multiple_of3A = tpu.assume_multiple %mul3A_12, 128 : i32
    %dma_start3A = arith.constant 0 : i32
    %dma_start3A_13 = tpu.memref_slice %arg2[%dma_start3A, %multiple_of3A] : memref<64x1000000xf32, #tpu.memory_space<hbm>> -> memref<64x128xf32, #tpu.memory_space<hbm>>
    %dma_start3A_14 = arith.constant 0 : i32
    %dma_start3A_15 = tpu.memref_slice %arg2[%dma_start3A_14, %multiple_of3A] : memref<64x1000000xf32, #tpu.memory_space<hbm>> -> memref<64x128xf32, #tpu.memory_space<hbm>>
    tpu.enqueue_dma source(%dma_start3A_15 : memref<64x128xf32, #tpu.memory_space<hbm>>) target(%arg5 : memref<64x128xf32, #tpu.memory_space<vmem>>) target_semaphore(%arg15 : memref<!tpu.dma_semaphore, #tpu.memory_space<semaphore_mem>>)
    %add3A_16 = arith.constant 1 : i32
    %add3A_17 = arith.addi %add3A_8, %add3A_16 : i32
    %mul3A_18 = arith.constant 128 : i32
    %mul3A_19 = arith.muli %add3A_17, %mul3A_18 : i32
    %multiple_of3A_20 = tpu.assume_multiple %mul3A_19, 128 : i32
    %dma_start3A_21 = arith.constant 0 : i32
    %dma_start3A_22 = tpu.memref_slice %arg2[%dma_start3A_21, %multiple_of3A_20] : memref<64x1000000xf32, #tpu.memory_space<hbm>> -> memref<64x128xf32, #tpu.memory_space<hbm>>
    %dma_start3A_23 = arith.constant 0 : i32
    %dma_start3A_24 = tpu.memref_slice %arg2[%dma_start3A_23, %multiple_of3A_20] : memref<64x1000000xf32, #tpu.memory_space<hbm>> -> memref<64x128xf32, #tpu.memory_space<hbm>>
    tpu.enqueue_dma source(%dma_start3A_24 : memref<64x128xf32, #tpu.memory_space<hbm>>) target(%arg6 : memref<64x128xf32, #tpu.memory_space<vmem>>) target_semaphore(%arg16 : memref<!tpu.dma_semaphore, #tpu.memory_space<semaphore_mem>>)
    %add3A_25 = arith.constant 2 : i32
    %add3A_26 = arith.addi %add3A_8, %add3A_25 : i32
    %mul3A_27 = arith.constant 128 : i32
    %mul3A_28 = arith.muli %add3A_26, %mul3A_27 : i32
    %multiple_of3A_29 = tpu.assume_multiple %mul3A_28, 128 : i32
    %dma_start3A_30 = arith.constant 0 : i32
    %dma_start3A_31 = tpu.memref_slice %arg2[%dma_start3A_30, %multiple_of3A_29] : memref<64x1000000xf32, #tpu.memory_space<hbm>> -> memref<64x128xf32, #tpu.memory_space<hbm>>
    %dma_start3A_32 = arith.constant 0 : i32
    %dma_start3A_33 = tpu.memref_slice %arg2[%dma_start3A_32, %multiple_of3A_29] : memref<64x1000000xf32, #tpu.memory_space<hbm>> -> memref<64x128xf32, #tpu.memory_space<hbm>>
    tpu.enqueue_dma source(%dma_start3A_33 : memref<64x128xf32, #tpu.memory_space<hbm>>) target(%arg7 : memref<64x128xf32, #tpu.memory_space<vmem>>) target_semaphore(%arg17 : memref<!tpu.dma_semaphore, #tpu.memory_space<semaphore_mem>>)
    %add3A_34 = arith.constant 3 : i32
    %add3A_35 = arith.addi %add3A_8, %add3A_34 : i32
    %mul3A_36 = arith.constant 128 : i32
    %mul3A_37 = arith.muli %add3A_35, %mul3A_36 : i32
    %multiple_of3A_38 = tpu.assume_multiple %mul3A_37, 128 : i32
    %dma_start3A_39 = arith.constant 0 : i32
    %dma_start3A_40 = tpu.memref_slice %arg2[%dma_start3A_39, %multiple_of3A_38] : memref<64x1000000xf32, #tpu.memory_space<hbm>> -> memref<64x128xf32, #tpu.memory_space<hbm>>
    %dma_start3A_41 = arith.constant 0 : i32
    %dma_start3A_42 = tpu.memref_slice %arg2[%dma_start3A_41, %multiple_of3A_38] : memref<64x1000000xf32, #tpu.memory_space<hbm>> -> memref<64x128xf32, #tpu.memory_space<hbm>>
    tpu.enqueue_dma source(%dma_start3A_42 : memref<64x128xf32, #tpu.memory_space<hbm>>) target(%arg8 : memref<64x128xf32, #tpu.memory_space<vmem>>) target_semaphore(%arg18 : memref<!tpu.dma_semaphore, #tpu.memory_space<semaphore_mem>>)
    %scan3A = arith.constant 0 : i32
    %scan3A_43 = arith.constant 0 : i32
    %scan3A_44 = arith.constant 62 : i32
    %scan3A_45 = arith.addi %scan3A_43, %scan3A_44 : i32
    %scan3A_46 = arith.constant 1 : i32
    %scan3A_47 = scf.for %scan3A_86 = %scan3A_43 to %scan3A_45 step %scan3A_46 iter_args(%scan3A_87 = %scan3A) -> (i32)  : i32 {
      %mul3A_88 = arith.constant 4 : i32
      %mul3A_89 = arith.muli %scan3A_86, %mul3A_88 : i32
      %add3A_90 = arith.constant 0 : i32
      %add3A_91 = arith.addi %mul3A_89, %add3A_90 : i32
      %lt3A_92 = arith.cmpi slt, %add3A_91, %add3A_4 : i32
      %convert_element_type3A_93 = arith.extui %lt3A_92 : i1 to i32
      %cond3A_94 = arith.constant 0 : i32
      %cond3A_95 = arith.cmpi ne, %convert_element_type3A_93, %cond3A_94 : i32
      scf.if %cond3A_95 {
        %add3A_121 = arith.addi %add3A_8, %add3A_91 : i32
        %mul3A_122 = arith.constant 128 : i32
        %mul3A_123 = arith.muli %add3A_121, %mul3A_122 : i32
        %multiple_of3A_124 = tpu.assume_multiple %mul3A_123, 128 : i32
        %dma_wait3A_125 = arith.constant 0 : i32
        %dma_wait3A_126 = tpu.memref_slice %arg2[%dma_wait3A_125, %multiple_of3A_124] : memref<64x1000000xf32, #tpu.memory_space<hbm>> -> memref<64x128xf32, #tpu.memory_space<hbm>>
        %dma_wait3A_127 = arith.constant 0 : i32
        %dma_wait3A_128 = tpu.memref_slice %arg2[%dma_wait3A_127, %multiple_of3A_124] : memref<64x1000000xf32, #tpu.memory_space<hbm>> -> memref<64x128xf32, #tpu.memory_space<hbm>>
        tpu.wait_dma2 semaphore(%arg15 : memref<!tpu.dma_semaphore, #tpu.memory_space<semaphore_mem>>) src(%dma_wait3A_128 : memref<64x128xf32, #tpu.memory_space<hbm>>) dst(%arg5 : memref<64x128xf32, #tpu.memory_space<vmem>>)
        %ge3A = arith.constant 4 : i32
        %ge3A_129 = arith.cmpi sge, %add3A_91, %ge3A : i32
        %convert_element_type3A_130 = arith.extui %ge3A_129 : i1 to i32
        %cond3A_131 = arith.constant 0 : i32
        %cond3A_132 = arith.cmpi ne, %convert_element_type3A_130, %cond3A_131 : i32
        scf.if %cond3A_132 {
          %sub3A = arith.constant 4 : i32
          %sub3A_173 = arith.subi %add3A_91, %sub3A : i32
          %add3A_174 = arith.addi %add3A_8, %sub3A_173 : i32
          %mul3A_175 = arith.constant 128 : i32
          %mul3A_176 = arith.muli %add3A_174, %mul3A_175 : i32
          %multiple_of3A_177 = tpu.assume_multiple %mul3A_176, 128 : i32
          %dma_wait3A_178 = arith.constant 0 : i32
          %dma_wait3A_179 = tpu.memref_slice %arg4[%multiple_of3A_177, %dma_wait3A_178] : memref<1000000x128xf32, #tpu.memory_space<hbm>> -> memref<128x128xf32, #tpu.memory_space<hbm>>
          %dma_wait3A_180 = arith.constant 0 : i32
          %dma_wait3A_181 = tpu.memref_slice %arg4[%multiple_of3A_177, %dma_wait3A_180] : memref<1000000x128xf32, #tpu.memory_space<hbm>> -> memref<128x128xf32, #tpu.memory_space<hbm>>
          tpu.wait_dma2 semaphore(%arg19 : memref<!tpu.dma_semaphore, #tpu.memory_space<semaphore_mem>>) src(%arg9 : memref<128x128xf32, #tpu.memory_space<vmem>>) dst(%dma_wait3A_181 : memref<128x128xf32, #tpu.memory_space<hbm>>)
        } else {
        }
        %add3A_133 = arith.constant 0 : i32
        %add3A_134 = vector.broadcast %add3A_133 : i32 to vector<16xi32>
        %add3A_135 = arith.addi %iota3A, %add3A_134 : vector<16xi32>
        %add3A_136 = arith.constant 16 : i32
        %add3A_137 = vector.broadcast %add3A_136 : i32 to vector<16xi32>
        %add3A_138 = arith.addi %iota3A, %add3A_137 : vector<16xi32>
        %add3A_139 = arith.constant 32 : i32
        %add3A_140 = vector.broadcast %add3A_139 : i32 to vector<16xi32>
        %add3A_141 = arith.addi %iota3A, %add3A_140 : vector<16xi32>
        %add3A_142 = arith.constant 48 : i32
        %add3A_143 = vector.broadcast %add3A_142 : i32 to vector<16xi32>
        %add3A_144 = arith.addi %iota3A, %add3A_143 : vector<16xi32>
        %scan3A_145 = arith.constant 0 : i32
        %scan3A_146 = arith.constant 0 : i32
        %scan3A_147 = arith.constant 16 : i32
        %scan3A_148 = arith.addi %scan3A_146, %scan3A_147 : i32
        %scan3A_149 = arith.constant 1 : i32
        %scan3A_150 = scf.for %scan3A_173 = %scan3A_146 to %scan3A_148 step %scan3A_149 iter_args(%scan3A_174 = %scan3A_145) -> (i32)  : i32 {
          %mul3A_175 = arith.constant 4 : i32
          %mul3A_176 = arith.muli %scan3A_173, %mul3A_175 : i32
          %add3A_177 = arith.constant 0 : i32
          %add3A_178 = arith.addi %mul3A_176, %add3A_177 : i32
          %add3A_179 = vector.broadcast %add3A_178 : i32 to vector<16xi32>
          %add3A_180 = arith.addi %iota3A, %add3A_179 : vector<16xi32>
          %and3A = arith.constant 15 : i32
          %and3A_181 = vector.broadcast %and3A : i32 to vector<16xi32>
          %and3A_182 = arith.andi %add3A_180, %and3A_181 : vector<16xi32>
          %get3A = arith.index_cast %add3A_178 : i32 to index
          %get3A_183 = arith.constant 0 : index
          %get3A_184 = tpu.vector_load %arg5[%get3A, %get3A_183] {strides = array<i32>} : memref<64x128xf32, #tpu.memory_space<vmem>>, vector<16xf32>,
          %lt3A_185 = arith.constant 0 : i32
          %lt3A_186 = vector.broadcast %lt3A_185 : i32 to vector<16xi32>
          %lt3A_187 = arith.cmpi slt, %and3A_182, %lt3A_186 : vector<16xi32>
          %add3A_188 = arith.constant 16 : i32
          %add3A_189 = vector.broadcast %add3A_188 : i32 to vector<16xi32>
          %add3A_190 = arith.addi %and3A_182, %add3A_189 : vector<16xi32>
          %select_n3A_191 = arith.select %lt3A_187, %add3A_190, %and3A_182 : vector<16xi1>, vector<16xi32>
          %broadcast_in_dim3A = vector.shape_cast %select_n3A_191 : vector<16xi32> to vector<16x1xi32>
          %gather3A = vector.shape_cast %broadcast_in_dim3A : vector<16x1xi32> to vector<16xi32>
          %gather3A_192 = tpu.dynamic_gather %get3A_184[%gather3A] in [0] : vector<16xf32>, vector<16xi32> -> vector<16xf32>
          %get3A_193 = arith.index_cast %add3A_178 : i32 to index
          %get3A_194 = arith.constant 16 : index
          %get3A_195 = tpu.vector_load %arg5[%get3A_193, %get3A_194] {strides = array<i32>} : memref<64x128xf32, #tpu.memory_space<vmem>>, vector<16xf32>,
          %lt3A_196 = arith.constant 0 : i32
          %lt3A_197 = vector.broadcast %lt3A_196 : i32 to vector<16xi32>
          %lt3A_198 = arith.cmpi slt, %and3A_182, %lt3A_197 : vector<16xi32>
          %add3A_199 = arith.constant 16 : i32
          %add3A_200 = vector.broadcast %add3A_199 : i32 to vector<16xi32>
          %add3A_201 = arith.addi %and3A_182, %add3A_200 : vector<16xi32>
          %select_n3A_202 = arith.select %lt3A_198, %add3A_201, %and3A_182 : vector<16xi1>, vector<16xi32>
          %broadcast_in_dim3A_203 = vector.shape_cast %select_n3A_202 : vector<16xi32> to vector<16x1xi32>
          %gather3A_204 = vector.shape_cast %broadcast_in_dim3A_203 : vector<16x1xi32> to vector<16xi32>
          %gather3A_205 = tpu.dynamic_gather %get3A_195[%gather3A_204] in [0] : vector<16xf32>, vector<16xi32> -> vector<16xf32>
          %get3A_206 = arith.index_cast %add3A_178 : i32 to index
          %get3A_207 = arith.constant 32 : index
          %get3A_208 = tpu.vector_load %arg5[%get3A_206, %get3A_207] {strides = array<i32>} : memref<64x128xf32, #tpu.memory_space<vmem>>, vector<16xf32>,
          %lt3A_209 = arith.constant 0 : i32
          %lt3A_210 = vector.broadcast %lt3A_209 : i32 to vector<16xi32>
          %lt3A_211 = arith.cmpi slt, %and3A_182, %lt3A_210 : vector<16xi32>
          %add3A_212 = arith.constant 16 : i32
          %add3A_213 = vector.broadcast %add3A_212 : i32 to vector<16xi32>
          %add3A_214 = arith.addi %and3A_182, %add3A_213 : vector<16xi32>
          %select_n3A_215 = arith.select %lt3A_211, %add3A_214, %and3A_182 : vector<16xi1>, vector<16xi32>
          %broadcast_in_dim3A_216 = vector.shape_cast %select_n3A_215 : vector<16xi32> to vector<16x1xi32>
          %gather3A_217 = vector.shape_cast %broadcast_in_dim3A_216 : vector<16x1xi32> to vector<16xi32>
          %gather3A_218 = tpu.dynamic_gather %get3A_208[%gather3A_217] in [0] : vector<16xf32>, vector<16xi32> -> vector<16xf32>
          %get3A_219 = arith.index_cast %add3A_178 : i32 to index
          %get3A_220 = arith.constant 48 : index
          %get3A_221 = tpu.vector_load %arg5[%get3A_219, %get3A_220] {strides = array<i32>} : memref<64x128xf32, #tpu.memory_space<vmem>>, vector<16xf32>,
          %lt3A_222 = arith.constant 0 : i32
          %lt3A_223 = vector.broadcast %lt3A_222 : i32 to vector<16xi32>
          %lt3A_224 = arith.cmpi slt, %and3A_182, %lt3A_223 : vector<16xi32>
          %add3A_225 = arith.constant 16 : i32
          %add3A_226 = vector.broadcast %add3A_225 : i32 to vector<16xi32>
          %add3A_227 = arith.addi %and3A_182, %add3A_226 : vector<16xi32>
          %select_n3A_228 = arith.select %lt3A_224, %add3A_227, %and3A_182 : vector<16xi1>, vector<16xi32>
          %broadcast_in_dim3A_229 = vector.shape_cast %select_n3A_228 : vector<16xi32> to vector<16x1xi32>
          %gather3A_230 = vector.shape_cast %broadcast_in_dim3A_229 : vector<16x1xi32> to vector<16xi32>
          %gather3A_231 = tpu.dynamic_gather %get3A_221[%gather3A_230] in [0] : vector<16xf32>, vector<16xi32> -> vector<16xf32>
          %get3A_232 = arith.index_cast %add3A_178 : i32 to index
          %get3A_233 = arith.constant 64 : index
          %get3A_234 = tpu.vector_load %arg5[%get3A_232, %get3A_233] {strides = array<i32>} : memref<64x128xf32, #tpu.memory_space<vmem>>, vector<16xf32>,
          %lt3A_235 = arith.constant 0 : i32
          %lt3A_236 = vector.broadcast %lt3A_235 : i32 to vector<16xi32>
          %lt3A_237 = arith.cmpi slt, %and3A_182, %lt3A_236 : vector<16xi32>
          %add3A_238 = arith.constant 16 : i32
          %add3A_239 = vector.broadcast %add3A_238 : i32 to vector<16xi32>
          %add3A_240 = arith.addi %and3A_182, %add3A_239 : vector<16xi32>
          %select_n3A_241 = arith.select %lt3A_237, %add3A_240, %and3A_182 : vector<16xi1>, vector<16xi32>
          %broadcast_in_dim3A_242 = vector.shape_cast %select_n3A_241 : vector<16xi32> to vector<16x1xi32>
          %gather3A_243 = vector.shape_cast %broadcast_in_dim3A_242 : vector<16x1xi32> to vector<16xi32>
          %gather3A_244 = tpu.dynamic_gather %get3A_234[%gather3A_243] in [0] : vector<16xf32>, vector<16xi32> -> vector<16xf32>
          %get3A_245 = arith.index_cast %add3A_178 : i32 to index
          %get3A_246 = arith.constant 80 : index
          %get3A_247 = tpu.vector_load %arg5[%get3A_245, %get3A_246] {strides = array<i32>} : memref<64x128xf32, #tpu.memory_space<vmem>>, vector<16xf32>,
          %lt3A_248 = arith.constant 0 : i32
          %lt3A_249 = vector.broadcast %lt3A_248 : i32 to vector<16xi32>
          %lt3A_250 = arith.cmpi slt, %and3A_182, %lt3A_249 : vector<16xi32>
          %add3A_251 = arith.constant 16 : i32
          %add3A_252 = vector.broadcast %add3A_251 : i32 to vector<16xi32>
          %add3A_253 = arith.addi %and3A_182, %add3A_252 : vector<16xi32>
          %select_n3A_254 = arith.select %lt3A_250, %add3A_253, %and3A_182 : vector<16xi1>, vector<16xi32>
          %broadcast_in_dim3A_255 = vector.shape_cast %select_n3A_254 : vector<16xi32> to vector<16x1xi32>
          %gather3A_256 = vector.shape_cast %broadcast_in_dim3A_255 : vector<16x1xi32> to vector<16xi32>
          %gather3A_257 = tpu.dynamic_gather %get3A_247[%gather3A_256] in [0] : vector<16xf32>, vector<16xi32> -> vector<16xf32>
          %get3A_258 = arith.index_cast %add3A_178 : i32 to index
          %get3A_259 = arith.constant 96 : index
          %get3A_260 = tpu.vector_load %arg5[%get3A_258, %get3A_259] {strides = array<i32>} : memref<64x128xf32, #tpu.memory_space<vmem>>, vector<16xf32>,
          %lt3A_261 = arith.constant 0 : i32
          %lt3A_262 = vector.broadcast %lt3A_261 : i32 to vector<16xi32>
          %lt3A_263 = arith.cmpi slt, %and3A_182, %lt3A_262 : vector<16xi32>
          %add3A_264 = arith.constant 16 : i32
          %add3A_265 = vector.broadcast %add3A_264 : i32 to vector<16xi32>
          %add3A_266 = arith.addi %and3A_182, %add3A_265 : vector<16xi32>
          %select_n3A_267 = arith.select %lt3A_263, %add3A_266, %and3A_182 : vector<16xi1>, vector<16xi32>
          %broadcast_in_dim3A_268 = vector.shape_cast %select_n3A_267 : vector<16xi32> to vector<16x1xi32>
          %gather3A_269 = vector.shape_cast %broadcast_in_dim3A_268 : vector<16x1xi32> to vector<16xi32>
          %gather3A_270 = tpu.dynamic_gather %get3A_260[%gather3A_269] in [0] : vector<16xf32>, vector<16xi32> -> vector<16xf32>
          %get3A_271 = arith.index_cast %add3A_178 : i32 to index
          %get3A_272 = arith.constant 112 : index
          %get3A_273 = tpu.vector_load %arg5[%get3A_271, %get3A_272] {strides = array<i32>} : memref<64x128xf32, #tpu.memory_space<vmem>>, vector<16xf32>,
          %lt3A_274 = arith.constant 0 : i32
          %lt3A_275 = vector.broadcast %lt3A_274 : i32 to vector<16xi32>
          %lt3A_276 = arith.cmpi slt, %and3A_182, %lt3A_275 : vector<16xi32>
          %add3A_277 = arith.constant 16 : i32
          %add3A_278 = vector.broadcast %add3A_277 : i32 to vector<16xi32>
          %add3A_279 = arith.addi %and3A_182, %add3A_278 : vector<16xi32>
          %select_n3A_280 = arith.select %lt3A_276, %add3A_279, %and3A_182 : vector<16xi1>, vector<16xi32>
          %broadcast_in_dim3A_281 = vector.shape_cast %select_n3A_280 : vector<16xi32> to vector<16x1xi32>
          %gather3A_282 = vector.shape_cast %broadcast_in_dim3A_281 : vector<16x1xi32> to vector<16xi32>
          %gather3A_283 = tpu.dynamic_gather %get3A_273[%gather3A_282] in [0] : vector<16xf32>, vector<16xi32> -> vector<16xf32>
          %swap3A = arith.index_cast %add3A_178 : i32 to index
          %swap3A_284 = arith.constant 0 : index
          %swap3A_285 = tpu.vector_load %arg14[%swap3A, %swap3A_284] {strides = array<i32>} : memref<64x128xf32, #tpu.memory_space<vmem>>, vector<16xf32>,
          tpu.vector_store %arg14[%swap3A, %swap3A_284], %gather3A_192 {strides = array<i32>} : memref<64x128xf32, #tpu.memory_space<vmem>>, vector<16xf32>,
          %swap3A_286 = arith.index_cast %add3A_178 : i32 to index
          %swap3A_287 = arith.constant 16 : index
          %swap3A_288 = tpu.vector_load %arg14[%swap3A_286, %swap3A_287] {strides = array<i32>} : memref<64x128xf32, #tpu.memory_space<vmem>>, vector<16xf32>,
          tpu.vector_store %arg14[%swap3A_286, %swap3A_287], %gather3A_205 {strides = array<i32>} : memref<64x128xf32, #tpu.memory_space<vmem>>, vector<16xf32>,
          %swap3A_289 = arith.index_cast %add3A_178 : i32 to index
          %swap3A_290 = arith.constant 32 : index
          %swap3A_291 = tpu.vector_load %arg14[%swap3A_289, %swap3A_290] {strides = array<i32>} : memref<64x128xf32, #tpu.memory_space<vmem>>, vector<16xf32>,
          tpu.vector_store %arg14[%swap3A_289, %swap3A_290], %gather3A_218 {strides = array<i32>} : memref<64x128xf32, #tpu.memory_space<vmem>>, vector<16xf32>,
          %swap3A_292 = arith.index_cast %add3A_178 : i32 to index
          %swap3A_293 = arith.constant 48 : index
          %swap3A_294 = tpu.vector_load %arg14[%swap3A_292, %swap3A_293] {strides = array<i32>} : memref<64x128xf32, #tpu.memory_space<vmem>>, vector<16xf32>,
          tpu.vector_store %arg14[%swap3A_292, %swap3A_293], %gather3A_231 {strides = array<i32>} : memref<64x128xf32, #tpu.memory_space<vmem>>, vector<16xf32>,
          %swap3A_295 = arith.index_cast %add3A_178 : i32 to index
          %swap3A_296 = arith.constant 64 : index
          %swap3A_297 = tpu.vector_load %arg14[%swap3A_295, %swap3A_296] {strides = array<i32>} : memref<64x128xf32, #tpu.memory_space<vmem>>, vector<16xf32>,
          tpu.vector_store %arg14[%swap3A_295, %swap3A_296], %gather3A_244 {strides = array<i32>} : memref<64x128xf32, #tpu.memory_space<vmem>>, vector<16xf32>,
          %swap3A_298 = arith.index_cast %add3A_178 : i32 to index
          %swap3A_299 = arith.constant 80 : index
          %swap3A_300 = tpu.vector_load %arg14[%swap3A_298, %swap3A_299] {strides = array<i32>} : memref<64x128xf32, #tpu.memory_space<vmem>>, vector<16xf32>,
          tpu.vector_store %arg14[%swap3A_298, %swap3A_299], %gather3A_257 {strides = array<i32>} : memref<64x128xf32, #tpu.memory_space<vmem>>, vector<16xf32>,
          %swap3A_301 = arith.index_cast %add3A_178 : i32 to index
          %swap3A_302 = arith.constant 96 : index
          %swap3A_303 = tpu.vector_load %arg14[%swap3A_301, %swap3A_302] {strides = array<i32>} : memref<64x128xf32, #tpu.memory_space<vmem>>, vector<16xf32>,
          tpu.vector_store %arg14[%swap3A_301, %swap3A_302], %gather3A_270 {strides = array<i32>} : memref<64x128xf32, #tpu.memory_space<vmem>>, vector<16xf32>,
          %swap3A_304 = arith.index_cast %add3A_178 : i32 to index
          %swap3A_305 = arith.constant 112 : index
          %swap3A_306 = tpu.vector_load %arg14[%swap3A_304, %swap3A_305] {strides = array<i32>} : memref<64x128xf32, #tpu.memory_space<vmem>>, vector<16xf32>,
          tpu.vector_store %arg14[%swap3A_304, %swap3A_305], %gather3A_283 {strides = array<i32>} : memref<64x128xf32, #tpu.memory_space<vmem>>, vector<16xf32>,
          %mul3A_307 = arith.constant 4 : i32
          %mul3A_308 = arith.muli %scan3A_173, %mul3A_307 : i32
          %add3A_309 = arith.constant 1 : i32
          %add3A_310 = arith.addi %mul3A_308, %add3A_309 : i32
          %add3A_311 = vector.broadcast %add3A_310 : i32 to vector<16xi32>
          %add3A_312 = arith.addi %iota3A, %add3A_311 : vector<16xi32>
          %and3A_313 = arith.constant 15 : i32
          %and3A_314 = vector.broadcast %and3A_313 : i32 to vector<16xi32>
          %and3A_315 = arith.andi %add3A_312, %and3A_314 : vector<16xi32>
          %get3A_316 = arith.index_cast %add3A_310 : i32 to index
          %get3A_317 = arith.constant 0 : index
          %get3A_318 = tpu.vector_load %arg5[%get3A_316, %get3A_317] {strides = array<i32>} : memref<64x128xf32, #tpu.memory_space<vmem>>, vector<16xf32>,
          %lt3A_319 = arith.constant 0 : i32
          %lt3A_320 = vector.broadcast %lt3A_319 : i32 to vector<16xi32>
          %lt3A_321 = arith.cmpi slt, %and3A_315, %lt3A_320 : vector<16xi32>
          %add3A_322 = arith.constant 16 : i32
          %add3A_323 = vector.broadcast %add3A_322 : i32 to vector<16xi32>
          %add3A_324 = arith.addi %and3A_315, %add3A_323 : vector<16xi32>
          %select_n3A_325 = arith.select %lt3A_321, %add3A_324, %and3A_315 : vector<16xi1>, vector<16xi32>
          %broadcast_in_dim3A_326 = vector.shape_cast %select_n3A_325 : vector<16xi32> to vector<16x1xi32>
          %gather3A_327 = vector.shape_cast %broadcast_in_dim3A_326 : vector<16x1xi32> to vector<16xi32>
          %gather3A_328 = tpu.dynamic_gather %get3A_318[%gather3A_327] in [0] : vector<16xf32>, vector<16xi32> -> vector<16xf32>
          %get3A_329 = arith.index_cast %add3A_310 : i32 to index
          %get3A_330 = arith.constant 16 : index
          %get3A_331 = tpu.vector_load %arg5[%get3A_329, %get3A_330] {strides = array<i32>} : memref<64x128xf32, #tpu.memory_space<vmem>>, vector<16xf32>,
          %lt3A_332 = arith.constant 0 : i32
          %lt3A_333 = vector.broadcast %lt3A_332 : i32 to vector<16xi32>
          %lt3A_334 = arith.cmpi slt, %and3A_315, %lt3A_333 : vector<16xi32>
          %add3A_335 = arith.constant 16 : i32
          %add3A_336 = vector.broadcast %add3A_335 : i32 to vector<16xi32>
          %add3A_337 = arith.addi %and3A_315, %add3A_336 : vector<16xi32>
          %select_n3A_338 = arith.select %lt3A_334, %add3A_337, %and3A_315 : vector<16xi1>, vector<16xi32>
          %broadcast_in_dim3A_339 = vector.shape_cast %select_n3A_338 : vector<16xi32> to vector<16x1xi32>
          %gather3A_340 = vector.shape_cast %broadcast_in_dim3A_339 : vector<16x1xi32> to vector<16xi32>
          %gather3A_341 = tpu.dynamic_gather %get3A_331[%gather3A_340] in [0] : vector<16xf32>, vector<16xi32> -> vector<16xf32>
          %get3A_342 = arith.index_cast %add3A_310 : i32 to index
          %get3A_343 = arith.constant 32 : index
          %get3A_344 = tpu.vector_load %arg5[%get3A_342, %get3A_343] {strides = array<i32>} : memref<64x128xf32, #tpu.memory_space<vmem>>, vector<16xf32>,
          %lt3A_345 = arith.constant 0 : i32
          %lt3A_346 = vector.broadcast %lt3A_345 : i32 to vector<16xi32>
          %lt3A_347 = arith.cmpi slt, %and3A_315, %lt3A_346 : vector<16xi32>
          %add3A_348 = arith.constant 16 : i32
          %add3A_349 = vector.broadcast %add3A_348 : i32 to vector<16xi32>
          %add3A_350 = arith.addi %and3A_315, %add3A_349 : vector<16xi32>
          %select_n3A_351 = arith.select %lt3A_347, %add3A_350, %and3A_315 : vector<16xi1>, vector<16xi32>
          %broadcast_in_dim3A_352 = vector.shape_cast %select_n3A_351 : vector<16xi32> to vector<16x1xi32>
          %gather3A_353 = vector.shape_cast %broadcast_in_dim3A_352 : vector<16x1xi32> to vector<16xi32>
          %gather3A_354 = tpu.dynamic_gather %get3A_344[%gather3A_353] in [0] : vector<16xf32>, vector<16xi32> -> vector<16xf32>
          %get3A_355 = arith.index_cast %add3A_310 : i32 to index
          %get3A_356 = arith.constant 48 : index
          %get3A_357 = tpu.vector_load %arg5[%get3A_355, %get3A_356] {strides = array<i32>} : memref<64x128xf32, #tpu.memory_space<vmem>>, vector<16xf32>,
          %lt3A_358 = arith.constant 0 : i32
          %lt3A_359 = vector.broadcast %lt3A_358 : i32 to vector<16xi32>
          %lt3A_360 = arith.cmpi slt, %and3A_315, %lt3A_359 : vector<16xi32>
          %add3A_361 = arith.constant 16 : i32
          %add3A_362 = vector.broadcast %add3A_361 : i32 to vector<16xi32>
          %add3A_363 = arith.addi %and3A_315, %add3A_362 : vector<16xi32>
          %select_n3A_364 = arith.select %lt3A_360, %add3A_363, %and3A_315 : vector<16xi1>, vector<16xi32>
          %broadcast_in_dim3A_365 = vector.shape_cast %select_n3A_364 : vector<16xi32> to vector<16x1xi32>
          %gather3A_366 = vector.shape_cast %broadcast_in_dim3A_365 : vector<16x1xi32> to vector<16xi32>
          %gather3A_367 = tpu.dynamic_gather %get3A_357[%gather3A_366] in [0] : vector<16xf32>, vector<16xi32> -> vector<16xf32>
          %get3A_368 = arith.index_cast %add3A_310 : i32 to index
          %get3A_369 = arith.constant 64 : index
          %get3A_370 = tpu.vector_load %arg5[%get3A_368, %get3A_369] {strides = array<i32>} : memref<64x128xf32, #tpu.memory_space<vmem>>, vector<16xf32>,
          %lt3A_371 = arith.constant 0 : i32
          %lt3A_372 = vector.broadcast %lt3A_371 : i32 to vector<16xi32>
          %lt3A_373 = arith.cmpi slt, %and3A_315, %lt3A_372 : vector<16xi32>
          %add3A_374 = arith.constant 16 : i32
          %add3A_375 = vector.broadcast %add3A_374 : i32 to vector<16xi32>
          %add3A_376 = arith.addi %and3A_315, %add3A_375 : vector<16xi32>
          %select_n3A_377 = arith.select %lt3A_373, %add3A_376, %and3A_315 : vector<16xi1>, vector<16xi32>
          %broadcast_in_dim3A_378 = vector.shape_cast %select_n3A_377 : vector<16xi32> to vector<16x1xi32>
          %gather3A_379 = vector.shape_cast %broadcast_in_dim3A_378 : vector<16x1xi32> to vector<16xi32>
          %gather3A_380 = tpu.dynamic_gather %get3A_370[%gather3A_379] in [0] : vector<16xf32>, vector<16xi32> -> vector<16xf32>
          %get3A_381 = arith.index_cast %add3A_310 : i32 to index
          %get3A_382 = arith.constant 80 : index
          %get3A_383 = tpu.vector_load %arg5[%get3A_381, %get3A_382] {strides = array<i32>} : memref<64x128xf32, #tpu.memory_space<vmem>>, vector<16xf32>,
          %lt3A_384 = arith.constant 0 : i32
          %lt3A_385 = vector.broadcast %lt3A_384 : i32 to vector<16xi32>
          %lt3A_386 = arith.cmpi slt, %and3A_315, %lt3A_385 : vector<16xi32>
          %add3A_387 = arith.constant 16 : i32
          %add3A_388 = vector.broadcast %add3A_387 : i32 to vector<16xi32>
          %add3A_389 = arith.addi %and3A_315, %add3A_388 : vector<16xi32>
          %select_n3A_390 = arith.select %lt3A_386, %add3A_389, %and3A_315 : vector<16xi1>, vector<16xi32>
          %broadcast_in_dim3A_391 = vector.shape_cast %select_n3A_390 : vector<16xi32> to vector<16x1xi32>
          %gather3A_392 = vector.shape_cast %broadcast_in_dim3A_391 : vector<16x1xi32> to vector<16xi32>
          %gather3A_393 = tpu.dynamic_gather %get3A_383[%gather3A_392] in [0] : vector<16xf32>, vector<16xi32> -> vector<16xf32>
          %get3A_394 = arith.index_cast %add3A_310 : i32 to index
          %get3A_395 = arith.constant 96 : index
          %get3A_396 = tpu.vector_load %arg5[%get3A_394, %get3A_395] {strides = array<i32>} : memref<64x128xf32, #tpu.memory_space<vmem>>, vector<16xf32>,
          %lt3A_397 = arith.constant 0 : i32
          %lt3A_398 = vector.broadcast %lt3A_397 : i32 to vector<16xi32>
          %lt3A_399 = arith.cmpi slt, %and3A_315, %lt3A_398 : vector<16xi32>
          %add3A_400 = arith.constant 16 : i32
          %add3A_401 = vector.broadcast %add3A_400 : i32 to vector<16xi32>
          %add3A_402 = arith.addi %and3A_315, %add3A_401 : vector<16xi32>
          %select_n3A_403 = arith.select %lt3A_399, %add3A_402, %and3A_315 : vector<16xi1>, vector<16xi32>
          %broadcast_in_dim3A_404 = vector.shape_cast %select_n3A_403 : vector<16xi32> to vector<16x1xi32>
          %gather3A_405 = vector.shape_cast %broadcast_in_dim3A_404 : vector<16x1xi32> to vector<16xi32>
          %gather3A_406 = tpu.dynamic_gather %get3A_396[%gather3A_405] in [0] : vector<16xf32>, vector<16xi32> -> vector<16xf32>
          %get3A_407 = arith.index_cast %add3A_310 : i32 to index
          %get3A_408 = arith.constant 112 : index
          %get3A_409 = tpu.vector_load %arg5[%get3A_407, %get3A_408] {strides = array<i32>} : memref<64x128xf32, #tpu.memory_space<vmem>>, vector<16xf32>,
          %lt3A_410 = arith.constant 0 : i32
          %lt3A_411 = vector.broadcast %lt3A_410 : i32 to vector<16xi32>
          %lt3A_412 = arith.cmpi slt, %and3A_315, %lt3A_411 : vector<16xi32>
          %add3A_413 = arith.constant 16 : i32
          %add3A_414 = vector.broadcast %add3A_413 : i32 to vector<16xi32>
          %add3A_415 = arith.addi %and3A_315, %add3A_414 : vector<16xi32>
          %select_n3A_416 = arith.select %lt3A_412, %add3A_415, %and3A_315 : vector<16xi1>, vector<16xi32>
          %broadcast_in_dim3A_417 = vector.shape_cast %select_n3A_416 : vector<16xi32> to vector<16x1xi32>
          %gather3A_418 = vector.shape_cast %broadcast_in_dim3A_417 : vector<16x1xi32> to vector<16xi32>
          %gather3A_419 = tpu.dynamic_gather %get3A_409[%gather3A_418] in [0] : vector<16xf32>, vector<16xi32> -> vector<16xf32>
          %swap3A_420 = arith.index_cast %add3A_310 : i32 to index
          %swap3A_421 = arith.constant 0 : index
          %swap3A_422 = tpu.vector_load %arg14[%swap3A_420, %swap3A_421] {strides = array<i32>} : memref<64x128xf32, #tpu.memory_space<vmem>>, vector<16xf32>,
          tpu.vector_store %arg14[%swap3A_420, %swap3A_421], %gather3A_328 {strides = array<i32>} : memref<64x128xf32, #tpu.memory_space<vmem>>, vector<16xf32>,
          %swap3A_423 = arith.index_cast %add3A_310 : i32 to index
          %swap3A_424 = arith.constant 16 : index
          %swap3A_425 = tpu.vector_load %arg14[%swap3A_423, %swap3A_424] {strides = array<i32>} : memref<64x128xf32, #tpu.memory_space<vmem>>, vector<16xf32>,
          tpu.vector_store %arg14[%swap3A_423, %swap3A_424], %gather3A_341 {strides = array<i32>} : memref<64x128xf32, #tpu.memory_space<vmem>>, vector<16xf32>,
          %swap3A_426 = arith.index_cast %add3A_310 : i32 to index
          %swap3A_427 = arith.constant 32 : index
          %swap3A_428 = tpu.vector_load %arg14[%swap3A_426, %swap3A_427] {strides = array<i32>} : memref<64x128xf32, #tpu.memory_space<vmem>>, vector<16xf32>,
          tpu.vector_store %arg14[%swap3A_426, %swap3A_427], %gather3A_354 {strides = array<i32>} : memref<64x128xf32, #tpu.memory_space<vmem>>, vector<16xf32>,
          %swap3A_429 = arith.index_cast %add3A_310 : i32 to index
          %swap3A_430 = arith.constant 48 : index
          %swap3A_431 = tpu.vector_load %arg14[%swap3A_429, %swap3A_430] {strides = array<i32>} : memref<64x128xf32, #tpu.memory_space<vmem>>, vector<16xf32>,
          tpu.vector_store %arg14[%swap3A_429, %swap3A_430], %gather3A_367 {strides = array<i32>} : memref<64x128xf32, #tpu.memory_space<vmem>>, vector<16xf32>,
          %swap3A_432 = arith.index_cast %add3A_310 : i32 to index
          %swap3A_433 = arith.constant 64 : index
          %swap3A_434 = tpu.vector_load %arg14[%swap3A_432, %swap3A_433] {strides = array<i32>} : memref<64x128xf32, #tpu.memory_space<vmem>>, vector<16xf32>,
          tpu.vector_store %arg14[%swap3A_432, %swap3A_433], %gather3A_380 {strides = array<i32>} : memref<64x128xf32, #tpu.memory_space<vmem>>, vector<16xf32>,
          %swap3A_435 = arith.index_cast %add3A_310 : i32 to index
          %swap3A_436 = arith.constant 80 : index
          %swap3A_437 = tpu.vector_load %arg14[%swap3A_435, %swap3A_436] {strides = array<i32>} : memref<64x128xf32, #tpu.memory_space<vmem>>, vector<16xf32>,
          tpu.vector_store %arg14[%swap3A_435, %swap3A_436], %gather3A_393 {strides = array<i32>} : memref<64x128xf32, #tpu.memory_space<vmem>>, vector<16xf32>,
          %swap3A_438 = arith.index_cast %add3A_310 : i32 to index
          %swap3A_439 = arith.constant 96 : index
          %swap3A_440 = tpu.vector_load %arg14[%swap3A_438, %swap3A_439] {strides = array<i32>} : memref<64x128xf32, #tpu.memory_space<vmem>>, vector<16xf32>,
          tpu.vector_store %arg14[%swap3A_438, %swap3A_439], %gather3A_406 {strides = array<i32>} : memref<64x128xf32, #tpu.memory_space<vmem>>, vector<16xf32>,
          %swap3A_441 = arith.index_cast %add3A_310 : i32 to index
          %swap3A_442 = arith.constant 112 : index
          %swap3A_443 = tpu.vector_load %arg14[%swap3A_441, %swap3A_442] {strides = array<i32>} : memref<64x128xf32, #tpu.memory_space<vmem>>, vector<16xf32>,
          tpu.vector_store %arg14[%swap3A_441, %swap3A_442], %gather3A_419 {strides = array<i32>} : memref<64x128xf32, #tpu.memory_space<vmem>>, vector<16xf32>,
          %mul3A_444 = arith.constant 4 : i32
          %mul3A_445 = arith.muli %scan3A_173, %mul3A_444 : i32
          %add3A_446 = arith.constant 2 : i32
          %add3A_447 = arith.addi %mul3A_445, %add3A_446 : i32
          %add3A_448 = vector.broadcast %add3A_447 : i32 to vector<16xi32>
          %add3A_449 = arith.addi %iota3A, %add3A_448 : vector<16xi32>
          %and3A_450 = arith.constant 15 : i32
          %and3A_451 = vector.broadcast %and3A_450 : i32 to vector<16xi32>
          %and3A_452 = arith.andi %add3A_449, %and3A_451 : vector<16xi32>
          %get3A_453 = arith.index_cast %add3A_447 : i32 to index
          %get3A_454 = arith.constant 0 : index
          %get3A_455 = tpu.vector_load %arg5[%get3A_453, %get3A_454] {strides = array<i32>} : memref<64x128xf32, #tpu.memory_space<vmem>>, vector<16xf32>,
          %lt3A_456 = arith.constant 0 : i32
          %lt3A_457 = vector.broadcast %lt3A_456 : i32 to vector<16xi32>
          %lt3A_458 = arith.cmpi slt, %and3A_452, %lt3A_457 : vector<16xi32>
          %add3A_459 = arith.constant 16 : i32
          %add3A_460 = vector.broadcast %add3A_459 : i32 to vector<16xi32>
          %add3A_461 = arith.addi %and3A_452, %add3A_460 : vector<16xi32>
          %select_n3A_462 = arith.select %lt3A_458, %add3A_461, %and3A_452 : vector<16xi1>, vector<16xi32>
          %broadcast_in_dim3A_463 = vector.shape_cast %select_n3A_462 : vector<16xi32> to vector<16x1xi32>
          %gather3A_464 = vector.shape_cast %broadcast_in_dim3A_463 : vector<16x1xi32> to vector<16xi32>
          %gather3A_465 = tpu.dynamic_gather %get3A_455[%gather3A_464] in [0] : vector<16xf32>, vector<16xi32> -> vector<16xf32>
          %get3A_466 = arith.index_cast %add3A_447 : i32 to index
          %get3A_467 = arith.constant 16 : index
          %get3A_468 = tpu.vector_load %arg5[%get3A_466, %get3A_467] {strides = array<i32>} : memref<64x128xf32, #tpu.memory_space<vmem>>, vector<16xf32>,
          %lt3A_469 = arith.constant 0 : i32
          %lt3A_470 = vector.broadcast %lt3A_469 : i32 to vector<16xi32>
          %lt3A_471 = arith.cmpi slt, %and3A_452, %lt3A_470 : vector<16xi32>
          %add3A_472 = arith.constant 16 : i32
          %add3A_473 = vector.broadcast %add3A_472 : i32 to vector<16xi32>
          %add3A_474 = arith.addi %and3A_452, %add3A_473 : vector<16xi32>
          %select_n3A_475 = arith.select %lt3A_471, %add3A_474, %and3A_452 : vector<16xi1>, vector<16xi32>
          %broadcast_in_dim3A_476 = vector.shape_cast %select_n3A_475 : vector<16xi32> to vector<16x1xi32>
          %gather3A_477 = vector.shape_cast %broadcast_in_dim3A_476 : vector<16x1xi32> to vector<16xi32>
          %gather3A_478 = tpu.dynamic_gather %get3A_468[%gather3A_477] in [0] : vector<16xf32>, vector<16xi32> -> vector<16xf32>
          %get3A_479 = arith.index_cast %add3A_447 : i32 to index
          %get3A_480 = arith.constant 32 : index
          %get3A_481 = tpu.vector_load %arg5[%get3A_479, %get3A_480] {strides = array<i32>} : memref<64x128xf32, #tpu.memory_space<vmem>>, vector<16xf32>,
          %lt3A_482 = arith.constant 0 : i32
          %lt3A_483 = vector.broadcast %lt3A_482 : i32 to vector<16xi32>
          %lt3A_484 = arith.cmpi slt, %and3A_452, %lt3A_483 : vector<16xi32>
          %add3A_485 = arith.constant 16 : i32
          %add3A_486 = vector.broadcast %add3A_485 : i32 to vector<16xi32>
          %add3A_487 = arith.addi %and3A_452, %add3A_486 : vector<16xi32>
          %select_n3A_488 = arith.select %lt3A_484, %add3A_487, %and3A_452 : vector<16xi1>, vector<16xi32>
          %broadcast_in_dim3A_489 = vector.shape_cast %select_n3A_488 : vector<16xi32> to vector<16x1xi32>
          %gather3A_490 = vector.shape_cast %broadcast_in_dim3A_489 : vector<16x1xi32> to vector<16xi32>
          %gather3A_491 = tpu.dynamic_gather %get3A_481[%gather3A_490] in [0] : vector<16xf32>, vector<16xi32> -> vector<16xf32>
          %get3A_492 = arith.index_cast %add3A_447 : i32 to index
          %get3A_493 = arith.constant 48 : index
          %get3A_494 = tpu.vector_load %arg5[%get3A_492, %get3A_493] {strides = array<i32>} : memref<64x128xf32, #tpu.memory_space<vmem>>, vector<16xf32>,
          %lt3A_495 = arith.constant 0 : i32
          %lt3A_496 = vector.broadcast %lt3A_495 : i32 to vector<16xi32>
          %lt3A_497 = arith.cmpi slt, %and3A_452, %lt3A_496 : vector<16xi32>
          %add3A_498 = arith.constant 16 : i32
          %add3A_499 = vector.broadcast %add3A_498 : i32 to vector<16xi32>
          %add3A_500 = arith.addi %and3A_452, %add3A_499 : vector<16xi32>
          %select_n3A_501 = arith.select %lt3A_497, %add3A_500, %and3A_452 : vector<16xi1>, vector<16xi32>
          %broadcast_in_dim3A_502 = vector.shape_cast %select_n3A_501 : vector<16xi32> to vector<16x1xi32>
          %gather3A_503 = vector.shape_cast %broadcast_in_dim3A_502 : vector<16x1xi32> to vector<16xi32>
          %gather3A_504 = tpu.dynamic_gather %get3A_494[%gather3A_503] in [0] : vector<16xf32>, vector<16xi32> -> vector<16xf32>
          %get3A_505 = arith.index_cast %add3A_447 : i32 to index
          %get3A_506 = arith.constant 64 : index
          %get3A_507 = tpu.vector_load %arg5[%get3A_505, %get3A_506] {strides = array<i32>} : memref<64x128xf32, #tpu.memory_space<vmem>>, vector<16xf32>,
          %lt3A_508 = arith.constant 0 : i32
          %lt3A_509 = vector.broadcast %lt3A_508 : i32 to vector<16xi32>
          %lt3A_510 = arith.cmpi slt, %and3A_452, %lt3A_509 : vector<16xi32>
          %add3A_511 = arith.constant 16 : i32
          %add3A_512 = vector.broadcast %add3A_511 : i32 to vector<16xi32>
          %add3A_513 = arith.addi %and3A_452, %add3A_512 : vector<16xi32>
          %select_n3A_514 = arith.select %lt3A_510, %add3A_513, %and3A_452 : vector<16xi1>, vector<16xi32>
          %broadcast_in_dim3A_515 = vector.shape_cast %select_n3A_514 : vector<16xi32> to vector<16x1xi32>
          %gather3A_516 = vector.shape_cast %broadcast_in_dim3A_515 : vector<16x1xi32> to vector<16xi32>
          %gather3A_517 = tpu.dynamic_gather %get3A_507[%gather3A_516] in [0] : vector<16xf32>, vector<16xi32> -> vector<16xf32>
          %get3A_518 = arith.index_cast %add3A_447 : i32 to index
          %get3A_519 = arith.constant 80 : index
          %get3A_520 = tpu.vector_load %arg5[%get3A_518, %get3A_519] {strides = array<i32>} : memref<64x128xf32, #tpu.memory_space<vmem>>, vector<16xf32>,
          %lt3A_521 = arith.constant 0 : i32
          %lt3A_522 = vector.broadcast %lt3A_521 : i32 to vector<16xi32>
          %lt3A_523 = arith.cmpi slt, %and3A_452, %lt3A_522 : vector<16xi32>
          %add3A_524 = arith.constant 16 : i32
          %add3A_525 = vector.broadcast %add3A_524 : i32 to vector<16xi32>
          %add3A_526 = arith.addi %and3A_452, %add3A_525 : vector<16xi32>
          %select_n3A_527 = arith.select %lt3A_523, %add3A_526, %and3A_452 : vector<16xi1>, vector<16xi32>
          %broadcast_in_dim3A_528 = vector.shape_cast %select_n3A_527 : vector<16xi32> to vector<16x1xi32>
          %gather3A_529 = vector.shape_cast %broadcast_in_dim3A_528 : vector<16x1xi32> to vector<16xi32>
          %gather3A_530 = tpu.dynamic_gather %get3A_520[%gather3A_529] in [0] : vector<16xf32>, vector<16xi32> -> vector<16xf32>
          %get3A_531 = arith.index_cast %add3A_447 : i32 to index
          %get3A_532 = arith.constant 96 : index
          %get3A_533 = tpu.vector_load %arg5[%get3A_531, %get3A_532] {strides = array<i32>} : memref<64x128xf32, #tpu.memory_space<vmem>>, vector<16xf32>,
          %lt3A_534 = arith.constant 0 : i32
          %lt3A_535 = vector.broadcast %lt3A_534 : i32 to vector<16xi32>
          %lt3A_536 = arith.cmpi slt, %and3A_452, %lt3A_535 : vector<16xi32>
          %add3A_537 = arith.constant 16 : i32
          %add3A_538 = vector.broadcast %add3A_537 : i32 to vector<16xi32>
          %add3A_539 = arith.addi %and3A_452, %add3A_538 : vector<16xi32>
          %select_n3A_540 = arith.select %lt3A_536, %add3A_539, %and3A_452 : vector<16xi1>, vector<16xi32>
          %broadcast_in_dim3A_541 = vector.shape_cast %select_n3A_540 : vector<16xi32> to vector<16x1xi32>
          %gather3A_542 = vector.shape_cast %broadcast_in_dim3A_541 : vector<16x1xi32> to vector<16xi32>
          %gather3A_543 = tpu.dynamic_gather %get3A_533[%gather3A_542] in [0] : vector<16xf32>, vector<16xi32> -> vector<16xf32>
          %get3A_544 = arith.index_cast %add3A_447 : i32 to index
          %get3A_545 = arith.constant 112 : index
          %get3A_546 = tpu.vector_load %arg5[%get3A_544, %get3A_545] {strides = array<i32>} : memref<64x128xf32, #tpu.memory_space<vmem>>, vector<16xf32>,
          %lt3A_547 = arith.constant 0 : i32
          %lt3A_548 = vector.broadcast %lt3A_547 : i32 to vector<16xi32>
          %lt3A_549 = arith.cmpi slt, %and3A_452, %lt3A_548 : vector<16xi32>
          %add3A_550 = arith.constant 16 : i32
          %add3A_551 = vector.broadcast %add3A_550 : i32 to vector<16xi32>
          %add3A_552 = arith.addi %and3A_452, %add3A_551 : vector<16xi32>
          %select_n3A_553 = arith.select %lt3A_549, %add3A_552, %and3A_452 : vector<16xi1>, vector<16xi32>
          %broadcast_in_dim3A_554 = vector.shape_cast %select_n3A_553 : vector<16xi32> to vector<16x1xi32>
          %gather3A_555 = vector.shape_cast %broadcast_in_dim3A_554 : vector<16x1xi32> to vector<16xi32>
          %gather3A_556 = tpu.dynamic_gather %get3A_546[%gather3A_555] in [0] : vector<16xf32>, vector<16xi32> -> vector<16xf32>
          %swap3A_557 = arith.index_cast %add3A_447 : i32 to index
          %swap3A_558 = arith.constant 0 : index
          %swap3A_559 = tpu.vector_load %arg14[%swap3A_557, %swap3A_558] {strides = array<i32>} : memref<64x128xf32, #tpu.memory_space<vmem>>, vector<16xf32>,
          tpu.vector_store %arg14[%swap3A_557, %swap3A_558], %gather3A_465 {strides = array<i32>} : memref<64x128xf32, #tpu.memory_space<vmem>>, vector<16xf32>,
          %swap3A_560 = arith.index_cast %add3A_447 : i32 to index
          %swap3A_561 = arith.constant 16 : index
          %swap3A_562 = tpu.vector_load %arg14[%swap3A_560, %swap3A_561] {strides = array<i32>} : memref<64x128xf32, #tpu.memory_space<vmem>>, vector<16xf32>,
          tpu.vector_store %arg14[%swap3A_560, %swap3A_561], %gather3A_478 {strides = array<i32>} : memref<64x128xf32, #tpu.memory_space<vmem>>, vector<16xf32>,
          %swap3A_563 = arith.index_cast %add3A_447 : i32 to index
          %swap3A_564 = arith.constant 32 : index
          %swap3A_565 = tpu.vector_load %arg14[%swap3A_563, %swap3A_564] {strides = array<i32>} : memref<64x128xf32, #tpu.memory_space<vmem>>, vector<16xf32>,
          tpu.vector_store %arg14[%swap3A_563, %swap3A_564], %gather3A_491 {strides = array<i32>} : memref<64x128xf32, #tpu.memory_space<vmem>>, vector<16xf32>,
          %swap3A_566 = arith.index_cast %add3A_447 : i32 to index
          %swap3A_567 = arith.constant 48 : index
          %swap3A_568 = tpu.vector_load %arg14[%swap3A_566, %swap3A_567] {strides = array<i32>} : memref<64x128xf32, #tpu.memory_space<vmem>>, vector<16xf32>,
          tpu.vector_store %arg14[%swap3A_566, %swap3A_567], %gather3A_504 {strides = array<i32>} : memref<64x128xf32, #tpu.memory_space<vmem>>, vector<16xf32>,
          %swap3A_569 = arith.index_cast %add3A_447 : i32 to index
          %swap3A_570 = arith.constant 64 : index
          %swap3A_571 = tpu.vector_load %arg14[%swap3A_569, %swap3A_570] {strides = array<i32>} : memref<64x128xf32, #tpu.memory_space<vmem>>, vector<16xf32>,
          tpu.vector_store %arg14[%swap3A_569, %swap3A_570], %gather3A_517 {strides = array<i32>} : memref<64x128xf32, #tpu.memory_space<vmem>>, vector<16xf32>,
          %swap3A_572 = arith.index_cast %add3A_447 : i32 to index
          %swap3A_573 = arith.constant 80 : index
          %swap3A_574 = tpu.vector_load %arg14[%swap3A_572, %swap3A_573] {strides = array<i32>} : memref<64x128xf32, #tpu.memory_space<vmem>>, vector<16xf32>,
          tpu.vector_store %arg14[%swap3A_572, %swap3A_573], %gather3A_530 {strides = array<i32>} : memref<64x128xf32, #tpu.memory_space<vmem>>, vector<16xf32>,
          %swap3A_575 = arith.index_cast %add3A_447 : i32 to index
          %swap3A_576 = arith.constant 96 : index
          %swap3A_577 = tpu.vector_load %arg14[%swap3A_575, %swap3A_576] {strides = array<i32>} : memref<64x128xf32, #tpu.memory_space<vmem>>, vector<16xf32>,
          tpu.vector_store %arg14[%swap3A_575, %swap3A_576], %gather3A_543 {strides = array<i32>} : memref<64x128xf32, #tpu.memory_space<vmem>>, vector<16xf32>,
          %swap3A_578 = arith.index_cast %add3A_447 : i32 to index
          %swap3A_579 = arith.constant 112 : index
          %swap3A_580 = tpu.vector_load %arg14[%swap3A_578, %swap3A_579] {strides = array<i32>} : memref<64x128xf32, #tpu.memory_space<vmem>>, vector<16xf32>,
          tpu.vector_store %arg14[%swap3A_578, %swap3A_579], %gather3A_556 {strides = array<i32>} : memref<64x128xf32, #tpu.memory_space<vmem>>, vector<16xf32>,
          %mul3A_581 = arith.constant 4 : i32
          %mul3A_582 = arith.muli %scan3A_173, %mul3A_581 : i32
          %add3A_583 = arith.constant 3 : i32
          %add3A_584 = arith.addi %mul3A_582, %add3A_583 : i32
          %add3A_585 = vector.broadcast %add3A_584 : i32 to vector<16xi32>
          %add3A_586 = arith.addi %iota3A, %add3A_585 : vector<16xi32>
          %and3A_587 = arith.constant 15 : i32
          %and3A_588 = vector.broadcast %and3A_587 : i32 to vector<16xi32>
          %and3A_589 = arith.andi %add3A_586, %and3A_588 : vector<16xi32>
          %get3A_590 = arith.index_cast %add3A_584 : i32 to index
          %get3A_591 = arith.constant 0 : index
          %get3A_592 = tpu.vector_load %arg5[%get3A_590, %get3A_591] {strides = array<i32>} : memref<64x128xf32, #tpu.memory_space<vmem>>, vector<16xf32>,
          %lt3A_593 = arith.constant 0 : i32
          %lt3A_594 = vector.broadcast %lt3A_593 : i32 to vector<16xi32>
          %lt3A_595 = arith.cmpi slt, %and3A_589, %lt3A_594 : vector<16xi32>
          %add3A_596 = arith.constant 16 : i32
          %add3A_597 = vector.broadcast %add3A_596 : i32 to vector<16xi32>
          %add3A_598 = arith.addi %and3A_589, %add3A_597 : vector<16xi32>
          %select_n3A_599 = arith.select %lt3A_595, %add3A_598, %and3A_589 : vector<16xi1>, vector<16xi32>
          %broadcast_in_dim3A_600 = vector.shape_cast %select_n3A_599 : vector<16xi32> to vector<16x1xi32>
          %gather3A_601 = vector.shape_cast %broadcast_in_dim3A_600 : vector<16x1xi32> to vector<16xi32>
          %gather3A_602 = tpu.dynamic_gather %get3A_592[%gather3A_601] in [0] : vector<16xf32>, vector<16xi32> -> vector<16xf32>
          %get3A_603 = arith.index_cast %add3A_584 : i32 to index
          %get3A_604 = arith.constant 16 : index
          %get3A_605 = tpu.vector_load %arg5[%get3A_603, %get3A_604] {strides = array<i32>} : memref<64x128xf32, #tpu.memory_space<vmem>>, vector<16xf32>,
          %lt3A_606 = arith.constant 0 : i32
          %lt3A_607 = vector.broadcast %lt3A_606 : i32 to vector<16xi32>
          %lt3A_608 = arith.cmpi slt, %and3A_589, %lt3A_607 : vector<16xi32>
          %add3A_609 = arith.constant 16 : i32
          %add3A_610 = vector.broadcast %add3A_609 : i32 to vector<16xi32>
          %add3A_611 = arith.addi %and3A_589, %add3A_610 : vector<16xi32>
          %select_n3A_612 = arith.select %lt3A_608, %add3A_611, %and3A_589 : vector<16xi1>, vector<16xi32>
          %broadcast_in_dim3A_613 = vector.shape_cast %select_n3A_612 : vector<16xi32> to vector<16x1xi32>
          %gather3A_614 = vector.shape_cast %broadcast_in_dim3A_613 : vector<16x1xi32> to vector<16xi32>
          %gather3A_615 = tpu.dynamic_gather %get3A_605[%gather3A_614] in [0] : vector<16xf32>, vector<16xi32> -> vector<16xf32>
          %get3A_616 = arith.index_cast %add3A_584 : i32 to index
          %get3A_617 = arith.constant 32 : index
          %get3A_618 = tpu.vector_load %arg5[%get3A_616, %get3A_617] {strides = array<i32>} : memref<64x128xf32, #tpu.memory_space<vmem>>, vector<16xf32>,
          %lt3A_619 = arith.constant 0 : i32
          %lt3A_620 = vector.broadcast %lt3A_619 : i32 to vector<16xi32>
          %lt3A_621 = arith.cmpi slt, %and3A_589, %lt3A_620 : vector<16xi32>
          %add3A_622 = arith.constant 16 : i32
          %add3A_623 = vector.broadcast %add3A_622 : i32 to vector<16xi32>
          %add3A_624 = arith.addi %and3A_589, %add3A_623 : vector<16xi32>
          %select_n3A_625 = arith.select %lt3A_621, %add3A_624, %and3A_589 : vector<16xi1>, vector<16xi32>
          %broadcast_in_dim3A_626 = vector.shape_cast %select_n3A_625 : vector<16xi32> to vector<16x1xi32>
          %gather3A_627 = vector.shape_cast %broadcast_in_dim3A_626 : vector<16x1xi32> to vector<16xi32>
          %gather3A_628 = tpu.dynamic_gather %get3A_618[%gather3A_627] in [0] : vector<16xf32>, vector<16xi32> -> vector<16xf32>
          %get3A_629 = arith.index_cast %add3A_584 : i32 to index
          %get3A_630 = arith.constant 48 : index
          %get3A_631 = tpu.vector_load %arg5[%get3A_629, %get3A_630] {strides = array<i32>} : memref<64x128xf32, #tpu.memory_space<vmem>>, vector<16xf32>,
          %lt3A_632 = arith.constant 0 : i32
          %lt3A_633 = vector.broadcast %lt3A_632 : i32 to vector<16xi32>
          %lt3A_634 = arith.cmpi slt, %and3A_589, %lt3A_633 : vector<16xi32>
          %add3A_635 = arith.constant 16 : i32
          %add3A_636 = vector.broadcast %add3A_635 : i32 to vector<16xi32>
          %add3A_637 = arith.addi %and3A_589, %add3A_636 : vector<16xi32>
          %select_n3A_638 = arith.select %lt3A_634, %add3A_637, %and3A_589 : vector<16xi1>, vector<16xi32>
          %broadcast_in_dim3A_639 = vector.shape_cast %select_n3A_638 : vector<16xi32> to vector<16x1xi32>
          %gather3A_640 = vector.shape_cast %broadcast_in_dim3A_639 : vector<16x1xi32> to vector<16xi32>
          %gather3A_641 = tpu.dynamic_gather %get3A_631[%gather3A_640] in [0] : vector<16xf32>, vector<16xi32> -> vector<16xf32>
          %get3A_642 = arith.index_cast %add3A_584 : i32 to index
          %get3A_643 = arith.constant 64 : index
          %get3A_644 = tpu.vector_load %arg5[%get3A_642, %get3A_643] {strides = array<i32>} : memref<64x128xf32, #tpu.memory_space<vmem>>, vector<16xf32>,
          %lt3A_645 = arith.constant 0 : i32
          %lt3A_646 = vector.broadcast %lt3A_645 : i32 to vector<16xi32>
          %lt3A_647 = arith.cmpi slt, %and3A_589, %lt3A_646 : vector<16xi32>
          %add3A_648 = arith.constant 16 : i32
          %add3A_649 = vector.broadcast %add3A_648 : i32 to vector<16xi32>
          %add3A_650 = arith.addi %and3A_589, %add3A_649 : vector<16xi32>
          %select_n3A_651 = arith.select %lt3A_647, %add3A_650, %and3A_589 : vector<16xi1>, vector<16xi32>
          %broadcast_in_dim3A_652 = vector.shape_cast %select_n3A_651 : vector<16xi32> to vector<16x1xi32>
          %gather3A_653 = vector.shape_cast %broadcast_in_dim3A_652 : vector<16x1xi32> to vector<16xi32>
          %gather3A_654 = tpu.dynamic_gather %get3A_644[%gather3A_653] in [0] : vector<16xf32>, vector<16xi32> -> vector<16xf32>
          %get3A_655 = arith.index_cast %add3A_584 : i32 to index
          %get3A_656 = arith.constant 80 : index
          %get3A_657 = tpu.vector_load %arg5[%get3A_655, %get3A_656] {strides = array<i32>} : memref<64x128xf32, #tpu.memory_space<vmem>>, vector<16xf32>,
          %lt3A_658 = arith.constant 0 : i32
          %lt3A_659 = vector.broadcast %lt3A_658 : i32 to vector<16xi32>
          %lt3A_660 = arith.cmpi slt, %and3A_589, %lt3A_659 : vector<16xi32>
          %add3A_661 = arith.constant 16 : i32
          %add3A_662 = vector.broadcast %add3A_661 : i32 to vector<16xi32>
          %add3A_663 = arith.addi %and3A_589, %add3A_662 : vector<16xi32>
          %select_n3A_664 = arith.select %lt3A_660, %add3A_663, %and3A_589 : vector<16xi1>, vector<16xi32>
          %broadcast_in_dim3A_665 = vector.shape_cast %select_n3A_664 : vector<16xi32> to vector<16x1xi32>
          %gather3A_666 = vector.shape_cast %broadcast_in_dim3A_665 : vector<16x1xi32> to vector<16xi32>
          %gather3A_667 = tpu.dynamic_gather %get3A_657[%gather3A_666] in [0] : vector<16xf32>, vector<16xi32> -> vector<16xf32>
          %get3A_668 = arith.index_cast %add3A_584 : i32 to index
          %get3A_669 = arith.constant 96 : index
          %get3A_670 = tpu.vector_load %arg5[%get3A_668, %get3A_669] {strides = array<i32>} : memref<64x128xf32, #tpu.memory_space<vmem>>, vector<16xf32>,
          %lt3A_671 = arith.constant 0 : i32
          %lt3A_672 = vector.broadcast %lt3A_671 : i32 to vector<16xi32>
          %lt3A_673 = arith.cmpi slt, %and3A_589, %lt3A_672 : vector<16xi32>
          %add3A_674 = arith.constant 16 : i32
          %add3A_675 = vector.broadcast %add3A_674 : i32 to vector<16xi32>
          %add3A_676 = arith.addi %and3A_589, %add3A_675 : vector<16xi32>
          %select_n3A_677 = arith.select %lt3A_673, %add3A_676, %and3A_589 : vector<16xi1>, vector<16xi32>
          %broadcast_in_dim3A_678 = vector.shape_cast %select_n3A_677 : vector<16xi32> to vector<16x1xi32>
          %gather3A_679 = vector.shape_cast %broadcast_in_dim3A_678 : vector<16x1xi32> to vector<16xi32>
          %gather3A_680 = tpu.dynamic_gather %get3A_670[%gather3A_679] in [0] : vector<16xf32>, vector<16xi32> -> vector<16xf32>
          %get3A_681 = arith.index_cast %add3A_584 : i32 to index
          %get3A_682 = arith.constant 112 : index
          %get3A_683 = tpu.vector_load %arg5[%get3A_681, %get3A_682] {strides = array<i32>} : memref<64x128xf32, #tpu.memory_space<vmem>>, vector<16xf32>,
          %lt3A_684 = arith.constant 0 : i32
          %lt3A_685 = vector.broadcast %lt3A_684 : i32 to vector<16xi32>
          %lt3A_686 = arith.cmpi slt, %and3A_589, %lt3A_685 : vector<16xi32>
          %add3A_687 = arith.constant 16 : i32
          %add3A_688 = vector.broadcast %add3A_687 : i32 to vector<16xi32>
          %add3A_689 = arith.addi %and3A_589, %add3A_688 : vector<16xi32>
          %select_n3A_690 = arith.select %lt3A_686, %add3A_689, %and3A_589 : vector<16xi1>, vector<16xi32>
          %broadcast_in_dim3A_691 = vector.shape_cast %select_n3A_690 : vector<16xi32> to vector<16x1xi32>
          %gather3A_692 = vector.shape_cast %broadcast_in_dim3A_691 : vector<16x1xi32> to vector<16xi32>
          %gather3A_693 = tpu.dynamic_gather %get3A_683[%gather3A_692] in [0] : vector<16xf32>, vector<16xi32> -> vector<16xf32>
          %swap3A_694 = arith.index_cast %add3A_584 : i32 to index
          %swap3A_695 = arith.constant 0 : index
          %swap3A_696 = tpu.vector_load %arg14[%swap3A_694, %swap3A_695] {strides = array<i32>} : memref<64x128xf32, #tpu.memory_space<vmem>>, vector<16xf32>,
          tpu.vector_store %arg14[%swap3A_694, %swap3A_695], %gather3A_602 {strides = array<i32>} : memref<64x128xf32, #tpu.memory_space<vmem>>, vector<16xf32>,
          %swap3A_697 = arith.index_cast %add3A_584 : i32 to index
          %swap3A_698 = arith.constant 16 : index
          %swap3A_699 = tpu.vector_load %arg14[%swap3A_697, %swap3A_698] {strides = array<i32>} : memref<64x128xf32, #tpu.memory_space<vmem>>, vector<16xf32>,
          tpu.vector_store %arg14[%swap3A_697, %swap3A_698], %gather3A_615 {strides = array<i32>} : memref<64x128xf32, #tpu.memory_space<vmem>>, vector<16xf32>,
          %swap3A_700 = arith.index_cast %add3A_584 : i32 to index
          %swap3A_701 = arith.constant 32 : index
          %swap3A_702 = tpu.vector_load %arg14[%swap3A_700, %swap3A_701] {strides = array<i32>} : memref<64x128xf32, #tpu.memory_space<vmem>>, vector<16xf32>,
          tpu.vector_store %arg14[%swap3A_700, %swap3A_701], %gather3A_628 {strides = array<i32>} : memref<64x128xf32, #tpu.memory_space<vmem>>, vector<16xf32>,
          %swap3A_703 = arith.index_cast %add3A_584 : i32 to index
          %swap3A_704 = arith.constant 48 : index
          %swap3A_705 = tpu.vector_load %arg14[%swap3A_703, %swap3A_704] {strides = array<i32>} : memref<64x128xf32, #tpu.memory_space<vmem>>, vector<16xf32>,
          tpu.vector_store %arg14[%swap3A_703, %swap3A_704], %gather3A_641 {strides = array<i32>} : memref<64x128xf32, #tpu.memory_space<vmem>>, vector<16xf32>,
          %swap3A_706 = arith.index_cast %add3A_584 : i32 to index
          %swap3A_707 = arith.constant 64 : index
          %swap3A_708 = tpu.vector_load %arg14[%swap3A_706, %swap3A_707] {strides = array<i32>} : memref<64x128xf32, #tpu.memory_space<vmem>>, vector<16xf32>,
          tpu.vector_store %arg14[%swap3A_706, %swap3A_707], %gather3A_654 {strides = array<i32>} : memref<64x128xf32, #tpu.memory_space<vmem>>, vector<16xf32>,
          %swap3A_709 = arith.index_cast %add3A_584 : i32 to index
          %swap3A_710 = arith.constant 80 : index
          %swap3A_711 = tpu.vector_load %arg14[%swap3A_709, %swap3A_710] {strides = array<i32>} : memref<64x128xf32, #tpu.memory_space<vmem>>, vector<16xf32>,
          tpu.vector_store %arg14[%swap3A_709, %swap3A_710], %gather3A_667 {strides = array<i32>} : memref<64x128xf32, #tpu.memory_space<vmem>>, vector<16xf32>,
          %swap3A_712 = arith.index_cast %add3A_584 : i32 to index
          %swap3A_713 = arith.constant 96 : index
          %swap3A_714 = tpu.vector_load %arg14[%swap3A_712, %swap3A_713] {strides = array<i32>} : memref<64x128xf32, #tpu.memory_space<vmem>>, vector<16xf32>,
          tpu.vector_store %arg14[%swap3A_712, %swap3A_713], %gather3A_680 {strides = array<i32>} : memref<64x128xf32, #tpu.memory_space<vmem>>, vector<16xf32>,
          %swap3A_715 = arith.index_cast %add3A_584 : i32 to index
          %swap3A_716 = arith.constant 112 : index
          %swap3A_717 = tpu.vector_load %arg14[%swap3A_715, %swap3A_716] {strides = array<i32>} : memref<64x128xf32, #tpu.memory_space<vmem>>, vector<16xf32>,
          tpu.vector_store %arg14[%swap3A_715, %swap3A_716], %gather3A_693 {strides = array<i32>} : memref<64x128xf32, #tpu.memory_space<vmem>>, vector<16xf32>,
          %scan3A_718 = arith.constant 0 : i32
          scf.yield %scan3A_718 : i32
        }
        %scan3A_151 = arith.constant 16 : i32
        %scan3A_152 = arith.constant 0 : i32
        %scan3A_153 = arith.constant 0 : i32
        %scan3A_154 = arith.constant 64 : i32
        %scan3A_155 = arith.addi %scan3A_153, %scan3A_154 : i32
        %scan3A_156 = arith.constant 1 : i32
        %scan3A_157 = scf.for %scan3A_173 = %scan3A_153 to %scan3A_155 step %scan3A_156 iter_args(%scan3A_174 = %scan3A_152) -> (i32)  : i32 {
          %mul3A_175 = arith.constant 2 : i32
          %mul3A_176 = arith.muli %scan3A_173, %mul3A_175 : i32
          %add3A_177 = arith.constant 0 : i32
          %add3A_178 = arith.addi %mul3A_176, %add3A_177 : i32
          %sub3A = vector.broadcast %add3A_178 : i32 to vector<16xi32>
          %sub3A_179 = arith.subi %sub3A, %iota3A : vector<16xi32>
          %and3A = arith.constant 15 : i32
          %and3A_180 = vector.broadcast %and3A : i32 to vector<16xi32>
          %and3A_181 = arith.andi %sub3A_179, %and3A_180 : vector<16xi32>
          %and3A_182 = arith.constant 112 : i32
          %and3A_183 = arith.andi %add3A_178, %and3A_182 : i32
          %add3A_184 = vector.broadcast %and3A_183 : i32 to vector<16xi32>
          %add3A_185 = arith.addi %and3A_181, %add3A_184 : vector<16xi32>
          %gather3A = tpu.vector_load_idx %arg14[%add3A_135, %add3A_185] : memref<64x128xf32, #tpu.memory_space<vmem>>[vector<16xi32>, vector<16xi32>], vector<16xf32>,
          %gather3A_186 = tpu.vector_load_idx %arg14[%add3A_138, %add3A_185] : memref<64x128xf32, #tpu.memory_space<vmem>>[vector<16xi32>, vector<16xi32>], vector<16xf32>,
          %gather3A_187 = tpu.vector_load_idx %arg14[%add3A_141, %add3A_185] : memref<64x128xf32, #tpu.memory_space<vmem>>[vector<16xi32>, vector<16xi32>], vector<16xf32>,
          %gather3A_188 = tpu.vector_load_idx %arg14[%add3A_144, %add3A_185] : memref<64x128xf32, #tpu.memory_space<vmem>>[vector<16xi32>, vector<16xi32>], vector<16xf32>,
          %swap3A = arith.index_cast %add3A_178 : i32 to index
          %swap3A_189 = arith.constant 0 : index
          %swap3A_190 = tpu.vector_load %arg9[%swap3A, %swap3A_189] {strides = array<i32>} : memref<128x128xf32, #tpu.memory_space<vmem>>, vector<16xf32>,
          tpu.vector_store %arg9[%swap3A, %swap3A_189], %gather3A {strides = array<i32>} : memref<128x128xf32, #tpu.memory_space<vmem>>, vector<16xf32>,
          %swap3A_191 = arith.index_cast %add3A_178 : i32 to index
          %swap3A_192 = arith.constant 16 : index
          %swap3A_193 = tpu.vector_load %arg9[%swap3A_191, %swap3A_192] {strides = array<i32>} : memref<128x128xf32, #tpu.memory_space<vmem>>, vector<16xf32>,
          tpu.vector_store %arg9[%swap3A_191, %swap3A_192], %gather3A_186 {strides = array<i32>} : memref<128x128xf32, #tpu.memory_space<vmem>>, vector<16xf32>,
          %swap3A_194 = arith.index_cast %add3A_178 : i32 to index
          %swap3A_195 = arith.constant 32 : index
          %swap3A_196 = tpu.vector_load %arg9[%swap3A_194, %swap3A_195] {strides = array<i32>} : memref<128x128xf32, #tpu.memory_space<vmem>>, vector<16xf32>,
          tpu.vector_store %arg9[%swap3A_194, %swap3A_195], %gather3A_187 {strides = array<i32>} : memref<128x128xf32, #tpu.memory_space<vmem>>, vector<16xf32>,
          %swap3A_197 = arith.index_cast %add3A_178 : i32 to index
          %swap3A_198 = arith.constant 48 : index
          %swap3A_199 = tpu.vector_load %arg9[%swap3A_197, %swap3A_198] {strides = array<i32>} : memref<128x128xf32, #tpu.memory_space<vmem>>, vector<16xf32>,
          tpu.vector_store %arg9[%swap3A_197, %swap3A_198], %gather3A_188 {strides = array<i32>} : memref<128x128xf32, #tpu.memory_space<vmem>>, vector<16xf32>,
          %mul3A_200 = arith.constant 2 : i32
          %mul3A_201 = arith.muli %scan3A_173, %mul3A_200 : i32
          %add3A_202 = arith.constant 1 : i32
          %add3A_203 = arith.addi %mul3A_201, %add3A_202 : i32
          %sub3A_204 = vector.broadcast %add3A_203 : i32 to vector<16xi32>
          %sub3A_205 = arith.subi %sub3A_204, %iota3A : vector<16xi32>
          %and3A_206 = arith.constant 15 : i32
          %and3A_207 = vector.broadcast %and3A_206 : i32 to vector<16xi32>
          %and3A_208 = arith.andi %sub3A_205, %and3A_207 : vector<16xi32>
          %and3A_209 = arith.constant 112 : i32
          %and3A_210 = arith.andi %add3A_203, %and3A_209 : i32
          %add3A_211 = vector.broadcast %and3A_210 : i32 to vector<16xi32>
          %add3A_212 = arith.addi %and3A_208, %add3A_211 : vector<16xi32>
          %gather3A_213 = tpu.vector_load_idx %arg14[%add3A_135, %add3A_212] : memref<64x128xf32, #tpu.memory_space<vmem>>[vector<16xi32>, vector<16xi32>], vector<16xf32>,
          %gather3A_214 = tpu.vector_load_idx %arg14[%add3A_138, %add3A_212] : memref<64x128xf32, #tpu.memory_space<vmem>>[vector<16xi32>, vector<16xi32>], vector<16xf32>,
          %gather3A_215 = tpu.vector_load_idx %arg14[%add3A_141, %add3A_212] : memref<64x128xf32, #tpu.memory_space<vmem>>[vector<16xi32>, vector<16xi32>], vector<16xf32>,
          %gather3A_216 = tpu.vector_load_idx %arg14[%add3A_144, %add3A_212] : memref<64x128xf32, #tpu.memory_space<vmem>>[vector<16xi32>, vector<16xi32>], vector<16xf32>,
          %swap3A_217 = arith.index_cast %add3A_203 : i32 to index
          %swap3A_218 = arith.constant 0 : index
          %swap3A_219 = tpu.vector_load %arg9[%swap3A_217, %swap3A_218] {strides = array<i32>} : memref<128x128xf32, #tpu.memory_space<vmem>>, vector<16xf32>,
          tpu.vector_store %arg9[%swap3A_217, %swap3A_218], %gather3A_213 {strides = array<i32>} : memref<128x128xf32, #tpu.memory_space<vmem>>, vector<16xf32>,
          %swap3A_220 = arith.index_cast %add3A_203 : i32 to index
          %swap3A_221 = arith.constant 16 : index
          %swap3A_222 = tpu.vector_load %arg9[%swap3A_220, %swap3A_221] {strides = array<i32>} : memref<128x128xf32, #tpu.memory_space<vmem>>, vector<16xf32>,
          tpu.vector_store %arg9[%swap3A_220, %swap3A_221], %gather3A_214 {strides = array<i32>} : memref<128x128xf32, #tpu.memory_space<vmem>>, vector<16xf32>,
          %swap3A_223 = arith.index_cast %add3A_203 : i32 to index
          %swap3A_224 = arith.constant 32 : index
          %swap3A_225 = tpu.vector_load %arg9[%swap3A_223, %swap3A_224] {strides = array<i32>} : memref<128x128xf32, #tpu.memory_space<vmem>>, vector<16xf32>,
          tpu.vector_store %arg9[%swap3A_223, %swap3A_224], %gather3A_215 {strides = array<i32>} : memref<128x128xf32, #tpu.memory_space<vmem>>, vector<16xf32>,
          %swap3A_226 = arith.index_cast %add3A_203 : i32 to index
          %swap3A_227 = arith.constant 48 : index
          %swap3A_228 = tpu.vector_load %arg9[%swap3A_226, %swap3A_227] {strides = array<i32>} : memref<128x128xf32, #tpu.memory_space<vmem>>, vector<16xf32>,
          tpu.vector_store %arg9[%swap3A_226, %swap3A_227], %gather3A_216 {strides = array<i32>} : memref<128x128xf32, #tpu.memory_space<vmem>>, vector<16xf32>,
          %scan3A_229 = arith.constant 0 : i32
          scf.yield %scan3A_229 : i32
        }
        %scan3A_158 = arith.constant 64 : i32
        %add3A_159 = arith.addi %add3A_8, %add3A_91 : i32
        %mul3A_160 = arith.constant 128 : i32
        %mul3A_161 = arith.muli %add3A_159, %mul3A_160 : i32
        %multiple_of3A_162 = tpu.assume_multiple %mul3A_161, 128 : i32
        %dma_start3A_163 = arith.constant 0 : i32
        %dma_start3A_164 = tpu.memref_slice %arg4[%multiple_of3A_162, %dma_start3A_163] : memref<1000000x128xf32, #tpu.memory_space<hbm>> -> memref<128x128xf32, #tpu.memory_space<hbm>>
        %dma_start3A_165 = arith.constant 0 : i32
        %dma_start3A_166 = tpu.memref_slice %arg4[%multiple_of3A_162, %dma_start3A_165] : memref<1000000x128xf32, #tpu.memory_space<hbm>> -> memref<128x128xf32, #tpu.memory_space<hbm>>
        tpu.enqueue_dma source(%arg9 : memref<128x128xf32, #tpu.memory_space<vmem>>) target(%dma_start3A_166 : memref<128x128xf32, #tpu.memory_space<hbm>>) target_semaphore(%arg19 : memref<!tpu.dma_semaphore, #tpu.memory_space<semaphore_mem>>)
        %add3A_167 = arith.constant 4 : i32
        %add3A_168 = arith.addi %add3A_91, %add3A_167 : i32
        %lt3A_169 = arith.cmpi slt, %add3A_168, %add3A_4 : i32
        %convert_element_type3A_170 = arith.extui %lt3A_169 : i1 to i32
        %cond3A_171 = arith.constant 0 : i32
        %cond3A_172 = arith.cmpi ne, %convert_element_type3A_170, %cond3A_171 : i32
        scf.if %cond3A_172 {
          %add3A_173 = arith.constant 4 : i32
          %add3A_174 = arith.addi %add3A_91, %add3A_173 : i32
          %add3A_175 = arith.addi %add3A_8, %add3A_174 : i32
          %mul3A_176 = arith.constant 128 : i32
          %mul3A_177 = arith.muli %add3A_175, %mul3A_176 : i32
          %multiple_of3A_178 = tpu.assume_multiple %mul3A_177, 128 : i32
          %dma_start3A_179 = arith.constant 0 : i32
          %dma_start3A_180 = tpu.memref_slice %arg2[%dma_start3A_179, %multiple_of3A_178] : memref<64x1000000xf32, #tpu.memory_space<hbm>> -> memref<64x128xf32, #tpu.memory_space<hbm>>
          %dma_start3A_181 = arith.constant 0 : i32
          %dma_start3A_182 = tpu.memref_slice %arg2[%dma_start3A_181, %multiple_of3A_178] : memref<64x1000000xf32, #tpu.memory_space<hbm>> -> memref<64x128xf32, #tpu.memory_space<hbm>>
          tpu.enqueue_dma source(%dma_start3A_182 : memref<64x128xf32, #tpu.memory_space<hbm>>) target(%arg5 : memref<64x128xf32, #tpu.memory_space<vmem>>) target_semaphore(%arg15 : memref<!tpu.dma_semaphore, #tpu.memory_space<semaphore_mem>>)
        } else {
        }
      } else {
      }
      %mul3A_96 = arith.constant 4 : i32
      %mul3A_97 = arith.muli %scan3A_86, %mul3A_96 : i32
      %add3A_98 = arith.constant 1 : i32
      %add3A_99 = arith.addi %mul3A_97, %add3A_98 : i32
      %lt3A_100 = arith.cmpi slt, %add3A_99, %add3A_4 : i32
      %convert_element_type3A_101 = arith.extui %lt3A_100 : i1 to i32
      %cond3A_102 = arith.constant 0 : i32
      %cond3A_103 = arith.cmpi ne, %convert_element_type3A_101, %cond3A_102 : i32
      scf.if %cond3A_103 {
        %add3A_121 = arith.addi %add3A_8, %add3A_99 : i32
        %mul3A_122 = arith.constant 128 : i32
        %mul3A_123 = arith.muli %add3A_121, %mul3A_122 : i32
        %multiple_of3A_124 = tpu.assume_multiple %mul3A_123, 128 : i32
        %dma_wait3A_125 = arith.constant 0 : i32
        %dma_wait3A_126 = tpu.memref_slice %arg2[%dma_wait3A_125, %multiple_of3A_124] : memref<64x1000000xf32, #tpu.memory_space<hbm>> -> memref<64x128xf32, #tpu.memory_space<hbm>>
        %dma_wait3A_127 = arith.constant 0 : i32
        %dma_wait3A_128 = tpu.memref_slice %arg2[%dma_wait3A_127, %multiple_of3A_124] : memref<64x1000000xf32, #tpu.memory_space<hbm>> -> memref<64x128xf32, #tpu.memory_space<hbm>>
        tpu.wait_dma2 semaphore(%arg16 : memref<!tpu.dma_semaphore, #tpu.memory_space<semaphore_mem>>) src(%dma_wait3A_128 : memref<64x128xf32, #tpu.memory_space<hbm>>) dst(%arg6 : memref<64x128xf32, #tpu.memory_space<vmem>>)
        %ge3A = arith.constant 4 : i32
        %ge3A_129 = arith.cmpi sge, %add3A_99, %ge3A : i32
        %convert_element_type3A_130 = arith.extui %ge3A_129 : i1 to i32
        %cond3A_131 = arith.constant 0 : i32
        %cond3A_132 = arith.cmpi ne, %convert_element_type3A_130, %cond3A_131 : i32
        scf.if %cond3A_132 {
          %sub3A = arith.constant 4 : i32
          %sub3A_173 = arith.subi %add3A_99, %sub3A : i32
          %add3A_174 = arith.addi %add3A_8, %sub3A_173 : i32
          %mul3A_175 = arith.constant 128 : i32
          %mul3A_176 = arith.muli %add3A_174, %mul3A_175 : i32
          %multiple_of3A_177 = tpu.assume_multiple %mul3A_176, 128 : i32
          %dma_wait3A_178 = arith.constant 0 : i32
          %dma_wait3A_179 = tpu.memref_slice %arg4[%multiple_of3A_177, %dma_wait3A_178] : memref<1000000x128xf32, #tpu.memory_space<hbm>> -> memref<128x128xf32, #tpu.memory_space<hbm>>
          %dma_wait3A_180 = arith.constant 0 : i32
          %dma_wait3A_181 = tpu.memref_slice %arg4[%multiple_of3A_177, %dma_wait3A_180] : memref<1000000x128xf32, #tpu.memory_space<hbm>> -> memref<128x128xf32, #tpu.memory_space<hbm>>
          tpu.wait_dma2 semaphore(%arg20 : memref<!tpu.dma_semaphore, #tpu.memory_space<semaphore_mem>>) src(%arg10 : memref<128x128xf32, #tpu.memory_space<vmem>>) dst(%dma_wait3A_181 : memref<128x128xf32, #tpu.memory_space<hbm>>)
        } else {
        }
        %add3A_133 = arith.constant 0 : i32
        %add3A_134 = vector.broadcast %add3A_133 : i32 to vector<16xi32>
        %add3A_135 = arith.addi %iota3A, %add3A_134 : vector<16xi32>
        %add3A_136 = arith.constant 16 : i32
        %add3A_137 = vector.broadcast %add3A_136 : i32 to vector<16xi32>
        %add3A_138 = arith.addi %iota3A, %add3A_137 : vector<16xi32>
        %add3A_139 = arith.constant 32 : i32
        %add3A_140 = vector.broadcast %add3A_139 : i32 to vector<16xi32>
        %add3A_141 = arith.addi %iota3A, %add3A_140 : vector<16xi32>
        %add3A_142 = arith.constant 48 : i32
        %add3A_143 = vector.broadcast %add3A_142 : i32 to vector<16xi32>
        %add3A_144 = arith.addi %iota3A, %add3A_143 : vector<16xi32>
        %scan3A_145 = arith.constant 0 : i32
        %scan3A_146 = arith.constant 0 : i32
        %scan3A_147 = arith.constant 16 : i32
        %scan3A_148 = arith.addi %scan3A_146, %scan3A_147 : i32
        %scan3A_149 = arith.constant 1 : i32
        %scan3A_150 = scf.for %scan3A_173 = %scan3A_146 to %scan3A_148 step %scan3A_149 iter_args(%scan3A_174 = %scan3A_145) -> (i32)  : i32 {
          %mul3A_175 = arith.constant 4 : i32
          %mul3A_176 = arith.muli %scan3A_173, %mul3A_175 : i32
          %add3A_177 = arith.constant 0 : i32
          %add3A_178 = arith.addi %mul3A_176, %add3A_177 : i32
          %add3A_179 = vector.broadcast %add3A_178 : i32 to vector<16xi32>
          %add3A_180 = arith.addi %iota3A, %add3A_179 : vector<16xi32>
          %and3A = arith.constant 15 : i32
          %and3A_181 = vector.broadcast %and3A : i32 to vector<16xi32>
          %and3A_182 = arith.andi %add3A_180, %and3A_181 : vector<16xi32>
          %get3A = arith.index_cast %add3A_178 : i32 to index
          %get3A_183 = arith.constant 0 : index
          %get3A_184 = tpu.vector_load %arg6[%get3A, %get3A_183] {strides = array<i32>} : memref<64x128xf32, #tpu.memory_space<vmem>>, vector<16xf32>,
          %lt3A_185 = arith.constant 0 : i32
          %lt3A_186 = vector.broadcast %lt3A_185 : i32 to vector<16xi32>
          %lt3A_187 = arith.cmpi slt, %and3A_182, %lt3A_186 : vector<16xi32>
          %add3A_188 = arith.constant 16 : i32
          %add3A_189 = vector.broadcast %add3A_188 : i32 to vector<16xi32>
          %add3A_190 = arith.addi %and3A_182, %add3A_189 : vector<16xi32>
          %select_n3A_191 = arith.select %lt3A_187, %add3A_190, %and3A_182 : vector<16xi1>, vector<16xi32>
          %broadcast_in_dim3A = vector.shape_cast %select_n3A_191 : vector<16xi32> to vector<16x1xi32>
          %gather3A = vector.shape_cast %broadcast_in_dim3A : vector<16x1xi32> to vector<16xi32>
          %gather3A_192 = tpu.dynamic_gather %get3A_184[%gather3A] in [0] : vector<16xf32>, vector<16xi32> -> vector<16xf32>
          %get3A_193 = arith.index_cast %add3A_178 : i32 to index
          %get3A_194 = arith.constant 16 : index
          %get3A_195 = tpu.vector_load %arg6[%get3A_193, %get3A_194] {strides = array<i32>} : memref<64x128xf32, #tpu.memory_space<vmem>>, vector<16xf32>,
          %lt3A_196 = arith.constant 0 : i32
          %lt3A_197 = vector.broadcast %lt3A_196 : i32 to vector<16xi32>
          %lt3A_198 = arith.cmpi slt, %and3A_182, %lt3A_197 : vector<16xi32>
          %add3A_199 = arith.constant 16 : i32
          %add3A_200 = vector.broadcast %add3A_199 : i32 to vector<16xi32>
          %add3A_201 = arith.addi %and3A_182, %add3A_200 : vector<16xi32>
          %select_n3A_202 = arith.select %lt3A_198, %add3A_201, %and3A_182 : vector<16xi1>, vector<16xi32>
          %broadcast_in_dim3A_203 = vector.shape_cast %select_n3A_202 : vector<16xi32> to vector<16x1xi32>
          %gather3A_204 = vector.shape_cast %broadcast_in_dim3A_203 : vector<16x1xi32> to vector<16xi32>
          %gather3A_205 = tpu.dynamic_gather %get3A_195[%gather3A_204] in [0] : vector<16xf32>, vector<16xi32> -> vector<16xf32>
          %get3A_206 = arith.index_cast %add3A_178 : i32 to index
          %get3A_207 = arith.constant 32 : index
          %get3A_208 = tpu.vector_load %arg6[%get3A_206, %get3A_207] {strides = array<i32>} : memref<64x128xf32, #tpu.memory_space<vmem>>, vector<16xf32>,
          %lt3A_209 = arith.constant 0 : i32
          %lt3A_210 = vector.broadcast %lt3A_209 : i32 to vector<16xi32>
          %lt3A_211 = arith.cmpi slt, %and3A_182, %lt3A_210 : vector<16xi32>
          %add3A_212 = arith.constant 16 : i32
          %add3A_213 = vector.broadcast %add3A_212 : i32 to vector<16xi32>
          %add3A_214 = arith.addi %and3A_182, %add3A_213 : vector<16xi32>
          %select_n3A_215 = arith.select %lt3A_211, %add3A_214, %and3A_182 : vector<16xi1>, vector<16xi32>
          %broadcast_in_dim3A_216 = vector.shape_cast %select_n3A_215 : vector<16xi32> to vector<16x1xi32>
          %gather3A_217 = vector.shape_cast %broadcast_in_dim3A_216 : vector<16x1xi32> to vector<16xi32>
          %gather3A_218 = tpu.dynamic_gather %get3A_208[%gather3A_217] in [0] : vector<16xf32>, vector<16xi32> -> vector<16xf32>
          %get3A_219 = arith.index_cast %add3A_178 : i32 to index
          %get3A_220 = arith.constant 48 : index
          %get3A_221 = tpu.vector_load %arg6[%get3A_219, %get3A_220] {strides = array<i32>} : memref<64x128xf32, #tpu.memory_space<vmem>>, vector<16xf32>,
          %lt3A_222 = arith.constant 0 : i32
          %lt3A_223 = vector.broadcast %lt3A_222 : i32 to vector<16xi32>
          %lt3A_224 = arith.cmpi slt, %and3A_182, %lt3A_223 : vector<16xi32>
          %add3A_225 = arith.constant 16 : i32
          %add3A_226 = vector.broadcast %add3A_225 : i32 to vector<16xi32>
          %add3A_227 = arith.addi %and3A_182, %add3A_226 : vector<16xi32>
          %select_n3A_228 = arith.select %lt3A_224, %add3A_227, %and3A_182 : vector<16xi1>, vector<16xi32>
          %broadcast_in_dim3A_229 = vector.shape_cast %select_n3A_228 : vector<16xi32> to vector<16x1xi32>
          %gather3A_230 = vector.shape_cast %broadcast_in_dim3A_229 : vector<16x1xi32> to vector<16xi32>
          %gather3A_231 = tpu.dynamic_gather %get3A_221[%gather3A_230] in [0] : vector<16xf32>, vector<16xi32> -> vector<16xf32>
          %get3A_232 = arith.index_cast %add3A_178 : i32 to index
          %get3A_233 = arith.constant 64 : index
          %get3A_234 = tpu.vector_load %arg6[%get3A_232, %get3A_233] {strides = array<i32>} : memref<64x128xf32, #tpu.memory_space<vmem>>, vector<16xf32>,
          %lt3A_235 = arith.constant 0 : i32
          %lt3A_236 = vector.broadcast %lt3A_235 : i32 to vector<16xi32>
          %lt3A_237 = arith.cmpi slt, %and3A_182, %lt3A_236 : vector<16xi32>
          %add3A_238 = arith.constant 16 : i32
          %add3A_239 = vector.broadcast %add3A_238 : i32 to vector<16xi32>
          %add3A_240 = arith.addi %and3A_182, %add3A_239 : vector<16xi32>
          %select_n3A_241 = arith.select %lt3A_237, %add3A_240, %and3A_182 : vector<16xi1>, vector<16xi32>
          %broadcast_in_dim3A_242 = vector.shape_cast %select_n3A_241 : vector<16xi32> to vector<16x1xi32>
          %gather3A_243 = vector.shape_cast %broadcast_in_dim3A_242 : vector<16x1xi32> to vector<16xi32>
          %gather3A_244 = tpu.dynamic_gather %get3A_234[%gather3A_243] in [0] : vector<16xf32>, vector<16xi32> -> vector<16xf32>
          %get3A_245 = arith.index_cast %add3A_178 : i32 to index
          %get3A_246 = arith.constant 80 : index
          %get3A_247 = tpu.vector_load %arg6[%get3A_245, %get3A_246] {strides = array<i32>} : memref<64x128xf32, #tpu.memory_space<vmem>>, vector<16xf32>,
          %lt3A_248 = arith.constant 0 : i32
          %lt3A_249 = vector.broadcast %lt3A_248 : i32 to vector<16xi32>
          %lt3A_250 = arith.cmpi slt, %and3A_182, %lt3A_249 : vector<16xi32>
          %add3A_251 = arith.constant 16 : i32
          %add3A_252 = vector.broadcast %add3A_251 : i32 to vector<16xi32>
          %add3A_253 = arith.addi %and3A_182, %add3A_252 : vector<16xi32>
          %select_n3A_254 = arith.select %lt3A_250, %add3A_253, %and3A_182 : vector<16xi1>, vector<16xi32>
          %broadcast_in_dim3A_255 = vector.shape_cast %select_n3A_254 : vector<16xi32> to vector<16x1xi32>
          %gather3A_256 = vector.shape_cast %broadcast_in_dim3A_255 : vector<16x1xi32> to vector<16xi32>
          %gather3A_257 = tpu.dynamic_gather %get3A_247[%gather3A_256] in [0] : vector<16xf32>, vector<16xi32> -> vector<16xf32>
          %get3A_258 = arith.index_cast %add3A_178 : i32 to index
          %get3A_259 = arith.constant 96 : index
          %get3A_260 = tpu.vector_load %arg6[%get3A_258, %get3A_259] {strides = array<i32>} : memref<64x128xf32, #tpu.memory_space<vmem>>, vector<16xf32>,
          %lt3A_261 = arith.constant 0 : i32
          %lt3A_262 = vector.broadcast %lt3A_261 : i32 to vector<16xi32>
          %lt3A_263 = arith.cmpi slt, %and3A_182, %lt3A_262 : vector<16xi32>
          %add3A_264 = arith.constant 16 : i32
          %add3A_265 = vector.broadcast %add3A_264 : i32 to vector<16xi32>
          %add3A_266 = arith.addi %and3A_182, %add3A_265 : vector<16xi32>
          %select_n3A_267 = arith.select %lt3A_263, %add3A_266, %and3A_182 : vector<16xi1>, vector<16xi32>
          %broadcast_in_dim3A_268 = vector.shape_cast %select_n3A_267 : vector<16xi32> to vector<16x1xi32>
          %gather3A_269 = vector.shape_cast %broadcast_in_dim3A_268 : vector<16x1xi32> to vector<16xi32>
          %gather3A_270 = tpu.dynamic_gather %get3A_260[%gather3A_269] in [0] : vector<16xf32>, vector<16xi32> -> vector<16xf32>
          %get3A_271 = arith.index_cast %add3A_178 : i32 to index
          %get3A_272 = arith.constant 112 : index
          %get3A_273 = tpu.vector_load %arg6[%get3A_271, %get3A_272] {strides = array<i32>} : memref<64x128xf32, #tpu.memory_space<vmem>>, vector<16xf32>,
          %lt3A_274 = arith.constant 0 : i32
          %lt3A_275 = vector.broadcast %lt3A_274 : i32 to vector<16xi32>
          %lt3A_276 = arith.cmpi slt, %and3A_182, %lt3A_275 : vector<16xi32>
          %add3A_277 = arith.constant 16 : i32
          %add3A_278 = vector.broadcast %add3A_277 : i32 to vector<16xi32>
          %add3A_279 = arith.addi %and3A_182, %add3A_278 : vector<16xi32>
          %select_n3A_280 = arith.select %lt3A_276, %add3A_279, %and3A_182 : vector<16xi1>, vector<16xi32>
          %broadcast_in_dim3A_281 = vector.shape_cast %select_n3A_280 : vector<16xi32> to vector<16x1xi32>
          %gather3A_282 = vector.shape_cast %broadcast_in_dim3A_281 : vector<16x1xi32> to vector<16xi32>
          %gather3A_283 = tpu.dynamic_gather %get3A_273[%gather3A_282] in [0] : vector<16xf32>, vector<16xi32> -> vector<16xf32>
          %swap3A = arith.index_cast %add3A_178 : i32 to index
          %swap3A_284 = arith.constant 0 : index
          %swap3A_285 = tpu.vector_load %arg14[%swap3A, %swap3A_284] {strides = array<i32>} : memref<64x128xf32, #tpu.memory_space<vmem>>, vector<16xf32>,
          tpu.vector_store %arg14[%swap3A, %swap3A_284], %gather3A_192 {strides = array<i32>} : memref<64x128xf32, #tpu.memory_space<vmem>>, vector<16xf32>,
          %swap3A_286 = arith.index_cast %add3A_178 : i32 to index
          %swap3A_287 = arith.constant 16 : index
          %swap3A_288 = tpu.vector_load %arg14[%swap3A_286, %swap3A_287] {strides = array<i32>} : memref<64x128xf32, #tpu.memory_space<vmem>>, vector<16xf32>,
          tpu.vector_store %arg14[%swap3A_286, %swap3A_287], %gather3A_205 {strides = array<i32>} : memref<64x128xf32, #tpu.memory_space<vmem>>, vector<16xf32>,
          %swap3A_289 = arith.index_cast %add3A_178 : i32 to index
          %swap3A_290 = arith.constant 32 : index
          %swap3A_291 = tpu.vector_load %arg14[%swap3A_289, %swap3A_290] {strides = array<i32>} : memref<64x128xf32, #tpu.memory_space<vmem>>, vector<16xf32>,
          tpu.vector_store %arg14[%swap3A_289, %swap3A_290], %gather3A_218 {strides = array<i32>} : memref<64x128xf32, #tpu.memory_space<vmem>>, vector<16xf32>,
          %swap3A_292 = arith.index_cast %add3A_178 : i32 to index
          %swap3A_293 = arith.constant 48 : index
          %swap3A_294 = tpu.vector_load %arg14[%swap3A_292, %swap3A_293] {strides = array<i32>} : memref<64x128xf32, #tpu.memory_space<vmem>>, vector<16xf32>,
          tpu.vector_store %arg14[%swap3A_292, %swap3A_293], %gather3A_231 {strides = array<i32>} : memref<64x128xf32, #tpu.memory_space<vmem>>, vector<16xf32>,
          %swap3A_295 = arith.index_cast %add3A_178 : i32 to index
          %swap3A_296 = arith.constant 64 : index
          %swap3A_297 = tpu.vector_load %arg14[%swap3A_295, %swap3A_296] {strides = array<i32>} : memref<64x128xf32, #tpu.memory_space<vmem>>, vector<16xf32>,
          tpu.vector_store %arg14[%swap3A_295, %swap3A_296], %gather3A_244 {strides = array<i32>} : memref<64x128xf32, #tpu.memory_space<vmem>>, vector<16xf32>,
          %swap3A_298 = arith.index_cast %add3A_178 : i32 to index
          %swap3A_299 = arith.constant 80 : index
          %swap3A_300 = tpu.vector_load %arg14[%swap3A_298, %swap3A_299] {strides = array<i32>} : memref<64x128xf32, #tpu.memory_space<vmem>>, vector<16xf32>,
          tpu.vector_store %arg14[%swap3A_298, %swap3A_299], %gather3A_257 {strides = array<i32>} : memref<64x128xf32, #tpu.memory_space<vmem>>, vector<16xf32>,
          %swap3A_301 = arith.index_cast %add3A_178 : i32 to index
          %swap3A_302 = arith.constant 96 : index
          %swap3A_303 = tpu.vector_load %arg14[%swap3A_301, %swap3A_302] {strides = array<i32>} : memref<64x128xf32, #tpu.memory_space<vmem>>, vector<16xf32>,
          tpu.vector_store %arg14[%swap3A_301, %swap3A_302], %gather3A_270 {strides = array<i32>} : memref<64x128xf32, #tpu.memory_space<vmem>>, vector<16xf32>,
          %swap3A_304 = arith.index_cast %add3A_178 : i32 to index
          %swap3A_305 = arith.constant 112 : index
          %swap3A_306 = tpu.vector_load %arg14[%swap3A_304, %swap3A_305] {strides = array<i32>} : memref<64x128xf32, #tpu.memory_space<vmem>>, vector<16xf32>,
          tpu.vector_store %arg14[%swap3A_304, %swap3A_305], %gather3A_283 {strides = array<i32>} : memref<64x128xf32, #tpu.memory_space<vmem>>, vector<16xf32>,
          %mul3A_307 = arith.constant 4 : i32
          %mul3A_308 = arith.muli %scan3A_173, %mul3A_307 : i32
          %add3A_309 = arith.constant 1 : i32
          %add3A_310 = arith.addi %mul3A_308, %add3A_309 : i32
          %add3A_311 = vector.broadcast %add3A_310 : i32 to vector<16xi32>
          %add3A_312 = arith.addi %iota3A, %add3A_311 : vector<16xi32>
          %and3A_313 = arith.constant 15 : i32
          %and3A_314 = vector.broadcast %and3A_313 : i32 to vector<16xi32>
          %and3A_315 = arith.andi %add3A_312, %and3A_314 : vector<16xi32>
          %get3A_316 = arith.index_cast %add3A_310 : i32 to index
          %get3A_317 = arith.constant 0 : index
          %get3A_318 = tpu.vector_load %arg6[%get3A_316, %get3A_317] {strides = array<i32>} : memref<64x128xf32, #tpu.memory_space<vmem>>, vector<16xf32>,
          %lt3A_319 = arith.constant 0 : i32
          %lt3A_320 = vector.broadcast %lt3A_319 : i32 to vector<16xi32>
          %lt3A_321 = arith.cmpi slt, %and3A_315, %lt3A_320 : vector<16xi32>
          %add3A_322 = arith.constant 16 : i32
          %add3A_323 = vector.broadcast %add3A_322 : i32 to vector<16xi32>
          %add3A_324 = arith.addi %and3A_315, %add3A_323 : vector<16xi32>
          %select_n3A_325 = arith.select %lt3A_321, %add3A_324, %and3A_315 : vector<16xi1>, vector<16xi32>
          %broadcast_in_dim3A_326 = vector.shape_cast %select_n3A_325 : vector<16xi32> to vector<16x1xi32>
          %gather3A_327 = vector.shape_cast %broadcast_in_dim3A_326 : vector<16x1xi32> to vector<16xi32>
          %gather3A_328 = tpu.dynamic_gather %get3A_318[%gather3A_327] in [0] : vector<16xf32>, vector<16xi32> -> vector<16xf32>
          %get3A_329 = arith.index_cast %add3A_310 : i32 to index
          %get3A_330 = arith.constant 16 : index
          %get3A_331 = tpu.vector_load %arg6[%get3A_329, %get3A_330] {strides = array<i32>} : memref<64x128xf32, #tpu.memory_space<vmem>>, vector<16xf32>,
          %lt3A_332 = arith.constant 0 : i32
          %lt3A_333 = vector.broadcast %lt3A_332 : i32 to vector<16xi32>
          %lt3A_334 = arith.cmpi slt, %and3A_315, %lt3A_333 : vector<16xi32>
          %add3A_335 = arith.constant 16 : i32
          %add3A_336 = vector.broadcast %add3A_335 : i32 to vector<16xi32>
          %add3A_337 = arith.addi %and3A_315, %add3A_336 : vector<16xi32>
          %select_n3A_338 = arith.select %lt3A_334, %add3A_337, %and3A_315 : vector<16xi1>, vector<16xi32>
          %broadcast_in_dim3A_339 = vector.shape_cast %select_n3A_338 : vector<16xi32> to vector<16x1xi32>
          %gather3A_340 = vector.shape_cast %broadcast_in_dim3A_339 : vector<16x1xi32> to vector<16xi32>
          %gather3A_341 = tpu.dynamic_gather %get3A_331[%gather3A_340] in [0] : vector<16xf32>, vector<16xi32> -> vector<16xf32>
          %get3A_342 = arith.index_cast %add3A_310 : i32 to index
          %get3A_343 = arith.constant 32 : index
          %get3A_344 = tpu.vector_load %arg6[%get3A_342, %get3A_343] {strides = array<i32>} : memref<64x128xf32, #tpu.memory_space<vmem>>, vector<16xf32>,
          %lt3A_345 = arith.constant 0 : i32
          %lt3A_346 = vector.broadcast %lt3A_345 : i32 to vector<16xi32>
          %lt3A_347 = arith.cmpi slt, %and3A_315, %lt3A_346 : vector<16xi32>
          %add3A_348 = arith.constant 16 : i32
          %add3A_349 = vector.broadcast %add3A_348 : i32 to vector<16xi32>
          %add3A_350 = arith.addi %and3A_315, %add3A_349 : vector<16xi32>
          %select_n3A_351 = arith.select %lt3A_347, %add3A_350, %and3A_315 : vector<16xi1>, vector<16xi32>
          %broadcast_in_dim3A_352 = vector.shape_cast %select_n3A_351 : vector<16xi32> to vector<16x1xi32>
          %gather3A_353 = vector.shape_cast %broadcast_in_dim3A_352 : vector<16x1xi32> to vector<16xi32>
          %gather3A_354 = tpu.dynamic_gather %get3A_344[%gather3A_353] in [0] : vector<16xf32>, vector<16xi32> -> vector<16xf32>
          %get3A_355 = arith.index_cast %add3A_310 : i32 to index
          %get3A_356 = arith.constant 48 : index
          %get3A_357 = tpu.vector_load %arg6[%get3A_355, %get3A_356] {strides = array<i32>} : memref<64x128xf32, #tpu.memory_space<vmem>>, vector<16xf32>,
          %lt3A_358 = arith.constant 0 : i32
          %lt3A_359 = vector.broadcast %lt3A_358 : i32 to vector<16xi32>
          %lt3A_360 = arith.cmpi slt, %and3A_315, %lt3A_359 : vector<16xi32>
          %add3A_361 = arith.constant 16 : i32
          %add3A_362 = vector.broadcast %add3A_361 : i32 to vector<16xi32>
          %add3A_363 = arith.addi %and3A_315, %add3A_362 : vector<16xi32>
          %select_n3A_364 = arith.select %lt3A_360, %add3A_363, %and3A_315 : vector<16xi1>, vector<16xi32>
          %broadcast_in_dim3A_365 = vector.shape_cast %select_n3A_364 : vector<16xi32> to vector<16x1xi32>
          %gather3A_366 = vector.shape_cast %broadcast_in_dim3A_365 : vector<16x1xi32> to vector<16xi32>
          %gather3A_367 = tpu.dynamic_gather %get3A_357[%gather3A_366] in [0] : vector<16xf32>, vector<16xi32> -> vector<16xf32>
          %get3A_368 = arith.index_cast %add3A_310 : i32 to index
          %get3A_369 = arith.constant 64 : index
          %get3A_370 = tpu.vector_load %arg6[%get3A_368, %get3A_369] {strides = array<i32>} : memref<64x128xf32, #tpu.memory_space<vmem>>, vector<16xf32>,
          %lt3A_371 = arith.constant 0 : i32
          %lt3A_372 = vector.broadcast %lt3A_371 : i32 to vector<16xi32>
          %lt3A_373 = arith.cmpi slt, %and3A_315, %lt3A_372 : vector<16xi32>
          %add3A_374 = arith.constant 16 : i32
          %add3A_375 = vector.broadcast %add3A_374 : i32 to vector<16xi32>
          %add3A_376 = arith.addi %and3A_315, %add3A_375 : vector<16xi32>
          %select_n3A_377 = arith.select %lt3A_373, %add3A_376, %and3A_315 : vector<16xi1>, vector<16xi32>
          %broadcast_in_dim3A_378 = vector.shape_cast %select_n3A_377 : vector<16xi32> to vector<16x1xi32>
          %gather3A_379 = vector.shape_cast %broadcast_in_dim3A_378 : vector<16x1xi32> to vector<16xi32>
          %gather3A_380 = tpu.dynamic_gather %get3A_370[%gather3A_379] in [0] : vector<16xf32>, vector<16xi32> -> vector<16xf32>
          %get3A_381 = arith.index_cast %add3A_310 : i32 to index
          %get3A_382 = arith.constant 80 : index
          %get3A_383 = tpu.vector_load %arg6[%get3A_381, %get3A_382] {strides = array<i32>} : memref<64x128xf32, #tpu.memory_space<vmem>>, vector<16xf32>,
          %lt3A_384 = arith.constant 0 : i32
          %lt3A_385 = vector.broadcast %lt3A_384 : i32 to vector<16xi32>
          %lt3A_386 = arith.cmpi slt, %and3A_315, %lt3A_385 : vector<16xi32>
          %add3A_387 = arith.constant 16 : i32
          %add3A_388 = vector.broadcast %add3A_387 : i32 to vector<16xi32>
          %add3A_389 = arith.addi %and3A_315, %add3A_388 : vector<16xi32>
          %select_n3A_390 = arith.select %lt3A_386, %add3A_389, %and3A_315 : vector<16xi1>, vector<16xi32>
          %broadcast_in_dim3A_391 = vector.shape_cast %select_n3A_390 : vector<16xi32> to vector<16x1xi32>
          %gather3A_392 = vector.shape_cast %broadcast_in_dim3A_391 : vector<16x1xi32> to vector<16xi32>
          %gather3A_393 = tpu.dynamic_gather %get3A_383[%gather3A_392] in [0] : vector<16xf32>, vector<16xi32> -> vector<16xf32>
          %get3A_394 = arith.index_cast %add3A_310 : i32 to index
          %get3A_395 = arith.constant 96 : index
          %get3A_396 = tpu.vector_load %arg6[%get3A_394, %get3A_395] {strides = array<i32>} : memref<64x128xf32, #tpu.memory_space<vmem>>, vector<16xf32>,
          %lt3A_397 = arith.constant 0 : i32
          %lt3A_398 = vector.broadcast %lt3A_397 : i32 to vector<16xi32>
          %lt3A_399 = arith.cmpi slt, %and3A_315, %lt3A_398 : vector<16xi32>
          %add3A_400 = arith.constant 16 : i32
          %add3A_401 = vector.broadcast %add3A_400 : i32 to vector<16xi32>
          %add3A_402 = arith.addi %and3A_315, %add3A_401 : vector<16xi32>
          %select_n3A_403 = arith.select %lt3A_399, %add3A_402, %and3A_315 : vector<16xi1>, vector<16xi32>
          %broadcast_in_dim3A_404 = vector.shape_cast %select_n3A_403 : vector<16xi32> to vector<16x1xi32>
          %gather3A_405 = vector.shape_cast %broadcast_in_dim3A_404 : vector<16x1xi32> to vector<16xi32>
          %gather3A_406 = tpu.dynamic_gather %get3A_396[%gather3A_405] in [0] : vector<16xf32>, vector<16xi32> -> vector<16xf32>
          %get3A_407 = arith.index_cast %add3A_310 : i32 to index
          %get3A_408 = arith.constant 112 : index
          %get3A_409 = tpu.vector_load %arg6[%get3A_407, %get3A_408] {strides = array<i32>} : memref<64x128xf32, #tpu.memory_space<vmem>>, vector<16xf32>,
          %lt3A_410 = arith.constant 0 : i32
          %lt3A_411 = vector.broadcast %lt3A_410 : i32 to vector<16xi32>
          %lt3A_412 = arith.cmpi slt, %and3A_315, %lt3A_411 : vector<16xi32>
          %add3A_413 = arith.constant 16 : i32
          %add3A_414 = vector.broadcast %add3A_413 : i32 to vector<16xi32>
          %add3A_415 = arith.addi %and3A_315, %add3A_414 : vector<16xi32>
          %select_n3A_416 = arith.select %lt3A_412, %add3A_415, %and3A_315 : vector<16xi1>, vector<16xi32>
          %broadcast_in_dim3A_417 = vector.shape_cast %select_n3A_416 : vector<16xi32> to vector<16x1xi32>
          %gather3A_418 = vector.shape_cast %broadcast_in_dim3A_417 : vector<16x1xi32> to vector<16xi32>
          %gather3A_419 = tpu.dynamic_gather %get3A_409[%gather3A_418] in [0] : vector<16xf32>, vector<16xi32> -> vector<16xf32>
          %swap3A_420 = arith.index_cast %add3A_310 : i32 to index
          %swap3A_421 = arith.constant 0 : index
          %swap3A_422 = tpu.vector_load %arg14[%swap3A_420, %swap3A_421] {strides = array<i32>} : memref<64x128xf32, #tpu.memory_space<vmem>>, vector<16xf32>,
          tpu.vector_store %arg14[%swap3A_420, %swap3A_421], %gather3A_328 {strides = array<i32>} : memref<64x128xf32, #tpu.memory_space<vmem>>, vector<16xf32>,
          %swap3A_423 = arith.index_cast %add3A_310 : i32 to index
          %swap3A_424 = arith.constant 16 : index
          %swap3A_425 = tpu.vector_load %arg14[%swap3A_423, %swap3A_424] {strides = array<i32>} : memref<64x128xf32, #tpu.memory_space<vmem>>, vector<16xf32>,
          tpu.vector_store %arg14[%swap3A_423, %swap3A_424], %gather3A_341 {strides = array<i32>} : memref<64x128xf32, #tpu.memory_space<vmem>>, vector<16xf32>,
          %swap3A_426 = arith.index_cast %add3A_310 : i32 to index
          %swap3A_427 = arith.constant 32 : index
          %swap3A_428 = tpu.vector_load %arg14[%swap3A_426, %swap3A_427] {strides = array<i32>} : memref<64x128xf32, #tpu.memory_space<vmem>>, vector<16xf32>,
          tpu.vector_store %arg14[%swap3A_426, %swap3A_427], %gather3A_354 {strides = array<i32>} : memref<64x128xf32, #tpu.memory_space<vmem>>, vector<16xf32>,
          %swap3A_429 = arith.index_cast %add3A_310 : i32 to index
          %swap3A_430 = arith.constant 48 : index
          %swap3A_431 = tpu.vector_load %arg14[%swap3A_429, %swap3A_430] {strides = array<i32>} : memref<64x128xf32, #tpu.memory_space<vmem>>, vector<16xf32>,
          tpu.vector_store %arg14[%swap3A_429, %swap3A_430], %gather3A_367 {strides = array<i32>} : memref<64x128xf32, #tpu.memory_space<vmem>>, vector<16xf32>,
          %swap3A_432 = arith.index_cast %add3A_310 : i32 to index
          %swap3A_433 = arith.constant 64 : index
          %swap3A_434 = tpu.vector_load %arg14[%swap3A_432, %swap3A_433] {strides = array<i32>} : memref<64x128xf32, #tpu.memory_space<vmem>>, vector<16xf32>,
          tpu.vector_store %arg14[%swap3A_432, %swap3A_433], %gather3A_380 {strides = array<i32>} : memref<64x128xf32, #tpu.memory_space<vmem>>, vector<16xf32>,
          %swap3A_435 = arith.index_cast %add3A_310 : i32 to index
          %swap3A_436 = arith.constant 80 : index
          %swap3A_437 = tpu.vector_load %arg14[%swap3A_435, %swap3A_436] {strides = array<i32>} : memref<64x128xf32, #tpu.memory_space<vmem>>, vector<16xf32>,
          tpu.vector_store %arg14[%swap3A_435, %swap3A_436], %gather3A_393 {strides = array<i32>} : memref<64x128xf32, #tpu.memory_space<vmem>>, vector<16xf32>,
          %swap3A_438 = arith.index_cast %add3A_310 : i32 to index
          %swap3A_439 = arith.constant 96 : index
          %swap3A_440 = tpu.vector_load %arg14[%swap3A_438, %swap3A_439] {strides = array<i32>} : memref<64x128xf32, #tpu.memory_space<vmem>>, vector<16xf32>,
          tpu.vector_store %arg14[%swap3A_438, %swap3A_439], %gather3A_406 {strides = array<i32>} : memref<64x128xf32, #tpu.memory_space<vmem>>, vector<16xf32>,
          %swap3A_441 = arith.index_cast %add3A_310 : i32 to index
          %swap3A_442 = arith.constant 112 : index
          %swap3A_443 = tpu.vector_load %arg14[%swap3A_441, %swap3A_442] {strides = array<i32>} : memref<64x128xf32, #tpu.memory_space<vmem>>, vector<16xf32>,
          tpu.vector_store %arg14[%swap3A_441, %swap3A_442], %gather3A_419 {strides = array<i32>} : memref<64x128xf32, #tpu.memory_space<vmem>>, vector<16xf32>,
          %mul3A_444 = arith.constant 4 : i32
          %mul3A_445 = arith.muli %scan3A_173, %mul3A_444 : i32
          %add3A_446 = arith.constant 2 : i32
          %add3A_447 = arith.addi %mul3A_445, %add3A_446 : i32
          %add3A_448 = vector.broadcast %add3A_447 : i32 to vector<16xi32>
          %add3A_449 = arith.addi %iota3A, %add3A_448 : vector<16xi32>
          %and3A_450 = arith.constant 15 : i32
          %and3A_451 = vector.broadcast %and3A_450 : i32 to vector<16xi32>
          %and3A_452 = arith.andi %add3A_449, %and3A_451 : vector<16xi32>
          %get3A_453 = arith.index_cast %add3A_447 : i32 to index
          %get3A_454 = arith.constant 0 : index
          %get3A_455 = tpu.vector_load %arg6[%get3A_453, %get3A_454] {strides = array<i32>} : memref<64x128xf32, #tpu.memory_space<vmem>>, vector<16xf32>,
          %lt3A_456 = arith.constant 0 : i32
          %lt3A_457 = vector.broadcast %lt3A_456 : i32 to vector<16xi32>
          %lt3A_458 = arith.cmpi slt, %and3A_452, %lt3A_457 : vector<16xi32>
          %add3A_459 = arith.constant 16 : i32
          %add3A_460 = vector.broadcast %add3A_459 : i32 to vector<16xi32>
          %add3A_461 = arith.addi %and3A_452, %add3A_460 : vector<16xi32>
          %select_n3A_462 = arith.select %lt3A_458, %add3A_461, %and3A_452 : vector<16xi1>, vector<16xi32>
          %broadcast_in_dim3A_463 = vector.shape_cast %select_n3A_462 : vector<16xi32> to vector<16x1xi32>
          %gather3A_464 = vector.shape_cast %broadcast_in_dim3A_463 : vector<16x1xi32> to vector<16xi32>
          %gather3A_465 = tpu.dynamic_gather %get3A_455[%gather3A_464] in [0] : vector<16xf32>, vector<16xi32> -> vector<16xf32>
          %get3A_466 = arith.index_cast %add3A_447 : i32 to index
          %get3A_467 = arith.constant 16 : index
          %get3A_468 = tpu.vector_load %arg6[%get3A_466, %get3A_467] {strides = array<i32>} : memref<64x128xf32, #tpu.memory_space<vmem>>, vector<16xf32>,
          %lt3A_469 = arith.constant 0 : i32
          %lt3A_470 = vector.broadcast %lt3A_469 : i32 to vector<16xi32>
          %lt3A_471 = arith.cmpi slt, %and3A_452, %lt3A_470 : vector<16xi32>
          %add3A_472 = arith.constant 16 : i32
          %add3A_473 = vector.broadcast %add3A_472 : i32 to vector<16xi32>
          %add3A_474 = arith.addi %and3A_452, %add3A_473 : vector<16xi32>
          %select_n3A_475 = arith.select %lt3A_471, %add3A_474, %and3A_452 : vector<16xi1>, vector<16xi32>
          %broadcast_in_dim3A_476 = vector.shape_cast %select_n3A_475 : vector<16xi32> to vector<16x1xi32>
          %gather3A_477 = vector.shape_cast %broadcast_in_dim3A_476 : vector<16x1xi32> to vector<16xi32>
          %gather3A_478 = tpu.dynamic_gather %get3A_468[%gather3A_477] in [0] : vector<16xf32>, vector<16xi32> -> vector<16xf32>
          %get3A_479 = arith.index_cast %add3A_447 : i32 to index
          %get3A_480 = arith.constant 32 : index
          %get3A_481 = tpu.vector_load %arg6[%get3A_479, %get3A_480] {strides = array<i32>} : memref<64x128xf32, #tpu.memory_space<vmem>>, vector<16xf32>,
          %lt3A_482 = arith.constant 0 : i32
          %lt3A_483 = vector.broadcast %lt3A_482 : i32 to vector<16xi32>
          %lt3A_484 = arith.cmpi slt, %and3A_452, %lt3A_483 : vector<16xi32>
          %add3A_485 = arith.constant 16 : i32
          %add3A_486 = vector.broadcast %add3A_485 : i32 to vector<16xi32>
          %add3A_487 = arith.addi %and3A_452, %add3A_486 : vector<16xi32>
          %select_n3A_488 = arith.select %lt3A_484, %add3A_487, %and3A_452 : vector<16xi1>, vector<16xi32>
          %broadcast_in_dim3A_489 = vector.shape_cast %select_n3A_488 : vector<16xi32> to vector<16x1xi32>
          %gather3A_490 = vector.shape_cast %broadcast_in_dim3A_489 : vector<16x1xi32> to vector<16xi32>
          %gather3A_491 = tpu.dynamic_gather %get3A_481[%gather3A_490] in [0] : vector<16xf32>, vector<16xi32> -> vector<16xf32>
          %get3A_492 = arith.index_cast %add3A_447 : i32 to index
          %get3A_493 = arith.constant 48 : index
          %get3A_494 = tpu.vector_load %arg6[%get3A_492, %get3A_493] {strides = array<i32>} : memref<64x128xf32, #tpu.memory_space<vmem>>, vector<16xf32>,
          %lt3A_495 = arith.constant 0 : i32
          %lt3A_496 = vector.broadcast %lt3A_495 : i32 to vector<16xi32>
          %lt3A_497 = arith.cmpi slt, %and3A_452, %lt3A_496 : vector<16xi32>
          %add3A_498 = arith.constant 16 : i32
          %add3A_499 = vector.broadcast %add3A_498 : i32 to vector<16xi32>
          %add3A_500 = arith.addi %and3A_452, %add3A_499 : vector<16xi32>
          %select_n3A_501 = arith.select %lt3A_497, %add3A_500, %and3A_452 : vector<16xi1>, vector<16xi32>
          %broadcast_in_dim3A_502 = vector.shape_cast %select_n3A_501 : vector<16xi32> to vector<16x1xi32>
          %gather3A_503 = vector.shape_cast %broadcast_in_dim3A_502 : vector<16x1xi32> to vector<16xi32>
          %gather3A_504 = tpu.dynamic_gather %get3A_494[%gather3A_503] in [0] : vector<16xf32>, vector<16xi32> -> vector<16xf32>
          %get3A_505 = arith.index_cast %add3A_447 : i32 to index
          %get3A_506 = arith.constant 64 : index
          %get3A_507 = tpu.vector_load %arg6[%get3A_505, %get3A_506] {strides = array<i32>} : memref<64x128xf32, #tpu.memory_space<vmem>>, vector<16xf32>,
          %lt3A_508 = arith.constant 0 : i32
          %lt3A_509 = vector.broadcast %lt3A_508 : i32 to vector<16xi32>
          %lt3A_510 = arith.cmpi slt, %and3A_452, %lt3A_509 : vector<16xi32>
          %add3A_511 = arith.constant 16 : i32
          %add3A_512 = vector.broadcast %add3A_511 : i32 to vector<16xi32>
          %add3A_513 = arith.addi %and3A_452, %add3A_512 : vector<16xi32>
          %select_n3A_514 = arith.select %lt3A_510, %add3A_513, %and3A_452 : vector<16xi1>, vector<16xi32>
          %broadcast_in_dim3A_515 = vector.shape_cast %select_n3A_514 : vector<16xi32> to vector<16x1xi32>
          %gather3A_516 = vector.shape_cast %broadcast_in_dim3A_515 : vector<16x1xi32> to vector<16xi32>
          %gather3A_517 = tpu.dynamic_gather %get3A_507[%gather3A_516] in [0] : vector<16xf32>, vector<16xi32> -> vector<16xf32>
          %get3A_518 = arith.index_cast %add3A_447 : i32 to index
          %get3A_519 = arith.constant 80 : index
          %get3A_520 = tpu.vector_load %arg6[%get3A_518, %get3A_519] {strides = array<i32>} : memref<64x128xf32, #tpu.memory_space<vmem>>, vector<16xf32>,
          %lt3A_521 = arith.constant 0 : i32
          %lt3A_522 = vector.broadcast %lt3A_521 : i32 to vector<16xi32>
          %lt3A_523 = arith.cmpi slt, %and3A_452, %lt3A_522 : vector<16xi32>
          %add3A_524 = arith.constant 16 : i32
          %add3A_525 = vector.broadcast %add3A_524 : i32 to vector<16xi32>
          %add3A_526 = arith.addi %and3A_452, %add3A_525 : vector<16xi32>
          %select_n3A_527 = arith.select %lt3A_523, %add3A_526, %and3A_452 : vector<16xi1>, vector<16xi32>
          %broadcast_in_dim3A_528 = vector.shape_cast %select_n3A_527 : vector<16xi32> to vector<16x1xi32>
          %gather3A_529 = vector.shape_cast %broadcast_in_dim3A_528 : vector<16x1xi32> to vector<16xi32>
          %gather3A_530 = tpu.dynamic_gather %get3A_520[%gather3A_529] in [0] : vector<16xf32>, vector<16xi32> -> vector<16xf32>
          %get3A_531 = arith.index_cast %add3A_447 : i32 to index
          %get3A_532 = arith.constant 96 : index
          %get3A_533 = tpu.vector_load %arg6[%get3A_531, %get3A_532] {strides = array<i32>} : memref<64x128xf32, #tpu.memory_space<vmem>>, vector<16xf32>,
          %lt3A_534 = arith.constant 0 : i32
          %lt3A_535 = vector.broadcast %lt3A_534 : i32 to vector<16xi32>
          %lt3A_536 = arith.cmpi slt, %and3A_452, %lt3A_535 : vector<16xi32>
          %add3A_537 = arith.constant 16 : i32
          %add3A_538 = vector.broadcast %add3A_537 : i32 to vector<16xi32>
          %add3A_539 = arith.addi %and3A_452, %add3A_538 : vector<16xi32>
          %select_n3A_540 = arith.select %lt3A_536, %add3A_539, %and3A_452 : vector<16xi1>, vector<16xi32>
          %broadcast_in_dim3A_541 = vector.shape_cast %select_n3A_540 : vector<16xi32> to vector<16x1xi32>
          %gather3A_542 = vector.shape_cast %broadcast_in_dim3A_541 : vector<16x1xi32> to vector<16xi32>
          %gather3A_543 = tpu.dynamic_gather %get3A_533[%gather3A_542] in [0] : vector<16xf32>, vector<16xi32> -> vector<16xf32>
          %get3A_544 = arith.index_cast %add3A_447 : i32 to index
          %get3A_545 = arith.constant 112 : index
          %get3A_546 = tpu.vector_load %arg6[%get3A_544, %get3A_545] {strides = array<i32>} : memref<64x128xf32, #tpu.memory_space<vmem>>, vector<16xf32>,
          %lt3A_547 = arith.constant 0 : i32
          %lt3A_548 = vector.broadcast %lt3A_547 : i32 to vector<16xi32>
          %lt3A_549 = arith.cmpi slt, %and3A_452, %lt3A_548 : vector<16xi32>
          %add3A_550 = arith.constant 16 : i32
          %add3A_551 = vector.broadcast %add3A_550 : i32 to vector<16xi32>
          %add3A_552 = arith.addi %and3A_452, %add3A_551 : vector<16xi32>
          %select_n3A_553 = arith.select %lt3A_549, %add3A_552, %and3A_452 : vector<16xi1>, vector<16xi32>
          %broadcast_in_dim3A_554 = vector.shape_cast %select_n3A_553 : vector<16xi32> to vector<16x1xi32>
          %gather3A_555 = vector.shape_cast %broadcast_in_dim3A_554 : vector<16x1xi32> to vector<16xi32>
          %gather3A_556 = tpu.dynamic_gather %get3A_546[%gather3A_555] in [0] : vector<16xf32>, vector<16xi32> -> vector<16xf32>
          %swap3A_557 = arith.index_cast %add3A_447 : i32 to index
          %swap3A_558 = arith.constant 0 : index
          %swap3A_559 = tpu.vector_load %arg14[%swap3A_557, %swap3A_558] {strides = array<i32>} : memref<64x128xf32, #tpu.memory_space<vmem>>, vector<16xf32>,
          tpu.vector_store %arg14[%swap3A_557, %swap3A_558], %gather3A_465 {strides = array<i32>} : memref<64x128xf32, #tpu.memory_space<vmem>>, vector<16xf32>,
          %swap3A_560 = arith.index_cast %add3A_447 : i32 to index
          %swap3A_561 = arith.constant 16 : index
          %swap3A_562 = tpu.vector_load %arg14[%swap3A_560, %swap3A_561] {strides = array<i32>} : memref<64x128xf32, #tpu.memory_space<vmem>>, vector<16xf32>,
          tpu.vector_store %arg14[%swap3A_560, %swap3A_561], %gather3A_478 {strides = array<i32>} : memref<64x128xf32, #tpu.memory_space<vmem>>, vector<16xf32>,
          %swap3A_563 = arith.index_cast %add3A_447 : i32 to index
          %swap3A_564 = arith.constant 32 : index
          %swap3A_565 = tpu.vector_load %arg14[%swap3A_563, %swap3A_564] {strides = array<i32>} : memref<64x128xf32, #tpu.memory_space<vmem>>, vector<16xf32>,
          tpu.vector_store %arg14[%swap3A_563, %swap3A_564], %gather3A_491 {strides = array<i32>} : memref<64x128xf32, #tpu.memory_space<vmem>>, vector<16xf32>,
          %swap3A_566 = arith.index_cast %add3A_447 : i32 to index
          %swap3A_567 = arith.constant 48 : index
          %swap3A_568 = tpu.vector_load %arg14[%swap3A_566, %swap3A_567] {strides = array<i32>} : memref<64x128xf32, #tpu.memory_space<vmem>>, vector<16xf32>,
          tpu.vector_store %arg14[%swap3A_566, %swap3A_567], %gather3A_504 {strides = array<i32>} : memref<64x128xf32, #tpu.memory_space<vmem>>, vector<16xf32>,
          %swap3A_569 = arith.index_cast %add3A_447 : i32 to index
          %swap3A_570 = arith.constant 64 : index
          %swap3A_571 = tpu.vector_load %arg14[%swap3A_569, %swap3A_570] {strides = array<i32>} : memref<64x128xf32, #tpu.memory_space<vmem>>, vector<16xf32>,
          tpu.vector_store %arg14[%swap3A_569, %swap3A_570], %gather3A_517 {strides = array<i32>} : memref<64x128xf32, #tpu.memory_space<vmem>>, vector<16xf32>,
          %swap3A_572 = arith.index_cast %add3A_447 : i32 to index
          %swap3A_573 = arith.constant 80 : index
          %swap3A_574 = tpu.vector_load %arg14[%swap3A_572, %swap3A_573] {strides = array<i32>} : memref<64x128xf32, #tpu.memory_space<vmem>>, vector<16xf32>,
          tpu.vector_store %arg14[%swap3A_572, %swap3A_573], %gather3A_530 {strides = array<i32>} : memref<64x128xf32, #tpu.memory_space<vmem>>, vector<16xf32>,
          %swap3A_575 = arith.index_cast %add3A_447 : i32 to index
          %swap3A_576 = arith.constant 96 : index
          %swap3A_577 = tpu.vector_load %arg14[%swap3A_575, %swap3A_576] {strides = array<i32>} : memref<64x128xf32, #tpu.memory_space<vmem>>, vector<16xf32>,
          tpu.vector_store %arg14[%swap3A_575, %swap3A_576], %gather3A_543 {strides = array<i32>} : memref<64x128xf32, #tpu.memory_space<vmem>>, vector<16xf32>,
          %swap3A_578 = arith.index_cast %add3A_447 : i32 to index
          %swap3A_579 = arith.constant 112 : index
          %swap3A_580 = tpu.vector_load %arg14[%swap3A_578, %swap3A_579] {strides = array<i32>} : memref<64x128xf32, #tpu.memory_space<vmem>>, vector<16xf32>,
          tpu.vector_store %arg14[%swap3A_578, %swap3A_579], %gather3A_556 {strides = array<i32>} : memref<64x128xf32, #tpu.memory_space<vmem>>, vector<16xf32>,
          %mul3A_581 = arith.constant 4 : i32
          %mul3A_582 = arith.muli %scan3A_173, %mul3A_581 : i32
          %add3A_583 = arith.constant 3 : i32
          %add3A_584 = arith.addi %mul3A_582, %add3A_583 : i32
          %add3A_585 = vector.broadcast %add3A_584 : i32 to vector<16xi32>
          %add3A_586 = arith.addi %iota3A, %add3A_585 : vector<16xi32>
          %and3A_587 = arith.constant 15 : i32
          %and3A_588 = vector.broadcast %and3A_587 : i32 to vector<16xi32>
          %and3A_589 = arith.andi %add3A_586, %and3A_588 : vector<16xi32>
          %get3A_590 = arith.index_cast %add3A_584 : i32 to index
          %get3A_591 = arith.constant 0 : index
          %get3A_592 = tpu.vector_load %arg6[%get3A_590, %get3A_591] {strides = array<i32>} : memref<64x128xf32, #tpu.memory_space<vmem>>, vector<16xf32>,
          %lt3A_593 = arith.constant 0 : i32
          %lt3A_594 = vector.broadcast %lt3A_593 : i32 to vector<16xi32>
          %lt3A_595 = arith.cmpi slt, %and3A_589, %lt3A_594 : vector<16xi32>
          %add3A_596 = arith.constant 16 : i32
          %add3A_597 = vector.broadcast %add3A_596 : i32 to vector<16xi32>
          %add3A_598 = arith.addi %and3A_589, %add3A_597 : vector<16xi32>
          %select_n3A_599 = arith.select %lt3A_595, %add3A_598, %and3A_589 : vector<16xi1>, vector<16xi32>
          %broadcast_in_dim3A_600 = vector.shape_cast %select_n3A_599 : vector<16xi32> to vector<16x1xi32>
          %gather3A_601 = vector.shape_cast %broadcast_in_dim3A_600 : vector<16x1xi32> to vector<16xi32>
          %gather3A_602 = tpu.dynamic_gather %get3A_592[%gather3A_601] in [0] : vector<16xf32>, vector<16xi32> -> vector<16xf32>
          %get3A_603 = arith.index_cast %add3A_584 : i32 to index
          %get3A_604 = arith.constant 16 : index
          %get3A_605 = tpu.vector_load %arg6[%get3A_603, %get3A_604] {strides = array<i32>} : memref<64x128xf32, #tpu.memory_space<vmem>>, vector<16xf32>,
          %lt3A_606 = arith.constant 0 : i32
          %lt3A_607 = vector.broadcast %lt3A_606 : i32 to vector<16xi32>
          %lt3A_608 = arith.cmpi slt, %and3A_589, %lt3A_607 : vector<16xi32>
          %add3A_609 = arith.constant 16 : i32
          %add3A_610 = vector.broadcast %add3A_609 : i32 to vector<16xi32>
          %add3A_611 = arith.addi %and3A_589, %add3A_610 : vector<16xi32>
          %select_n3A_612 = arith.select %lt3A_608, %add3A_611, %and3A_589 : vector<16xi1>, vector<16xi32>
          %broadcast_in_dim3A_613 = vector.shape_cast %select_n3A_612 : vector<16xi32> to vector<16x1xi32>
          %gather3A_614 = vector.shape_cast %broadcast_in_dim3A_613 : vector<16x1xi32> to vector<16xi32>
          %gather3A_615 = tpu.dynamic_gather %get3A_605[%gather3A_614] in [0] : vector<16xf32>, vector<16xi32> -> vector<16xf32>
          %get3A_616 = arith.index_cast %add3A_584 : i32 to index
          %get3A_617 = arith.constant 32 : index
          %get3A_618 = tpu.vector_load %arg6[%get3A_616, %get3A_617] {strides = array<i32>} : memref<64x128xf32, #tpu.memory_space<vmem>>, vector<16xf32>,
          %lt3A_619 = arith.constant 0 : i32
          %lt3A_620 = vector.broadcast %lt3A_619 : i32 to vector<16xi32>
          %lt3A_621 = arith.cmpi slt, %and3A_589, %lt3A_620 : vector<16xi32>
          %add3A_622 = arith.constant 16 : i32
          %add3A_623 = vector.broadcast %add3A_622 : i32 to vector<16xi32>
          %add3A_624 = arith.addi %and3A_589, %add3A_623 : vector<16xi32>
          %select_n3A_625 = arith.select %lt3A_621, %add3A_624, %and3A_589 : vector<16xi1>, vector<16xi32>
          %broadcast_in_dim3A_626 = vector.shape_cast %select_n3A_625 : vector<16xi32> to vector<16x1xi32>
          %gather3A_627 = vector.shape_cast %broadcast_in_dim3A_626 : vector<16x1xi32> to vector<16xi32>
          %gather3A_628 = tpu.dynamic_gather %get3A_618[%gather3A_627] in [0] : vector<16xf32>, vector<16xi32> -> vector<16xf32>
          %get3A_629 = arith.index_cast %add3A_584 : i32 to index
          %get3A_630 = arith.constant 48 : index
          %get3A_631 = tpu.vector_load %arg6[%get3A_629, %get3A_630] {strides = array<i32>} : memref<64x128xf32, #tpu.memory_space<vmem>>, vector<16xf32>,
          %lt3A_632 = arith.constant 0 : i32
          %lt3A_633 = vector.broadcast %lt3A_632 : i32 to vector<16xi32>
          %lt3A_634 = arith.cmpi slt, %and3A_589, %lt3A_633 : vector<16xi32>
          %add3A_635 = arith.constant 16 : i32
          %add3A_636 = vector.broadcast %add3A_635 : i32 to vector<16xi32>
          %add3A_637 = arith.addi %and3A_589, %add3A_636 : vector<16xi32>
          %select_n3A_638 = arith.select %lt3A_634, %add3A_637, %and3A_589 : vector<16xi1>, vector<16xi32>
          %broadcast_in_dim3A_639 = vector.shape_cast %select_n3A_638 : vector<16xi32> to vector<16x1xi32>
          %gather3A_640 = vector.shape_cast %broadcast_in_dim3A_639 : vector<16x1xi32> to vector<16xi32>
          %gather3A_641 = tpu.dynamic_gather %get3A_631[%gather3A_640] in [0] : vector<16xf32>, vector<16xi32> -> vector<16xf32>
          %get3A_642 = arith.index_cast %add3A_584 : i32 to index
          %get3A_643 = arith.constant 64 : index
          %get3A_644 = tpu.vector_load %arg6[%get3A_642, %get3A_643] {strides = array<i32>} : memref<64x128xf32, #tpu.memory_space<vmem>>, vector<16xf32>,
          %lt3A_645 = arith.constant 0 : i32
          %lt3A_646 = vector.broadcast %lt3A_645 : i32 to vector<16xi32>
          %lt3A_647 = arith.cmpi slt, %and3A_589, %lt3A_646 : vector<16xi32>
          %add3A_648 = arith.constant 16 : i32
          %add3A_649 = vector.broadcast %add3A_648 : i32 to vector<16xi32>
          %add3A_650 = arith.addi %and3A_589, %add3A_649 : vector<16xi32>
          %select_n3A_651 = arith.select %lt3A_647, %add3A_650, %and3A_589 : vector<16xi1>, vector<16xi32>
          %broadcast_in_dim3A_652 = vector.shape_cast %select_n3A_651 : vector<16xi32> to vector<16x1xi32>
          %gather3A_653 = vector.shape_cast %broadcast_in_dim3A_652 : vector<16x1xi32> to vector<16xi32>
          %gather3A_654 = tpu.dynamic_gather %get3A_644[%gather3A_653] in [0] : vector<16xf32>, vector<16xi32> -> vector<16xf32>
          %get3A_655 = arith.index_cast %add3A_584 : i32 to index
          %get3A_656 = arith.constant 80 : index
          %get3A_657 = tpu.vector_load %arg6[%get3A_655, %get3A_656] {strides = array<i32>} : memref<64x128xf32, #tpu.memory_space<vmem>>, vector<16xf32>,
          %lt3A_658 = arith.constant 0 : i32
          %lt3A_659 = vector.broadcast %lt3A_658 : i32 to vector<16xi32>
          %lt3A_660 = arith.cmpi slt, %and3A_589, %lt3A_659 : vector<16xi32>
          %add3A_661 = arith.constant 16 : i32
          %add3A_662 = vector.broadcast %add3A_661 : i32 to vector<16xi32>
          %add3A_663 = arith.addi %and3A_589, %add3A_662 : vector<16xi32>
          %select_n3A_664 = arith.select %lt3A_660, %add3A_663, %and3A_589 : vector<16xi1>, vector<16xi32>
          %broadcast_in_dim3A_665 = vector.shape_cast %select_n3A_664 : vector<16xi32> to vector<16x1xi32>
          %gather3A_666 = vector.shape_cast %broadcast_in_dim3A_665 : vector<16x1xi32> to vector<16xi32>
          %gather3A_667 = tpu.dynamic_gather %get3A_657[%gather3A_666] in [0] : vector<16xf32>, vector<16xi32> -> vector<16xf32>
          %get3A_668 = arith.index_cast %add3A_584 : i32 to index
          %get3A_669 = arith.constant 96 : index
          %get3A_670 = tpu.vector_load %arg6[%get3A_668, %get3A_669] {strides = array<i32>} : memref<64x128xf32, #tpu.memory_space<vmem>>, vector<16xf32>,
          %lt3A_671 = arith.constant 0 : i32
          %lt3A_672 = vector.broadcast %lt3A_671 : i32 to vector<16xi32>
          %lt3A_673 = arith.cmpi slt, %and3A_589, %lt3A_672 : vector<16xi32>
          %add3A_674 = arith.constant 16 : i32
          %add3A_675 = vector.broadcast %add3A_674 : i32 to vector<16xi32>
          %add3A_676 = arith.addi %and3A_589, %add3A_675 : vector<16xi32>
          %select_n3A_677 = arith.select %lt3A_673, %add3A_676, %and3A_589 : vector<16xi1>, vector<16xi32>
          %broadcast_in_dim3A_678 = vector.shape_cast %select_n3A_677 : vector<16xi32> to vector<16x1xi32>
          %gather3A_679 = vector.shape_cast %broadcast_in_dim3A_678 : vector<16x1xi32> to vector<16xi32>
          %gather3A_680 = tpu.dynamic_gather %get3A_670[%gather3A_679] in [0] : vector<16xf32>, vector<16xi32> -> vector<16xf32>
          %get3A_681 = arith.index_cast %add3A_584 : i32 to index
          %get3A_682 = arith.constant 112 : index
          %get3A_683 = tpu.vector_load %arg6[%get3A_681, %get3A_682] {strides = array<i32>} : memref<64x128xf32, #tpu.memory_space<vmem>>, vector<16xf32>,
          %lt3A_684 = arith.constant 0 : i32
          %lt3A_685 = vector.broadcast %lt3A_684 : i32 to vector<16xi32>
          %lt3A_686 = arith.cmpi slt, %and3A_589, %lt3A_685 : vector<16xi32>
          %add3A_687 = arith.constant 16 : i32
          %add3A_688 = vector.broadcast %add3A_687 : i32 to vector<16xi32>
          %add3A_689 = arith.addi %and3A_589, %add3A_688 : vector<16xi32>
          %select_n3A_690 = arith.select %lt3A_686, %add3A_689, %and3A_589 : vector<16xi1>, vector<16xi32>
          %broadcast_in_dim3A_691 = vector.shape_cast %select_n3A_690 : vector<16xi32> to vector<16x1xi32>
          %gather3A_692 = vector.shape_cast %broadcast_in_dim3A_691 : vector<16x1xi32> to vector<16xi32>
          %gather3A_693 = tpu.dynamic_gather %get3A_683[%gather3A_692] in [0] : vector<16xf32>, vector<16xi32> -> vector<16xf32>
          %swap3A_694 = arith.index_cast %add3A_584 : i32 to index
          %swap3A_695 = arith.constant 0 : index
          %swap3A_696 = tpu.vector_load %arg14[%swap3A_694, %swap3A_695] {strides = array<i32>} : memref<64x128xf32, #tpu.memory_space<vmem>>, vector<16xf32>,
          tpu.vector_store %arg14[%swap3A_694, %swap3A_695], %gather3A_602 {strides = array<i32>} : memref<64x128xf32, #tpu.memory_space<vmem>>, vector<16xf32>,
          %swap3A_697 = arith.index_cast %add3A_584 : i32 to index
          %swap3A_698 = arith.constant 16 : index
          %swap3A_699 = tpu.vector_load %arg14[%swap3A_697, %swap3A_698] {strides = array<i32>} : memref<64x128xf32, #tpu.memory_space<vmem>>, vector<16xf32>,
          tpu.vector_store %arg14[%swap3A_697, %swap3A_698], %gather3A_615 {strides = array<i32>} : memref<64x128xf32, #tpu.memory_space<vmem>>, vector<16xf32>,
          %swap3A_700 = arith.index_cast %add3A_584 : i32 to index
          %swap3A_701 = arith.constant 32 : index
          %swap3A_702 = tpu.vector_load %arg14[%swap3A_700, %swap3A_701] {strides = array<i32>} : memref<64x128xf32, #tpu.memory_space<vmem>>, vector<16xf32>,
          tpu.vector_store %arg14[%swap3A_700, %swap3A_701], %gather3A_628 {strides = array<i32>} : memref<64x128xf32, #tpu.memory_space<vmem>>, vector<16xf32>,
          %swap3A_703 = arith.index_cast %add3A_584 : i32 to index
          %swap3A_704 = arith.constant 48 : index
          %swap3A_705 = tpu.vector_load %arg14[%swap3A_703, %swap3A_704] {strides = array<i32>} : memref<64x128xf32, #tpu.memory_space<vmem>>, vector<16xf32>,
          tpu.vector_store %arg14[%swap3A_703, %swap3A_704], %gather3A_641 {strides = array<i32>} : memref<64x128xf32, #tpu.memory_space<vmem>>, vector<16xf32>,
          %swap3A_706 = arith.index_cast %add3A_584 : i32 to index
          %swap3A_707 = arith.constant 64 : index
          %swap3A_708 = tpu.vector_load %arg14[%swap3A_706, %swap3A_707] {strides = array<i32>} : memref<64x128xf32, #tpu.memory_space<vmem>>, vector<16xf32>,
          tpu.vector_store %arg14[%swap3A_706, %swap3A_707], %gather3A_654 {strides = array<i32>} : memref<64x128xf32, #tpu.memory_space<vmem>>, vector<16xf32>,
          %swap3A_709 = arith.index_cast %add3A_584 : i32 to index
          %swap3A_710 = arith.constant 80 : index
          %swap3A_711 = tpu.vector_load %arg14[%swap3A_709, %swap3A_710] {strides = array<i32>} : memref<64x128xf32, #tpu.memory_space<vmem>>, vector<16xf32>,
          tpu.vector_store %arg14[%swap3A_709, %swap3A_710], %gather3A_667 {strides = array<i32>} : memref<64x128xf32, #tpu.memory_space<vmem>>, vector<16xf32>,
          %swap3A_712 = arith.index_cast %add3A_584 : i32 to index
          %swap3A_713 = arith.constant 96 : index
          %swap3A_714 = tpu.vector_load %arg14[%swap3A_712, %swap3A_713] {strides = array<i32>} : memref<64x128xf32, #tpu.memory_space<vmem>>, vector<16xf32>,
          tpu.vector_store %arg14[%swap3A_712, %swap3A_713], %gather3A_680 {strides = array<i32>} : memref<64x128xf32, #tpu.memory_space<vmem>>, vector<16xf32>,
          %swap3A_715 = arith.index_cast %add3A_584 : i32 to index
          %swap3A_716 = arith.constant 112 : index
          %swap3A_717 = tpu.vector_load %arg14[%swap3A_715, %swap3A_716] {strides = array<i32>} : memref<64x128xf32, #tpu.memory_space<vmem>>, vector<16xf32>,
          tpu.vector_store %arg14[%swap3A_715, %swap3A_716], %gather3A_693 {strides = array<i32>} : memref<64x128xf32, #tpu.memory_space<vmem>>, vector<16xf32>,
          %scan3A_718 = arith.constant 0 : i32
          scf.yield %scan3A_718 : i32
        }
        %scan3A_151 = arith.constant 16 : i32
        %scan3A_152 = arith.constant 0 : i32
        %scan3A_153 = arith.constant 0 : i32
        %scan3A_154 = arith.constant 64 : i32
        %scan3A_155 = arith.addi %scan3A_153, %scan3A_154 : i32
        %scan3A_156 = arith.constant 1 : i32
        %scan3A_157 = scf.for %scan3A_173 = %scan3A_153 to %scan3A_155 step %scan3A_156 iter_args(%scan3A_174 = %scan3A_152) -> (i32)  : i32 {
          %mul3A_175 = arith.constant 2 : i32
          %mul3A_176 = arith.muli %scan3A_173, %mul3A_175 : i32
          %add3A_177 = arith.constant 0 : i32
          %add3A_178 = arith.addi %mul3A_176, %add3A_177 : i32
          %sub3A = vector.broadcast %add3A_178 : i32 to vector<16xi32>
          %sub3A_179 = arith.subi %sub3A, %iota3A : vector<16xi32>
          %and3A = arith.constant 15 : i32
          %and3A_180 = vector.broadcast %and3A : i32 to vector<16xi32>
          %and3A_181 = arith.andi %sub3A_179, %and3A_180 : vector<16xi32>
          %and3A_182 = arith.constant 112 : i32
          %and3A_183 = arith.andi %add3A_178, %and3A_182 : i32
          %add3A_184 = vector.broadcast %and3A_183 : i32 to vector<16xi32>
          %add3A_185 = arith.addi %and3A_181, %add3A_184 : vector<16xi32>
          %gather3A = tpu.vector_load_idx %arg14[%add3A_135, %add3A_185] : memref<64x128xf32, #tpu.memory_space<vmem>>[vector<16xi32>, vector<16xi32>], vector<16xf32>,
          %gather3A_186 = tpu.vector_load_idx %arg14[%add3A_138, %add3A_185] : memref<64x128xf32, #tpu.memory_space<vmem>>[vector<16xi32>, vector<16xi32>], vector<16xf32>,
          %gather3A_187 = tpu.vector_load_idx %arg14[%add3A_141, %add3A_185] : memref<64x128xf32, #tpu.memory_space<vmem>>[vector<16xi32>, vector<16xi32>], vector<16xf32>,
          %gather3A_188 = tpu.vector_load_idx %arg14[%add3A_144, %add3A_185] : memref<64x128xf32, #tpu.memory_space<vmem>>[vector<16xi32>, vector<16xi32>], vector<16xf32>,
          %swap3A = arith.index_cast %add3A_178 : i32 to index
          %swap3A_189 = arith.constant 0 : index
          %swap3A_190 = tpu.vector_load %arg10[%swap3A, %swap3A_189] {strides = array<i32>} : memref<128x128xf32, #tpu.memory_space<vmem>>, vector<16xf32>,
          tpu.vector_store %arg10[%swap3A, %swap3A_189], %gather3A {strides = array<i32>} : memref<128x128xf32, #tpu.memory_space<vmem>>, vector<16xf32>,
          %swap3A_191 = arith.index_cast %add3A_178 : i32 to index
          %swap3A_192 = arith.constant 16 : index
          %swap3A_193 = tpu.vector_load %arg10[%swap3A_191, %swap3A_192] {strides = array<i32>} : memref<128x128xf32, #tpu.memory_space<vmem>>, vector<16xf32>,
          tpu.vector_store %arg10[%swap3A_191, %swap3A_192], %gather3A_186 {strides = array<i32>} : memref<128x128xf32, #tpu.memory_space<vmem>>, vector<16xf32>,
          %swap3A_194 = arith.index_cast %add3A_178 : i32 to index
          %swap3A_195 = arith.constant 32 : index
          %swap3A_196 = tpu.vector_load %arg10[%swap3A_194, %swap3A_195] {strides = array<i32>} : memref<128x128xf32, #tpu.memory_space<vmem>>, vector<16xf32>,
          tpu.vector_store %arg10[%swap3A_194, %swap3A_195], %gather3A_187 {strides = array<i32>} : memref<128x128xf32, #tpu.memory_space<vmem>>, vector<16xf32>,
          %swap3A_197 = arith.index_cast %add3A_178 : i32 to index
          %swap3A_198 = arith.constant 48 : index
          %swap3A_199 = tpu.vector_load %arg10[%swap3A_197, %swap3A_198] {strides = array<i32>} : memref<128x128xf32, #tpu.memory_space<vmem>>, vector<16xf32>,
          tpu.vector_store %arg10[%swap3A_197, %swap3A_198], %gather3A_188 {strides = array<i32>} : memref<128x128xf32, #tpu.memory_space<vmem>>, vector<16xf32>,
          %mul3A_200 = arith.constant 2 : i32
          %mul3A_201 = arith.muli %scan3A_173, %mul3A_200 : i32
          %add3A_202 = arith.constant 1 : i32
          %add3A_203 = arith.addi %mul3A_201, %add3A_202 : i32
          %sub3A_204 = vector.broadcast %add3A_203 : i32 to vector<16xi32>
          %sub3A_205 = arith.subi %sub3A_204, %iota3A : vector<16xi32>
          %and3A_206 = arith.constant 15 : i32
          %and3A_207 = vector.broadcast %and3A_206 : i32 to vector<16xi32>
          %and3A_208 = arith.andi %sub3A_205, %and3A_207 : vector<16xi32>
          %and3A_209 = arith.constant 112 : i32
          %and3A_210 = arith.andi %add3A_203, %and3A_209 : i32
          %add3A_211 = vector.broadcast %and3A_210 : i32 to vector<16xi32>
          %add3A_212 = arith.addi %and3A_208, %add3A_211 : vector<16xi32>
          %gather3A_213 = tpu.vector_load_idx %arg14[%add3A_135, %add3A_212] : memref<64x128xf32, #tpu.memory_space<vmem>>[vector<16xi32>, vector<16xi32>], vector<16xf32>,
          %gather3A_214 = tpu.vector_load_idx %arg14[%add3A_138, %add3A_212] : memref<64x128xf32, #tpu.memory_space<vmem>>[vector<16xi32>, vector<16xi32>], vector<16xf32>,
          %gather3A_215 = tpu.vector_load_idx %arg14[%add3A_141, %add3A_212] : memref<64x128xf32, #tpu.memory_space<vmem>>[vector<16xi32>, vector<16xi32>], vector<16xf32>,
          %gather3A_216 = tpu.vector_load_idx %arg14[%add3A_144, %add3A_212] : memref<64x128xf32, #tpu.memory_space<vmem>>[vector<16xi32>, vector<16xi32>], vector<16xf32>,
          %swap3A_217 = arith.index_cast %add3A_203 : i32 to index
          %swap3A_218 = arith.constant 0 : index
          %swap3A_219 = tpu.vector_load %arg10[%swap3A_217, %swap3A_218] {strides = array<i32>} : memref<128x128xf32, #tpu.memory_space<vmem>>, vector<16xf32>,
          tpu.vector_store %arg10[%swap3A_217, %swap3A_218], %gather3A_213 {strides = array<i32>} : memref<128x128xf32, #tpu.memory_space<vmem>>, vector<16xf32>,
          %swap3A_220 = arith.index_cast %add3A_203 : i32 to index
          %swap3A_221 = arith.constant 16 : index
          %swap3A_222 = tpu.vector_load %arg10[%swap3A_220, %swap3A_221] {strides = array<i32>} : memref<128x128xf32, #tpu.memory_space<vmem>>, vector<16xf32>,
          tpu.vector_store %arg10[%swap3A_220, %swap3A_221], %gather3A_214 {strides = array<i32>} : memref<128x128xf32, #tpu.memory_space<vmem>>, vector<16xf32>,
          %swap3A_223 = arith.index_cast %add3A_203 : i32 to index
          %swap3A_224 = arith.constant 32 : index
          %swap3A_225 = tpu.vector_load %arg10[%swap3A_223, %swap3A_224] {strides = array<i32>} : memref<128x128xf32, #tpu.memory_space<vmem>>, vector<16xf32>,
          tpu.vector_store %arg10[%swap3A_223, %swap3A_224], %gather3A_215 {strides = array<i32>} : memref<128x128xf32, #tpu.memory_space<vmem>>, vector<16xf32>,
          %swap3A_226 = arith.index_cast %add3A_203 : i32 to index
          %swap3A_227 = arith.constant 48 : index
          %swap3A_228 = tpu.vector_load %arg10[%swap3A_226, %swap3A_227] {strides = array<i32>} : memref<128x128xf32, #tpu.memory_space<vmem>>, vector<16xf32>,
          tpu.vector_store %arg10[%swap3A_226, %swap3A_227], %gather3A_216 {strides = array<i32>} : memref<128x128xf32, #tpu.memory_space<vmem>>, vector<16xf32>,
          %scan3A_229 = arith.constant 0 : i32
          scf.yield %scan3A_229 : i32
        }
        %scan3A_158 = arith.constant 64 : i32
        %add3A_159 = arith.addi %add3A_8, %add3A_99 : i32
        %mul3A_160 = arith.constant 128 : i32
        %mul3A_161 = arith.muli %add3A_159, %mul3A_160 : i32
        %multiple_of3A_162 = tpu.assume_multiple %mul3A_161, 128 : i32
        %dma_start3A_163 = arith.constant 0 : i32
        %dma_start3A_164 = tpu.memref_slice %arg4[%multiple_of3A_162, %dma_start3A_163] : memref<1000000x128xf32, #tpu.memory_space<hbm>> -> memref<128x128xf32, #tpu.memory_space<hbm>>
        %dma_start3A_165 = arith.constant 0 : i32
        %dma_start3A_166 = tpu.memref_slice %arg4[%multiple_of3A_162, %dma_start3A_165] : memref<1000000x128xf32, #tpu.memory_space<hbm>> -> memref<128x128xf32, #tpu.memory_space<hbm>>
        tpu.enqueue_dma source(%arg10 : memref<128x128xf32, #tpu.memory_space<vmem>>) target(%dma_start3A_166 : memref<128x128xf32, #tpu.memory_space<hbm>>) target_semaphore(%arg20 : memref<!tpu.dma_semaphore, #tpu.memory_space<semaphore_mem>>)
        %add3A_167 = arith.constant 4 : i32
        %add3A_168 = arith.addi %add3A_99, %add3A_167 : i32
        %lt3A_169 = arith.cmpi slt, %add3A_168, %add3A_4 : i32
        %convert_element_type3A_170 = arith.extui %lt3A_169 : i1 to i32
        %cond3A_171 = arith.constant 0 : i32
        %cond3A_172 = arith.cmpi ne, %convert_element_type3A_170, %cond3A_171 : i32
        scf.if %cond3A_172 {
          %add3A_173 = arith.constant 4 : i32
          %add3A_174 = arith.addi %add3A_99, %add3A_173 : i32
          %add3A_175 = arith.addi %add3A_8, %add3A_174 : i32
          %mul3A_176 = arith.constant 128 : i32
          %mul3A_177 = arith.muli %add3A_175, %mul3A_176 : i32
          %multiple_of3A_178 = tpu.assume_multiple %mul3A_177, 128 : i32
          %dma_start3A_179 = arith.constant 0 : i32
          %dma_start3A_180 = tpu.memref_slice %arg2[%dma_start3A_179, %multiple_of3A_178] : memref<64x1000000xf32, #tpu.memory_space<hbm>> -> memref<64x128xf32, #tpu.memory_space<hbm>>
          %dma_start3A_181 = arith.constant 0 : i32
          %dma_start3A_182 = tpu.memref_slice %arg2[%dma_start3A_181, %multiple_of3A_178] : memref<64x1000000xf32, #tpu.memory_space<hbm>> -> memref<64x128xf32, #tpu.memory_space<hbm>>
          tpu.enqueue_dma source(%dma_start3A_182 : memref<64x128xf32, #tpu.memory_space<hbm>>) target(%arg6 : memref<64x128xf32, #tpu.memory_space<vmem>>) target_semaphore(%arg16 : memref<!tpu.dma_semaphore, #tpu.memory_space<semaphore_mem>>)
        } else {
        }
      } else {
      }
      %mul3A_104 = arith.constant 4 : i32
      %mul3A_105 = arith.muli %scan3A_86, %mul3A_104 : i32
      %add3A_106 = arith.constant 2 : i32
      %add3A_107 = arith.addi %mul3A_105, %add3A_106 : i32
      %lt3A_108 = arith.cmpi slt, %add3A_107, %add3A_4 : i32
      %convert_element_type3A_109 = arith.extui %lt3A_108 : i1 to i32
      %cond3A_110 = arith.constant 0 : i32
      %cond3A_111 = arith.cmpi ne, %convert_element_type3A_109, %cond3A_110 : i32
      scf.if %cond3A_111 {
        %add3A_121 = arith.addi %add3A_8, %add3A_107 : i32
        %mul3A_122 = arith.constant 128 : i32
        %mul3A_123 = arith.muli %add3A_121, %mul3A_122 : i32
        %multiple_of3A_124 = tpu.assume_multiple %mul3A_123, 128 : i32
        %dma_wait3A_125 = arith.constant 0 : i32
        %dma_wait3A_126 = tpu.memref_slice %arg2[%dma_wait3A_125, %multiple_of3A_124] : memref<64x1000000xf32, #tpu.memory_space<hbm>> -> memref<64x128xf32, #tpu.memory_space<hbm>>
        %dma_wait3A_127 = arith.constant 0 : i32
        %dma_wait3A_128 = tpu.memref_slice %arg2[%dma_wait3A_127, %multiple_of3A_124] : memref<64x1000000xf32, #tpu.memory_space<hbm>> -> memref<64x128xf32, #tpu.memory_space<hbm>>
        tpu.wait_dma2 semaphore(%arg17 : memref<!tpu.dma_semaphore, #tpu.memory_space<semaphore_mem>>) src(%dma_wait3A_128 : memref<64x128xf32, #tpu.memory_space<hbm>>) dst(%arg7 : memref<64x128xf32, #tpu.memory_space<vmem>>)
        %ge3A = arith.constant 4 : i32
        %ge3A_129 = arith.cmpi sge, %add3A_107, %ge3A : i32
        %convert_element_type3A_130 = arith.extui %ge3A_129 : i1 to i32
        %cond3A_131 = arith.constant 0 : i32
        %cond3A_132 = arith.cmpi ne, %convert_element_type3A_130, %cond3A_131 : i32
        scf.if %cond3A_132 {
          %sub3A = arith.constant 4 : i32
          %sub3A_173 = arith.subi %add3A_107, %sub3A : i32
          %add3A_174 = arith.addi %add3A_8, %sub3A_173 : i32
          %mul3A_175 = arith.constant 128 : i32
          %mul3A_176 = arith.muli %add3A_174, %mul3A_175 : i32
          %multiple_of3A_177 = tpu.assume_multiple %mul3A_176, 128 : i32
          %dma_wait3A_178 = arith.constant 0 : i32
          %dma_wait3A_179 = tpu.memref_slice %arg4[%multiple_of3A_177, %dma_wait3A_178] : memref<1000000x128xf32, #tpu.memory_space<hbm>> -> memref<128x128xf32, #tpu.memory_space<hbm>>
          %dma_wait3A_180 = arith.constant 0 : i32
          %dma_wait3A_181 = tpu.memref_slice %arg4[%multiple_of3A_177, %dma_wait3A_180] : memref<1000000x128xf32, #tpu.memory_space<hbm>> -> memref<128x128xf32, #tpu.memory_space<hbm>>
          tpu.wait_dma2 semaphore(%arg21 : memref<!tpu.dma_semaphore, #tpu.memory_space<semaphore_mem>>) src(%arg11 : memref<128x128xf32, #tpu.memory_space<vmem>>) dst(%dma_wait3A_181 : memref<128x128xf32, #tpu.memory_space<hbm>>)
        } else {
        }
        %add3A_133 = arith.constant 0 : i32
        %add3A_134 = vector.broadcast %add3A_133 : i32 to vector<16xi32>
        %add3A_135 = arith.addi %iota3A, %add3A_134 : vector<16xi32>
        %add3A_136 = arith.constant 16 : i32
        %add3A_137 = vector.broadcast %add3A_136 : i32 to vector<16xi32>
        %add3A_138 = arith.addi %iota3A, %add3A_137 : vector<16xi32>
        %add3A_139 = arith.constant 32 : i32
        %add3A_140 = vector.broadcast %add3A_139 : i32 to vector<16xi32>
        %add3A_141 = arith.addi %iota3A, %add3A_140 : vector<16xi32>
        %add3A_142 = arith.constant 48 : i32
        %add3A_143 = vector.broadcast %add3A_142 : i32 to vector<16xi32>
        %add3A_144 = arith.addi %iota3A, %add3A_143 : vector<16xi32>
        %scan3A_145 = arith.constant 0 : i32
        %scan3A_146 = arith.constant 0 : i32
        %scan3A_147 = arith.constant 16 : i32
        %scan3A_148 = arith.addi %scan3A_146, %scan3A_147 : i32
        %scan3A_149 = arith.constant 1 : i32
        %scan3A_150 = scf.for %scan3A_173 = %scan3A_146 to %scan3A_148 step %scan3A_149 iter_args(%scan3A_174 = %scan3A_145) -> (i32)  : i32 {
          %mul3A_175 = arith.constant 4 : i32
          %mul3A_176 = arith.muli %scan3A_173, %mul3A_175 : i32
          %add3A_177 = arith.constant 0 : i32
          %add3A_178 = arith.addi %mul3A_176, %add3A_177 : i32
          %add3A_179 = vector.broadcast %add3A_178 : i32 to vector<16xi32>
          %add3A_180 = arith.addi %iota3A, %add3A_179 : vector<16xi32>
          %and3A = arith.constant 15 : i32
          %and3A_181 = vector.broadcast %and3A : i32 to vector<16xi32>
          %and3A_182 = arith.andi %add3A_180, %and3A_181 : vector<16xi32>
          %get3A = arith.index_cast %add3A_178 : i32 to index
          %get3A_183 = arith.constant 0 : index
          %get3A_184 = tpu.vector_load %arg7[%get3A, %get3A_183] {strides = array<i32>} : memref<64x128xf32, #tpu.memory_space<vmem>>, vector<16xf32>,
          %lt3A_185 = arith.constant 0 : i32
          %lt3A_186 = vector.broadcast %lt3A_185 : i32 to vector<16xi32>
          %lt3A_187 = arith.cmpi slt, %and3A_182, %lt3A_186 : vector<16xi32>
          %add3A_188 = arith.constant 16 : i32
          %add3A_189 = vector.broadcast %add3A_188 : i32 to vector<16xi32>
          %add3A_190 = arith.addi %and3A_182, %add3A_189 : vector<16xi32>
          %select_n3A_191 = arith.select %lt3A_187, %add3A_190, %and3A_182 : vector<16xi1>, vector<16xi32>
          %broadcast_in_dim3A = vector.shape_cast %select_n3A_191 : vector<16xi32> to vector<16x1xi32>
          %gather3A = vector.shape_cast %broadcast_in_dim3A : vector<16x1xi32> to vector<16xi32>
          %gather3A_192 = tpu.dynamic_gather %get3A_184[%gather3A] in [0] : vector<16xf32>, vector<16xi32> -> vector<16xf32>
          %get3A_193 = arith.index_cast %add3A_178 : i32 to index
          %get3A_194 = arith.constant 16 : index
          %get3A_195 = tpu.vector_load %arg7[%get3A_193, %get3A_194] {strides = array<i32>} : memref<64x128xf32, #tpu.memory_space<vmem>>, vector<16xf32>,
          %lt3A_196 = arith.constant 0 : i32
          %lt3A_197 = vector.broadcast %lt3A_196 : i32 to vector<16xi32>
          %lt3A_198 = arith.cmpi slt, %and3A_182, %lt3A_197 : vector<16xi32>
          %add3A_199 = arith.constant 16 : i32
          %add3A_200 = vector.broadcast %add3A_199 : i32 to vector<16xi32>
          %add3A_201 = arith.addi %and3A_182, %add3A_200 : vector<16xi32>
          %select_n3A_202 = arith.select %lt3A_198, %add3A_201, %and3A_182 : vector<16xi1>, vector<16xi32>
          %broadcast_in_dim3A_203 = vector.shape_cast %select_n3A_202 : vector<16xi32> to vector<16x1xi32>
          %gather3A_204 = vector.shape_cast %broadcast_in_dim3A_203 : vector<16x1xi32> to vector<16xi32>
          %gather3A_205 = tpu.dynamic_gather %get3A_195[%gather3A_204] in [0] : vector<16xf32>, vector<16xi32> -> vector<16xf32>
          %get3A_206 = arith.index_cast %add3A_178 : i32 to index
          %get3A_207 = arith.constant 32 : index
          %get3A_208 = tpu.vector_load %arg7[%get3A_206, %get3A_207] {strides = array<i32>} : memref<64x128xf32, #tpu.memory_space<vmem>>, vector<16xf32>,
          %lt3A_209 = arith.constant 0 : i32
          %lt3A_210 = vector.broadcast %lt3A_209 : i32 to vector<16xi32>
          %lt3A_211 = arith.cmpi slt, %and3A_182, %lt3A_210 : vector<16xi32>
          %add3A_212 = arith.constant 16 : i32
          %add3A_213 = vector.broadcast %add3A_212 : i32 to vector<16xi32>
          %add3A_214 = arith.addi %and3A_182, %add3A_213 : vector<16xi32>
          %select_n3A_215 = arith.select %lt3A_211, %add3A_214, %and3A_182 : vector<16xi1>, vector<16xi32>
          %broadcast_in_dim3A_216 = vector.shape_cast %select_n3A_215 : vector<16xi32> to vector<16x1xi32>
          %gather3A_217 = vector.shape_cast %broadcast_in_dim3A_216 : vector<16x1xi32> to vector<16xi32>
          %gather3A_218 = tpu.dynamic_gather %get3A_208[%gather3A_217] in [0] : vector<16xf32>, vector<16xi32> -> vector<16xf32>
          %get3A_219 = arith.index_cast %add3A_178 : i32 to index
          %get3A_220 = arith.constant 48 : index
          %get3A_221 = tpu.vector_load %arg7[%get3A_219, %get3A_220] {strides = array<i32>} : memref<64x128xf32, #tpu.memory_space<vmem>>, vector<16xf32>,
          %lt3A_222 = arith.constant 0 : i32
          %lt3A_223 = vector.broadcast %lt3A_222 : i32 to vector<16xi32>
          %lt3A_224 = arith.cmpi slt, %and3A_182, %lt3A_223 : vector<16xi32>
          %add3A_225 = arith.constant 16 : i32
          %add3A_226 = vector.broadcast %add3A_225 : i32 to vector<16xi32>
          %add3A_227 = arith.addi %and3A_182, %add3A_226 : vector<16xi32>
          %select_n3A_228 = arith.select %lt3A_224, %add3A_227, %and3A_182 : vector<16xi1>, vector<16xi32>
          %broadcast_in_dim3A_229 = vector.shape_cast %select_n3A_228 : vector<16xi32> to vector<16x1xi32>
          %gather3A_230 = vector.shape_cast %broadcast_in_dim3A_229 : vector<16x1xi32> to vector<16xi32>
          %gather3A_231 = tpu.dynamic_gather %get3A_221[%gather3A_230] in [0] : vector<16xf32>, vector<16xi32> -> vector<16xf32>
          %get3A_232 = arith.index_cast %add3A_178 : i32 to index
          %get3A_233 = arith.constant 64 : index
          %get3A_234 = tpu.vector_load %arg7[%get3A_232, %get3A_233] {strides = array<i32>} : memref<64x128xf32, #tpu.memory_space<vmem>>, vector<16xf32>,
          %lt3A_235 = arith.constant 0 : i32
          %lt3A_236 = vector.broadcast %lt3A_235 : i32 to vector<16xi32>
          %lt3A_237 = arith.cmpi slt, %and3A_182, %lt3A_236 : vector<16xi32>
          %add3A_238 = arith.constant 16 : i32
          %add3A_239 = vector.broadcast %add3A_238 : i32 to vector<16xi32>
          %add3A_240 = arith.addi %and3A_182, %add3A_239 : vector<16xi32>
          %select_n3A_241 = arith.select %lt3A_237, %add3A_240, %and3A_182 : vector<16xi1>, vector<16xi32>
          %broadcast_in_dim3A_242 = vector.shape_cast %select_n3A_241 : vector<16xi32> to vector<16x1xi32>
          %gather3A_243 = vector.shape_cast %broadcast_in_dim3A_242 : vector<16x1xi32> to vector<16xi32>
          %gather3A_244 = tpu.dynamic_gather %get3A_234[%gather3A_243] in [0] : vector<16xf32>, vector<16xi32> -> vector<16xf32>
          %get3A_245 = arith.index_cast %add3A_178 : i32 to index
          %get3A_246 = arith.constant 80 : index
          %get3A_247 = tpu.vector_load %arg7[%get3A_245, %get3A_246] {strides = array<i32>} : memref<64x128xf32, #tpu.memory_space<vmem>>, vector<16xf32>,
          %lt3A_248 = arith.constant 0 : i32
          %lt3A_249 = vector.broadcast %lt3A_248 : i32 to vector<16xi32>
          %lt3A_250 = arith.cmpi slt, %and3A_182, %lt3A_249 : vector<16xi32>
          %add3A_251 = arith.constant 16 : i32
          %add3A_252 = vector.broadcast %add3A_251 : i32 to vector<16xi32>
          %add3A_253 = arith.addi %and3A_182, %add3A_252 : vector<16xi32>
          %select_n3A_254 = arith.select %lt3A_250, %add3A_253, %and3A_182 : vector<16xi1>, vector<16xi32>
          %broadcast_in_dim3A_255 = vector.shape_cast %select_n3A_254 : vector<16xi32> to vector<16x1xi32>
          %gather3A_256 = vector.shape_cast %broadcast_in_dim3A_255 : vector<16x1xi32> to vector<16xi32>
          %gather3A_257 = tpu.dynamic_gather %get3A_247[%gather3A_256] in [0] : vector<16xf32>, vector<16xi32> -> vector<16xf32>
          %get3A_258 = arith.index_cast %add3A_178 : i32 to index
          %get3A_259 = arith.constant 96 : index
          %get3A_260 = tpu.vector_load %arg7[%get3A_258, %get3A_259] {strides = array<i32>} : memref<64x128xf32, #tpu.memory_space<vmem>>, vector<16xf32>,
          %lt3A_261 = arith.constant 0 : i32
          %lt3A_262 = vector.broadcast %lt3A_261 : i32 to vector<16xi32>
          %lt3A_263 = arith.cmpi slt, %and3A_182, %lt3A_262 : vector<16xi32>
          %add3A_264 = arith.constant 16 : i32
          %add3A_265 = vector.broadcast %add3A_264 : i32 to vector<16xi32>
          %add3A_266 = arith.addi %and3A_182, %add3A_265 : vector<16xi32>
          %select_n3A_267 = arith.select %lt3A_263, %add3A_266, %and3A_182 : vector<16xi1>, vector<16xi32>
          %broadcast_in_dim3A_268 = vector.shape_cast %select_n3A_267 : vector<16xi32> to vector<16x1xi32>
          %gather3A_269 = vector.shape_cast %broadcast_in_dim3A_268 : vector<16x1xi32> to vector<16xi32>
          %gather3A_270 = tpu.dynamic_gather %get3A_260[%gather3A_269] in [0] : vector<16xf32>, vector<16xi32> -> vector<16xf32>
          %get3A_271 = arith.index_cast %add3A_178 : i32 to index
          %get3A_272 = arith.constant 112 : index
          %get3A_273 = tpu.vector_load %arg7[%get3A_271, %get3A_272] {strides = array<i32>} : memref<64x128xf32, #tpu.memory_space<vmem>>, vector<16xf32>,
          %lt3A_274 = arith.constant 0 : i32
          %lt3A_275 = vector.broadcast %lt3A_274 : i32 to vector<16xi32>
          %lt3A_276 = arith.cmpi slt, %and3A_182, %lt3A_275 : vector<16xi32>
          %add3A_277 = arith.constant 16 : i32
          %add3A_278 = vector.broadcast %add3A_277 : i32 to vector<16xi32>
          %add3A_279 = arith.addi %and3A_182, %add3A_278 : vector<16xi32>
          %select_n3A_280 = arith.select %lt3A_276, %add3A_279, %and3A_182 : vector<16xi1>, vector<16xi32>
          %broadcast_in_dim3A_281 = vector.shape_cast %select_n3A_280 : vector<16xi32> to vector<16x1xi32>
          %gather3A_282 = vector.shape_cast %broadcast_in_dim3A_281 : vector<16x1xi32> to vector<16xi32>
          %gather3A_283 = tpu.dynamic_gather %get3A_273[%gather3A_282] in [0] : vector<16xf32>, vector<16xi32> -> vector<16xf32>
          %swap3A = arith.index_cast %add3A_178 : i32 to index
          %swap3A_284 = arith.constant 0 : index
          %swap3A_285 = tpu.vector_load %arg14[%swap3A, %swap3A_284] {strides = array<i32>} : memref<64x128xf32, #tpu.memory_space<vmem>>, vector<16xf32>,
          tpu.vector_store %arg14[%swap3A, %swap3A_284], %gather3A_192 {strides = array<i32>} : memref<64x128xf32, #tpu.memory_space<vmem>>, vector<16xf32>,
          %swap3A_286 = arith.index_cast %add3A_178 : i32 to index
          %swap3A_287 = arith.constant 16 : index
          %swap3A_288 = tpu.vector_load %arg14[%swap3A_286, %swap3A_287] {strides = array<i32>} : memref<64x128xf32, #tpu.memory_space<vmem>>, vector<16xf32>,
          tpu.vector_store %arg14[%swap3A_286, %swap3A_287], %gather3A_205 {strides = array<i32>} : memref<64x128xf32, #tpu.memory_space<vmem>>, vector<16xf32>,
          %swap3A_289 = arith.index_cast %add3A_178 : i32 to index
          %swap3A_290 = arith.constant 32 : index
          %swap3A_291 = tpu.vector_load %arg14[%swap3A_289, %swap3A_290] {strides = array<i32>} : memref<64x128xf32, #tpu.memory_space<vmem>>, vector<16xf32>,
          tpu.vector_store %arg14[%swap3A_289, %swap3A_290], %gather3A_218 {strides = array<i32>} : memref<64x128xf32, #tpu.memory_space<vmem>>, vector<16xf32>,
          %swap3A_292 = arith.index_cast %add3A_178 : i32 to index
          %swap3A_293 = arith.constant 48 : index
          %swap3A_294 = tpu.vector_load %arg14[%swap3A_292, %swap3A_293] {strides = array<i32>} : memref<64x128xf32, #tpu.memory_space<vmem>>, vector<16xf32>,
          tpu.vector_store %arg14[%swap3A_292, %swap3A_293], %gather3A_231 {strides = array<i32>} : memref<64x128xf32, #tpu.memory_space<vmem>>, vector<16xf32>,
          %swap3A_295 = arith.index_cast %add3A_178 : i32 to index
          %swap3A_296 = arith.constant 64 : index
          %swap3A_297 = tpu.vector_load %arg14[%swap3A_295, %swap3A_296] {strides = array<i32>} : memref<64x128xf32, #tpu.memory_space<vmem>>, vector<16xf32>,
          tpu.vector_store %arg14[%swap3A_295, %swap3A_296], %gather3A_244 {strides = array<i32>} : memref<64x128xf32, #tpu.memory_space<vmem>>, vector<16xf32>,
          %swap3A_298 = arith.index_cast %add3A_178 : i32 to index
          %swap3A_299 = arith.constant 80 : index
          %swap3A_300 = tpu.vector_load %arg14[%swap3A_298, %swap3A_299] {strides = array<i32>} : memref<64x128xf32, #tpu.memory_space<vmem>>, vector<16xf32>,
          tpu.vector_store %arg14[%swap3A_298, %swap3A_299], %gather3A_257 {strides = array<i32>} : memref<64x128xf32, #tpu.memory_space<vmem>>, vector<16xf32>,
          %swap3A_301 = arith.index_cast %add3A_178 : i32 to index
          %swap3A_302 = arith.constant 96 : index
          %swap3A_303 = tpu.vector_load %arg14[%swap3A_301, %swap3A_302] {strides = array<i32>} : memref<64x128xf32, #tpu.memory_space<vmem>>, vector<16xf32>,
          tpu.vector_store %arg14[%swap3A_301, %swap3A_302], %gather3A_270 {strides = array<i32>} : memref<64x128xf32, #tpu.memory_space<vmem>>, vector<16xf32>,
          %swap3A_304 = arith.index_cast %add3A_178 : i32 to index
          %swap3A_305 = arith.constant 112 : index
          %swap3A_306 = tpu.vector_load %arg14[%swap3A_304, %swap3A_305] {strides = array<i32>} : memref<64x128xf32, #tpu.memory_space<vmem>>, vector<16xf32>,
          tpu.vector_store %arg14[%swap3A_304, %swap3A_305], %gather3A_283 {strides = array<i32>} : memref<64x128xf32, #tpu.memory_space<vmem>>, vector<16xf32>,
          %mul3A_307 = arith.constant 4 : i32
          %mul3A_308 = arith.muli %scan3A_173, %mul3A_307 : i32
          %add3A_309 = arith.constant 1 : i32
          %add3A_310 = arith.addi %mul3A_308, %add3A_309 : i32
          %add3A_311 = vector.broadcast %add3A_310 : i32 to vector<16xi32>
          %add3A_312 = arith.addi %iota3A, %add3A_311 : vector<16xi32>
          %and3A_313 = arith.constant 15 : i32
          %and3A_314 = vector.broadcast %and3A_313 : i32 to vector<16xi32>
          %and3A_315 = arith.andi %add3A_312, %and3A_314 : vector<16xi32>
          %get3A_316 = arith.index_cast %add3A_310 : i32 to index
          %get3A_317 = arith.constant 0 : index
          %get3A_318 = tpu.vector_load %arg7[%get3A_316, %get3A_317] {strides = array<i32>} : memref<64x128xf32, #tpu.memory_space<vmem>>, vector<16xf32>,
          %lt3A_319 = arith.constant 0 : i32
          %lt3A_320 = vector.broadcast %lt3A_319 : i32 to vector<16xi32>
          %lt3A_321 = arith.cmpi slt, %and3A_315, %lt3A_320 : vector<16xi32>
          %add3A_322 = arith.constant 16 : i32
          %add3A_323 = vector.broadcast %add3A_322 : i32 to vector<16xi32>
          %add3A_324 = arith.addi %and3A_315, %add3A_323 : vector<16xi32>
          %select_n3A_325 = arith.select %lt3A_321, %add3A_324, %and3A_315 : vector<16xi1>, vector<16xi32>
          %broadcast_in_dim3A_326 = vector.shape_cast %select_n3A_325 : vector<16xi32> to vector<16x1xi32>
          %gather3A_327 = vector.shape_cast %broadcast_in_dim3A_326 : vector<16x1xi32> to vector<16xi32>
          %gather3A_328 = tpu.dynamic_gather %get3A_318[%gather3A_327] in [0] : vector<16xf32>, vector<16xi32> -> vector<16xf32>
          %get3A_329 = arith.index_cast %add3A_310 : i32 to index
          %get3A_330 = arith.constant 16 : index
          %get3A_331 = tpu.vector_load %arg7[%get3A_329, %get3A_330] {strides = array<i32>} : memref<64x128xf32, #tpu.memory_space<vmem>>, vector<16xf32>,
          %lt3A_332 = arith.constant 0 : i32
          %lt3A_333 = vector.broadcast %lt3A_332 : i32 to vector<16xi32>
          %lt3A_334 = arith.cmpi slt, %and3A_315, %lt3A_333 : vector<16xi32>
          %add3A_335 = arith.constant 16 : i32
          %add3A_336 = vector.broadcast %add3A_335 : i32 to vector<16xi32>
          %add3A_337 = arith.addi %and3A_315, %add3A_336 : vector<16xi32>
          %select_n3A_338 = arith.select %lt3A_334, %add3A_337, %and3A_315 : vector<16xi1>, vector<16xi32>
          %broadcast_in_dim3A_339 = vector.shape_cast %select_n3A_338 : vector<16xi32> to vector<16x1xi32>
          %gather3A_340 = vector.shape_cast %broadcast_in_dim3A_339 : vector<16x1xi32> to vector<16xi32>
          %gather3A_341 = tpu.dynamic_gather %get3A_331[%gather3A_340] in [0] : vector<16xf32>, vector<16xi32> -> vector<16xf32>
          %get3A_342 = arith.index_cast %add3A_310 : i32 to index
          %get3A_343 = arith.constant 32 : index
          %get3A_344 = tpu.vector_load %arg7[%get3A_342, %get3A_343] {strides = array<i32>} : memref<64x128xf32, #tpu.memory_space<vmem>>, vector<16xf32>,
          %lt3A_345 = arith.constant 0 : i32
          %lt3A_346 = vector.broadcast %lt3A_345 : i32 to vector<16xi32>
          %lt3A_347 = arith.cmpi slt, %and3A_315, %lt3A_346 : vector<16xi32>
          %add3A_348 = arith.constant 16 : i32
          %add3A_349 = vector.broadcast %add3A_348 : i32 to vector<16xi32>
          %add3A_350 = arith.addi %and3A_315, %add3A_349 : vector<16xi32>
          %select_n3A_351 = arith.select %lt3A_347, %add3A_350, %and3A_315 : vector<16xi1>, vector<16xi32>
          %broadcast_in_dim3A_352 = vector.shape_cast %select_n3A_351 : vector<16xi32> to vector<16x1xi32>
          %gather3A_353 = vector.shape_cast %broadcast_in_dim3A_352 : vector<16x1xi32> to vector<16xi32>
          %gather3A_354 = tpu.dynamic_gather %get3A_344[%gather3A_353] in [0] : vector<16xf32>, vector<16xi32> -> vector<16xf32>
          %get3A_355 = arith.index_cast %add3A_310 : i32 to index
          %get3A_356 = arith.constant 48 : index
          %get3A_357 = tpu.vector_load %arg7[%get3A_355, %get3A_356] {strides = array<i32>} : memref<64x128xf32, #tpu.memory_space<vmem>>, vector<16xf32>,
          %lt3A_358 = arith.constant 0 : i32
          %lt3A_359 = vector.broadcast %lt3A_358 : i32 to vector<16xi32>
          %lt3A_360 = arith.cmpi slt, %and3A_315, %lt3A_359 : vector<16xi32>
          %add3A_361 = arith.constant 16 : i32
          %add3A_362 = vector.broadcast %add3A_361 : i32 to vector<16xi32>
          %add3A_363 = arith.addi %and3A_315, %add3A_362 : vector<16xi32>
          %select_n3A_364 = arith.select %lt3A_360, %add3A_363, %and3A_315 : vector<16xi1>, vector<16xi32>
          %broadcast_in_dim3A_365 = vector.shape_cast %select_n3A_364 : vector<16xi32> to vector<16x1xi32>
          %gather3A_366 = vector.shape_cast %broadcast_in_dim3A_365 : vector<16x1xi32> to vector<16xi32>
          %gather3A_367 = tpu.dynamic_gather %get3A_357[%gather3A_366] in [0] : vector<16xf32>, vector<16xi32> -> vector<16xf32>
          %get3A_368 = arith.index_cast %add3A_310 : i32 to index
          %get3A_369 = arith.constant 64 : index
          %get3A_370 = tpu.vector_load %arg7[%get3A_368, %get3A_369] {strides = array<i32>} : memref<64x128xf32, #tpu.memory_space<vmem>>, vector<16xf32>,
          %lt3A_371 = arith.constant 0 : i32
          %lt3A_372 = vector.broadcast %lt3A_371 : i32 to vector<16xi32>
          %lt3A_373 = arith.cmpi slt, %and3A_315, %lt3A_372 : vector<16xi32>
          %add3A_374 = arith.constant 16 : i32
          %add3A_375 = vector.broadcast %add3A_374 : i32 to vector<16xi32>
          %add3A_376 = arith.addi %and3A_315, %add3A_375 : vector<16xi32>
          %select_n3A_377 = arith.select %lt3A_373, %add3A_376, %and3A_315 : vector<16xi1>, vector<16xi32>
          %broadcast_in_dim3A_378 = vector.shape_cast %select_n3A_377 : vector<16xi32> to vector<16x1xi32>
          %gather3A_379 = vector.shape_cast %broadcast_in_dim3A_378 : vector<16x1xi32> to vector<16xi32>
          %gather3A_380 = tpu.dynamic_gather %get3A_370[%gather3A_379] in [0] : vector<16xf32>, vector<16xi32> -> vector<16xf32>
          %get3A_381 = arith.index_cast %add3A_310 : i32 to index
          %get3A_382 = arith.constant 80 : index
          %get3A_383 = tpu.vector_load %arg7[%get3A_381, %get3A_382] {strides = array<i32>} : memref<64x128xf32, #tpu.memory_space<vmem>>, vector<16xf32>,
          %lt3A_384 = arith.constant 0 : i32
          %lt3A_385 = vector.broadcast %lt3A_384 : i32 to vector<16xi32>
          %lt3A_386 = arith.cmpi slt, %and3A_315, %lt3A_385 : vector<16xi32>
          %add3A_387 = arith.constant 16 : i32
          %add3A_388 = vector.broadcast %add3A_387 : i32 to vector<16xi32>
          %add3A_389 = arith.addi %and3A_315, %add3A_388 : vector<16xi32>
          %select_n3A_390 = arith.select %lt3A_386, %add3A_389, %and3A_315 : vector<16xi1>, vector<16xi32>
          %broadcast_in_dim3A_391 = vector.shape_cast %select_n3A_390 : vector<16xi32> to vector<16x1xi32>
          %gather3A_392 = vector.shape_cast %broadcast_in_dim3A_391 : vector<16x1xi32> to vector<16xi32>
          %gather3A_393 = tpu.dynamic_gather %get3A_383[%gather3A_392] in [0] : vector<16xf32>, vector<16xi32> -> vector<16xf32>
          %get3A_394 = arith.index_cast %add3A_310 : i32 to index
          %get3A_395 = arith.constant 96 : index
          %get3A_396 = tpu.vector_load %arg7[%get3A_394, %get3A_395] {strides = array<i32>} : memref<64x128xf32, #tpu.memory_space<vmem>>, vector<16xf32>,
          %lt3A_397 = arith.constant 0 : i32
          %lt3A_398 = vector.broadcast %lt3A_397 : i32 to vector<16xi32>
          %lt3A_399 = arith.cmpi slt, %and3A_315, %lt3A_398 : vector<16xi32>
          %add3A_400 = arith.constant 16 : i32
          %add3A_401 = vector.broadcast %add3A_400 : i32 to vector<16xi32>
          %add3A_402 = arith.addi %and3A_315, %add3A_401 : vector<16xi32>
          %select_n3A_403 = arith.select %lt3A_399, %add3A_402, %and3A_315 : vector<16xi1>, vector<16xi32>
          %broadcast_in_dim3A_404 = vector.shape_cast %select_n3A_403 : vector<16xi32> to vector<16x1xi32>
          %gather3A_405 = vector.shape_cast %broadcast_in_dim3A_404 : vector<16x1xi32> to vector<16xi32>
          %gather3A_406 = tpu.dynamic_gather %get3A_396[%gather3A_405] in [0] : vector<16xf32>, vector<16xi32> -> vector<16xf32>
          %get3A_407 = arith.index_cast %add3A_310 : i32 to index
          %get3A_408 = arith.constant 112 : index
          %get3A_409 = tpu.vector_load %arg7[%get3A_407, %get3A_408] {strides = array<i32>} : memref<64x128xf32, #tpu.memory_space<vmem>>, vector<16xf32>,
          %lt3A_410 = arith.constant 0 : i32
          %lt3A_411 = vector.broadcast %lt3A_410 : i32 to vector<16xi32>
          %lt3A_412 = arith.cmpi slt, %and3A_315, %lt3A_411 : vector<16xi32>
          %add3A_413 = arith.constant 16 : i32
          %add3A_414 = vector.broadcast %add3A_413 : i32 to vector<16xi32>
          %add3A_415 = arith.addi %and3A_315, %add3A_414 : vector<16xi32>
          %select_n3A_416 = arith.select %lt3A_412, %add3A_415, %and3A_315 : vector<16xi1>, vector<16xi32>
          %broadcast_in_dim3A_417 = vector.shape_cast %select_n3A_416 : vector<16xi32> to vector<16x1xi32>
          %gather3A_418 = vector.shape_cast %broadcast_in_dim3A_417 : vector<16x1xi32> to vector<16xi32>
          %gather3A_419 = tpu.dynamic_gather %get3A_409[%gather3A_418] in [0] : vector<16xf32>, vector<16xi32> -> vector<16xf32>
          %swap3A_420 = arith.index_cast %add3A_310 : i32 to index
          %swap3A_421 = arith.constant 0 : index
          %swap3A_422 = tpu.vector_load %arg14[%swap3A_420, %swap3A_421] {strides = array<i32>} : memref<64x128xf32, #tpu.memory_space<vmem>>, vector<16xf32>,
          tpu.vector_store %arg14[%swap3A_420, %swap3A_421], %gather3A_328 {strides = array<i32>} : memref<64x128xf32, #tpu.memory_space<vmem>>, vector<16xf32>,
          %swap3A_423 = arith.index_cast %add3A_310 : i32 to index
          %swap3A_424 = arith.constant 16 : index
          %swap3A_425 = tpu.vector_load %arg14[%swap3A_423, %swap3A_424] {strides = array<i32>} : memref<64x128xf32, #tpu.memory_space<vmem>>, vector<16xf32>,
          tpu.vector_store %arg14[%swap3A_423, %swap3A_424], %gather3A_341 {strides = array<i32>} : memref<64x128xf32, #tpu.memory_space<vmem>>, vector<16xf32>,
          %swap3A_426 = arith.index_cast %add3A_310 : i32 to index
          %swap3A_427 = arith.constant 32 : index
          %swap3A_428 = tpu.vector_load %arg14[%swap3A_426, %swap3A_427] {strides = array<i32>} : memref<64x128xf32, #tpu.memory_space<vmem>>, vector<16xf32>,
          tpu.vector_store %arg14[%swap3A_426, %swap3A_427], %gather3A_354 {strides = array<i32>} : memref<64x128xf32, #tpu.memory_space<vmem>>, vector<16xf32>,
          %swap3A_429 = arith.index_cast %add3A_310 : i32 to index
          %swap3A_430 = arith.constant 48 : index
          %swap3A_431 = tpu.vector_load %arg14[%swap3A_429, %swap3A_430] {strides = array<i32>} : memref<64x128xf32, #tpu.memory_space<vmem>>, vector<16xf32>,
          tpu.vector_store %arg14[%swap3A_429, %swap3A_430], %gather3A_367 {strides = array<i32>} : memref<64x128xf32, #tpu.memory_space<vmem>>, vector<16xf32>,
          %swap3A_432 = arith.index_cast %add3A_310 : i32 to index
          %swap3A_433 = arith.constant 64 : index
          %swap3A_434 = tpu.vector_load %arg14[%swap3A_432, %swap3A_433] {strides = array<i32>} : memref<64x128xf32, #tpu.memory_space<vmem>>, vector<16xf32>,
          tpu.vector_store %arg14[%swap3A_432, %swap3A_433], %gather3A_380 {strides = array<i32>} : memref<64x128xf32, #tpu.memory_space<vmem>>, vector<16xf32>,
          %swap3A_435 = arith.index_cast %add3A_310 : i32 to index
          %swap3A_436 = arith.constant 80 : index
          %swap3A_437 = tpu.vector_load %arg14[%swap3A_435, %swap3A_436] {strides = array<i32>} : memref<64x128xf32, #tpu.memory_space<vmem>>, vector<16xf32>,
          tpu.vector_store %arg14[%swap3A_435, %swap3A_436], %gather3A_393 {strides = array<i32>} : memref<64x128xf32, #tpu.memory_space<vmem>>, vector<16xf32>,
          %swap3A_438 = arith.index_cast %add3A_310 : i32 to index
          %swap3A_439 = arith.constant 96 : index
          %swap3A_440 = tpu.vector_load %arg14[%swap3A_438, %swap3A_439] {strides = array<i32>} : memref<64x128xf32, #tpu.memory_space<vmem>>, vector<16xf32>,
          tpu.vector_store %arg14[%swap3A_438, %swap3A_439], %gather3A_406 {strides = array<i32>} : memref<64x128xf32, #tpu.memory_space<vmem>>, vector<16xf32>,
          %swap3A_441 = arith.index_cast %add3A_310 : i32 to index
          %swap3A_442 = arith.constant 112 : index
          %swap3A_443 = tpu.vector_load %arg14[%swap3A_441, %swap3A_442] {strides = array<i32>} : memref<64x128xf32, #tpu.memory_space<vmem>>, vector<16xf32>,
          tpu.vector_store %arg14[%swap3A_441, %swap3A_442], %gather3A_419 {strides = array<i32>} : memref<64x128xf32, #tpu.memory_space<vmem>>, vector<16xf32>,
          %mul3A_444 = arith.constant 4 : i32
          %mul3A_445 = arith.muli %scan3A_173, %mul3A_444 : i32
          %add3A_446 = arith.constant 2 : i32
          %add3A_447 = arith.addi %mul3A_445, %add3A_446 : i32
          %add3A_448 = vector.broadcast %add3A_447 : i32 to vector<16xi32>
          %add3A_449 = arith.addi %iota3A, %add3A_448 : vector<16xi32>
          %and3A_450 = arith.constant 15 : i32
          %and3A_451 = vector.broadcast %and3A_450 : i32 to vector<16xi32>
          %and3A_452 = arith.andi %add3A_449, %and3A_451 : vector<16xi32>
          %get3A_453 = arith.index_cast %add3A_447 : i32 to index
          %get3A_454 = arith.constant 0 : index
          %get3A_455 = tpu.vector_load %arg7[%get3A_453, %get3A_454] {strides = array<i32>} : memref<64x128xf32, #tpu.memory_space<vmem>>, vector<16xf32>,
          %lt3A_456 = arith.constant 0 : i32
          %lt3A_457 = vector.broadcast %lt3A_456 : i32 to vector<16xi32>
          %lt3A_458 = arith.cmpi slt, %and3A_452, %lt3A_457 : vector<16xi32>
          %add3A_459 = arith.constant 16 : i32
          %add3A_460 = vector.broadcast %add3A_459 : i32 to vector<16xi32>
          %add3A_461 = arith.addi %and3A_452, %add3A_460 : vector<16xi32>
          %select_n3A_462 = arith.select %lt3A_458, %add3A_461, %and3A_452 : vector<16xi1>, vector<16xi32>
          %broadcast_in_dim3A_463 = vector.shape_cast %select_n3A_462 : vector<16xi32> to vector<16x1xi32>
          %gather3A_464 = vector.shape_cast %broadcast_in_dim3A_463 : vector<16x1xi32> to vector<16xi32>
          %gather3A_465 = tpu.dynamic_gather %get3A_455[%gather3A_464] in [0] : vector<16xf32>, vector<16xi32> -> vector<16xf32>
          %get3A_466 = arith.index_cast %add3A_447 : i32 to index
          %get3A_467 = arith.constant 16 : index
          %get3A_468 = tpu.vector_load %arg7[%get3A_466, %get3A_467] {strides = array<i32>} : memref<64x128xf32, #tpu.memory_space<vmem>>, vector<16xf32>,
          %lt3A_469 = arith.constant 0 : i32
          %lt3A_470 = vector.broadcast %lt3A_469 : i32 to vector<16xi32>
          %lt3A_471 = arith.cmpi slt, %and3A_452, %lt3A_470 : vector<16xi32>
          %add3A_472 = arith.constant 16 : i32
          %add3A_473 = vector.broadcast %add3A_472 : i32 to vector<16xi32>
          %add3A_474 = arith.addi %and3A_452, %add3A_473 : vector<16xi32>
          %select_n3A_475 = arith.select %lt3A_471, %add3A_474, %and3A_452 : vector<16xi1>, vector<16xi32>
          %broadcast_in_dim3A_476 = vector.shape_cast %select_n3A_475 : vector<16xi32> to vector<16x1xi32>
          %gather3A_477 = vector.shape_cast %broadcast_in_dim3A_476 : vector<16x1xi32> to vector<16xi32>
          %gather3A_478 = tpu.dynamic_gather %get3A_468[%gather3A_477] in [0] : vector<16xf32>, vector<16xi32> -> vector<16xf32>
          %get3A_479 = arith.index_cast %add3A_447 : i32 to index
          %get3A_480 = arith.constant 32 : index
          %get3A_481 = tpu.vector_load %arg7[%get3A_479, %get3A_480] {strides = array<i32>} : memref<64x128xf32, #tpu.memory_space<vmem>>, vector<16xf32>,
          %lt3A_482 = arith.constant 0 : i32
          %lt3A_483 = vector.broadcast %lt3A_482 : i32 to vector<16xi32>
          %lt3A_484 = arith.cmpi slt, %and3A_452, %lt3A_483 : vector<16xi32>
          %add3A_485 = arith.constant 16 : i32
          %add3A_486 = vector.broadcast %add3A_485 : i32 to vector<16xi32>
          %add3A_487 = arith.addi %and3A_452, %add3A_486 : vector<16xi32>
          %select_n3A_488 = arith.select %lt3A_484, %add3A_487, %and3A_452 : vector<16xi1>, vector<16xi32>
          %broadcast_in_dim3A_489 = vector.shape_cast %select_n3A_488 : vector<16xi32> to vector<16x1xi32>
          %gather3A_490 = vector.shape_cast %broadcast_in_dim3A_489 : vector<16x1xi32> to vector<16xi32>
          %gather3A_491 = tpu.dynamic_gather %get3A_481[%gather3A_490] in [0] : vector<16xf32>, vector<16xi32> -> vector<16xf32>
          %get3A_492 = arith.index_cast %add3A_447 : i32 to index
          %get3A_493 = arith.constant 48 : index
          %get3A_494 = tpu.vector_load %arg7[%get3A_492, %get3A_493] {strides = array<i32>} : memref<64x128xf32, #tpu.memory_space<vmem>>, vector<16xf32>,
          %lt3A_495 = arith.constant 0 : i32
          %lt3A_496 = vector.broadcast %lt3A_495 : i32 to vector<16xi32>
          %lt3A_497 = arith.cmpi slt, %and3A_452, %lt3A_496 : vector<16xi32>
          %add3A_498 = arith.constant 16 : i32
          %add3A_499 = vector.broadcast %add3A_498 : i32 to vector<16xi32>
          %add3A_500 = arith.addi %and3A_452, %add3A_499 : vector<16xi32>
          %select_n3A_501 = arith.select %lt3A_497, %add3A_500, %and3A_452 : vector<16xi1>, vector<16xi32>
          %broadcast_in_dim3A_502 = vector.shape_cast %select_n3A_501 : vector<16xi32> to vector<16x1xi32>
          %gather3A_503 = vector.shape_cast %broadcast_in_dim3A_502 : vector<16x1xi32> to vector<16xi32>
          %gather3A_504 = tpu.dynamic_gather %get3A_494[%gather3A_503] in [0] : vector<16xf32>, vector<16xi32> -> vector<16xf32>
          %get3A_505 = arith.index_cast %add3A_447 : i32 to index
          %get3A_506 = arith.constant 64 : index
          %get3A_507 = tpu.vector_load %arg7[%get3A_505, %get3A_506] {strides = array<i32>} : memref<64x128xf32, #tpu.memory_space<vmem>>, vector<16xf32>,
          %lt3A_508 = arith.constant 0 : i32
          %lt3A_509 = vector.broadcast %lt3A_508 : i32 to vector<16xi32>
          %lt3A_510 = arith.cmpi slt, %and3A_452, %lt3A_509 : vector<16xi32>
          %add3A_511 = arith.constant 16 : i32
          %add3A_512 = vector.broadcast %add3A_511 : i32 to vector<16xi32>
          %add3A_513 = arith.addi %and3A_452, %add3A_512 : vector<16xi32>
          %select_n3A_514 = arith.select %lt3A_510, %add3A_513, %and3A_452 : vector<16xi1>, vector<16xi32>
          %broadcast_in_dim3A_515 = vector.shape_cast %select_n3A_514 : vector<16xi32> to vector<16x1xi32>
          %gather3A_516 = vector.shape_cast %broadcast_in_dim3A_515 : vector<16x1xi32> to vector<16xi32>
          %gather3A_517 = tpu.dynamic_gather %get3A_507[%gather3A_516] in [0] : vector<16xf32>, vector<16xi32> -> vector<16xf32>
          %get3A_518 = arith.index_cast %add3A_447 : i32 to index
          %get3A_519 = arith.constant 80 : index
          %get3A_520 = tpu.vector_load %arg7[%get3A_518, %get3A_519] {strides = array<i32>} : memref<64x128xf32, #tpu.memory_space<vmem>>, vector<16xf32>,
          %lt3A_521 = arith.constant 0 : i32
          %lt3A_522 = vector.broadcast %lt3A_521 : i32 to vector<16xi32>
          %lt3A_523 = arith.cmpi slt, %and3A_452, %lt3A_522 : vector<16xi32>
          %add3A_524 = arith.constant 16 : i32
          %add3A_525 = vector.broadcast %add3A_524 : i32 to vector<16xi32>
          %add3A_526 = arith.addi %and3A_452, %add3A_525 : vector<16xi32>
          %select_n3A_527 = arith.select %lt3A_523, %add3A_526, %and3A_452 : vector<16xi1>, vector<16xi32>
          %broadcast_in_dim3A_528 = vector.shape_cast %select_n3A_527 : vector<16xi32> to vector<16x1xi32>
          %gather3A_529 = vector.shape_cast %broadcast_in_dim3A_528 : vector<16x1xi32> to vector<16xi32>
          %gather3A_530 = tpu.dynamic_gather %get3A_520[%gather3A_529] in [0] : vector<16xf32>, vector<16xi32> -> vector<16xf32>
          %get3A_531 = arith.index_cast %add3A_447 : i32 to index
          %get3A_532 = arith.constant 96 : index
          %get3A_533 = tpu.vector_load %arg7[%get3A_531, %get3A_532] {strides = array<i32>} : memref<64x128xf32, #tpu.memory_space<vmem>>, vector<16xf32>,
          %lt3A_534 = arith.constant 0 : i32
          %lt3A_535 = vector.broadcast %lt3A_534 : i32 to vector<16xi32>
          %lt3A_536 = arith.cmpi slt, %and3A_452, %lt3A_535 : vector<16xi32>
          %add3A_537 = arith.constant 16 : i32
          %add3A_538 = vector.broadcast %add3A_537 : i32 to vector<16xi32>
          %add3A_539 = arith.addi %and3A_452, %add3A_538 : vector<16xi32>
          %select_n3A_540 = arith.select %lt3A_536, %add3A_539, %and3A_452 : vector<16xi1>, vector<16xi32>
          %broadcast_in_dim3A_541 = vector.shape_cast %select_n3A_540 : vector<16xi32> to vector<16x1xi32>
          %gather3A_542 = vector.shape_cast %broadcast_in_dim3A_541 : vector<16x1xi32> to vector<16xi32>
          %gather3A_543 = tpu.dynamic_gather %get3A_533[%gather3A_542] in [0] : vector<16xf32>, vector<16xi32> -> vector<16xf32>
          %get3A_544 = arith.index_cast %add3A_447 : i32 to index
          %get3A_545 = arith.constant 112 : index
          %get3A_546 = tpu.vector_load %arg7[%get3A_544, %get3A_545] {strides = array<i32>} : memref<64x128xf32, #tpu.memory_space<vmem>>, vector<16xf32>,
          %lt3A_547 = arith.constant 0 : i32
          %lt3A_548 = vector.broadcast %lt3A_547 : i32 to vector<16xi32>
          %lt3A_549 = arith.cmpi slt, %and3A_452, %lt3A_548 : vector<16xi32>
          %add3A_550 = arith.constant 16 : i32
          %add3A_551 = vector.broadcast %add3A_550 : i32 to vector<16xi32>
          %add3A_552 = arith.addi %and3A_452, %add3A_551 : vector<16xi32>
          %select_n3A_553 = arith.select %lt3A_549, %add3A_552, %and3A_452 : vector<16xi1>, vector<16xi32>
          %broadcast_in_dim3A_554 = vector.shape_cast %select_n3A_553 : vector<16xi32> to vector<16x1xi32>
          %gather3A_555 = vector.shape_cast %broadcast_in_dim3A_554 : vector<16x1xi32> to vector<16xi32>
          %gather3A_556 = tpu.dynamic_gather %get3A_546[%gather3A_555] in [0] : vector<16xf32>, vector<16xi32> -> vector<16xf32>
          %swap3A_557 = arith.index_cast %add3A_447 : i32 to index
          %swap3A_558 = arith.constant 0 : index
          %swap3A_559 = tpu.vector_load %arg14[%swap3A_557, %swap3A_558] {strides = array<i32>} : memref<64x128xf32, #tpu.memory_space<vmem>>, vector<16xf32>,
          tpu.vector_store %arg14[%swap3A_557, %swap3A_558], %gather3A_465 {strides = array<i32>} : memref<64x128xf32, #tpu.memory_space<vmem>>, vector<16xf32>,
          %swap3A_560 = arith.index_cast %add3A_447 : i32 to index
          %swap3A_561 = arith.constant 16 : index
          %swap3A_562 = tpu.vector_load %arg14[%swap3A_560, %swap3A_561] {strides = array<i32>} : memref<64x128xf32, #tpu.memory_space<vmem>>, vector<16xf32>,
          tpu.vector_store %arg14[%swap3A_560, %swap3A_561], %gather3A_478 {strides = array<i32>} : memref<64x128xf32, #tpu.memory_space<vmem>>, vector<16xf32>,
          %swap3A_563 = arith.index_cast %add3A_447 : i32 to index
          %swap3A_564 = arith.constant 32 : index
          %swap3A_565 = tpu.vector_load %arg14[%swap3A_563, %swap3A_564] {strides = array<i32>} : memref<64x128xf32, #tpu.memory_space<vmem>>, vector<16xf32>,
          tpu.vector_store %arg14[%swap3A_563, %swap3A_564], %gather3A_491 {strides = array<i32>} : memref<64x128xf32, #tpu.memory_space<vmem>>, vector<16xf32>,
          %swap3A_566 = arith.index_cast %add3A_447 : i32 to index
          %swap3A_567 = arith.constant 48 : index
          %swap3A_568 = tpu.vector_load %arg14[%swap3A_566, %swap3A_567] {strides = array<i32>} : memref<64x128xf32, #tpu.memory_space<vmem>>, vector<16xf32>,
          tpu.vector_store %arg14[%swap3A_566, %swap3A_567], %gather3A_504 {strides = array<i32>} : memref<64x128xf32, #tpu.memory_space<vmem>>, vector<16xf32>,
          %swap3A_569 = arith.index_cast %add3A_447 : i32 to index
          %swap3A_570 = arith.constant 64 : index
          %swap3A_571 = tpu.vector_load %arg14[%swap3A_569, %swap3A_570] {strides = array<i32>} : memref<64x128xf32, #tpu.memory_space<vmem>>, vector<16xf32>,
          tpu.vector_store %arg14[%swap3A_569, %swap3A_570], %gather3A_517 {strides = array<i32>} : memref<64x128xf32, #tpu.memory_space<vmem>>, vector<16xf32>,
          %swap3A_572 = arith.index_cast %add3A_447 : i32 to index
          %swap3A_573 = arith.constant 80 : index
          %swap3A_574 = tpu.vector_load %arg14[%swap3A_572, %swap3A_573] {strides = array<i32>} : memref<64x128xf32, #tpu.memory_space<vmem>>, vector<16xf32>,
          tpu.vector_store %arg14[%swap3A_572, %swap3A_573], %gather3A_530 {strides = array<i32>} : memref<64x128xf32, #tpu.memory_space<vmem>>, vector<16xf32>,
          %swap3A_575 = arith.index_cast %add3A_447 : i32 to index
          %swap3A_576 = arith.constant 96 : index
          %swap3A_577 = tpu.vector_load %arg14[%swap3A_575, %swap3A_576] {strides = array<i32>} : memref<64x128xf32, #tpu.memory_space<vmem>>, vector<16xf32>,
          tpu.vector_store %arg14[%swap3A_575, %swap3A_576], %gather3A_543 {strides = array<i32>} : memref<64x128xf32, #tpu.memory_space<vmem>>, vector<16xf32>,
          %swap3A_578 = arith.index_cast %add3A_447 : i32 to index
          %swap3A_579 = arith.constant 112 : index
          %swap3A_580 = tpu.vector_load %arg14[%swap3A_578, %swap3A_579] {strides = array<i32>} : memref<64x128xf32, #tpu.memory_space<vmem>>, vector<16xf32>,
          tpu.vector_store %arg14[%swap3A_578, %swap3A_579], %gather3A_556 {strides = array<i32>} : memref<64x128xf32, #tpu.memory_space<vmem>>, vector<16xf32>,
          %mul3A_581 = arith.constant 4 : i32
          %mul3A_582 = arith.muli %scan3A_173, %mul3A_581 : i32
          %add3A_583 = arith.constant 3 : i32
          %add3A_584 = arith.addi %mul3A_582, %add3A_583 : i32
          %add3A_585 = vector.broadcast %add3A_584 : i32 to vector<16xi32>
          %add3A_586 = arith.addi %iota3A, %add3A_585 : vector<16xi32>
          %and3A_587 = arith.constant 15 : i32
          %and3A_588 = vector.broadcast %and3A_587 : i32 to vector<16xi32>
          %and3A_589 = arith.andi %add3A_586, %and3A_588 : vector<16xi32>
          %get3A_590 = arith.index_cast %add3A_584 : i32 to index
          %get3A_591 = arith.constant 0 : index
          %get3A_592 = tpu.vector_load %arg7[%get3A_590, %get3A_591] {strides = array<i32>} : memref<64x128xf32, #tpu.memory_space<vmem>>, vector<16xf32>,
          %lt3A_593 = arith.constant 0 : i32
          %lt3A_594 = vector.broadcast %lt3A_593 : i32 to vector<16xi32>
          %lt3A_595 = arith.cmpi slt, %and3A_589, %lt3A_594 : vector<16xi32>
          %add3A_596 = arith.constant 16 : i32
          %add3A_597 = vector.broadcast %add3A_596 : i32 to vector<16xi32>
          %add3A_598 = arith.addi %and3A_589, %add3A_597 : vector<16xi32>
          %select_n3A_599 = arith.select %lt3A_595, %add3A_598, %and3A_589 : vector<16xi1>, vector<16xi32>
          %broadcast_in_dim3A_600 = vector.shape_cast %select_n3A_599 : vector<16xi32> to vector<16x1xi32>
          %gather3A_601 = vector.shape_cast %broadcast_in_dim3A_600 : vector<16x1xi32> to vector<16xi32>
          %gather3A_602 = tpu.dynamic_gather %get3A_592[%gather3A_601] in [0] : vector<16xf32>, vector<16xi32> -> vector<16xf32>
          %get3A_603 = arith.index_cast %add3A_584 : i32 to index
          %get3A_604 = arith.constant 16 : index
          %get3A_605 = tpu.vector_load %arg7[%get3A_603, %get3A_604] {strides = array<i32>} : memref<64x128xf32, #tpu.memory_space<vmem>>, vector<16xf32>,
          %lt3A_606 = arith.constant 0 : i32
          %lt3A_607 = vector.broadcast %lt3A_606 : i32 to vector<16xi32>
          %lt3A_608 = arith.cmpi slt, %and3A_589, %lt3A_607 : vector<16xi32>
          %add3A_609 = arith.constant 16 : i32
          %add3A_610 = vector.broadcast %add3A_609 : i32 to vector<16xi32>
          %add3A_611 = arith.addi %and3A_589, %add3A_610 : vector<16xi32>
          %select_n3A_612 = arith.select %lt3A_608, %add3A_611, %and3A_589 : vector<16xi1>, vector<16xi32>
          %broadcast_in_dim3A_613 = vector.shape_cast %select_n3A_612 : vector<16xi32> to vector<16x1xi32>
          %gather3A_614 = vector.shape_cast %broadcast_in_dim3A_613 : vector<16x1xi32> to vector<16xi32>
          %gather3A_615 = tpu.dynamic_gather %get3A_605[%gather3A_614] in [0] : vector<16xf32>, vector<16xi32> -> vector<16xf32>
          %get3A_616 = arith.index_cast %add3A_584 : i32 to index
          %get3A_617 = arith.constant 32 : index
          %get3A_618 = tpu.vector_load %arg7[%get3A_616, %get3A_617] {strides = array<i32>} : memref<64x128xf32, #tpu.memory_space<vmem>>, vector<16xf32>,
          %lt3A_619 = arith.constant 0 : i32
          %lt3A_620 = vector.broadcast %lt3A_619 : i32 to vector<16xi32>
          %lt3A_621 = arith.cmpi slt, %and3A_589, %lt3A_620 : vector<16xi32>
          %add3A_622 = arith.constant 16 : i32
          %add3A_623 = vector.broadcast %add3A_622 : i32 to vector<16xi32>
          %add3A_624 = arith.addi %and3A_589, %add3A_623 : vector<16xi32>
          %select_n3A_625 = arith.select %lt3A_621, %add3A_624, %and3A_589 : vector<16xi1>, vector<16xi32>
          %broadcast_in_dim3A_626 = vector.shape_cast %select_n3A_625 : vector<16xi32> to vector<16x1xi32>
          %gather3A_627 = vector.shape_cast %broadcast_in_dim3A_626 : vector<16x1xi32> to vector<16xi32>
          %gather3A_628 = tpu.dynamic_gather %get3A_618[%gather3A_627] in [0] : vector<16xf32>, vector<16xi32> -> vector<16xf32>
          %get3A_629 = arith.index_cast %add3A_584 : i32 to index
          %get3A_630 = arith.constant 48 : index
          %get3A_631 = tpu.vector_load %arg7[%get3A_629, %get3A_630] {strides = array<i32>} : memref<64x128xf32, #tpu.memory_space<vmem>>, vector<16xf32>,
          %lt3A_632 = arith.constant 0 : i32
          %lt3A_633 = vector.broadcast %lt3A_632 : i32 to vector<16xi32>
          %lt3A_634 = arith.cmpi slt, %and3A_589, %lt3A_633 : vector<16xi32>
          %add3A_635 = arith.constant 16 : i32
          %add3A_636 = vector.broadcast %add3A_635 : i32 to vector<16xi32>
          %add3A_637 = arith.addi %and3A_589, %add3A_636 : vector<16xi32>
          %select_n3A_638 = arith.select %lt3A_634, %add3A_637, %and3A_589 : vector<16xi1>, vector<16xi32>
          %broadcast_in_dim3A_639 = vector.shape_cast %select_n3A_638 : vector<16xi32> to vector<16x1xi32>
          %gather3A_640 = vector.shape_cast %broadcast_in_dim3A_639 : vector<16x1xi32> to vector<16xi32>
          %gather3A_641 = tpu.dynamic_gather %get3A_631[%gather3A_640] in [0] : vector<16xf32>, vector<16xi32> -> vector<16xf32>
          %get3A_642 = arith.index_cast %add3A_584 : i32 to index
          %get3A_643 = arith.constant 64 : index
          %get3A_644 = tpu.vector_load %arg7[%get3A_642, %get3A_643] {strides = array<i32>} : memref<64x128xf32, #tpu.memory_space<vmem>>, vector<16xf32>,
          %lt3A_645 = arith.constant 0 : i32
          %lt3A_646 = vector.broadcast %lt3A_645 : i32 to vector<16xi32>
          %lt3A_647 = arith.cmpi slt, %and3A_589, %lt3A_646 : vector<16xi32>
          %add3A_648 = arith.constant 16 : i32
          %add3A_649 = vector.broadcast %add3A_648 : i32 to vector<16xi32>
          %add3A_650 = arith.addi %and3A_589, %add3A_649 : vector<16xi32>
          %select_n3A_651 = arith.select %lt3A_647, %add3A_650, %and3A_589 : vector<16xi1>, vector<16xi32>
          %broadcast_in_dim3A_652 = vector.shape_cast %select_n3A_651 : vector<16xi32> to vector<16x1xi32>
          %gather3A_653 = vector.shape_cast %broadcast_in_dim3A_652 : vector<16x1xi32> to vector<16xi32>
          %gather3A_654 = tpu.dynamic_gather %get3A_644[%gather3A_653] in [0] : vector<16xf32>, vector<16xi32> -> vector<16xf32>
          %get3A_655 = arith.index_cast %add3A_584 : i32 to index
          %get3A_656 = arith.constant 80 : index
          %get3A_657 = tpu.vector_load %arg7[%get3A_655, %get3A_656] {strides = array<i32>} : memref<64x128xf32, #tpu.memory_space<vmem>>, vector<16xf32>,
          %lt3A_658 = arith.constant 0 : i32
          %lt3A_659 = vector.broadcast %lt3A_658 : i32 to vector<16xi32>
          %lt3A_660 = arith.cmpi slt, %and3A_589, %lt3A_659 : vector<16xi32>
          %add3A_661 = arith.constant 16 : i32
          %add3A_662 = vector.broadcast %add3A_661 : i32 to vector<16xi32>
          %add3A_663 = arith.addi %and3A_589, %add3A_662 : vector<16xi32>
          %select_n3A_664 = arith.select %lt3A_660, %add3A_663, %and3A_589 : vector<16xi1>, vector<16xi32>
          %broadcast_in_dim3A_665 = vector.shape_cast %select_n3A_664 : vector<16xi32> to vector<16x1xi32>
          %gather3A_666 = vector.shape_cast %broadcast_in_dim3A_665 : vector<16x1xi32> to vector<16xi32>
          %gather3A_667 = tpu.dynamic_gather %get3A_657[%gather3A_666] in [0] : vector<16xf32>, vector<16xi32> -> vector<16xf32>
          %get3A_668 = arith.index_cast %add3A_584 : i32 to index
          %get3A_669 = arith.constant 96 : index
          %get3A_670 = tpu.vector_load %arg7[%get3A_668, %get3A_669] {strides = array<i32>} : memref<64x128xf32, #tpu.memory_space<vmem>>, vector<16xf32>,
          %lt3A_671 = arith.constant 0 : i32
          %lt3A_672 = vector.broadcast %lt3A_671 : i32 to vector<16xi32>
          %lt3A_673 = arith.cmpi slt, %and3A_589, %lt3A_672 : vector<16xi32>
          %add3A_674 = arith.constant 16 : i32
          %add3A_675 = vector.broadcast %add3A_674 : i32 to vector<16xi32>
          %add3A_676 = arith.addi %and3A_589, %add3A_675 : vector<16xi32>
          %select_n3A_677 = arith.select %lt3A_673, %add3A_676, %and3A_589 : vector<16xi1>, vector<16xi32>
          %broadcast_in_dim3A_678 = vector.shape_cast %select_n3A_677 : vector<16xi32> to vector<16x1xi32>
          %gather3A_679 = vector.shape_cast %broadcast_in_dim3A_678 : vector<16x1xi32> to vector<16xi32>
          %gather3A_680 = tpu.dynamic_gather %get3A_670[%gather3A_679] in [0] : vector<16xf32>, vector<16xi32> -> vector<16xf32>
          %get3A_681 = arith.index_cast %add3A_584 : i32 to index
          %get3A_682 = arith.constant 112 : index
          %get3A_683 = tpu.vector_load %arg7[%get3A_681, %get3A_682] {strides = array<i32>} : memref<64x128xf32, #tpu.memory_space<vmem>>, vector<16xf32>,
          %lt3A_684 = arith.constant 0 : i32
          %lt3A_685 = vector.broadcast %lt3A_684 : i32 to vector<16xi32>
          %lt3A_686 = arith.cmpi slt, %and3A_589, %lt3A_685 : vector<16xi32>
          %add3A_687 = arith.constant 16 : i32
          %add3A_688 = vector.broadcast %add3A_687 : i32 to vector<16xi32>
          %add3A_689 = arith.addi %and3A_589, %add3A_688 : vector<16xi32>
          %select_n3A_690 = arith.select %lt3A_686, %add3A_689, %and3A_589 : vector<16xi1>, vector<16xi32>
          %broadcast_in_dim3A_691 = vector.shape_cast %select_n3A_690 : vector<16xi32> to vector<16x1xi32>
          %gather3A_692 = vector.shape_cast %broadcast_in_dim3A_691 : vector<16x1xi32> to vector<16xi32>
          %gather3A_693 = tpu.dynamic_gather %get3A_683[%gather3A_692] in [0] : vector<16xf32>, vector<16xi32> -> vector<16xf32>
          %swap3A_694 = arith.index_cast %add3A_584 : i32 to index
          %swap3A_695 = arith.constant 0 : index
          %swap3A_696 = tpu.vector_load %arg14[%swap3A_694, %swap3A_695] {strides = array<i32>} : memref<64x128xf32, #tpu.memory_space<vmem>>, vector<16xf32>,
          tpu.vector_store %arg14[%swap3A_694, %swap3A_695], %gather3A_602 {strides = array<i32>} : memref<64x128xf32, #tpu.memory_space<vmem>>, vector<16xf32>,
          %swap3A_697 = arith.index_cast %add3A_584 : i32 to index
          %swap3A_698 = arith.constant 16 : index
          %swap3A_699 = tpu.vector_load %arg14[%swap3A_697, %swap3A_698] {strides = array<i32>} : memref<64x128xf32, #tpu.memory_space<vmem>>, vector<16xf32>,
          tpu.vector_store %arg14[%swap3A_697, %swap3A_698], %gather3A_615 {strides = array<i32>} : memref<64x128xf32, #tpu.memory_space<vmem>>, vector<16xf32>,
          %swap3A_700 = arith.index_cast %add3A_584 : i32 to index
          %swap3A_701 = arith.constant 32 : index
          %swap3A_702 = tpu.vector_load %arg14[%swap3A_700, %swap3A_701] {strides = array<i32>} : memref<64x128xf32, #tpu.memory_space<vmem>>, vector<16xf32>,
          tpu.vector_store %arg14[%swap3A_700, %swap3A_701], %gather3A_628 {strides = array<i32>} : memref<64x128xf32, #tpu.memory_space<vmem>>, vector<16xf32>,
          %swap3A_703 = arith.index_cast %add3A_584 : i32 to index
          %swap3A_704 = arith.constant 48 : index
          %swap3A_705 = tpu.vector_load %arg14[%swap3A_703, %swap3A_704] {strides = array<i32>} : memref<64x128xf32, #tpu.memory_space<vmem>>, vector<16xf32>,
          tpu.vector_store %arg14[%swap3A_703, %swap3A_704], %gather3A_641 {strides = array<i32>} : memref<64x128xf32, #tpu.memory_space<vmem>>, vector<16xf32>,
          %swap3A_706 = arith.index_cast %add3A_584 : i32 to index
          %swap3A_707 = arith.constant 64 : index
          %swap3A_708 = tpu.vector_load %arg14[%swap3A_706, %swap3A_707] {strides = array<i32>} : memref<64x128xf32, #tpu.memory_space<vmem>>, vector<16xf32>,
          tpu.vector_store %arg14[%swap3A_706, %swap3A_707], %gather3A_654 {strides = array<i32>} : memref<64x128xf32, #tpu.memory_space<vmem>>, vector<16xf32>,
          %swap3A_709 = arith.index_cast %add3A_584 : i32 to index
          %swap3A_710 = arith.constant 80 : index
          %swap3A_711 = tpu.vector_load %arg14[%swap3A_709, %swap3A_710] {strides = array<i32>} : memref<64x128xf32, #tpu.memory_space<vmem>>, vector<16xf32>,
          tpu.vector_store %arg14[%swap3A_709, %swap3A_710], %gather3A_667 {strides = array<i32>} : memref<64x128xf32, #tpu.memory_space<vmem>>, vector<16xf32>,
          %swap3A_712 = arith.index_cast %add3A_584 : i32 to index
          %swap3A_713 = arith.constant 96 : index
          %swap3A_714 = tpu.vector_load %arg14[%swap3A_712, %swap3A_713] {strides = array<i32>} : memref<64x128xf32, #tpu.memory_space<vmem>>, vector<16xf32>,
          tpu.vector_store %arg14[%swap3A_712, %swap3A_713], %gather3A_680 {strides = array<i32>} : memref<64x128xf32, #tpu.memory_space<vmem>>, vector<16xf32>,
          %swap3A_715 = arith.index_cast %add3A_584 : i32 to index
          %swap3A_716 = arith.constant 112 : index
          %swap3A_717 = tpu.vector_load %arg14[%swap3A_715, %swap3A_716] {strides = array<i32>} : memref<64x128xf32, #tpu.memory_space<vmem>>, vector<16xf32>,
          tpu.vector_store %arg14[%swap3A_715, %swap3A_716], %gather3A_693 {strides = array<i32>} : memref<64x128xf32, #tpu.memory_space<vmem>>, vector<16xf32>,
          %scan3A_718 = arith.constant 0 : i32
          scf.yield %scan3A_718 : i32
        }
        %scan3A_151 = arith.constant 16 : i32
        %scan3A_152 = arith.constant 0 : i32
        %scan3A_153 = arith.constant 0 : i32
        %scan3A_154 = arith.constant 64 : i32
        %scan3A_155 = arith.addi %scan3A_153, %scan3A_154 : i32
        %scan3A_156 = arith.constant 1 : i32
        %scan3A_157 = scf.for %scan3A_173 = %scan3A_153 to %scan3A_155 step %scan3A_156 iter_args(%scan3A_174 = %scan3A_152) -> (i32)  : i32 {
          %mul3A_175 = arith.constant 2 : i32
          %mul3A_176 = arith.muli %scan3A_173, %mul3A_175 : i32
          %add3A_177 = arith.constant 0 : i32
          %add3A_178 = arith.addi %mul3A_176, %add3A_177 : i32
          %sub3A = vector.broadcast %add3A_178 : i32 to vector<16xi32>
          %sub3A_179 = arith.subi %sub3A, %iota3A : vector<16xi32>
          %and3A = arith.constant 15 : i32
          %and3A_180 = vector.broadcast %and3A : i32 to vector<16xi32>
          %and3A_181 = arith.andi %sub3A_179, %and3A_180 : vector<16xi32>
          %and3A_182 = arith.constant 112 : i32
          %and3A_183 = arith.andi %add3A_178, %and3A_182 : i32
          %add3A_184 = vector.broadcast %and3A_183 : i32 to vector<16xi32>
          %add3A_185 = arith.addi %and3A_181, %add3A_184 : vector<16xi32>
          %gather3A = tpu.vector_load_idx %arg14[%add3A_135, %add3A_185] : memref<64x128xf32, #tpu.memory_space<vmem>>[vector<16xi32>, vector<16xi32>], vector<16xf32>,
          %gather3A_186 = tpu.vector_load_idx %arg14[%add3A_138, %add3A_185] : memref<64x128xf32, #tpu.memory_space<vmem>>[vector<16xi32>, vector<16xi32>], vector<16xf32>,
          %gather3A_187 = tpu.vector_load_idx %arg14[%add3A_141, %add3A_185] : memref<64x128xf32, #tpu.memory_space<vmem>>[vector<16xi32>, vector<16xi32>], vector<16xf32>,
          %gather3A_188 = tpu.vector_load_idx %arg14[%add3A_144, %add3A_185] : memref<64x128xf32, #tpu.memory_space<vmem>>[vector<16xi32>, vector<16xi32>], vector<16xf32>,
          %swap3A = arith.index_cast %add3A_178 : i32 to index
          %swap3A_189 = arith.constant 0 : index
          %swap3A_190 = tpu.vector_load %arg11[%swap3A, %swap3A_189] {strides = array<i32>} : memref<128x128xf32, #tpu.memory_space<vmem>>, vector<16xf32>,
          tpu.vector_store %arg11[%swap3A, %swap3A_189], %gather3A {strides = array<i32>} : memref<128x128xf32, #tpu.memory_space<vmem>>, vector<16xf32>,
          %swap3A_191 = arith.index_cast %add3A_178 : i32 to index
          %swap3A_192 = arith.constant 16 : index
          %swap3A_193 = tpu.vector_load %arg11[%swap3A_191, %swap3A_192] {strides = array<i32>} : memref<128x128xf32, #tpu.memory_space<vmem>>, vector<16xf32>,
          tpu.vector_store %arg11[%swap3A_191, %swap3A_192], %gather3A_186 {strides = array<i32>} : memref<128x128xf32, #tpu.memory_space<vmem>>, vector<16xf32>,
          %swap3A_194 = arith.index_cast %add3A_178 : i32 to index
          %swap3A_195 = arith.constant 32 : index
          %swap3A_196 = tpu.vector_load %arg11[%swap3A_194, %swap3A_195] {strides = array<i32>} : memref<128x128xf32, #tpu.memory_space<vmem>>, vector<16xf32>,
          tpu.vector_store %arg11[%swap3A_194, %swap3A_195], %gather3A_187 {strides = array<i32>} : memref<128x128xf32, #tpu.memory_space<vmem>>, vector<16xf32>,
          %swap3A_197 = arith.index_cast %add3A_178 : i32 to index
          %swap3A_198 = arith.constant 48 : index
          %swap3A_199 = tpu.vector_load %arg11[%swap3A_197, %swap3A_198] {strides = array<i32>} : memref<128x128xf32, #tpu.memory_space<vmem>>, vector<16xf32>,
          tpu.vector_store %arg11[%swap3A_197, %swap3A_198], %gather3A_188 {strides = array<i32>} : memref<128x128xf32, #tpu.memory_space<vmem>>, vector<16xf32>,
          %mul3A_200 = arith.constant 2 : i32
          %mul3A_201 = arith.muli %scan3A_173, %mul3A_200 : i32
          %add3A_202 = arith.constant 1 : i32
          %add3A_203 = arith.addi %mul3A_201, %add3A_202 : i32
          %sub3A_204 = vector.broadcast %add3A_203 : i32 to vector<16xi32>
          %sub3A_205 = arith.subi %sub3A_204, %iota3A : vector<16xi32>
          %and3A_206 = arith.constant 15 : i32
          %and3A_207 = vector.broadcast %and3A_206 : i32 to vector<16xi32>
          %and3A_208 = arith.andi %sub3A_205, %and3A_207 : vector<16xi32>
          %and3A_209 = arith.constant 112 : i32
          %and3A_210 = arith.andi %add3A_203, %and3A_209 : i32
          %add3A_211 = vector.broadcast %and3A_210 : i32 to vector<16xi32>
          %add3A_212 = arith.addi %and3A_208, %add3A_211 : vector<16xi32>
          %gather3A_213 = tpu.vector_load_idx %arg14[%add3A_135, %add3A_212] : memref<64x128xf32, #tpu.memory_space<vmem>>[vector<16xi32>, vector<16xi32>], vector<16xf32>,
          %gather3A_214 = tpu.vector_load_idx %arg14[%add3A_138, %add3A_212] : memref<64x128xf32, #tpu.memory_space<vmem>>[vector<16xi32>, vector<16xi32>], vector<16xf32>,
          %gather3A_215 = tpu.vector_load_idx %arg14[%add3A_141, %add3A_212] : memref<64x128xf32, #tpu.memory_space<vmem>>[vector<16xi32>, vector<16xi32>], vector<16xf32>,
          %gather3A_216 = tpu.vector_load_idx %arg14[%add3A_144, %add3A_212] : memref<64x128xf32, #tpu.memory_space<vmem>>[vector<16xi32>, vector<16xi32>], vector<16xf32>,
          %swap3A_217 = arith.index_cast %add3A_203 : i32 to index
          %swap3A_218 = arith.constant 0 : index
          %swap3A_219 = tpu.vector_load %arg11[%swap3A_217, %swap3A_218] {strides = array<i32>} : memref<128x128xf32, #tpu.memory_space<vmem>>, vector<16xf32>,
          tpu.vector_store %arg11[%swap3A_217, %swap3A_218], %gather3A_213 {strides = array<i32>} : memref<128x128xf32, #tpu.memory_space<vmem>>, vector<16xf32>,
          %swap3A_220 = arith.index_cast %add3A_203 : i32 to index
          %swap3A_221 = arith.constant 16 : index
          %swap3A_222 = tpu.vector_load %arg11[%swap3A_220, %swap3A_221] {strides = array<i32>} : memref<128x128xf32, #tpu.memory_space<vmem>>, vector<16xf32>,
          tpu.vector_store %arg11[%swap3A_220, %swap3A_221], %gather3A_214 {strides = array<i32>} : memref<128x128xf32, #tpu.memory_space<vmem>>, vector<16xf32>,
          %swap3A_223 = arith.index_cast %add3A_203 : i32 to index
          %swap3A_224 = arith.constant 32 : index
          %swap3A_225 = tpu.vector_load %arg11[%swap3A_223, %swap3A_224] {strides = array<i32>} : memref<128x128xf32, #tpu.memory_space<vmem>>, vector<16xf32>,
          tpu.vector_store %arg11[%swap3A_223, %swap3A_224], %gather3A_215 {strides = array<i32>} : memref<128x128xf32, #tpu.memory_space<vmem>>, vector<16xf32>,
          %swap3A_226 = arith.index_cast %add3A_203 : i32 to index
          %swap3A_227 = arith.constant 48 : index
          %swap3A_228 = tpu.vector_load %arg11[%swap3A_226, %swap3A_227] {strides = array<i32>} : memref<128x128xf32, #tpu.memory_space<vmem>>, vector<16xf32>,
          tpu.vector_store %arg11[%swap3A_226, %swap3A_227], %gather3A_216 {strides = array<i32>} : memref<128x128xf32, #tpu.memory_space<vmem>>, vector<16xf32>,
          %scan3A_229 = arith.constant 0 : i32
          scf.yield %scan3A_229 : i32
        }
        %scan3A_158 = arith.constant 64 : i32
        %add3A_159 = arith.addi %add3A_8, %add3A_107 : i32
        %mul3A_160 = arith.constant 128 : i32
        %mul3A_161 = arith.muli %add3A_159, %mul3A_160 : i32
        %multiple_of3A_162 = tpu.assume_multiple %mul3A_161, 128 : i32
        %dma_start3A_163 = arith.constant 0 : i32
        %dma_start3A_164 = tpu.memref_slice %arg4[%multiple_of3A_162, %dma_start3A_163] : memref<1000000x128xf32, #tpu.memory_space<hbm>> -> memref<128x128xf32, #tpu.memory_space<hbm>>
        %dma_start3A_165 = arith.constant 0 : i32
        %dma_start3A_166 = tpu.memref_slice %arg4[%multiple_of3A_162, %dma_start3A_165] : memref<1000000x128xf32, #tpu.memory_space<hbm>> -> memref<128x128xf32, #tpu.memory_space<hbm>>
        tpu.enqueue_dma source(%arg11 : memref<128x128xf32, #tpu.memory_space<vmem>>) target(%dma_start3A_166 : memref<128x128xf32, #tpu.memory_space<hbm>>) target_semaphore(%arg21 : memref<!tpu.dma_semaphore, #tpu.memory_space<semaphore_mem>>)
        %add3A_167 = arith.constant 4 : i32
        %add3A_168 = arith.addi %add3A_107, %add3A_167 : i32
        %lt3A_169 = arith.cmpi slt, %add3A_168, %add3A_4 : i32
        %convert_element_type3A_170 = arith.extui %lt3A_169 : i1 to i32
        %cond3A_171 = arith.constant 0 : i32
        %cond3A_172 = arith.cmpi ne, %convert_element_type3A_170, %cond3A_171 : i32
        scf.if %cond3A_172 {
          %add3A_173 = arith.constant 4 : i32
          %add3A_174 = arith.addi %add3A_107, %add3A_173 : i32
          %add3A_175 = arith.addi %add3A_8, %add3A_174 : i32
          %mul3A_176 = arith.constant 128 : i32
          %mul3A_177 = arith.muli %add3A_175, %mul3A_176 : i32
          %multiple_of3A_178 = tpu.assume_multiple %mul3A_177, 128 : i32
          %dma_start3A_179 = arith.constant 0 : i32
          %dma_start3A_180 = tpu.memref_slice %arg2[%dma_start3A_179, %multiple_of3A_178] : memref<64x1000000xf32, #tpu.memory_space<hbm>> -> memref<64x128xf32, #tpu.memory_space<hbm>>
          %dma_start3A_181 = arith.constant 0 : i32
          %dma_start3A_182 = tpu.memref_slice %arg2[%dma_start3A_181, %multiple_of3A_178] : memref<64x1000000xf32, #tpu.memory_space<hbm>> -> memref<64x128xf32, #tpu.memory_space<hbm>>
          tpu.enqueue_dma source(%dma_start3A_182 : memref<64x128xf32, #tpu.memory_space<hbm>>) target(%arg7 : memref<64x128xf32, #tpu.memory_space<vmem>>) target_semaphore(%arg17 : memref<!tpu.dma_semaphore, #tpu.memory_space<semaphore_mem>>)
        } else {
        }
      } else {
      }
      %mul3A_112 = arith.constant 4 : i32
      %mul3A_113 = arith.muli %scan3A_86, %mul3A_112 : i32
      %add3A_114 = arith.constant 3 : i32
      %add3A_115 = arith.addi %mul3A_113, %add3A_114 : i32
      %lt3A_116 = arith.cmpi slt, %add3A_115, %add3A_4 : i32
      %convert_element_type3A_117 = arith.extui %lt3A_116 : i1 to i32
      %cond3A_118 = arith.constant 0 : i32
      %cond3A_119 = arith.cmpi ne, %convert_element_type3A_117, %cond3A_118 : i32
      scf.if %cond3A_119 {
        %add3A_121 = arith.addi %add3A_8, %add3A_115 : i32
        %mul3A_122 = arith.constant 128 : i32
        %mul3A_123 = arith.muli %add3A_121, %mul3A_122 : i32
        %multiple_of3A_124 = tpu.assume_multiple %mul3A_123, 128 : i32
        %dma_wait3A_125 = arith.constant 0 : i32
        %dma_wait3A_126 = tpu.memref_slice %arg2[%dma_wait3A_125, %multiple_of3A_124] : memref<64x1000000xf32, #tpu.memory_space<hbm>> -> memref<64x128xf32, #tpu.memory_space<hbm>>
        %dma_wait3A_127 = arith.constant 0 : i32
        %dma_wait3A_128 = tpu.memref_slice %arg2[%dma_wait3A_127, %multiple_of3A_124] : memref<64x1000000xf32, #tpu.memory_space<hbm>> -> memref<64x128xf32, #tpu.memory_space<hbm>>
        tpu.wait_dma2 semaphore(%arg18 : memref<!tpu.dma_semaphore, #tpu.memory_space<semaphore_mem>>) src(%dma_wait3A_128 : memref<64x128xf32, #tpu.memory_space<hbm>>) dst(%arg8 : memref<64x128xf32, #tpu.memory_space<vmem>>)
        %ge3A = arith.constant 4 : i32
        %ge3A_129 = arith.cmpi sge, %add3A_115, %ge3A : i32
        %convert_element_type3A_130 = arith.extui %ge3A_129 : i1 to i32
        %cond3A_131 = arith.constant 0 : i32
        %cond3A_132 = arith.cmpi ne, %convert_element_type3A_130, %cond3A_131 : i32
        scf.if %cond3A_132 {
          %sub3A = arith.constant 4 : i32
          %sub3A_173 = arith.subi %add3A_115, %sub3A : i32
          %add3A_174 = arith.addi %add3A_8, %sub3A_173 : i32
          %mul3A_175 = arith.constant 128 : i32
          %mul3A_176 = arith.muli %add3A_174, %mul3A_175 : i32
          %multiple_of3A_177 = tpu.assume_multiple %mul3A_176, 128 : i32
          %dma_wait3A_178 = arith.constant 0 : i32
          %dma_wait3A_179 = tpu.memref_slice %arg4[%multiple_of3A_177, %dma_wait3A_178] : memref<1000000x128xf32, #tpu.memory_space<hbm>> -> memref<128x128xf32, #tpu.memory_space<hbm>>
          %dma_wait3A_180 = arith.constant 0 : i32
          %dma_wait3A_181 = tpu.memref_slice %arg4[%multiple_of3A_177, %dma_wait3A_180] : memref<1000000x128xf32, #tpu.memory_space<hbm>> -> memref<128x128xf32, #tpu.memory_space<hbm>>
          tpu.wait_dma2 semaphore(%arg22 : memref<!tpu.dma_semaphore, #tpu.memory_space<semaphore_mem>>) src(%arg12 : memref<128x128xf32, #tpu.memory_space<vmem>>) dst(%dma_wait3A_181 : memref<128x128xf32, #tpu.memory_space<hbm>>)
        } else {
        }
        %add3A_133 = arith.constant 0 : i32
        %add3A_134 = vector.broadcast %add3A_133 : i32 to vector<16xi32>
        %add3A_135 = arith.addi %iota3A, %add3A_134 : vector<16xi32>
        %add3A_136 = arith.constant 16 : i32
        %add3A_137 = vector.broadcast %add3A_136 : i32 to vector<16xi32>
        %add3A_138 = arith.addi %iota3A, %add3A_137 : vector<16xi32>
        %add3A_139 = arith.constant 32 : i32
        %add3A_140 = vector.broadcast %add3A_139 : i32 to vector<16xi32>
        %add3A_141 = arith.addi %iota3A, %add3A_140 : vector<16xi32>
        %add3A_142 = arith.constant 48 : i32
        %add3A_143 = vector.broadcast %add3A_142 : i32 to vector<16xi32>
        %add3A_144 = arith.addi %iota3A, %add3A_143 : vector<16xi32>
        %scan3A_145 = arith.constant 0 : i32
        %scan3A_146 = arith.constant 0 : i32
        %scan3A_147 = arith.constant 16 : i32
        %scan3A_148 = arith.addi %scan3A_146, %scan3A_147 : i32
        %scan3A_149 = arith.constant 1 : i32
        %scan3A_150 = scf.for %scan3A_173 = %scan3A_146 to %scan3A_148 step %scan3A_149 iter_args(%scan3A_174 = %scan3A_145) -> (i32)  : i32 {
          %mul3A_175 = arith.constant 4 : i32
          %mul3A_176 = arith.muli %scan3A_173, %mul3A_175 : i32
          %add3A_177 = arith.constant 0 : i32
          %add3A_178 = arith.addi %mul3A_176, %add3A_177 : i32
          %add3A_179 = vector.broadcast %add3A_178 : i32 to vector<16xi32>
          %add3A_180 = arith.addi %iota3A, %add3A_179 : vector<16xi32>
          %and3A = arith.constant 15 : i32
          %and3A_181 = vector.broadcast %and3A : i32 to vector<16xi32>
          %and3A_182 = arith.andi %add3A_180, %and3A_181 : vector<16xi32>
          %get3A = arith.index_cast %add3A_178 : i32 to index
          %get3A_183 = arith.constant 0 : index
          %get3A_184 = tpu.vector_load %arg8[%get3A, %get3A_183] {strides = array<i32>} : memref<64x128xf32, #tpu.memory_space<vmem>>, vector<16xf32>,
          %lt3A_185 = arith.constant 0 : i32
          %lt3A_186 = vector.broadcast %lt3A_185 : i32 to vector<16xi32>
          %lt3A_187 = arith.cmpi slt, %and3A_182, %lt3A_186 : vector<16xi32>
          %add3A_188 = arith.constant 16 : i32
          %add3A_189 = vector.broadcast %add3A_188 : i32 to vector<16xi32>
          %add3A_190 = arith.addi %and3A_182, %add3A_189 : vector<16xi32>
          %select_n3A_191 = arith.select %lt3A_187, %add3A_190, %and3A_182 : vector<16xi1>, vector<16xi32>
          %broadcast_in_dim3A = vector.shape_cast %select_n3A_191 : vector<16xi32> to vector<16x1xi32>
          %gather3A = vector.shape_cast %broadcast_in_dim3A : vector<16x1xi32> to vector<16xi32>
          %gather3A_192 = tpu.dynamic_gather %get3A_184[%gather3A] in [0] : vector<16xf32>, vector<16xi32> -> vector<16xf32>
          %get3A_193 = arith.index_cast %add3A_178 : i32 to index
          %get3A_194 = arith.constant 16 : index
          %get3A_195 = tpu.vector_load %arg8[%get3A_193, %get3A_194] {strides = array<i32>} : memref<64x128xf32, #tpu.memory_space<vmem>>, vector<16xf32>,
          %lt3A_196 = arith.constant 0 : i32
          %lt3A_197 = vector.broadcast %lt3A_196 : i32 to vector<16xi32>
          %lt3A_198 = arith.cmpi slt, %and3A_182, %lt3A_197 : vector<16xi32>
          %add3A_199 = arith.constant 16 : i32
          %add3A_200 = vector.broadcast %add3A_199 : i32 to vector<16xi32>
          %add3A_201 = arith.addi %and3A_182, %add3A_200 : vector<16xi32>
          %select_n3A_202 = arith.select %lt3A_198, %add3A_201, %and3A_182 : vector<16xi1>, vector<16xi32>
          %broadcast_in_dim3A_203 = vector.shape_cast %select_n3A_202 : vector<16xi32> to vector<16x1xi32>
          %gather3A_204 = vector.shape_cast %broadcast_in_dim3A_203 : vector<16x1xi32> to vector<16xi32>
          %gather3A_205 = tpu.dynamic_gather %get3A_195[%gather3A_204] in [0] : vector<16xf32>, vector<16xi32> -> vector<16xf32>
          %get3A_206 = arith.index_cast %add3A_178 : i32 to index
          %get3A_207 = arith.constant 32 : index
          %get3A_208 = tpu.vector_load %arg8[%get3A_206, %get3A_207] {strides = array<i32>} : memref<64x128xf32, #tpu.memory_space<vmem>>, vector<16xf32>,
          %lt3A_209 = arith.constant 0 : i32
          %lt3A_210 = vector.broadcast %lt3A_209 : i32 to vector<16xi32>
          %lt3A_211 = arith.cmpi slt, %and3A_182, %lt3A_210 : vector<16xi32>
          %add3A_212 = arith.constant 16 : i32
          %add3A_213 = vector.broadcast %add3A_212 : i32 to vector<16xi32>
          %add3A_214 = arith.addi %and3A_182, %add3A_213 : vector<16xi32>
          %select_n3A_215 = arith.select %lt3A_211, %add3A_214, %and3A_182 : vector<16xi1>, vector<16xi32>
          %broadcast_in_dim3A_216 = vector.shape_cast %select_n3A_215 : vector<16xi32> to vector<16x1xi32>
          %gather3A_217 = vector.shape_cast %broadcast_in_dim3A_216 : vector<16x1xi32> to vector<16xi32>
          %gather3A_218 = tpu.dynamic_gather %get3A_208[%gather3A_217] in [0] : vector<16xf32>, vector<16xi32> -> vector<16xf32>
          %get3A_219 = arith.index_cast %add3A_178 : i32 to index
          %get3A_220 = arith.constant 48 : index
          %get3A_221 = tpu.vector_load %arg8[%get3A_219, %get3A_220] {strides = array<i32>} : memref<64x128xf32, #tpu.memory_space<vmem>>, vector<16xf32>,
          %lt3A_222 = arith.constant 0 : i32
          %lt3A_223 = vector.broadcast %lt3A_222 : i32 to vector<16xi32>
          %lt3A_224 = arith.cmpi slt, %and3A_182, %lt3A_223 : vector<16xi32>
          %add3A_225 = arith.constant 16 : i32
          %add3A_226 = vector.broadcast %add3A_225 : i32 to vector<16xi32>
          %add3A_227 = arith.addi %and3A_182, %add3A_226 : vector<16xi32>
          %select_n3A_228 = arith.select %lt3A_224, %add3A_227, %and3A_182 : vector<16xi1>, vector<16xi32>
          %broadcast_in_dim3A_229 = vector.shape_cast %select_n3A_228 : vector<16xi32> to vector<16x1xi32>
          %gather3A_230 = vector.shape_cast %broadcast_in_dim3A_229 : vector<16x1xi32> to vector<16xi32>
          %gather3A_231 = tpu.dynamic_gather %get3A_221[%gather3A_230] in [0] : vector<16xf32>, vector<16xi32> -> vector<16xf32>
          %get3A_232 = arith.index_cast %add3A_178 : i32 to index
          %get3A_233 = arith.constant 64 : index
          %get3A_234 = tpu.vector_load %arg8[%get3A_232, %get3A_233] {strides = array<i32>} : memref<64x128xf32, #tpu.memory_space<vmem>>, vector<16xf32>,
          %lt3A_235 = arith.constant 0 : i32
          %lt3A_236 = vector.broadcast %lt3A_235 : i32 to vector<16xi32>
          %lt3A_237 = arith.cmpi slt, %and3A_182, %lt3A_236 : vector<16xi32>
          %add3A_238 = arith.constant 16 : i32
          %add3A_239 = vector.broadcast %add3A_238 : i32 to vector<16xi32>
          %add3A_240 = arith.addi %and3A_182, %add3A_239 : vector<16xi32>
          %select_n3A_241 = arith.select %lt3A_237, %add3A_240, %and3A_182 : vector<16xi1>, vector<16xi32>
          %broadcast_in_dim3A_242 = vector.shape_cast %select_n3A_241 : vector<16xi32> to vector<16x1xi32>
          %gather3A_243 = vector.shape_cast %broadcast_in_dim3A_242 : vector<16x1xi32> to vector<16xi32>
          %gather3A_244 = tpu.dynamic_gather %get3A_234[%gather3A_243] in [0] : vector<16xf32>, vector<16xi32> -> vector<16xf32>
          %get3A_245 = arith.index_cast %add3A_178 : i32 to index
          %get3A_246 = arith.constant 80 : index
          %get3A_247 = tpu.vector_load %arg8[%get3A_245, %get3A_246] {strides = array<i32>} : memref<64x128xf32, #tpu.memory_space<vmem>>, vector<16xf32>,
          %lt3A_248 = arith.constant 0 : i32
          %lt3A_249 = vector.broadcast %lt3A_248 : i32 to vector<16xi32>
          %lt3A_250 = arith.cmpi slt, %and3A_182, %lt3A_249 : vector<16xi32>
          %add3A_251 = arith.constant 16 : i32
          %add3A_252 = vector.broadcast %add3A_251 : i32 to vector<16xi32>
          %add3A_253 = arith.addi %and3A_182, %add3A_252 : vector<16xi32>
          %select_n3A_254 = arith.select %lt3A_250, %add3A_253, %and3A_182 : vector<16xi1>, vector<16xi32>
          %broadcast_in_dim3A_255 = vector.shape_cast %select_n3A_254 : vector<16xi32> to vector<16x1xi32>
          %gather3A_256 = vector.shape_cast %broadcast_in_dim3A_255 : vector<16x1xi32> to vector<16xi32>
          %gather3A_257 = tpu.dynamic_gather %get3A_247[%gather3A_256] in [0] : vector<16xf32>, vector<16xi32> -> vector<16xf32>
          %get3A_258 = arith.index_cast %add3A_178 : i32 to index
          %get3A_259 = arith.constant 96 : index
          %get3A_260 = tpu.vector_load %arg8[%get3A_258, %get3A_259] {strides = array<i32>} : memref<64x128xf32, #tpu.memory_space<vmem>>, vector<16xf32>,
          %lt3A_261 = arith.constant 0 : i32
          %lt3A_262 = vector.broadcast %lt3A_261 : i32 to vector<16xi32>
          %lt3A_263 = arith.cmpi slt, %and3A_182, %lt3A_262 : vector<16xi32>
          %add3A_264 = arith.constant 16 : i32
          %add3A_265 = vector.broadcast %add3A_264 : i32 to vector<16xi32>
          %add3A_266 = arith.addi %and3A_182, %add3A_265 : vector<16xi32>
          %select_n3A_267 = arith.select %lt3A_263, %add3A_266, %and3A_182 : vector<16xi1>, vector<16xi32>
          %broadcast_in_dim3A_268 = vector.shape_cast %select_n3A_267 : vector<16xi32> to vector<16x1xi32>
          %gather3A_269 = vector.shape_cast %broadcast_in_dim3A_268 : vector<16x1xi32> to vector<16xi32>
          %gather3A_270 = tpu.dynamic_gather %get3A_260[%gather3A_269] in [0] : vector<16xf32>, vector<16xi32> -> vector<16xf32>
          %get3A_271 = arith.index_cast %add3A_178 : i32 to index
          %get3A_272 = arith.constant 112 : index
          %get3A_273 = tpu.vector_load %arg8[%get3A_271, %get3A_272] {strides = array<i32>} : memref<64x128xf32, #tpu.memory_space<vmem>>, vector<16xf32>,
          %lt3A_274 = arith.constant 0 : i32
          %lt3A_275 = vector.broadcast %lt3A_274 : i32 to vector<16xi32>
          %lt3A_276 = arith.cmpi slt, %and3A_182, %lt3A_275 : vector<16xi32>
          %add3A_277 = arith.constant 16 : i32
          %add3A_278 = vector.broadcast %add3A_277 : i32 to vector<16xi32>
          %add3A_279 = arith.addi %and3A_182, %add3A_278 : vector<16xi32>
          %select_n3A_280 = arith.select %lt3A_276, %add3A_279, %and3A_182 : vector<16xi1>, vector<16xi32>
          %broadcast_in_dim3A_281 = vector.shape_cast %select_n3A_280 : vector<16xi32> to vector<16x1xi32>
          %gather3A_282 = vector.shape_cast %broadcast_in_dim3A_281 : vector<16x1xi32> to vector<16xi32>
          %gather3A_283 = tpu.dynamic_gather %get3A_273[%gather3A_282] in [0] : vector<16xf32>, vector<16xi32> -> vector<16xf32>
          %swap3A = arith.index_cast %add3A_178 : i32 to index
          %swap3A_284 = arith.constant 0 : index
          %swap3A_285 = tpu.vector_load %arg14[%swap3A, %swap3A_284] {strides = array<i32>} : memref<64x128xf32, #tpu.memory_space<vmem>>, vector<16xf32>,
          tpu.vector_store %arg14[%swap3A, %swap3A_284], %gather3A_192 {strides = array<i32>} : memref<64x128xf32, #tpu.memory_space<vmem>>, vector<16xf32>,
          %swap3A_286 = arith.index_cast %add3A_178 : i32 to index
          %swap3A_287 = arith.constant 16 : index
          %swap3A_288 = tpu.vector_load %arg14[%swap3A_286, %swap3A_287] {strides = array<i32>} : memref<64x128xf32, #tpu.memory_space<vmem>>, vector<16xf32>,
          tpu.vector_store %arg14[%swap3A_286, %swap3A_287], %gather3A_205 {strides = array<i32>} : memref<64x128xf32, #tpu.memory_space<vmem>>, vector<16xf32>,
          %swap3A_289 = arith.index_cast %add3A_178 : i32 to index
          %swap3A_290 = arith.constant 32 : index
          %swap3A_291 = tpu.vector_load %arg14[%swap3A_289, %swap3A_290] {strides = array<i32>} : memref<64x128xf32, #tpu.memory_space<vmem>>, vector<16xf32>,
          tpu.vector_store %arg14[%swap3A_289, %swap3A_290], %gather3A_218 {strides = array<i32>} : memref<64x128xf32, #tpu.memory_space<vmem>>, vector<16xf32>,
          %swap3A_292 = arith.index_cast %add3A_178 : i32 to index
          %swap3A_293 = arith.constant 48 : index
          %swap3A_294 = tpu.vector_load %arg14[%swap3A_292, %swap3A_293] {strides = array<i32>} : memref<64x128xf32, #tpu.memory_space<vmem>>, vector<16xf32>,
          tpu.vector_store %arg14[%swap3A_292, %swap3A_293], %gather3A_231 {strides = array<i32>} : memref<64x128xf32, #tpu.memory_space<vmem>>, vector<16xf32>,
          %swap3A_295 = arith.index_cast %add3A_178 : i32 to index
          %swap3A_296 = arith.constant 64 : index
          %swap3A_297 = tpu.vector_load %arg14[%swap3A_295, %swap3A_296] {strides = array<i32>} : memref<64x128xf32, #tpu.memory_space<vmem>>, vector<16xf32>,
          tpu.vector_store %arg14[%swap3A_295, %swap3A_296], %gather3A_244 {strides = array<i32>} : memref<64x128xf32, #tpu.memory_space<vmem>>, vector<16xf32>,
          %swap3A_298 = arith.index_cast %add3A_178 : i32 to index
          %swap3A_299 = arith.constant 80 : index
          %swap3A_300 = tpu.vector_load %arg14[%swap3A_298, %swap3A_299] {strides = array<i32>} : memref<64x128xf32, #tpu.memory_space<vmem>>, vector<16xf32>,
          tpu.vector_store %arg14[%swap3A_298, %swap3A_299], %gather3A_257 {strides = array<i32>} : memref<64x128xf32, #tpu.memory_space<vmem>>, vector<16xf32>,
          %swap3A_301 = arith.index_cast %add3A_178 : i32 to index
          %swap3A_302 = arith.constant 96 : index
          %swap3A_303 = tpu.vector_load %arg14[%swap3A_301, %swap3A_302] {strides = array<i32>} : memref<64x128xf32, #tpu.memory_space<vmem>>, vector<16xf32>,
          tpu.vector_store %arg14[%swap3A_301, %swap3A_302], %gather3A_270 {strides = array<i32>} : memref<64x128xf32, #tpu.memory_space<vmem>>, vector<16xf32>,
          %swap3A_304 = arith.index_cast %add3A_178 : i32 to index
          %swap3A_305 = arith.constant 112 : index
          %swap3A_306 = tpu.vector_load %arg14[%swap3A_304, %swap3A_305] {strides = array<i32>} : memref<64x128xf32, #tpu.memory_space<vmem>>, vector<16xf32>,
          tpu.vector_store %arg14[%swap3A_304, %swap3A_305], %gather3A_283 {strides = array<i32>} : memref<64x128xf32, #tpu.memory_space<vmem>>, vector<16xf32>,
          %mul3A_307 = arith.constant 4 : i32
          %mul3A_308 = arith.muli %scan3A_173, %mul3A_307 : i32
          %add3A_309 = arith.constant 1 : i32
          %add3A_310 = arith.addi %mul3A_308, %add3A_309 : i32
          %add3A_311 = vector.broadcast %add3A_310 : i32 to vector<16xi32>
          %add3A_312 = arith.addi %iota3A, %add3A_311 : vector<16xi32>
          %and3A_313 = arith.constant 15 : i32
          %and3A_314 = vector.broadcast %and3A_313 : i32 to vector<16xi32>
          %and3A_315 = arith.andi %add3A_312, %and3A_314 : vector<16xi32>
          %get3A_316 = arith.index_cast %add3A_310 : i32 to index
          %get3A_317 = arith.constant 0 : index
          %get3A_318 = tpu.vector_load %arg8[%get3A_316, %get3A_317] {strides = array<i32>} : memref<64x128xf32, #tpu.memory_space<vmem>>, vector<16xf32>,
          %lt3A_319 = arith.constant 0 : i32
          %lt3A_320 = vector.broadcast %lt3A_319 : i32 to vector<16xi32>
          %lt3A_321 = arith.cmpi slt, %and3A_315, %lt3A_320 : vector<16xi32>
          %add3A_322 = arith.constant 16 : i32
          %add3A_323 = vector.broadcast %add3A_322 : i32 to vector<16xi32>
          %add3A_324 = arith.addi %and3A_315, %add3A_323 : vector<16xi32>
          %select_n3A_325 = arith.select %lt3A_321, %add3A_324, %and3A_315 : vector<16xi1>, vector<16xi32>
          %broadcast_in_dim3A_326 = vector.shape_cast %select_n3A_325 : vector<16xi32> to vector<16x1xi32>
          %gather3A_327 = vector.shape_cast %broadcast_in_dim3A_326 : vector<16x1xi32> to vector<16xi32>
          %gather3A_328 = tpu.dynamic_gather %get3A_318[%gather3A_327] in [0] : vector<16xf32>, vector<16xi32> -> vector<16xf32>
          %get3A_329 = arith.index_cast %add3A_310 : i32 to index
          %get3A_330 = arith.constant 16 : index
          %get3A_331 = tpu.vector_load %arg8[%get3A_329, %get3A_330] {strides = array<i32>} : memref<64x128xf32, #tpu.memory_space<vmem>>, vector<16xf32>,
          %lt3A_332 = arith.constant 0 : i32
          %lt3A_333 = vector.broadcast %lt3A_332 : i32 to vector<16xi32>
          %lt3A_334 = arith.cmpi slt, %and3A_315, %lt3A_333 : vector<16xi32>
          %add3A_335 = arith.constant 16 : i32
          %add3A_336 = vector.broadcast %add3A_335 : i32 to vector<16xi32>
          %add3A_337 = arith.addi %and3A_315, %add3A_336 : vector<16xi32>
          %select_n3A_338 = arith.select %lt3A_334, %add3A_337, %and3A_315 : vector<16xi1>, vector<16xi32>
          %broadcast_in_dim3A_339 = vector.shape_cast %select_n3A_338 : vector<16xi32> to vector<16x1xi32>
          %gather3A_340 = vector.shape_cast %broadcast_in_dim3A_339 : vector<16x1xi32> to vector<16xi32>
          %gather3A_341 = tpu.dynamic_gather %get3A_331[%gather3A_340] in [0] : vector<16xf32>, vector<16xi32> -> vector<16xf32>
          %get3A_342 = arith.index_cast %add3A_310 : i32 to index
          %get3A_343 = arith.constant 32 : index
          %get3A_344 = tpu.vector_load %arg8[%get3A_342, %get3A_343] {strides = array<i32>} : memref<64x128xf32, #tpu.memory_space<vmem>>, vector<16xf32>,
          %lt3A_345 = arith.constant 0 : i32
          %lt3A_346 = vector.broadcast %lt3A_345 : i32 to vector<16xi32>
          %lt3A_347 = arith.cmpi slt, %and3A_315, %lt3A_346 : vector<16xi32>
          %add3A_348 = arith.constant 16 : i32
          %add3A_349 = vector.broadcast %add3A_348 : i32 to vector<16xi32>
          %add3A_350 = arith.addi %and3A_315, %add3A_349 : vector<16xi32>
          %select_n3A_351 = arith.select %lt3A_347, %add3A_350, %and3A_315 : vector<16xi1>, vector<16xi32>
          %broadcast_in_dim3A_352 = vector.shape_cast %select_n3A_351 : vector<16xi32> to vector<16x1xi32>
          %gather3A_353 = vector.shape_cast %broadcast_in_dim3A_352 : vector<16x1xi32> to vector<16xi32>
          %gather3A_354 = tpu.dynamic_gather %get3A_344[%gather3A_353] in [0] : vector<16xf32>, vector<16xi32> -> vector<16xf32>
          %get3A_355 = arith.index_cast %add3A_310 : i32 to index
          %get3A_356 = arith.constant 48 : index
          %get3A_357 = tpu.vector_load %arg8[%get3A_355, %get3A_356] {strides = array<i32>} : memref<64x128xf32, #tpu.memory_space<vmem>>, vector<16xf32>,
          %lt3A_358 = arith.constant 0 : i32
          %lt3A_359 = vector.broadcast %lt3A_358 : i32 to vector<16xi32>
          %lt3A_360 = arith.cmpi slt, %and3A_315, %lt3A_359 : vector<16xi32>
          %add3A_361 = arith.constant 16 : i32
          %add3A_362 = vector.broadcast %add3A_361 : i32 to vector<16xi32>
          %add3A_363 = arith.addi %and3A_315, %add3A_362 : vector<16xi32>
          %select_n3A_364 = arith.select %lt3A_360, %add3A_363, %and3A_315 : vector<16xi1>, vector<16xi32>
          %broadcast_in_dim3A_365 = vector.shape_cast %select_n3A_364 : vector<16xi32> to vector<16x1xi32>
          %gather3A_366 = vector.shape_cast %broadcast_in_dim3A_365 : vector<16x1xi32> to vector<16xi32>
          %gather3A_367 = tpu.dynamic_gather %get3A_357[%gather3A_366] in [0] : vector<16xf32>, vector<16xi32> -> vector<16xf32>
          %get3A_368 = arith.index_cast %add3A_310 : i32 to index
          %get3A_369 = arith.constant 64 : index
          %get3A_370 = tpu.vector_load %arg8[%get3A_368, %get3A_369] {strides = array<i32>} : memref<64x128xf32, #tpu.memory_space<vmem>>, vector<16xf32>,
          %lt3A_371 = arith.constant 0 : i32
          %lt3A_372 = vector.broadcast %lt3A_371 : i32 to vector<16xi32>
          %lt3A_373 = arith.cmpi slt, %and3A_315, %lt3A_372 : vector<16xi32>
          %add3A_374 = arith.constant 16 : i32
          %add3A_375 = vector.broadcast %add3A_374 : i32 to vector<16xi32>
          %add3A_376 = arith.addi %and3A_315, %add3A_375 : vector<16xi32>
          %select_n3A_377 = arith.select %lt3A_373, %add3A_376, %and3A_315 : vector<16xi1>, vector<16xi32>
          %broadcast_in_dim3A_378 = vector.shape_cast %select_n3A_377 : vector<16xi32> to vector<16x1xi32>
          %gather3A_379 = vector.shape_cast %broadcast_in_dim3A_378 : vector<16x1xi32> to vector<16xi32>
          %gather3A_380 = tpu.dynamic_gather %get3A_370[%gather3A_379] in [0] : vector<16xf32>, vector<16xi32> -> vector<16xf32>
          %get3A_381 = arith.index_cast %add3A_310 : i32 to index
          %get3A_382 = arith.constant 80 : index
          %get3A_383 = tpu.vector_load %arg8[%get3A_381, %get3A_382] {strides = array<i32>} : memref<64x128xf32, #tpu.memory_space<vmem>>, vector<16xf32>,
          %lt3A_384 = arith.constant 0 : i32
          %lt3A_385 = vector.broadcast %lt3A_384 : i32 to vector<16xi32>
          %lt3A_386 = arith.cmpi slt, %and3A_315, %lt3A_385 : vector<16xi32>
          %add3A_387 = arith.constant 16 : i32
          %add3A_388 = vector.broadcast %add3A_387 : i32 to vector<16xi32>
          %add3A_389 = arith.addi %and3A_315, %add3A_388 : vector<16xi32>
          %select_n3A_390 = arith.select %lt3A_386, %add3A_389, %and3A_315 : vector<16xi1>, vector<16xi32>
          %broadcast_in_dim3A_391 = vector.shape_cast %select_n3A_390 : vector<16xi32> to vector<16x1xi32>
          %gather3A_392 = vector.shape_cast %broadcast_in_dim3A_391 : vector<16x1xi32> to vector<16xi32>
          %gather3A_393 = tpu.dynamic_gather %get3A_383[%gather3A_392] in [0] : vector<16xf32>, vector<16xi32> -> vector<16xf32>
          %get3A_394 = arith.index_cast %add3A_310 : i32 to index
          %get3A_395 = arith.constant 96 : index
          %get3A_396 = tpu.vector_load %arg8[%get3A_394, %get3A_395] {strides = array<i32>} : memref<64x128xf32, #tpu.memory_space<vmem>>, vector<16xf32>,
          %lt3A_397 = arith.constant 0 : i32
          %lt3A_398 = vector.broadcast %lt3A_397 : i32 to vector<16xi32>
          %lt3A_399 = arith.cmpi slt, %and3A_315, %lt3A_398 : vector<16xi32>
          %add3A_400 = arith.constant 16 : i32
          %add3A_401 = vector.broadcast %add3A_400 : i32 to vector<16xi32>
          %add3A_402 = arith.addi %and3A_315, %add3A_401 : vector<16xi32>
          %select_n3A_403 = arith.select %lt3A_399, %add3A_402, %and3A_315 : vector<16xi1>, vector<16xi32>
          %broadcast_in_dim3A_404 = vector.shape_cast %select_n3A_403 : vector<16xi32> to vector<16x1xi32>
          %gather3A_405 = vector.shape_cast %broadcast_in_dim3A_404 : vector<16x1xi32> to vector<16xi32>
          %gather3A_406 = tpu.dynamic_gather %get3A_396[%gather3A_405] in [0] : vector<16xf32>, vector<16xi32> -> vector<16xf32>
          %get3A_407 = arith.index_cast %add3A_310 : i32 to index
          %get3A_408 = arith.constant 112 : index
          %get3A_409 = tpu.vector_load %arg8[%get3A_407, %get3A_408] {strides = array<i32>} : memref<64x128xf32, #tpu.memory_space<vmem>>, vector<16xf32>,
          %lt3A_410 = arith.constant 0 : i32
          %lt3A_411 = vector.broadcast %lt3A_410 : i32 to vector<16xi32>
          %lt3A_412 = arith.cmpi slt, %and3A_315, %lt3A_411 : vector<16xi32>
          %add3A_413 = arith.constant 16 : i32
          %add3A_414 = vector.broadcast %add3A_413 : i32 to vector<16xi32>
          %add3A_415 = arith.addi %and3A_315, %add3A_414 : vector<16xi32>
          %select_n3A_416 = arith.select %lt3A_412, %add3A_415, %and3A_315 : vector<16xi1>, vector<16xi32>
          %broadcast_in_dim3A_417 = vector.shape_cast %select_n3A_416 : vector<16xi32> to vector<16x1xi32>
          %gather3A_418 = vector.shape_cast %broadcast_in_dim3A_417 : vector<16x1xi32> to vector<16xi32>
          %gather3A_419 = tpu.dynamic_gather %get3A_409[%gather3A_418] in [0] : vector<16xf32>, vector<16xi32> -> vector<16xf32>
          %swap3A_420 = arith.index_cast %add3A_310 : i32 to index
          %swap3A_421 = arith.constant 0 : index
          %swap3A_422 = tpu.vector_load %arg14[%swap3A_420, %swap3A_421] {strides = array<i32>} : memref<64x128xf32, #tpu.memory_space<vmem>>, vector<16xf32>,
          tpu.vector_store %arg14[%swap3A_420, %swap3A_421], %gather3A_328 {strides = array<i32>} : memref<64x128xf32, #tpu.memory_space<vmem>>, vector<16xf32>,
          %swap3A_423 = arith.index_cast %add3A_310 : i32 to index
          %swap3A_424 = arith.constant 16 : index
          %swap3A_425 = tpu.vector_load %arg14[%swap3A_423, %swap3A_424] {strides = array<i32>} : memref<64x128xf32, #tpu.memory_space<vmem>>, vector<16xf32>,
          tpu.vector_store %arg14[%swap3A_423, %swap3A_424], %gather3A_341 {strides = array<i32>} : memref<64x128xf32, #tpu.memory_space<vmem>>, vector<16xf32>,
          %swap3A_426 = arith.index_cast %add3A_310 : i32 to index
          %swap3A_427 = arith.constant 32 : index
          %swap3A_428 = tpu.vector_load %arg14[%swap3A_426, %swap3A_427] {strides = array<i32>} : memref<64x128xf32, #tpu.memory_space<vmem>>, vector<16xf32>,
          tpu.vector_store %arg14[%swap3A_426, %swap3A_427], %gather3A_354 {strides = array<i32>} : memref<64x128xf32, #tpu.memory_space<vmem>>, vector<16xf32>,
          %swap3A_429 = arith.index_cast %add3A_310 : i32 to index
          %swap3A_430 = arith.constant 48 : index
          %swap3A_431 = tpu.vector_load %arg14[%swap3A_429, %swap3A_430] {strides = array<i32>} : memref<64x128xf32, #tpu.memory_space<vmem>>, vector<16xf32>,
          tpu.vector_store %arg14[%swap3A_429, %swap3A_430], %gather3A_367 {strides = array<i32>} : memref<64x128xf32, #tpu.memory_space<vmem>>, vector<16xf32>,
          %swap3A_432 = arith.index_cast %add3A_310 : i32 to index
          %swap3A_433 = arith.constant 64 : index
          %swap3A_434 = tpu.vector_load %arg14[%swap3A_432, %swap3A_433] {strides = array<i32>} : memref<64x128xf32, #tpu.memory_space<vmem>>, vector<16xf32>,
          tpu.vector_store %arg14[%swap3A_432, %swap3A_433], %gather3A_380 {strides = array<i32>} : memref<64x128xf32, #tpu.memory_space<vmem>>, vector<16xf32>,
          %swap3A_435 = arith.index_cast %add3A_310 : i32 to index
          %swap3A_436 = arith.constant 80 : index
          %swap3A_437 = tpu.vector_load %arg14[%swap3A_435, %swap3A_436] {strides = array<i32>} : memref<64x128xf32, #tpu.memory_space<vmem>>, vector<16xf32>,
          tpu.vector_store %arg14[%swap3A_435, %swap3A_436], %gather3A_393 {strides = array<i32>} : memref<64x128xf32, #tpu.memory_space<vmem>>, vector<16xf32>,
          %swap3A_438 = arith.index_cast %add3A_310 : i32 to index
          %swap3A_439 = arith.constant 96 : index
          %swap3A_440 = tpu.vector_load %arg14[%swap3A_438, %swap3A_439] {strides = array<i32>} : memref<64x128xf32, #tpu.memory_space<vmem>>, vector<16xf32>,
          tpu.vector_store %arg14[%swap3A_438, %swap3A_439], %gather3A_406 {strides = array<i32>} : memref<64x128xf32, #tpu.memory_space<vmem>>, vector<16xf32>,
          %swap3A_441 = arith.index_cast %add3A_310 : i32 to index
          %swap3A_442 = arith.constant 112 : index
          %swap3A_443 = tpu.vector_load %arg14[%swap3A_441, %swap3A_442] {strides = array<i32>} : memref<64x128xf32, #tpu.memory_space<vmem>>, vector<16xf32>,
          tpu.vector_store %arg14[%swap3A_441, %swap3A_442], %gather3A_419 {strides = array<i32>} : memref<64x128xf32, #tpu.memory_space<vmem>>, vector<16xf32>,
          %mul3A_444 = arith.constant 4 : i32
          %mul3A_445 = arith.muli %scan3A_173, %mul3A_444 : i32
          %add3A_446 = arith.constant 2 : i32
          %add3A_447 = arith.addi %mul3A_445, %add3A_446 : i32
          %add3A_448 = vector.broadcast %add3A_447 : i32 to vector<16xi32>
          %add3A_449 = arith.addi %iota3A, %add3A_448 : vector<16xi32>
          %and3A_450 = arith.constant 15 : i32
          %and3A_451 = vector.broadcast %and3A_450 : i32 to vector<16xi32>
          %and3A_452 = arith.andi %add3A_449, %and3A_451 : vector<16xi32>
          %get3A_453 = arith.index_cast %add3A_447 : i32 to index
          %get3A_454 = arith.constant 0 : index
          %get3A_455 = tpu.vector_load %arg8[%get3A_453, %get3A_454] {strides = array<i32>} : memref<64x128xf32, #tpu.memory_space<vmem>>, vector<16xf32>,
          %lt3A_456 = arith.constant 0 : i32
          %lt3A_457 = vector.broadcast %lt3A_456 : i32 to vector<16xi32>
          %lt3A_458 = arith.cmpi slt, %and3A_452, %lt3A_457 : vector<16xi32>
          %add3A_459 = arith.constant 16 : i32
          %add3A_460 = vector.broadcast %add3A_459 : i32 to vector<16xi32>
          %add3A_461 = arith.addi %and3A_452, %add3A_460 : vector<16xi32>
          %select_n3A_462 = arith.select %lt3A_458, %add3A_461, %and3A_452 : vector<16xi1>, vector<16xi32>
          %broadcast_in_dim3A_463 = vector.shape_cast %select_n3A_462 : vector<16xi32> to vector<16x1xi32>
          %gather3A_464 = vector.shape_cast %broadcast_in_dim3A_463 : vector<16x1xi32> to vector<16xi32>
          %gather3A_465 = tpu.dynamic_gather %get3A_455[%gather3A_464] in [0] : vector<16xf32>, vector<16xi32> -> vector<16xf32>
          %get3A_466 = arith.index_cast %add3A_447 : i32 to index
          %get3A_467 = arith.constant 16 : index
          %get3A_468 = tpu.vector_load %arg8[%get3A_466, %get3A_467] {strides = array<i32>} : memref<64x128xf32, #tpu.memory_space<vmem>>, vector<16xf32>,
          %lt3A_469 = arith.constant 0 : i32
          %lt3A_470 = vector.broadcast %lt3A_469 : i32 to vector<16xi32>
          %lt3A_471 = arith.cmpi slt, %and3A_452, %lt3A_470 : vector<16xi32>
          %add3A_472 = arith.constant 16 : i32
          %add3A_473 = vector.broadcast %add3A_472 : i32 to vector<16xi32>
          %add3A_474 = arith.addi %and3A_452, %add3A_473 : vector<16xi32>
          %select_n3A_475 = arith.select %lt3A_471, %add3A_474, %and3A_452 : vector<16xi1>, vector<16xi32>
          %broadcast_in_dim3A_476 = vector.shape_cast %select_n3A_475 : vector<16xi32> to vector<16x1xi32>
          %gather3A_477 = vector.shape_cast %broadcast_in_dim3A_476 : vector<16x1xi32> to vector<16xi32>
          %gather3A_478 = tpu.dynamic_gather %get3A_468[%gather3A_477] in [0] : vector<16xf32>, vector<16xi32> -> vector<16xf32>
          %get3A_479 = arith.index_cast %add3A_447 : i32 to index
          %get3A_480 = arith.constant 32 : index
          %get3A_481 = tpu.vector_load %arg8[%get3A_479, %get3A_480] {strides = array<i32>} : memref<64x128xf32, #tpu.memory_space<vmem>>, vector<16xf32>,
          %lt3A_482 = arith.constant 0 : i32
          %lt3A_483 = vector.broadcast %lt3A_482 : i32 to vector<16xi32>
          %lt3A_484 = arith.cmpi slt, %and3A_452, %lt3A_483 : vector<16xi32>
          %add3A_485 = arith.constant 16 : i32
          %add3A_486 = vector.broadcast %add3A_485 : i32 to vector<16xi32>
          %add3A_487 = arith.addi %and3A_452, %add3A_486 : vector<16xi32>
          %select_n3A_488 = arith.select %lt3A_484, %add3A_487, %and3A_452 : vector<16xi1>, vector<16xi32>
          %broadcast_in_dim3A_489 = vector.shape_cast %select_n3A_488 : vector<16xi32> to vector<16x1xi32>
          %gather3A_490 = vector.shape_cast %broadcast_in_dim3A_489 : vector<16x1xi32> to vector<16xi32>
          %gather3A_491 = tpu.dynamic_gather %get3A_481[%gather3A_490] in [0] : vector<16xf32>, vector<16xi32> -> vector<16xf32>
          %get3A_492 = arith.index_cast %add3A_447 : i32 to index
          %get3A_493 = arith.constant 48 : index
          %get3A_494 = tpu.vector_load %arg8[%get3A_492, %get3A_493] {strides = array<i32>} : memref<64x128xf32, #tpu.memory_space<vmem>>, vector<16xf32>,
          %lt3A_495 = arith.constant 0 : i32
          %lt3A_496 = vector.broadcast %lt3A_495 : i32 to vector<16xi32>
          %lt3A_497 = arith.cmpi slt, %and3A_452, %lt3A_496 : vector<16xi32>
          %add3A_498 = arith.constant 16 : i32
          %add3A_499 = vector.broadcast %add3A_498 : i32 to vector<16xi32>
          %add3A_500 = arith.addi %and3A_452, %add3A_499 : vector<16xi32>
          %select_n3A_501 = arith.select %lt3A_497, %add3A_500, %and3A_452 : vector<16xi1>, vector<16xi32>
          %broadcast_in_dim3A_502 = vector.shape_cast %select_n3A_501 : vector<16xi32> to vector<16x1xi32>
          %gather3A_503 = vector.shape_cast %broadcast_in_dim3A_502 : vector<16x1xi32> to vector<16xi32>
          %gather3A_504 = tpu.dynamic_gather %get3A_494[%gather3A_503] in [0] : vector<16xf32>, vector<16xi32> -> vector<16xf32>
          %get3A_505 = arith.index_cast %add3A_447 : i32 to index
          %get3A_506 = arith.constant 64 : index
          %get3A_507 = tpu.vector_load %arg8[%get3A_505, %get3A_506] {strides = array<i32>} : memref<64x128xf32, #tpu.memory_space<vmem>>, vector<16xf32>,
          %lt3A_508 = arith.constant 0 : i32
          %lt3A_509 = vector.broadcast %lt3A_508 : i32 to vector<16xi32>
          %lt3A_510 = arith.cmpi slt, %and3A_452, %lt3A_509 : vector<16xi32>
          %add3A_511 = arith.constant 16 : i32
          %add3A_512 = vector.broadcast %add3A_511 : i32 to vector<16xi32>
          %add3A_513 = arith.addi %and3A_452, %add3A_512 : vector<16xi32>
          %select_n3A_514 = arith.select %lt3A_510, %add3A_513, %and3A_452 : vector<16xi1>, vector<16xi32>
          %broadcast_in_dim3A_515 = vector.shape_cast %select_n3A_514 : vector<16xi32> to vector<16x1xi32>
          %gather3A_516 = vector.shape_cast %broadcast_in_dim3A_515 : vector<16x1xi32> to vector<16xi32>
          %gather3A_517 = tpu.dynamic_gather %get3A_507[%gather3A_516] in [0] : vector<16xf32>, vector<16xi32> -> vector<16xf32>
          %get3A_518 = arith.index_cast %add3A_447 : i32 to index
          %get3A_519 = arith.constant 80 : index
          %get3A_520 = tpu.vector_load %arg8[%get3A_518, %get3A_519] {strides = array<i32>} : memref<64x128xf32, #tpu.memory_space<vmem>>, vector<16xf32>,
          %lt3A_521 = arith.constant 0 : i32
          %lt3A_522 = vector.broadcast %lt3A_521 : i32 to vector<16xi32>
          %lt3A_523 = arith.cmpi slt, %and3A_452, %lt3A_522 : vector<16xi32>
          %add3A_524 = arith.constant 16 : i32
          %add3A_525 = vector.broadcast %add3A_524 : i32 to vector<16xi32>
          %add3A_526 = arith.addi %and3A_452, %add3A_525 : vector<16xi32>
          %select_n3A_527 = arith.select %lt3A_523, %add3A_526, %and3A_452 : vector<16xi1>, vector<16xi32>
          %broadcast_in_dim3A_528 = vector.shape_cast %select_n3A_527 : vector<16xi32> to vector<16x1xi32>
          %gather3A_529 = vector.shape_cast %broadcast_in_dim3A_528 : vector<16x1xi32> to vector<16xi32>
          %gather3A_530 = tpu.dynamic_gather %get3A_520[%gather3A_529] in [0] : vector<16xf32>, vector<16xi32> -> vector<16xf32>
          %get3A_531 = arith.index_cast %add3A_447 : i32 to index
          %get3A_532 = arith.constant 96 : index
          %get3A_533 = tpu.vector_load %arg8[%get3A_531, %get3A_532] {strides = array<i32>} : memref<64x128xf32, #tpu.memory_space<vmem>>, vector<16xf32>,
          %lt3A_534 = arith.constant 0 : i32
          %lt3A_535 = vector.broadcast %lt3A_534 : i32 to vector<16xi32>
          %lt3A_536 = arith.cmpi slt, %and3A_452, %lt3A_535 : vector<16xi32>
          %add3A_537 = arith.constant 16 : i32
          %add3A_538 = vector.broadcast %add3A_537 : i32 to vector<16xi32>
          %add3A_539 = arith.addi %and3A_452, %add3A_538 : vector<16xi32>
          %select_n3A_540 = arith.select %lt3A_536, %add3A_539, %and3A_452 : vector<16xi1>, vector<16xi32>
          %broadcast_in_dim3A_541 = vector.shape_cast %select_n3A_540 : vector<16xi32> to vector<16x1xi32>
          %gather3A_542 = vector.shape_cast %broadcast_in_dim3A_541 : vector<16x1xi32> to vector<16xi32>
          %gather3A_543 = tpu.dynamic_gather %get3A_533[%gather3A_542] in [0] : vector<16xf32>, vector<16xi32> -> vector<16xf32>
          %get3A_544 = arith.index_cast %add3A_447 : i32 to index
          %get3A_545 = arith.constant 112 : index
          %get3A_546 = tpu.vector_load %arg8[%get3A_544, %get3A_545] {strides = array<i32>} : memref<64x128xf32, #tpu.memory_space<vmem>>, vector<16xf32>,
          %lt3A_547 = arith.constant 0 : i32
          %lt3A_548 = vector.broadcast %lt3A_547 : i32 to vector<16xi32>
          %lt3A_549 = arith.cmpi slt, %and3A_452, %lt3A_548 : vector<16xi32>
          %add3A_550 = arith.constant 16 : i32
          %add3A_551 = vector.broadcast %add3A_550 : i32 to vector<16xi32>
          %add3A_552 = arith.addi %and3A_452, %add3A_551 : vector<16xi32>
          %select_n3A_553 = arith.select %lt3A_549, %add3A_552, %and3A_452 : vector<16xi1>, vector<16xi32>
          %broadcast_in_dim3A_554 = vector.shape_cast %select_n3A_553 : vector<16xi32> to vector<16x1xi32>
          %gather3A_555 = vector.shape_cast %broadcast_in_dim3A_554 : vector<16x1xi32> to vector<16xi32>
          %gather3A_556 = tpu.dynamic_gather %get3A_546[%gather3A_555] in [0] : vector<16xf32>, vector<16xi32> -> vector<16xf32>
          %swap3A_557 = arith.index_cast %add3A_447 : i32 to index
          %swap3A_558 = arith.constant 0 : index
          %swap3A_559 = tpu.vector_load %arg14[%swap3A_557, %swap3A_558] {strides = array<i32>} : memref<64x128xf32, #tpu.memory_space<vmem>>, vector<16xf32>,
          tpu.vector_store %arg14[%swap3A_557, %swap3A_558], %gather3A_465 {strides = array<i32>} : memref<64x128xf32, #tpu.memory_space<vmem>>, vector<16xf32>,
          %swap3A_560 = arith.index_cast %add3A_447 : i32 to index
          %swap3A_561 = arith.constant 16 : index
          %swap3A_562 = tpu.vector_load %arg14[%swap3A_560, %swap3A_561] {strides = array<i32>} : memref<64x128xf32, #tpu.memory_space<vmem>>, vector<16xf32>,
          tpu.vector_store %arg14[%swap3A_560, %swap3A_561], %gather3A_478 {strides = array<i32>} : memref<64x128xf32, #tpu.memory_space<vmem>>, vector<16xf32>,
          %swap3A_563 = arith.index_cast %add3A_447 : i32 to index
          %swap3A_564 = arith.constant 32 : index
          %swap3A_565 = tpu.vector_load %arg14[%swap3A_563, %swap3A_564] {strides = array<i32>} : memref<64x128xf32, #tpu.memory_space<vmem>>, vector<16xf32>,
          tpu.vector_store %arg14[%swap3A_563, %swap3A_564], %gather3A_491 {strides = array<i32>} : memref<64x128xf32, #tpu.memory_space<vmem>>, vector<16xf32>,
          %swap3A_566 = arith.index_cast %add3A_447 : i32 to index
          %swap3A_567 = arith.constant 48 : index
          %swap3A_568 = tpu.vector_load %arg14[%swap3A_566, %swap3A_567] {strides = array<i32>} : memref<64x128xf32, #tpu.memory_space<vmem>>, vector<16xf32>,
          tpu.vector_store %arg14[%swap3A_566, %swap3A_567], %gather3A_504 {strides = array<i32>} : memref<64x128xf32, #tpu.memory_space<vmem>>, vector<16xf32>,
          %swap3A_569 = arith.index_cast %add3A_447 : i32 to index
          %swap3A_570 = arith.constant 64 : index
          %swap3A_571 = tpu.vector_load %arg14[%swap3A_569, %swap3A_570] {strides = array<i32>} : memref<64x128xf32, #tpu.memory_space<vmem>>, vector<16xf32>,
          tpu.vector_store %arg14[%swap3A_569, %swap3A_570], %gather3A_517 {strides = array<i32>} : memref<64x128xf32, #tpu.memory_space<vmem>>, vector<16xf32>,
          %swap3A_572 = arith.index_cast %add3A_447 : i32 to index
          %swap3A_573 = arith.constant 80 : index
          %swap3A_574 = tpu.vector_load %arg14[%swap3A_572, %swap3A_573] {strides = array<i32>} : memref<64x128xf32, #tpu.memory_space<vmem>>, vector<16xf32>,
          tpu.vector_store %arg14[%swap3A_572, %swap3A_573], %gather3A_530 {strides = array<i32>} : memref<64x128xf32, #tpu.memory_space<vmem>>, vector<16xf32>,
          %swap3A_575 = arith.index_cast %add3A_447 : i32 to index
          %swap3A_576 = arith.constant 96 : index
          %swap3A_577 = tpu.vector_load %arg14[%swap3A_575, %swap3A_576] {strides = array<i32>} : memref<64x128xf32, #tpu.memory_space<vmem>>, vector<16xf32>,
          tpu.vector_store %arg14[%swap3A_575, %swap3A_576], %gather3A_543 {strides = array<i32>} : memref<64x128xf32, #tpu.memory_space<vmem>>, vector<16xf32>,
          %swap3A_578 = arith.index_cast %add3A_447 : i32 to index
          %swap3A_579 = arith.constant 112 : index
          %swap3A_580 = tpu.vector_load %arg14[%swap3A_578, %swap3A_579] {strides = array<i32>} : memref<64x128xf32, #tpu.memory_space<vmem>>, vector<16xf32>,
          tpu.vector_store %arg14[%swap3A_578, %swap3A_579], %gather3A_556 {strides = array<i32>} : memref<64x128xf32, #tpu.memory_space<vmem>>, vector<16xf32>,
          %mul3A_581 = arith.constant 4 : i32
          %mul3A_582 = arith.muli %scan3A_173, %mul3A_581 : i32
          %add3A_583 = arith.constant 3 : i32
          %add3A_584 = arith.addi %mul3A_582, %add3A_583 : i32
          %add3A_585 = vector.broadcast %add3A_584 : i32 to vector<16xi32>
          %add3A_586 = arith.addi %iota3A, %add3A_585 : vector<16xi32>
          %and3A_587 = arith.constant 15 : i32
          %and3A_588 = vector.broadcast %and3A_587 : i32 to vector<16xi32>
          %and3A_589 = arith.andi %add3A_586, %and3A_588 : vector<16xi32>
          %get3A_590 = arith.index_cast %add3A_584 : i32 to index
          %get3A_591 = arith.constant 0 : index
          %get3A_592 = tpu.vector_load %arg8[%get3A_590, %get3A_591] {strides = array<i32>} : memref<64x128xf32, #tpu.memory_space<vmem>>, vector<16xf32>,
          %lt3A_593 = arith.constant 0 : i32
          %lt3A_594 = vector.broadcast %lt3A_593 : i32 to vector<16xi32>
          %lt3A_595 = arith.cmpi slt, %and3A_589, %lt3A_594 : vector<16xi32>
          %add3A_596 = arith.constant 16 : i32
          %add3A_597 = vector.broadcast %add3A_596 : i32 to vector<16xi32>
          %add3A_598 = arith.addi %and3A_589, %add3A_597 : vector<16xi32>
          %select_n3A_599 = arith.select %lt3A_595, %add3A_598, %and3A_589 : vector<16xi1>, vector<16xi32>
          %broadcast_in_dim3A_600 = vector.shape_cast %select_n3A_599 : vector<16xi32> to vector<16x1xi32>
          %gather3A_601 = vector.shape_cast %broadcast_in_dim3A_600 : vector<16x1xi32> to vector<16xi32>
          %gather3A_602 = tpu.dynamic_gather %get3A_592[%gather3A_601] in [0] : vector<16xf32>, vector<16xi32> -> vector<16xf32>
          %get3A_603 = arith.index_cast %add3A_584 : i32 to index
          %get3A_604 = arith.constant 16 : index
          %get3A_605 = tpu.vector_load %arg8[%get3A_603, %get3A_604] {strides = array<i32>} : memref<64x128xf32, #tpu.memory_space<vmem>>, vector<16xf32>,
          %lt3A_606 = arith.constant 0 : i32
          %lt3A_607 = vector.broadcast %lt3A_606 : i32 to vector<16xi32>
          %lt3A_608 = arith.cmpi slt, %and3A_589, %lt3A_607 : vector<16xi32>
          %add3A_609 = arith.constant 16 : i32
          %add3A_610 = vector.broadcast %add3A_609 : i32 to vector<16xi32>
          %add3A_611 = arith.addi %and3A_589, %add3A_610 : vector<16xi32>
          %select_n3A_612 = arith.select %lt3A_608, %add3A_611, %and3A_589 : vector<16xi1>, vector<16xi32>
          %broadcast_in_dim3A_613 = vector.shape_cast %select_n3A_612 : vector<16xi32> to vector<16x1xi32>
          %gather3A_614 = vector.shape_cast %broadcast_in_dim3A_613 : vector<16x1xi32> to vector<16xi32>
          %gather3A_615 = tpu.dynamic_gather %get3A_605[%gather3A_614] in [0] : vector<16xf32>, vector<16xi32> -> vector<16xf32>
          %get3A_616 = arith.index_cast %add3A_584 : i32 to index
          %get3A_617 = arith.constant 32 : index
          %get3A_618 = tpu.vector_load %arg8[%get3A_616, %get3A_617] {strides = array<i32>} : memref<64x128xf32, #tpu.memory_space<vmem>>, vector<16xf32>,
          %lt3A_619 = arith.constant 0 : i32
          %lt3A_620 = vector.broadcast %lt3A_619 : i32 to vector<16xi32>
          %lt3A_621 = arith.cmpi slt, %and3A_589, %lt3A_620 : vector<16xi32>
          %add3A_622 = arith.constant 16 : i32
          %add3A_623 = vector.broadcast %add3A_622 : i32 to vector<16xi32>
          %add3A_624 = arith.addi %and3A_589, %add3A_623 : vector<16xi32>
          %select_n3A_625 = arith.select %lt3A_621, %add3A_624, %and3A_589 : vector<16xi1>, vector<16xi32>
          %broadcast_in_dim3A_626 = vector.shape_cast %select_n3A_625 : vector<16xi32> to vector<16x1xi32>
          %gather3A_627 = vector.shape_cast %broadcast_in_dim3A_626 : vector<16x1xi32> to vector<16xi32>
          %gather3A_628 = tpu.dynamic_gather %get3A_618[%gather3A_627] in [0] : vector<16xf32>, vector<16xi32> -> vector<16xf32>
          %get3A_629 = arith.index_cast %add3A_584 : i32 to index
          %get3A_630 = arith.constant 48 : index
          %get3A_631 = tpu.vector_load %arg8[%get3A_629, %get3A_630] {strides = array<i32>} : memref<64x128xf32, #tpu.memory_space<vmem>>, vector<16xf32>,
          %lt3A_632 = arith.constant 0 : i32
          %lt3A_633 = vector.broadcast %lt3A_632 : i32 to vector<16xi32>
          %lt3A_634 = arith.cmpi slt, %and3A_589, %lt3A_633 : vector<16xi32>
          %add3A_635 = arith.constant 16 : i32
          %add3A_636 = vector.broadcast %add3A_635 : i32 to vector<16xi32>
          %add3A_637 = arith.addi %and3A_589, %add3A_636 : vector<16xi32>
          %select_n3A_638 = arith.select %lt3A_634, %add3A_637, %and3A_589 : vector<16xi1>, vector<16xi32>
          %broadcast_in_dim3A_639 = vector.shape_cast %select_n3A_638 : vector<16xi32> to vector<16x1xi32>
          %gather3A_640 = vector.shape_cast %broadcast_in_dim3A_639 : vector<16x1xi32> to vector<16xi32>
          %gather3A_641 = tpu.dynamic_gather %get3A_631[%gather3A_640] in [0] : vector<16xf32>, vector<16xi32> -> vector<16xf32>
          %get3A_642 = arith.index_cast %add3A_584 : i32 to index
          %get3A_643 = arith.constant 64 : index
          %get3A_644 = tpu.vector_load %arg8[%get3A_642, %get3A_643] {strides = array<i32>} : memref<64x128xf32, #tpu.memory_space<vmem>>, vector<16xf32>,
          %lt3A_645 = arith.constant 0 : i32
          %lt3A_646 = vector.broadcast %lt3A_645 : i32 to vector<16xi32>
          %lt3A_647 = arith.cmpi slt, %and3A_589, %lt3A_646 : vector<16xi32>
          %add3A_648 = arith.constant 16 : i32
          %add3A_649 = vector.broadcast %add3A_648 : i32 to vector<16xi32>
          %add3A_650 = arith.addi %and3A_589, %add3A_649 : vector<16xi32>
          %select_n3A_651 = arith.select %lt3A_647, %add3A_650, %and3A_589 : vector<16xi1>, vector<16xi32>
          %broadcast_in_dim3A_652 = vector.shape_cast %select_n3A_651 : vector<16xi32> to vector<16x1xi32>
          %gather3A_653 = vector.shape_cast %broadcast_in_dim3A_652 : vector<16x1xi32> to vector<16xi32>
          %gather3A_654 = tpu.dynamic_gather %get3A_644[%gather3A_653] in [0] : vector<16xf32>, vector<16xi32> -> vector<16xf32>
          %get3A_655 = arith.index_cast %add3A_584 : i32 to index
          %get3A_656 = arith.constant 80 : index
          %get3A_657 = tpu.vector_load %arg8[%get3A_655, %get3A_656] {strides = array<i32>} : memref<64x128xf32, #tpu.memory_space<vmem>>, vector<16xf32>,
          %lt3A_658 = arith.constant 0 : i32
          %lt3A_659 = vector.broadcast %lt3A_658 : i32 to vector<16xi32>
          %lt3A_660 = arith.cmpi slt, %and3A_589, %lt3A_659 : vector<16xi32>
          %add3A_661 = arith.constant 16 : i32
          %add3A_662 = vector.broadcast %add3A_661 : i32 to vector<16xi32>
          %add3A_663 = arith.addi %and3A_589, %add3A_662 : vector<16xi32>
          %select_n3A_664 = arith.select %lt3A_660, %add3A_663, %and3A_589 : vector<16xi1>, vector<16xi32>
          %broadcast_in_dim3A_665 = vector.shape_cast %select_n3A_664 : vector<16xi32> to vector<16x1xi32>
          %gather3A_666 = vector.shape_cast %broadcast_in_dim3A_665 : vector<16x1xi32> to vector<16xi32>
          %gather3A_667 = tpu.dynamic_gather %get3A_657[%gather3A_666] in [0] : vector<16xf32>, vector<16xi32> -> vector<16xf32>
          %get3A_668 = arith.index_cast %add3A_584 : i32 to index
          %get3A_669 = arith.constant 96 : index
          %get3A_670 = tpu.vector_load %arg8[%get3A_668, %get3A_669] {strides = array<i32>} : memref<64x128xf32, #tpu.memory_space<vmem>>, vector<16xf32>,
          %lt3A_671 = arith.constant 0 : i32
          %lt3A_672 = vector.broadcast %lt3A_671 : i32 to vector<16xi32>
          %lt3A_673 = arith.cmpi slt, %and3A_589, %lt3A_672 : vector<16xi32>
          %add3A_674 = arith.constant 16 : i32
          %add3A_675 = vector.broadcast %add3A_674 : i32 to vector<16xi32>
          %add3A_676 = arith.addi %and3A_589, %add3A_675 : vector<16xi32>
          %select_n3A_677 = arith.select %lt3A_673, %add3A_676, %and3A_589 : vector<16xi1>, vector<16xi32>
          %broadcast_in_dim3A_678 = vector.shape_cast %select_n3A_677 : vector<16xi32> to vector<16x1xi32>
          %gather3A_679 = vector.shape_cast %broadcast_in_dim3A_678 : vector<16x1xi32> to vector<16xi32>
          %gather3A_680 = tpu.dynamic_gather %get3A_670[%gather3A_679] in [0] : vector<16xf32>, vector<16xi32> -> vector<16xf32>
          %get3A_681 = arith.index_cast %add3A_584 : i32 to index
          %get3A_682 = arith.constant 112 : index
          %get3A_683 = tpu.vector_load %arg8[%get3A_681, %get3A_682] {strides = array<i32>} : memref<64x128xf32, #tpu.memory_space<vmem>>, vector<16xf32>,
          %lt3A_684 = arith.constant 0 : i32
          %lt3A_685 = vector.broadcast %lt3A_684 : i32 to vector<16xi32>
          %lt3A_686 = arith.cmpi slt, %and3A_589, %lt3A_685 : vector<16xi32>
          %add3A_687 = arith.constant 16 : i32
          %add3A_688 = vector.broadcast %add3A_687 : i32 to vector<16xi32>
          %add3A_689 = arith.addi %and3A_589, %add3A_688 : vector<16xi32>
          %select_n3A_690 = arith.select %lt3A_686, %add3A_689, %and3A_589 : vector<16xi1>, vector<16xi32>
          %broadcast_in_dim3A_691 = vector.shape_cast %select_n3A_690 : vector<16xi32> to vector<16x1xi32>
          %gather3A_692 = vector.shape_cast %broadcast_in_dim3A_691 : vector<16x1xi32> to vector<16xi32>
          %gather3A_693 = tpu.dynamic_gather %get3A_683[%gather3A_692] in [0] : vector<16xf32>, vector<16xi32> -> vector<16xf32>
          %swap3A_694 = arith.index_cast %add3A_584 : i32 to index
          %swap3A_695 = arith.constant 0 : index
          %swap3A_696 = tpu.vector_load %arg14[%swap3A_694, %swap3A_695] {strides = array<i32>} : memref<64x128xf32, #tpu.memory_space<vmem>>, vector<16xf32>,
          tpu.vector_store %arg14[%swap3A_694, %swap3A_695], %gather3A_602 {strides = array<i32>} : memref<64x128xf32, #tpu.memory_space<vmem>>, vector<16xf32>,
          %swap3A_697 = arith.index_cast %add3A_584 : i32 to index
          %swap3A_698 = arith.constant 16 : index
          %swap3A_699 = tpu.vector_load %arg14[%swap3A_697, %swap3A_698] {strides = array<i32>} : memref<64x128xf32, #tpu.memory_space<vmem>>, vector<16xf32>,
          tpu.vector_store %arg14[%swap3A_697, %swap3A_698], %gather3A_615 {strides = array<i32>} : memref<64x128xf32, #tpu.memory_space<vmem>>, vector<16xf32>,
          %swap3A_700 = arith.index_cast %add3A_584 : i32 to index
          %swap3A_701 = arith.constant 32 : index
          %swap3A_702 = tpu.vector_load %arg14[%swap3A_700, %swap3A_701] {strides = array<i32>} : memref<64x128xf32, #tpu.memory_space<vmem>>, vector<16xf32>,
          tpu.vector_store %arg14[%swap3A_700, %swap3A_701], %gather3A_628 {strides = array<i32>} : memref<64x128xf32, #tpu.memory_space<vmem>>, vector<16xf32>,
          %swap3A_703 = arith.index_cast %add3A_584 : i32 to index
          %swap3A_704 = arith.constant 48 : index
          %swap3A_705 = tpu.vector_load %arg14[%swap3A_703, %swap3A_704] {strides = array<i32>} : memref<64x128xf32, #tpu.memory_space<vmem>>, vector<16xf32>,
          tpu.vector_store %arg14[%swap3A_703, %swap3A_704], %gather3A_641 {strides = array<i32>} : memref<64x128xf32, #tpu.memory_space<vmem>>, vector<16xf32>,
          %swap3A_706 = arith.index_cast %add3A_584 : i32 to index
          %swap3A_707 = arith.constant 64 : index
          %swap3A_708 = tpu.vector_load %arg14[%swap3A_706, %swap3A_707] {strides = array<i32>} : memref<64x128xf32, #tpu.memory_space<vmem>>, vector<16xf32>,
          tpu.vector_store %arg14[%swap3A_706, %swap3A_707], %gather3A_654 {strides = array<i32>} : memref<64x128xf32, #tpu.memory_space<vmem>>, vector<16xf32>,
          %swap3A_709 = arith.index_cast %add3A_584 : i32 to index
          %swap3A_710 = arith.constant 80 : index
          %swap3A_711 = tpu.vector_load %arg14[%swap3A_709, %swap3A_710] {strides = array<i32>} : memref<64x128xf32, #tpu.memory_space<vmem>>, vector<16xf32>,
          tpu.vector_store %arg14[%swap3A_709, %swap3A_710], %gather3A_667 {strides = array<i32>} : memref<64x128xf32, #tpu.memory_space<vmem>>, vector<16xf32>,
          %swap3A_712 = arith.index_cast %add3A_584 : i32 to index
          %swap3A_713 = arith.constant 96 : index
          %swap3A_714 = tpu.vector_load %arg14[%swap3A_712, %swap3A_713] {strides = array<i32>} : memref<64x128xf32, #tpu.memory_space<vmem>>, vector<16xf32>,
          tpu.vector_store %arg14[%swap3A_712, %swap3A_713], %gather3A_680 {strides = array<i32>} : memref<64x128xf32, #tpu.memory_space<vmem>>, vector<16xf32>,
          %swap3A_715 = arith.index_cast %add3A_584 : i32 to index
          %swap3A_716 = arith.constant 112 : index
          %swap3A_717 = tpu.vector_load %arg14[%swap3A_715, %swap3A_716] {strides = array<i32>} : memref<64x128xf32, #tpu.memory_space<vmem>>, vector<16xf32>,
          tpu.vector_store %arg14[%swap3A_715, %swap3A_716], %gather3A_693 {strides = array<i32>} : memref<64x128xf32, #tpu.memory_space<vmem>>, vector<16xf32>,
          %scan3A_718 = arith.constant 0 : i32
          scf.yield %scan3A_718 : i32
        }
        %scan3A_151 = arith.constant 16 : i32
        %scan3A_152 = arith.constant 0 : i32
        %scan3A_153 = arith.constant 0 : i32
        %scan3A_154 = arith.constant 64 : i32
        %scan3A_155 = arith.addi %scan3A_153, %scan3A_154 : i32
        %scan3A_156 = arith.constant 1 : i32
        %scan3A_157 = scf.for %scan3A_173 = %scan3A_153 to %scan3A_155 step %scan3A_156 iter_args(%scan3A_174 = %scan3A_152) -> (i32)  : i32 {
          %mul3A_175 = arith.constant 2 : i32
          %mul3A_176 = arith.muli %scan3A_173, %mul3A_175 : i32
          %add3A_177 = arith.constant 0 : i32
          %add3A_178 = arith.addi %mul3A_176, %add3A_177 : i32
          %sub3A = vector.broadcast %add3A_178 : i32 to vector<16xi32>
          %sub3A_179 = arith.subi %sub3A, %iota3A : vector<16xi32>
          %and3A = arith.constant 15 : i32
          %and3A_180 = vector.broadcast %and3A : i32 to vector<16xi32>
          %and3A_181 = arith.andi %sub3A_179, %and3A_180 : vector<16xi32>
          %and3A_182 = arith.constant 112 : i32
          %and3A_183 = arith.andi %add3A_178, %and3A_182 : i32
          %add3A_184 = vector.broadcast %and3A_183 : i32 to vector<16xi32>
          %add3A_185 = arith.addi %and3A_181, %add3A_184 : vector<16xi32>
          %gather3A = tpu.vector_load_idx %arg14[%add3A_135, %add3A_185] : memref<64x128xf32, #tpu.memory_space<vmem>>[vector<16xi32>, vector<16xi32>], vector<16xf32>,
          %gather3A_186 = tpu.vector_load_idx %arg14[%add3A_138, %add3A_185] : memref<64x128xf32, #tpu.memory_space<vmem>>[vector<16xi32>, vector<16xi32>], vector<16xf32>,
          %gather3A_187 = tpu.vector_load_idx %arg14[%add3A_141, %add3A_185] : memref<64x128xf32, #tpu.memory_space<vmem>>[vector<16xi32>, vector<16xi32>], vector<16xf32>,
          %gather3A_188 = tpu.vector_load_idx %arg14[%add3A_144, %add3A_185] : memref<64x128xf32, #tpu.memory_space<vmem>>[vector<16xi32>, vector<16xi32>], vector<16xf32>,
          %swap3A = arith.index_cast %add3A_178 : i32 to index
          %swap3A_189 = arith.constant 0 : index
          %swap3A_190 = tpu.vector_load %arg12[%swap3A, %swap3A_189] {strides = array<i32>} : memref<128x128xf32, #tpu.memory_space<vmem>>, vector<16xf32>,
          tpu.vector_store %arg12[%swap3A, %swap3A_189], %gather3A {strides = array<i32>} : memref<128x128xf32, #tpu.memory_space<vmem>>, vector<16xf32>,
          %swap3A_191 = arith.index_cast %add3A_178 : i32 to index
          %swap3A_192 = arith.constant 16 : index
          %swap3A_193 = tpu.vector_load %arg12[%swap3A_191, %swap3A_192] {strides = array<i32>} : memref<128x128xf32, #tpu.memory_space<vmem>>, vector<16xf32>,
          tpu.vector_store %arg12[%swap3A_191, %swap3A_192], %gather3A_186 {strides = array<i32>} : memref<128x128xf32, #tpu.memory_space<vmem>>, vector<16xf32>,
          %swap3A_194 = arith.index_cast %add3A_178 : i32 to index
          %swap3A_195 = arith.constant 32 : index
          %swap3A_196 = tpu.vector_load %arg12[%swap3A_194, %swap3A_195] {strides = array<i32>} : memref<128x128xf32, #tpu.memory_space<vmem>>, vector<16xf32>,
          tpu.vector_store %arg12[%swap3A_194, %swap3A_195], %gather3A_187 {strides = array<i32>} : memref<128x128xf32, #tpu.memory_space<vmem>>, vector<16xf32>,
          %swap3A_197 = arith.index_cast %add3A_178 : i32 to index
          %swap3A_198 = arith.constant 48 : index
          %swap3A_199 = tpu.vector_load %arg12[%swap3A_197, %swap3A_198] {strides = array<i32>} : memref<128x128xf32, #tpu.memory_space<vmem>>, vector<16xf32>,
          tpu.vector_store %arg12[%swap3A_197, %swap3A_198], %gather3A_188 {strides = array<i32>} : memref<128x128xf32, #tpu.memory_space<vmem>>, vector<16xf32>,
          %mul3A_200 = arith.constant 2 : i32
          %mul3A_201 = arith.muli %scan3A_173, %mul3A_200 : i32
          %add3A_202 = arith.constant 1 : i32
          %add3A_203 = arith.addi %mul3A_201, %add3A_202 : i32
          %sub3A_204 = vector.broadcast %add3A_203 : i32 to vector<16xi32>
          %sub3A_205 = arith.subi %sub3A_204, %iota3A : vector<16xi32>
          %and3A_206 = arith.constant 15 : i32
          %and3A_207 = vector.broadcast %and3A_206 : i32 to vector<16xi32>
          %and3A_208 = arith.andi %sub3A_205, %and3A_207 : vector<16xi32>
          %and3A_209 = arith.constant 112 : i32
          %and3A_210 = arith.andi %add3A_203, %and3A_209 : i32
          %add3A_211 = vector.broadcast %and3A_210 : i32 to vector<16xi32>
          %add3A_212 = arith.addi %and3A_208, %add3A_211 : vector<16xi32>
          %gather3A_213 = tpu.vector_load_idx %arg14[%add3A_135, %add3A_212] : memref<64x128xf32, #tpu.memory_space<vmem>>[vector<16xi32>, vector<16xi32>], vector<16xf32>,
          %gather3A_214 = tpu.vector_load_idx %arg14[%add3A_138, %add3A_212] : memref<64x128xf32, #tpu.memory_space<vmem>>[vector<16xi32>, vector<16xi32>], vector<16xf32>,
          %gather3A_215 = tpu.vector_load_idx %arg14[%add3A_141, %add3A_212] : memref<64x128xf32, #tpu.memory_space<vmem>>[vector<16xi32>, vector<16xi32>], vector<16xf32>,
          %gather3A_216 = tpu.vector_load_idx %arg14[%add3A_144, %add3A_212] : memref<64x128xf32, #tpu.memory_space<vmem>>[vector<16xi32>, vector<16xi32>], vector<16xf32>,
          %swap3A_217 = arith.index_cast %add3A_203 : i32 to index
          %swap3A_218 = arith.constant 0 : index
          %swap3A_219 = tpu.vector_load %arg12[%swap3A_217, %swap3A_218] {strides = array<i32>} : memref<128x128xf32, #tpu.memory_space<vmem>>, vector<16xf32>,
          tpu.vector_store %arg12[%swap3A_217, %swap3A_218], %gather3A_213 {strides = array<i32>} : memref<128x128xf32, #tpu.memory_space<vmem>>, vector<16xf32>,
          %swap3A_220 = arith.index_cast %add3A_203 : i32 to index
          %swap3A_221 = arith.constant 16 : index
          %swap3A_222 = tpu.vector_load %arg12[%swap3A_220, %swap3A_221] {strides = array<i32>} : memref<128x128xf32, #tpu.memory_space<vmem>>, vector<16xf32>,
          tpu.vector_store %arg12[%swap3A_220, %swap3A_221], %gather3A_214 {strides = array<i32>} : memref<128x128xf32, #tpu.memory_space<vmem>>, vector<16xf32>,
          %swap3A_223 = arith.index_cast %add3A_203 : i32 to index
          %swap3A_224 = arith.constant 32 : index
          %swap3A_225 = tpu.vector_load %arg12[%swap3A_223, %swap3A_224] {strides = array<i32>} : memref<128x128xf32, #tpu.memory_space<vmem>>, vector<16xf32>,
          tpu.vector_store %arg12[%swap3A_223, %swap3A_224], %gather3A_215 {strides = array<i32>} : memref<128x128xf32, #tpu.memory_space<vmem>>, vector<16xf32>,
          %swap3A_226 = arith.index_cast %add3A_203 : i32 to index
          %swap3A_227 = arith.constant 48 : index
          %swap3A_228 = tpu.vector_load %arg12[%swap3A_226, %swap3A_227] {strides = array<i32>} : memref<128x128xf32, #tpu.memory_space<vmem>>, vector<16xf32>,
          tpu.vector_store %arg12[%swap3A_226, %swap3A_227], %gather3A_216 {strides = array<i32>} : memref<128x128xf32, #tpu.memory_space<vmem>>, vector<16xf32>,
          %scan3A_229 = arith.constant 0 : i32
          scf.yield %scan3A_229 : i32
        }
        %scan3A_158 = arith.constant 64 : i32
        %add3A_159 = arith.addi %add3A_8, %add3A_115 : i32
        %mul3A_160 = arith.constant 128 : i32
        %mul3A_161 = arith.muli %add3A_159, %mul3A_160 : i32
        %multiple_of3A_162 = tpu.assume_multiple %mul3A_161, 128 : i32
        %dma_start3A_163 = arith.constant 0 : i32
        %dma_start3A_164 = tpu.memref_slice %arg4[%multiple_of3A_162, %dma_start3A_163] : memref<1000000x128xf32, #tpu.memory_space<hbm>> -> memref<128x128xf32, #tpu.memory_space<hbm>>
        %dma_start3A_165 = arith.constant 0 : i32
        %dma_start3A_166 = tpu.memref_slice %arg4[%multiple_of3A_162, %dma_start3A_165] : memref<1000000x128xf32, #tpu.memory_space<hbm>> -> memref<128x128xf32, #tpu.memory_space<hbm>>
        tpu.enqueue_dma source(%arg12 : memref<128x128xf32, #tpu.memory_space<vmem>>) target(%dma_start3A_166 : memref<128x128xf32, #tpu.memory_space<hbm>>) target_semaphore(%arg22 : memref<!tpu.dma_semaphore, #tpu.memory_space<semaphore_mem>>)
        %add3A_167 = arith.constant 4 : i32
        %add3A_168 = arith.addi %add3A_115, %add3A_167 : i32
        %lt3A_169 = arith.cmpi slt, %add3A_168, %add3A_4 : i32
        %convert_element_type3A_170 = arith.extui %lt3A_169 : i1 to i32
        %cond3A_171 = arith.constant 0 : i32
        %cond3A_172 = arith.cmpi ne, %convert_element_type3A_170, %cond3A_171 : i32
        scf.if %cond3A_172 {
          %add3A_173 = arith.constant 4 : i32
          %add3A_174 = arith.addi %add3A_115, %add3A_173 : i32
          %add3A_175 = arith.addi %add3A_8, %add3A_174 : i32
          %mul3A_176 = arith.constant 128 : i32
          %mul3A_177 = arith.muli %add3A_175, %mul3A_176 : i32
          %multiple_of3A_178 = tpu.assume_multiple %mul3A_177, 128 : i32
          %dma_start3A_179 = arith.constant 0 : i32
          %dma_start3A_180 = tpu.memref_slice %arg2[%dma_start3A_179, %multiple_of3A_178] : memref<64x1000000xf32, #tpu.memory_space<hbm>> -> memref<64x128xf32, #tpu.memory_space<hbm>>
          %dma_start3A_181 = arith.constant 0 : i32
          %dma_start3A_182 = tpu.memref_slice %arg2[%dma_start3A_181, %multiple_of3A_178] : memref<64x1000000xf32, #tpu.memory_space<hbm>> -> memref<64x128xf32, #tpu.memory_space<hbm>>
          tpu.enqueue_dma source(%dma_start3A_182 : memref<64x128xf32, #tpu.memory_space<hbm>>) target(%arg8 : memref<64x128xf32, #tpu.memory_space<vmem>>) target_semaphore(%arg18 : memref<!tpu.dma_semaphore, #tpu.memory_space<semaphore_mem>>)
        } else {
        }
      } else {
      }
      %scan3A_120 = arith.constant 0 : i32
      scf.yield %scan3A_120 : i32
    }
    %scan3A_48 = arith.constant 62 : i32
    %add3A_49 = arith.constant 0 : i32
    %add3A_50 = arith.addi %add3A_8, %add3A_49 : i32
    %mul3A_51 = arith.constant 128 : i32
    %mul3A_52 = arith.muli %add3A_50, %mul3A_51 : i32
    %multiple_of3A_53 = tpu.assume_multiple %mul3A_52, 128 : i32
    %dma_wait3A = arith.constant 0 : i32
    %dma_wait3A_54 = tpu.memref_slice %arg4[%multiple_of3A_53, %dma_wait3A] : memref<1000000x128xf32, #tpu.memory_space<hbm>> -> memref<128x128xf32, #tpu.memory_space<hbm>>
    %dma_wait3A_55 = arith.constant 0 : i32
    %dma_wait3A_56 = tpu.memref_slice %arg4[%multiple_of3A_53, %dma_wait3A_55] : memref<1000000x128xf32, #tpu.memory_space<hbm>> -> memref<128x128xf32, #tpu.memory_space<hbm>>
    tpu.wait_dma2 semaphore(%arg19 : memref<!tpu.dma_semaphore, #tpu.memory_space<semaphore_mem>>) src(%arg9 : memref<128x128xf32, #tpu.memory_space<vmem>>) dst(%dma_wait3A_56 : memref<128x128xf32, #tpu.memory_space<hbm>>)
    %add3A_57 = arith.constant 1 : i32
    %add3A_58 = arith.addi %add3A_8, %add3A_57 : i32
    %mul3A_59 = arith.constant 128 : i32
    %mul3A_60 = arith.muli %add3A_58, %mul3A_59 : i32
    %multiple_of3A_61 = tpu.assume_multiple %mul3A_60, 128 : i32
    %dma_wait3A_62 = arith.constant 0 : i32
    %dma_wait3A_63 = tpu.memref_slice %arg4[%multiple_of3A_61, %dma_wait3A_62] : memref<1000000x128xf32, #tpu.memory_space<hbm>> -> memref<128x128xf32, #tpu.memory_space<hbm>>
    %dma_wait3A_64 = arith.constant 0 : i32
    %dma_wait3A_65 = tpu.memref_slice %arg4[%multiple_of3A_61, %dma_wait3A_64] : memref<1000000x128xf32, #tpu.memory_space<hbm>> -> memref<128x128xf32, #tpu.memory_space<hbm>>
    tpu.wait_dma2 semaphore(%arg20 : memref<!tpu.dma_semaphore, #tpu.memory_space<semaphore_mem>>) src(%arg10 : memref<128x128xf32, #tpu.memory_space<vmem>>) dst(%dma_wait3A_65 : memref<128x128xf32, #tpu.memory_space<hbm>>)
    %add3A_66 = arith.constant 2 : i32
    %add3A_67 = arith.addi %add3A_8, %add3A_66 : i32
    %mul3A_68 = arith.constant 128 : i32
    %mul3A_69 = arith.muli %add3A_67, %mul3A_68 : i32
    %multiple_of3A_70 = tpu.assume_multiple %mul3A_69, 128 : i32
    %dma_wait3A_71 = arith.constant 0 : i32
    %dma_wait3A_72 = tpu.memref_slice %arg4[%multiple_of3A_70, %dma_wait3A_71] : memref<1000000x128xf32, #tpu.memory_space<hbm>> -> memref<128x128xf32, #tpu.memory_space<hbm>>
    %dma_wait3A_73 = arith.constant 0 : i32
    %dma_wait3A_74 = tpu.memref_slice %arg4[%multiple_of3A_70, %dma_wait3A_73] : memref<1000000x128xf32, #tpu.memory_space<hbm>> -> memref<128x128xf32, #tpu.memory_space<hbm>>
    tpu.wait_dma2 semaphore(%arg21 : memref<!tpu.dma_semaphore, #tpu.memory_space<semaphore_mem>>) src(%arg11 : memref<128x128xf32, #tpu.memory_space<vmem>>) dst(%dma_wait3A_74 : memref<128x128xf32, #tpu.memory_space<hbm>>)
    %add3A_75 = arith.constant 3 : i32
    %add3A_76 = arith.addi %add3A_8, %add3A_75 : i32
    %mul3A_77 = arith.constant 128 : i32
    %mul3A_78 = arith.muli %add3A_76, %mul3A_77 : i32
    %multiple_of3A_79 = tpu.assume_multiple %mul3A_78, 128 : i32
    %dma_wait3A_80 = arith.constant 0 : i32
    %dma_wait3A_81 = tpu.memref_slice %arg4[%multiple_of3A_79, %dma_wait3A_80] : memref<1000000x128xf32, #tpu.memory_space<hbm>> -> memref<128x128xf32, #tpu.memory_space<hbm>>
    %dma_wait3A_82 = arith.constant 0 : i32
    %dma_wait3A_83 = tpu.memref_slice %arg4[%multiple_of3A_79, %dma_wait3A_82] : memref<1000000x128xf32, #tpu.memory_space<hbm>> -> memref<128x128xf32, #tpu.memory_space<hbm>>
    tpu.wait_dma2 semaphore(%arg22 : memref<!tpu.dma_semaphore, #tpu.memory_space<semaphore_mem>>) src(%arg12 : memref<128x128xf32, #tpu.memory_space<vmem>>) dst(%dma_wait3A_83 : memref<128x128xf32, #tpu.memory_space<hbm>>)
    %eq3A = arith.constant 31 : i32
    %eq3A_84 = arith.cmpi eq, %add3A, %eq3A : i32
    %convert_element_type3A = arith.extui %eq3A_84 : i1 to i32
    %cond3A = arith.constant 0 : i32
    %cond3A_85 = arith.cmpi ne, %convert_element_type3A, %cond3A : i32
    scf.if %cond3A_85 {
      "tpu.region"() ({
        %run_scoped3A = tpu.sem_alloc : memref<!tpu.dma_semaphore, #tpu.memory_space<semaphore_mem>>
        tpu.enqueue_dma source(%arg3 : memref<64x64xf32, #tpu.memory_space<hbm>>) target(%arg13 : memref<64x64xf32, #tpu.memory_space<vmem>>) target_semaphore(%run_scoped3A : memref<!tpu.dma_semaphore, #tpu.memory_space<semaphore_mem>>)
        tpu.wait_dma2 semaphore(%run_scoped3A : memref<!tpu.dma_semaphore, #tpu.memory_space<semaphore_mem>>) src(%arg3 : memref<64x64xf32, #tpu.memory_space<hbm>>) dst(%arg13 : memref<64x64xf32, #tpu.memory_space<vmem>>)
        tpu.yield
      }) : () -> ()
      %add3A_86 = arith.constant 0 : i32
      %add3A_87 = vector.broadcast %add3A_86 : i32 to vector<16xi32>
      %add3A_88 = arith.addi %iota3A, %add3A_87 : vector<16xi32>
      %add3A_89 = arith.constant 16 : i32
      %add3A_90 = vector.broadcast %add3A_89 : i32 to vector<16xi32>
      %add3A_91 = arith.addi %iota3A, %add3A_90 : vector<16xi32>
      %add3A_92 = arith.constant 32 : i32
      %add3A_93 = vector.broadcast %add3A_92 : i32 to vector<16xi32>
      %add3A_94 = arith.addi %iota3A, %add3A_93 : vector<16xi32>
      %add3A_95 = arith.constant 48 : i32
      %add3A_96 = vector.broadcast %add3A_95 : i32 to vector<16xi32>
      %add3A_97 = arith.addi %iota3A, %add3A_96 : vector<16xi32>
      %scan3A_98 = arith.constant 0 : i32
      %scan3A_99 = arith.constant 0 : i32
      %scan3A_100 = arith.constant 16 : i32
      %scan3A_101 = arith.addi %scan3A_99, %scan3A_100 : i32
      %scan3A_102 = arith.constant 1 : i32
      %scan3A_103 = scf.for %scan3A_112 = %scan3A_99 to %scan3A_101 step %scan3A_102 iter_args(%scan3A_113 = %scan3A_98) -> (i32)  : i32 {
        %mul3A_114 = arith.constant 4 : i32
        %mul3A_115 = arith.muli %scan3A_112, %mul3A_114 : i32
        %add3A_116 = arith.constant 0 : i32
        %add3A_117 = arith.addi %mul3A_115, %add3A_116 : i32
        %add3A_118 = vector.broadcast %add3A_117 : i32 to vector<16xi32>
        %add3A_119 = arith.addi %iota3A, %add3A_118 : vector<16xi32>
        %and3A = arith.constant 15 : i32
        %and3A_120 = vector.broadcast %and3A : i32 to vector<16xi32>
        %and3A_121 = arith.andi %add3A_119, %and3A_120 : vector<16xi32>
        %get3A = arith.index_cast %add3A_117 : i32 to index
        %get3A_122 = arith.constant 0 : index
        %get3A_123 = tpu.vector_load %arg13[%get3A, %get3A_122] {strides = array<i32>} : memref<64x64xf32, #tpu.memory_space<vmem>>, vector<16xf32>,
        %lt3A_124 = arith.constant 0 : i32
        %lt3A_125 = vector.broadcast %lt3A_124 : i32 to vector<16xi32>
        %lt3A_126 = arith.cmpi slt, %and3A_121, %lt3A_125 : vector<16xi32>
        %add3A_127 = arith.constant 16 : i32
        %add3A_128 = vector.broadcast %add3A_127 : i32 to vector<16xi32>
        %add3A_129 = arith.addi %and3A_121, %add3A_128 : vector<16xi32>
        %select_n3A_130 = arith.select %lt3A_126, %add3A_129, %and3A_121 : vector<16xi1>, vector<16xi32>
        %broadcast_in_dim3A = vector.shape_cast %select_n3A_130 : vector<16xi32> to vector<16x1xi32>
        %gather3A = vector.shape_cast %broadcast_in_dim3A : vector<16x1xi32> to vector<16xi32>
        %gather3A_131 = tpu.dynamic_gather %get3A_123[%gather3A] in [0] : vector<16xf32>, vector<16xi32> -> vector<16xf32>
        %get3A_132 = arith.index_cast %add3A_117 : i32 to index
        %get3A_133 = arith.constant 16 : index
        %get3A_134 = tpu.vector_load %arg13[%get3A_132, %get3A_133] {strides = array<i32>} : memref<64x64xf32, #tpu.memory_space<vmem>>, vector<16xf32>,
        %lt3A_135 = arith.constant 0 : i32
        %lt3A_136 = vector.broadcast %lt3A_135 : i32 to vector<16xi32>
        %lt3A_137 = arith.cmpi slt, %and3A_121, %lt3A_136 : vector<16xi32>
        %add3A_138 = arith.constant 16 : i32
        %add3A_139 = vector.broadcast %add3A_138 : i32 to vector<16xi32>
        %add3A_140 = arith.addi %and3A_121, %add3A_139 : vector<16xi32>
        %select_n3A_141 = arith.select %lt3A_137, %add3A_140, %and3A_121 : vector<16xi1>, vector<16xi32>
        %broadcast_in_dim3A_142 = vector.shape_cast %select_n3A_141 : vector<16xi32> to vector<16x1xi32>
        %gather3A_143 = vector.shape_cast %broadcast_in_dim3A_142 : vector<16x1xi32> to vector<16xi32>
        %gather3A_144 = tpu.dynamic_gather %get3A_134[%gather3A_143] in [0] : vector<16xf32>, vector<16xi32> -> vector<16xf32>
        %get3A_145 = arith.index_cast %add3A_117 : i32 to index
        %get3A_146 = arith.constant 32 : index
        %get3A_147 = tpu.vector_load %arg13[%get3A_145, %get3A_146] {strides = array<i32>} : memref<64x64xf32, #tpu.memory_space<vmem>>, vector<16xf32>,
        %lt3A_148 = arith.constant 0 : i32
        %lt3A_149 = vector.broadcast %lt3A_148 : i32 to vector<16xi32>
        %lt3A_150 = arith.cmpi slt, %and3A_121, %lt3A_149 : vector<16xi32>
        %add3A_151 = arith.constant 16 : i32
        %add3A_152 = vector.broadcast %add3A_151 : i32 to vector<16xi32>
        %add3A_153 = arith.addi %and3A_121, %add3A_152 : vector<16xi32>
        %select_n3A_154 = arith.select %lt3A_150, %add3A_153, %and3A_121 : vector<16xi1>, vector<16xi32>
        %broadcast_in_dim3A_155 = vector.shape_cast %select_n3A_154 : vector<16xi32> to vector<16x1xi32>
        %gather3A_156 = vector.shape_cast %broadcast_in_dim3A_155 : vector<16x1xi32> to vector<16xi32>
        %gather3A_157 = tpu.dynamic_gather %get3A_147[%gather3A_156] in [0] : vector<16xf32>, vector<16xi32> -> vector<16xf32>
        %get3A_158 = arith.index_cast %add3A_117 : i32 to index
        %get3A_159 = arith.constant 48 : index
        %get3A_160 = tpu.vector_load %arg13[%get3A_158, %get3A_159] {strides = array<i32>} : memref<64x64xf32, #tpu.memory_space<vmem>>, vector<16xf32>,
        %lt3A_161 = arith.constant 0 : i32
        %lt3A_162 = vector.broadcast %lt3A_161 : i32 to vector<16xi32>
        %lt3A_163 = arith.cmpi slt, %and3A_121, %lt3A_162 : vector<16xi32>
        %add3A_164 = arith.constant 16 : i32
        %add3A_165 = vector.broadcast %add3A_164 : i32 to vector<16xi32>
        %add3A_166 = arith.addi %and3A_121, %add3A_165 : vector<16xi32>
        %select_n3A_167 = arith.select %lt3A_163, %add3A_166, %and3A_121 : vector<16xi1>, vector<16xi32>
        %broadcast_in_dim3A_168 = vector.shape_cast %select_n3A_167 : vector<16xi32> to vector<16x1xi32>
        %gather3A_169 = vector.shape_cast %broadcast_in_dim3A_168 : vector<16x1xi32> to vector<16xi32>
        %gather3A_170 = tpu.dynamic_gather %get3A_160[%gather3A_169] in [0] : vector<16xf32>, vector<16xi32> -> vector<16xf32>
        %swap3A = arith.index_cast %add3A_117 : i32 to index
        %swap3A_171 = arith.constant 0 : index
        %swap3A_172 = tpu.vector_load %arg14[%swap3A, %swap3A_171] {strides = array<i32>} : memref<64x128xf32, #tpu.memory_space<vmem>>, vector<16xf32>,
        tpu.vector_store %arg14[%swap3A, %swap3A_171], %gather3A_131 {strides = array<i32>} : memref<64x128xf32, #tpu.memory_space<vmem>>, vector<16xf32>,
        %swap3A_173 = arith.index_cast %add3A_117 : i32 to index
        %swap3A_174 = arith.constant 16 : index
        %swap3A_175 = tpu.vector_load %arg14[%swap3A_173, %swap3A_174] {strides = array<i32>} : memref<64x128xf32, #tpu.memory_space<vmem>>, vector<16xf32>,
        tpu.vector_store %arg14[%swap3A_173, %swap3A_174], %gather3A_144 {strides = array<i32>} : memref<64x128xf32, #tpu.memory_space<vmem>>, vector<16xf32>,
        %swap3A_176 = arith.index_cast %add3A_117 : i32 to index
        %swap3A_177 = arith.constant 32 : index
        %swap3A_178 = tpu.vector_load %arg14[%swap3A_176, %swap3A_177] {strides = array<i32>} : memref<64x128xf32, #tpu.memory_space<vmem>>, vector<16xf32>,
        tpu.vector_store %arg14[%swap3A_176, %swap3A_177], %gather3A_157 {strides = array<i32>} : memref<64x128xf32, #tpu.memory_space<vmem>>, vector<16xf32>,
        %swap3A_179 = arith.index_cast %add3A_117 : i32 to index
        %swap3A_180 = arith.constant 48 : index
        %swap3A_181 = tpu.vector_load %arg14[%swap3A_179, %swap3A_180] {strides = array<i32>} : memref<64x128xf32, #tpu.memory_space<vmem>>, vector<16xf32>,
        tpu.vector_store %arg14[%swap3A_179, %swap3A_180], %gather3A_170 {strides = array<i32>} : memref<64x128xf32, #tpu.memory_space<vmem>>, vector<16xf32>,
        %mul3A_182 = arith.constant 4 : i32
        %mul3A_183 = arith.muli %scan3A_112, %mul3A_182 : i32
        %add3A_184 = arith.constant 1 : i32
        %add3A_185 = arith.addi %mul3A_183, %add3A_184 : i32
        %add3A_186 = vector.broadcast %add3A_185 : i32 to vector<16xi32>
        %add3A_187 = arith.addi %iota3A, %add3A_186 : vector<16xi32>
        %and3A_188 = arith.constant 15 : i32
        %and3A_189 = vector.broadcast %and3A_188 : i32 to vector<16xi32>
        %and3A_190 = arith.andi %add3A_187, %and3A_189 : vector<16xi32>
        %get3A_191 = arith.index_cast %add3A_185 : i32 to index
        %get3A_192 = arith.constant 0 : index
        %get3A_193 = tpu.vector_load %arg13[%get3A_191, %get3A_192] {strides = array<i32>} : memref<64x64xf32, #tpu.memory_space<vmem>>, vector<16xf32>,
        %lt3A_194 = arith.constant 0 : i32
        %lt3A_195 = vector.broadcast %lt3A_194 : i32 to vector<16xi32>
        %lt3A_196 = arith.cmpi slt, %and3A_190, %lt3A_195 : vector<16xi32>
        %add3A_197 = arith.constant 16 : i32
        %add3A_198 = vector.broadcast %add3A_197 : i32 to vector<16xi32>
        %add3A_199 = arith.addi %and3A_190, %add3A_198 : vector<16xi32>
        %select_n3A_200 = arith.select %lt3A_196, %add3A_199, %and3A_190 : vector<16xi1>, vector<16xi32>
        %broadcast_in_dim3A_201 = vector.shape_cast %select_n3A_200 : vector<16xi32> to vector<16x1xi32>
        %gather3A_202 = vector.shape_cast %broadcast_in_dim3A_201 : vector<16x1xi32> to vector<16xi32>
        %gather3A_203 = tpu.dynamic_gather %get3A_193[%gather3A_202] in [0] : vector<16xf32>, vector<16xi32> -> vector<16xf32>
        %get3A_204 = arith.index_cast %add3A_185 : i32 to index
        %get3A_205 = arith.constant 16 : index
        %get3A_206 = tpu.vector_load %arg13[%get3A_204, %get3A_205] {strides = array<i32>} : memref<64x64xf32, #tpu.memory_space<vmem>>, vector<16xf32>,
        %lt3A_207 = arith.constant 0 : i32
        %lt3A_208 = vector.broadcast %lt3A_207 : i32 to vector<16xi32>
        %lt3A_209 = arith.cmpi slt, %and3A_190, %lt3A_208 : vector<16xi32>
        %add3A_210 = arith.constant 16 : i32
        %add3A_211 = vector.broadcast %add3A_210 : i32 to vector<16xi32>
        %add3A_212 = arith.addi %and3A_190, %add3A_211 : vector<16xi32>
        %select_n3A_213 = arith.select %lt3A_209, %add3A_212, %and3A_190 : vector<16xi1>, vector<16xi32>
        %broadcast_in_dim3A_214 = vector.shape_cast %select_n3A_213 : vector<16xi32> to vector<16x1xi32>
        %gather3A_215 = vector.shape_cast %broadcast_in_dim3A_214 : vector<16x1xi32> to vector<16xi32>
        %gather3A_216 = tpu.dynamic_gather %get3A_206[%gather3A_215] in [0] : vector<16xf32>, vector<16xi32> -> vector<16xf32>
        %get3A_217 = arith.index_cast %add3A_185 : i32 to index
        %get3A_218 = arith.constant 32 : index
        %get3A_219 = tpu.vector_load %arg13[%get3A_217, %get3A_218] {strides = array<i32>} : memref<64x64xf32, #tpu.memory_space<vmem>>, vector<16xf32>,
        %lt3A_220 = arith.constant 0 : i32
        %lt3A_221 = vector.broadcast %lt3A_220 : i32 to vector<16xi32>
        %lt3A_222 = arith.cmpi slt, %and3A_190, %lt3A_221 : vector<16xi32>
        %add3A_223 = arith.constant 16 : i32
        %add3A_224 = vector.broadcast %add3A_223 : i32 to vector<16xi32>
        %add3A_225 = arith.addi %and3A_190, %add3A_224 : vector<16xi32>
        %select_n3A_226 = arith.select %lt3A_222, %add3A_225, %and3A_190 : vector<16xi1>, vector<16xi32>
        %broadcast_in_dim3A_227 = vector.shape_cast %select_n3A_226 : vector<16xi32> to vector<16x1xi32>
        %gather3A_228 = vector.shape_cast %broadcast_in_dim3A_227 : vector<16x1xi32> to vector<16xi32>
        %gather3A_229 = tpu.dynamic_gather %get3A_219[%gather3A_228] in [0] : vector<16xf32>, vector<16xi32> -> vector<16xf32>
        %get3A_230 = arith.index_cast %add3A_185 : i32 to index
        %get3A_231 = arith.constant 48 : index
        %get3A_232 = tpu.vector_load %arg13[%get3A_230, %get3A_231] {strides = array<i32>} : memref<64x64xf32, #tpu.memory_space<vmem>>, vector<16xf32>,
        %lt3A_233 = arith.constant 0 : i32
        %lt3A_234 = vector.broadcast %lt3A_233 : i32 to vector<16xi32>
        %lt3A_235 = arith.cmpi slt, %and3A_190, %lt3A_234 : vector<16xi32>
        %add3A_236 = arith.constant 16 : i32
        %add3A_237 = vector.broadcast %add3A_236 : i32 to vector<16xi32>
        %add3A_238 = arith.addi %and3A_190, %add3A_237 : vector<16xi32>
        %select_n3A_239 = arith.select %lt3A_235, %add3A_238, %and3A_190 : vector<16xi1>, vector<16xi32>
        %broadcast_in_dim3A_240 = vector.shape_cast %select_n3A_239 : vector<16xi32> to vector<16x1xi32>
        %gather3A_241 = vector.shape_cast %broadcast_in_dim3A_240 : vector<16x1xi32> to vector<16xi32>
        %gather3A_242 = tpu.dynamic_gather %get3A_232[%gather3A_241] in [0] : vector<16xf32>, vector<16xi32> -> vector<16xf32>
        %swap3A_243 = arith.index_cast %add3A_185 : i32 to index
        %swap3A_244 = arith.constant 0 : index
        %swap3A_245 = tpu.vector_load %arg14[%swap3A_243, %swap3A_244] {strides = array<i32>} : memref<64x128xf32, #tpu.memory_space<vmem>>, vector<16xf32>,
        tpu.vector_store %arg14[%swap3A_243, %swap3A_244], %gather3A_203 {strides = array<i32>} : memref<64x128xf32, #tpu.memory_space<vmem>>, vector<16xf32>,
        %swap3A_246 = arith.index_cast %add3A_185 : i32 to index
        %swap3A_247 = arith.constant 16 : index
        %swap3A_248 = tpu.vector_load %arg14[%swap3A_246, %swap3A_247] {strides = array<i32>} : memref<64x128xf32, #tpu.memory_space<vmem>>, vector<16xf32>,
        tpu.vector_store %arg14[%swap3A_246, %swap3A_247], %gather3A_216 {strides = array<i32>} : memref<64x128xf32, #tpu.memory_space<vmem>>, vector<16xf32>,
        %swap3A_249 = arith.index_cast %add3A_185 : i32 to index
        %swap3A_250 = arith.constant 32 : index
        %swap3A_251 = tpu.vector_load %arg14[%swap3A_249, %swap3A_250] {strides = array<i32>} : memref<64x128xf32, #tpu.memory_space<vmem>>, vector<16xf32>,
        tpu.vector_store %arg14[%swap3A_249, %swap3A_250], %gather3A_229 {strides = array<i32>} : memref<64x128xf32, #tpu.memory_space<vmem>>, vector<16xf32>,
        %swap3A_252 = arith.index_cast %add3A_185 : i32 to index
        %swap3A_253 = arith.constant 48 : index
        %swap3A_254 = tpu.vector_load %arg14[%swap3A_252, %swap3A_253] {strides = array<i32>} : memref<64x128xf32, #tpu.memory_space<vmem>>, vector<16xf32>,
        tpu.vector_store %arg14[%swap3A_252, %swap3A_253], %gather3A_242 {strides = array<i32>} : memref<64x128xf32, #tpu.memory_space<vmem>>, vector<16xf32>,
        %mul3A_255 = arith.constant 4 : i32
        %mul3A_256 = arith.muli %scan3A_112, %mul3A_255 : i32
        %add3A_257 = arith.constant 2 : i32
        %add3A_258 = arith.addi %mul3A_256, %add3A_257 : i32
        %add3A_259 = vector.broadcast %add3A_258 : i32 to vector<16xi32>
        %add3A_260 = arith.addi %iota3A, %add3A_259 : vector<16xi32>
        %and3A_261 = arith.constant 15 : i32
        %and3A_262 = vector.broadcast %and3A_261 : i32 to vector<16xi32>
        %and3A_263 = arith.andi %add3A_260, %and3A_262 : vector<16xi32>
        %get3A_264 = arith.index_cast %add3A_258 : i32 to index
        %get3A_265 = arith.constant 0 : index
        %get3A_266 = tpu.vector_load %arg13[%get3A_264, %get3A_265] {strides = array<i32>} : memref<64x64xf32, #tpu.memory_space<vmem>>, vector<16xf32>,
        %lt3A_267 = arith.constant 0 : i32
        %lt3A_268 = vector.broadcast %lt3A_267 : i32 to vector<16xi32>
        %lt3A_269 = arith.cmpi slt, %and3A_263, %lt3A_268 : vector<16xi32>
        %add3A_270 = arith.constant 16 : i32
        %add3A_271 = vector.broadcast %add3A_270 : i32 to vector<16xi32>
        %add3A_272 = arith.addi %and3A_263, %add3A_271 : vector<16xi32>
        %select_n3A_273 = arith.select %lt3A_269, %add3A_272, %and3A_263 : vector<16xi1>, vector<16xi32>
        %broadcast_in_dim3A_274 = vector.shape_cast %select_n3A_273 : vector<16xi32> to vector<16x1xi32>
        %gather3A_275 = vector.shape_cast %broadcast_in_dim3A_274 : vector<16x1xi32> to vector<16xi32>
        %gather3A_276 = tpu.dynamic_gather %get3A_266[%gather3A_275] in [0] : vector<16xf32>, vector<16xi32> -> vector<16xf32>
        %get3A_277 = arith.index_cast %add3A_258 : i32 to index
        %get3A_278 = arith.constant 16 : index
        %get3A_279 = tpu.vector_load %arg13[%get3A_277, %get3A_278] {strides = array<i32>} : memref<64x64xf32, #tpu.memory_space<vmem>>, vector<16xf32>,
        %lt3A_280 = arith.constant 0 : i32
        %lt3A_281 = vector.broadcast %lt3A_280 : i32 to vector<16xi32>
        %lt3A_282 = arith.cmpi slt, %and3A_263, %lt3A_281 : vector<16xi32>
        %add3A_283 = arith.constant 16 : i32
        %add3A_284 = vector.broadcast %add3A_283 : i32 to vector<16xi32>
        %add3A_285 = arith.addi %and3A_263, %add3A_284 : vector<16xi32>
        %select_n3A_286 = arith.select %lt3A_282, %add3A_285, %and3A_263 : vector<16xi1>, vector<16xi32>
        %broadcast_in_dim3A_287 = vector.shape_cast %select_n3A_286 : vector<16xi32> to vector<16x1xi32>
        %gather3A_288 = vector.shape_cast %broadcast_in_dim3A_287 : vector<16x1xi32> to vector<16xi32>
        %gather3A_289 = tpu.dynamic_gather %get3A_279[%gather3A_288] in [0] : vector<16xf32>, vector<16xi32> -> vector<16xf32>
        %get3A_290 = arith.index_cast %add3A_258 : i32 to index
        %get3A_291 = arith.constant 32 : index
        %get3A_292 = tpu.vector_load %arg13[%get3A_290, %get3A_291] {strides = array<i32>} : memref<64x64xf32, #tpu.memory_space<vmem>>, vector<16xf32>,
        %lt3A_293 = arith.constant 0 : i32
        %lt3A_294 = vector.broadcast %lt3A_293 : i32 to vector<16xi32>
        %lt3A_295 = arith.cmpi slt, %and3A_263, %lt3A_294 : vector<16xi32>
        %add3A_296 = arith.constant 16 : i32
        %add3A_297 = vector.broadcast %add3A_296 : i32 to vector<16xi32>
        %add3A_298 = arith.addi %and3A_263, %add3A_297 : vector<16xi32>
        %select_n3A_299 = arith.select %lt3A_295, %add3A_298, %and3A_263 : vector<16xi1>, vector<16xi32>
        %broadcast_in_dim3A_300 = vector.shape_cast %select_n3A_299 : vector<16xi32> to vector<16x1xi32>
        %gather3A_301 = vector.shape_cast %broadcast_in_dim3A_300 : vector<16x1xi32> to vector<16xi32>
        %gather3A_302 = tpu.dynamic_gather %get3A_292[%gather3A_301] in [0] : vector<16xf32>, vector<16xi32> -> vector<16xf32>
        %get3A_303 = arith.index_cast %add3A_258 : i32 to index
        %get3A_304 = arith.constant 48 : index
        %get3A_305 = tpu.vector_load %arg13[%get3A_303, %get3A_304] {strides = array<i32>} : memref<64x64xf32, #tpu.memory_space<vmem>>, vector<16xf32>,
        %lt3A_306 = arith.constant 0 : i32
        %lt3A_307 = vector.broadcast %lt3A_306 : i32 to vector<16xi32>
        %lt3A_308 = arith.cmpi slt, %and3A_263, %lt3A_307 : vector<16xi32>
        %add3A_309 = arith.constant 16 : i32
        %add3A_310 = vector.broadcast %add3A_309 : i32 to vector<16xi32>
        %add3A_311 = arith.addi %and3A_263, %add3A_310 : vector<16xi32>
        %select_n3A_312 = arith.select %lt3A_308, %add3A_311, %and3A_263 : vector<16xi1>, vector<16xi32>
        %broadcast_in_dim3A_313 = vector.shape_cast %select_n3A_312 : vector<16xi32> to vector<16x1xi32>
        %gather3A_314 = vector.shape_cast %broadcast_in_dim3A_313 : vector<16x1xi32> to vector<16xi32>
        %gather3A_315 = tpu.dynamic_gather %get3A_305[%gather3A_314] in [0] : vector<16xf32>, vector<16xi32> -> vector<16xf32>
        %swap3A_316 = arith.index_cast %add3A_258 : i32 to index
        %swap3A_317 = arith.constant 0 : index
        %swap3A_318 = tpu.vector_load %arg14[%swap3A_316, %swap3A_317] {strides = array<i32>} : memref<64x128xf32, #tpu.memory_space<vmem>>, vector<16xf32>,
        tpu.vector_store %arg14[%swap3A_316, %swap3A_317], %gather3A_276 {strides = array<i32>} : memref<64x128xf32, #tpu.memory_space<vmem>>, vector<16xf32>,
        %swap3A_319 = arith.index_cast %add3A_258 : i32 to index
        %swap3A_320 = arith.constant 16 : index
        %swap3A_321 = tpu.vector_load %arg14[%swap3A_319, %swap3A_320] {strides = array<i32>} : memref<64x128xf32, #tpu.memory_space<vmem>>, vector<16xf32>,
        tpu.vector_store %arg14[%swap3A_319, %swap3A_320], %gather3A_289 {strides = array<i32>} : memref<64x128xf32, #tpu.memory_space<vmem>>, vector<16xf32>,
        %swap3A_322 = arith.index_cast %add3A_258 : i32 to index
        %swap3A_323 = arith.constant 32 : index
        %swap3A_324 = tpu.vector_load %arg14[%swap3A_322, %swap3A_323] {strides = array<i32>} : memref<64x128xf32, #tpu.memory_space<vmem>>, vector<16xf32>,
        tpu.vector_store %arg14[%swap3A_322, %swap3A_323], %gather3A_302 {strides = array<i32>} : memref<64x128xf32, #tpu.memory_space<vmem>>, vector<16xf32>,
        %swap3A_325 = arith.index_cast %add3A_258 : i32 to index
        %swap3A_326 = arith.constant 48 : index
        %swap3A_327 = tpu.vector_load %arg14[%swap3A_325, %swap3A_326] {strides = array<i32>} : memref<64x128xf32, #tpu.memory_space<vmem>>, vector<16xf32>,
        tpu.vector_store %arg14[%swap3A_325, %swap3A_326], %gather3A_315 {strides = array<i32>} : memref<64x128xf32, #tpu.memory_space<vmem>>, vector<16xf32>,
        %mul3A_328 = arith.constant 4 : i32
        %mul3A_329 = arith.muli %scan3A_112, %mul3A_328 : i32
        %add3A_330 = arith.constant 3 : i32
        %add3A_331 = arith.addi %mul3A_329, %add3A_330 : i32
        %add3A_332 = vector.broadcast %add3A_331 : i32 to vector<16xi32>
        %add3A_333 = arith.addi %iota3A, %add3A_332 : vector<16xi32>
        %and3A_334 = arith.constant 15 : i32
        %and3A_335 = vector.broadcast %and3A_334 : i32 to vector<16xi32>
        %and3A_336 = arith.andi %add3A_333, %and3A_335 : vector<16xi32>
        %get3A_337 = arith.index_cast %add3A_331 : i32 to index
        %get3A_338 = arith.constant 0 : index
        %get3A_339 = tpu.vector_load %arg13[%get3A_337, %get3A_338] {strides = array<i32>} : memref<64x64xf32, #tpu.memory_space<vmem>>, vector<16xf32>,
        %lt3A_340 = arith.constant 0 : i32
        %lt3A_341 = vector.broadcast %lt3A_340 : i32 to vector<16xi32>
        %lt3A_342 = arith.cmpi slt, %and3A_336, %lt3A_341 : vector<16xi32>
        %add3A_343 = arith.constant 16 : i32
        %add3A_344 = vector.broadcast %add3A_343 : i32 to vector<16xi32>
        %add3A_345 = arith.addi %and3A_336, %add3A_344 : vector<16xi32>
        %select_n3A_346 = arith.select %lt3A_342, %add3A_345, %and3A_336 : vector<16xi1>, vector<16xi32>
        %broadcast_in_dim3A_347 = vector.shape_cast %select_n3A_346 : vector<16xi32> to vector<16x1xi32>
        %gather3A_348 = vector.shape_cast %broadcast_in_dim3A_347 : vector<16x1xi32> to vector<16xi32>
        %gather3A_349 = tpu.dynamic_gather %get3A_339[%gather3A_348] in [0] : vector<16xf32>, vector<16xi32> -> vector<16xf32>
        %get3A_350 = arith.index_cast %add3A_331 : i32 to index
        %get3A_351 = arith.constant 16 : index
        %get3A_352 = tpu.vector_load %arg13[%get3A_350, %get3A_351] {strides = array<i32>} : memref<64x64xf32, #tpu.memory_space<vmem>>, vector<16xf32>,
        %lt3A_353 = arith.constant 0 : i32
        %lt3A_354 = vector.broadcast %lt3A_353 : i32 to vector<16xi32>
        %lt3A_355 = arith.cmpi slt, %and3A_336, %lt3A_354 : vector<16xi32>
        %add3A_356 = arith.constant 16 : i32
        %add3A_357 = vector.broadcast %add3A_356 : i32 to vector<16xi32>
        %add3A_358 = arith.addi %and3A_336, %add3A_357 : vector<16xi32>
        %select_n3A_359 = arith.select %lt3A_355, %add3A_358, %and3A_336 : vector<16xi1>, vector<16xi32>
        %broadcast_in_dim3A_360 = vector.shape_cast %select_n3A_359 : vector<16xi32> to vector<16x1xi32>
        %gather3A_361 = vector.shape_cast %broadcast_in_dim3A_360 : vector<16x1xi32> to vector<16xi32>
        %gather3A_362 = tpu.dynamic_gather %get3A_352[%gather3A_361] in [0] : vector<16xf32>, vector<16xi32> -> vector<16xf32>
        %get3A_363 = arith.index_cast %add3A_331 : i32 to index
        %get3A_364 = arith.constant 32 : index
        %get3A_365 = tpu.vector_load %arg13[%get3A_363, %get3A_364] {strides = array<i32>} : memref<64x64xf32, #tpu.memory_space<vmem>>, vector<16xf32>,
        %lt3A_366 = arith.constant 0 : i32
        %lt3A_367 = vector.broadcast %lt3A_366 : i32 to vector<16xi32>
        %lt3A_368 = arith.cmpi slt, %and3A_336, %lt3A_367 : vector<16xi32>
        %add3A_369 = arith.constant 16 : i32
        %add3A_370 = vector.broadcast %add3A_369 : i32 to vector<16xi32>
        %add3A_371 = arith.addi %and3A_336, %add3A_370 : vector<16xi32>
        %select_n3A_372 = arith.select %lt3A_368, %add3A_371, %and3A_336 : vector<16xi1>, vector<16xi32>
        %broadcast_in_dim3A_373 = vector.shape_cast %select_n3A_372 : vector<16xi32> to vector<16x1xi32>
        %gather3A_374 = vector.shape_cast %broadcast_in_dim3A_373 : vector<16x1xi32> to vector<16xi32>
        %gather3A_375 = tpu.dynamic_gather %get3A_365[%gather3A_374] in [0] : vector<16xf32>, vector<16xi32> -> vector<16xf32>
        %get3A_376 = arith.index_cast %add3A_331 : i32 to index
        %get3A_377 = arith.constant 48 : index
        %get3A_378 = tpu.vector_load %arg13[%get3A_376, %get3A_377] {strides = array<i32>} : memref<64x64xf32, #tpu.memory_space<vmem>>, vector<16xf32>,
        %lt3A_379 = arith.constant 0 : i32
        %lt3A_380 = vector.broadcast %lt3A_379 : i32 to vector<16xi32>
        %lt3A_381 = arith.cmpi slt, %and3A_336, %lt3A_380 : vector<16xi32>
        %add3A_382 = arith.constant 16 : i32
        %add3A_383 = vector.broadcast %add3A_382 : i32 to vector<16xi32>
        %add3A_384 = arith.addi %and3A_336, %add3A_383 : vector<16xi32>
        %select_n3A_385 = arith.select %lt3A_381, %add3A_384, %and3A_336 : vector<16xi1>, vector<16xi32>
        %broadcast_in_dim3A_386 = vector.shape_cast %select_n3A_385 : vector<16xi32> to vector<16x1xi32>
        %gather3A_387 = vector.shape_cast %broadcast_in_dim3A_386 : vector<16x1xi32> to vector<16xi32>
        %gather3A_388 = tpu.dynamic_gather %get3A_378[%gather3A_387] in [0] : vector<16xf32>, vector<16xi32> -> vector<16xf32>
        %swap3A_389 = arith.index_cast %add3A_331 : i32 to index
        %swap3A_390 = arith.constant 0 : index
        %swap3A_391 = tpu.vector_load %arg14[%swap3A_389, %swap3A_390] {strides = array<i32>} : memref<64x128xf32, #tpu.memory_space<vmem>>, vector<16xf32>,
        tpu.vector_store %arg14[%swap3A_389, %swap3A_390], %gather3A_349 {strides = array<i32>} : memref<64x128xf32, #tpu.memory_space<vmem>>, vector<16xf32>,
        %swap3A_392 = arith.index_cast %add3A_331 : i32 to index
        %swap3A_393 = arith.constant 16 : index
        %swap3A_394 = tpu.vector_load %arg14[%swap3A_392, %swap3A_393] {strides = array<i32>} : memref<64x128xf32, #tpu.memory_space<vmem>>, vector<16xf32>,
        tpu.vector_store %arg14[%swap3A_392, %swap3A_393], %gather3A_362 {strides = array<i32>} : memref<64x128xf32, #tpu.memory_space<vmem>>, vector<16xf32>,
        %swap3A_395 = arith.index_cast %add3A_331 : i32 to index
        %swap3A_396 = arith.constant 32 : index
        %swap3A_397 = tpu.vector_load %arg14[%swap3A_395, %swap3A_396] {strides = array<i32>} : memref<64x128xf32, #tpu.memory_space<vmem>>, vector<16xf32>,
        tpu.vector_store %arg14[%swap3A_395, %swap3A_396], %gather3A_375 {strides = array<i32>} : memref<64x128xf32, #tpu.memory_space<vmem>>, vector<16xf32>,
        %swap3A_398 = arith.index_cast %add3A_331 : i32 to index
        %swap3A_399 = arith.constant 48 : index
        %swap3A_400 = tpu.vector_load %arg14[%swap3A_398, %swap3A_399] {strides = array<i32>} : memref<64x128xf32, #tpu.memory_space<vmem>>, vector<16xf32>,
        tpu.vector_store %arg14[%swap3A_398, %swap3A_399], %gather3A_388 {strides = array<i32>} : memref<64x128xf32, #tpu.memory_space<vmem>>, vector<16xf32>,
        %scan3A_401 = arith.constant 0 : i32
        scf.yield %scan3A_401 : i32
      }
      %scan3A_104 = arith.constant 16 : i32
      %scan3A_105 = arith.constant 0 : i32
      %scan3A_106 = arith.constant 0 : i32
      %scan3A_107 = arith.constant 32 : i32
      %scan3A_108 = arith.addi %scan3A_106, %scan3A_107 : i32
      %scan3A_109 = arith.constant 1 : i32
      %scan3A_110 = scf.for %scan3A_112 = %scan3A_106 to %scan3A_108 step %scan3A_109 iter_args(%scan3A_113 = %scan3A_105) -> (i32)  : i32 {
        %mul3A_114 = arith.constant 2 : i32
        %mul3A_115 = arith.muli %scan3A_112, %mul3A_114 : i32
        %add3A_116 = arith.constant 0 : i32
        %add3A_117 = arith.addi %mul3A_115, %add3A_116 : i32
        %sub3A = vector.broadcast %add3A_117 : i32 to vector<16xi32>
        %sub3A_118 = arith.subi %sub3A, %iota3A : vector<16xi32>
        %and3A = arith.constant 15 : i32
        %and3A_119 = vector.broadcast %and3A : i32 to vector<16xi32>
        %and3A_120 = arith.andi %sub3A_118, %and3A_119 : vector<16xi32>
        %and3A_121 = arith.constant 112 : i32
        %and3A_122 = arith.andi %add3A_117, %and3A_121 : i32
        %add3A_123 = vector.broadcast %and3A_122 : i32 to vector<16xi32>
        %add3A_124 = arith.addi %and3A_120, %add3A_123 : vector<16xi32>
        %gather3A = tpu.vector_load_idx %arg14[%add3A_88, %add3A_124] : memref<64x128xf32, #tpu.memory_space<vmem>>[vector<16xi32>, vector<16xi32>], vector<16xf32>,
        %gather3A_125 = tpu.vector_load_idx %arg14[%add3A_91, %add3A_124] : memref<64x128xf32, #tpu.memory_space<vmem>>[vector<16xi32>, vector<16xi32>], vector<16xf32>,
        %gather3A_126 = tpu.vector_load_idx %arg14[%add3A_94, %add3A_124] : memref<64x128xf32, #tpu.memory_space<vmem>>[vector<16xi32>, vector<16xi32>], vector<16xf32>,
        %gather3A_127 = tpu.vector_load_idx %arg14[%add3A_97, %add3A_124] : memref<64x128xf32, #tpu.memory_space<vmem>>[vector<16xi32>, vector<16xi32>], vector<16xf32>,
        %swap3A = arith.index_cast %add3A_117 : i32 to index
        %swap3A_128 = arith.constant 0 : index
        %swap3A_129 = tpu.vector_load %arg9[%swap3A, %swap3A_128] {strides = array<i32>} : memref<128x128xf32, #tpu.memory_space<vmem>>, vector<16xf32>,
        tpu.vector_store %arg9[%swap3A, %swap3A_128], %gather3A {strides = array<i32>} : memref<128x128xf32, #tpu.memory_space<vmem>>, vector<16xf32>,
        %swap3A_130 = arith.index_cast %add3A_117 : i32 to index
        %swap3A_131 = arith.constant 16 : index
        %swap3A_132 = tpu.vector_load %arg9[%swap3A_130, %swap3A_131] {strides = array<i32>} : memref<128x128xf32, #tpu.memory_space<vmem>>, vector<16xf32>,
        tpu.vector_store %arg9[%swap3A_130, %swap3A_131], %gather3A_125 {strides = array<i32>} : memref<128x128xf32, #tpu.memory_space<vmem>>, vector<16xf32>,
        %swap3A_133 = arith.index_cast %add3A_117 : i32 to index
        %swap3A_134 = arith.constant 32 : index
        %swap3A_135 = tpu.vector_load %arg9[%swap3A_133, %swap3A_134] {strides = array<i32>} : memref<128x128xf32, #tpu.memory_space<vmem>>, vector<16xf32>,
        tpu.vector_store %arg9[%swap3A_133, %swap3A_134], %gather3A_126 {strides = array<i32>} : memref<128x128xf32, #tpu.memory_space<vmem>>, vector<16xf32>,
        %swap3A_136 = arith.index_cast %add3A_117 : i32 to index
        %swap3A_137 = arith.constant 48 : index
        %swap3A_138 = tpu.vector_load %arg9[%swap3A_136, %swap3A_137] {strides = array<i32>} : memref<128x128xf32, #tpu.memory_space<vmem>>, vector<16xf32>,
        tpu.vector_store %arg9[%swap3A_136, %swap3A_137], %gather3A_127 {strides = array<i32>} : memref<128x128xf32, #tpu.memory_space<vmem>>, vector<16xf32>,
        %mul3A_139 = arith.constant 2 : i32
        %mul3A_140 = arith.muli %scan3A_112, %mul3A_139 : i32
        %add3A_141 = arith.constant 1 : i32
        %add3A_142 = arith.addi %mul3A_140, %add3A_141 : i32
        %sub3A_143 = vector.broadcast %add3A_142 : i32 to vector<16xi32>
        %sub3A_144 = arith.subi %sub3A_143, %iota3A : vector<16xi32>
        %and3A_145 = arith.constant 15 : i32
        %and3A_146 = vector.broadcast %and3A_145 : i32 to vector<16xi32>
        %and3A_147 = arith.andi %sub3A_144, %and3A_146 : vector<16xi32>
        %and3A_148 = arith.constant 112 : i32
        %and3A_149 = arith.andi %add3A_142, %and3A_148 : i32
        %add3A_150 = vector.broadcast %and3A_149 : i32 to vector<16xi32>
        %add3A_151 = arith.addi %and3A_147, %add3A_150 : vector<16xi32>
        %gather3A_152 = tpu.vector_load_idx %arg14[%add3A_88, %add3A_151] : memref<64x128xf32, #tpu.memory_space<vmem>>[vector<16xi32>, vector<16xi32>], vector<16xf32>,
        %gather3A_153 = tpu.vector_load_idx %arg14[%add3A_91, %add3A_151] : memref<64x128xf32, #tpu.memory_space<vmem>>[vector<16xi32>, vector<16xi32>], vector<16xf32>,
        %gather3A_154 = tpu.vector_load_idx %arg14[%add3A_94, %add3A_151] : memref<64x128xf32, #tpu.memory_space<vmem>>[vector<16xi32>, vector<16xi32>], vector<16xf32>,
        %gather3A_155 = tpu.vector_load_idx %arg14[%add3A_97, %add3A_151] : memref<64x128xf32, #tpu.memory_space<vmem>>[vector<16xi32>, vector<16xi32>], vector<16xf32>,
        %swap3A_156 = arith.index_cast %add3A_142 : i32 to index
        %swap3A_157 = arith.constant 0 : index
        %swap3A_158 = tpu.vector_load %arg9[%swap3A_156, %swap3A_157] {strides = array<i32>} : memref<128x128xf32, #tpu.memory_space<vmem>>, vector<16xf32>,
        tpu.vector_store %arg9[%swap3A_156, %swap3A_157], %gather3A_152 {strides = array<i32>} : memref<128x128xf32, #tpu.memory_space<vmem>>, vector<16xf32>,
        %swap3A_159 = arith.index_cast %add3A_142 : i32 to index
        %swap3A_160 = arith.constant 16 : index
        %swap3A_161 = tpu.vector_load %arg9[%swap3A_159, %swap3A_160] {strides = array<i32>} : memref<128x128xf32, #tpu.memory_space<vmem>>, vector<16xf32>,
        tpu.vector_store %arg9[%swap3A_159, %swap3A_160], %gather3A_153 {strides = array<i32>} : memref<128x128xf32, #tpu.memory_space<vmem>>, vector<16xf32>,
        %swap3A_162 = arith.index_cast %add3A_142 : i32 to index
        %swap3A_163 = arith.constant 32 : index
        %swap3A_164 = tpu.vector_load %arg9[%swap3A_162, %swap3A_163] {strides = array<i32>} : memref<128x128xf32, #tpu.memory_space<vmem>>, vector<16xf32>,
        tpu.vector_store %arg9[%swap3A_162, %swap3A_163], %gather3A_154 {strides = array<i32>} : memref<128x128xf32, #tpu.memory_space<vmem>>, vector<16xf32>,
        %swap3A_165 = arith.index_cast %add3A_142 : i32 to index
        %swap3A_166 = arith.constant 48 : index
        %swap3A_167 = tpu.vector_load %arg9[%swap3A_165, %swap3A_166] {strides = array<i32>} : memref<128x128xf32, #tpu.memory_space<vmem>>, vector<16xf32>,
        tpu.vector_store %arg9[%swap3A_165, %swap3A_166], %gather3A_155 {strides = array<i32>} : memref<128x128xf32, #tpu.memory_space<vmem>>, vector<16xf32>,
        %scan3A_168 = arith.constant 0 : i32
        scf.yield %scan3A_168 : i32
      }
      %scan3A_111 = arith.constant 32 : i32
      "tpu.region"() ({
        %run_scoped3A = tpu.sem_alloc : memref<!tpu.dma_semaphore, #tpu.memory_space<semaphore_mem>>
        %dma_start3A_112 = arith.constant 0 : i32
        %dma_start3A_113 = arith.constant 0 : i32
        %dma_start3A_114 = tpu.memref_slice %arg9[%dma_start3A_112, %dma_start3A_113] : memref<128x128xf32, #tpu.memory_space<vmem>> -> memref<64x128xf32, #tpu.memory_space<vmem>>
        %dma_start3A_115 = arith.constant 999936 : i32
        %dma_start3A_116 = arith.constant 0 : i32
        %dma_start3A_117 = tpu.memref_slice %arg4[%dma_start3A_115, %dma_start3A_116] : memref<1000000x128xf32, #tpu.memory_space<hbm>> -> memref<64x128xf32, #tpu.memory_space<hbm>>
        %dma_start3A_118 = arith.constant 999936 : i32
        %dma_start3A_119 = arith.constant 0 : i32
        %dma_start3A_120 = tpu.memref_slice %arg4[%dma_start3A_118, %dma_start3A_119] : memref<1000000x128xf32, #tpu.memory_space<hbm>> -> memref<64x128xf32, #tpu.memory_space<hbm>>
        %dma_start3A_121 = arith.constant 0 : i32
        %dma_start3A_122 = arith.constant 0 : i32
        %dma_start3A_123 = tpu.memref_slice %arg9[%dma_start3A_121, %dma_start3A_122] : memref<128x128xf32, #tpu.memory_space<vmem>> -> memref<64x128xf32, #tpu.memory_space<vmem>>
        tpu.enqueue_dma source(%dma_start3A_123 : memref<64x128xf32, #tpu.memory_space<vmem>>) target(%dma_start3A_120 : memref<64x128xf32, #tpu.memory_space<hbm>>) target_semaphore(%run_scoped3A : memref<!tpu.dma_semaphore, #tpu.memory_space<semaphore_mem>>)
        %dma_wait3A_124 = arith.constant 0 : i32
        %dma_wait3A_125 = arith.constant 0 : i32
        %dma_wait3A_126 = tpu.memref_slice %arg9[%dma_wait3A_124, %dma_wait3A_125] : memref<128x128xf32, #tpu.memory_space<vmem>> -> memref<64x128xf32, #tpu.memory_space<vmem>>
        %dma_wait3A_127 = arith.constant 999936 : i32
        %dma_wait3A_128 = arith.constant 0 : i32
        %dma_wait3A_129 = tpu.memref_slice %arg4[%dma_wait3A_127, %dma_wait3A_128] : memref<1000000x128xf32, #tpu.memory_space<hbm>> -> memref<64x128xf32, #tpu.memory_space<hbm>>
        %dma_wait3A_130 = arith.constant 999936 : i32
        %dma_wait3A_131 = arith.constant 0 : i32
        %dma_wait3A_132 = tpu.memref_slice %arg4[%dma_wait3A_130, %dma_wait3A_131] : memref<1000000x128xf32, #tpu.memory_space<hbm>> -> memref<64x128xf32, #tpu.memory_space<hbm>>
        %dma_wait3A_133 = arith.constant 0 : i32
        %dma_wait3A_134 = arith.constant 0 : i32
        %dma_wait3A_135 = tpu.memref_slice %arg9[%dma_wait3A_133, %dma_wait3A_134] : memref<128x128xf32, #tpu.memory_space<vmem>> -> memref<64x128xf32, #tpu.memory_space<vmem>>
        tpu.wait_dma2 semaphore(%run_scoped3A : memref<!tpu.dma_semaphore, #tpu.memory_space<semaphore_mem>>) src(%dma_wait3A_135 : memref<64x128xf32, #tpu.memory_space<vmem>>) dst(%dma_wait3A_132 : memref<64x128xf32, #tpu.memory_space<hbm>>)
        tpu.yield
      }) : () -> ()
    } else {
    }
    return
  }
}

#map = affine_map<(d0, d1) -> (0, 0)>
module attributes {stable_mosaic.version = 14 : i64} {
  func.func @_pool(%arg0: i32, %arg1: i32, %arg2: memref<200x4096xi32, #tpu.memory_space<hbm>>, %arg3: memref<1000000x128xf32, #tpu.memory_space<hbm>>, %arg4: memref<4096x64xf32, #tpu.memory_space<hbm>>, %arg5: memref<200x128xi32, #tpu.memory_space<vmem>>, %arg6: memref<128x128xf32, #tpu.memory_space<vmem>>, %arg7: memref<128x128xf32, #tpu.memory_space<vmem>>, %arg8: memref<128x128xf32, #tpu.memory_space<vmem>>, %arg9: memref<128x128xf32, #tpu.memory_space<vmem>>, %arg10: memref<128x64xf32, #tpu.memory_space<vmem>>, %arg11: memref<!tpu.dma_semaphore, #tpu.memory_space<semaphore_mem>>, %arg12: memref<!tpu.dma_semaphore, #tpu.memory_space<semaphore_mem>>, %arg13: memref<!tpu.dma_semaphore, #tpu.memory_space<semaphore_mem>>, %arg14: memref<!tpu.dma_semaphore, #tpu.memory_space<semaphore_mem>>) attributes {dimension_semantics = [#tpu.dimension_semantics<core_parallel>, #tpu.dimension_semantics<subcore_parallel>], iteration_bounds = array<i64: 2, 16>, scalar_prefetch = 0 : i64, scratch_operands = 10 : i64, tpu.core_type = #tpu.core_type<sc_vector_subcore>, window_params = [{transform_indices = #map}, {transform_indices = #map}, {transform_indices = #map}]} {
    %mul3A = arith.constant 2 : i32
    %mul3A_0 = arith.muli %arg1, %mul3A : i32
    %add3A = arith.addi %mul3A_0, %arg0 : i32
    %mul3A_1 = arith.constant 128 : i32
    %mul3A_2 = arith.muli %add3A, %mul3A_1 : i32
    "tpu.region"() ({
      %run_scoped3A = tpu.sem_alloc : memref<!tpu.dma_semaphore, #tpu.memory_space<semaphore_mem>>
      %dma_start3A_44 = arith.constant 0 : i32
      %dma_start3A_45 = tpu.memref_slice %arg2[%dma_start3A_44, %mul3A_2] : memref<200x4096xi32, #tpu.memory_space<hbm>> -> memref<200x128xi32, #tpu.memory_space<hbm>>
      %dma_start3A_46 = arith.constant 0 : i32
      %dma_start3A_47 = tpu.memref_slice %arg2[%dma_start3A_46, %mul3A_2] : memref<200x4096xi32, #tpu.memory_space<hbm>> -> memref<200x128xi32, #tpu.memory_space<hbm>>
      tpu.enqueue_dma source(%dma_start3A_47 : memref<200x128xi32, #tpu.memory_space<hbm>>) target(%arg5 : memref<200x128xi32, #tpu.memory_space<vmem>>) target_semaphore(%run_scoped3A : memref<!tpu.dma_semaphore, #tpu.memory_space<semaphore_mem>>)
      %dma_wait3A = arith.constant 0 : i32
      %dma_wait3A_48 = tpu.memref_slice %arg2[%dma_wait3A, %mul3A_2] : memref<200x4096xi32, #tpu.memory_space<hbm>> -> memref<200x128xi32, #tpu.memory_space<hbm>>
      %dma_wait3A_49 = arith.constant 0 : i32
      %dma_wait3A_50 = tpu.memref_slice %arg2[%dma_wait3A_49, %mul3A_2] : memref<200x4096xi32, #tpu.memory_space<hbm>> -> memref<200x128xi32, #tpu.memory_space<hbm>>
      tpu.wait_dma2 semaphore(%run_scoped3A : memref<!tpu.dma_semaphore, #tpu.memory_space<semaphore_mem>>) src(%dma_wait3A_50 : memref<200x128xi32, #tpu.memory_space<hbm>>) dst(%arg5 : memref<200x128xi32, #tpu.memory_space<vmem>>)
      tpu.yield
    }) : () -> ()
    %broadcast_in_dim3A = arith.constant 0.000000e+00 : f32
    %broadcast_in_dim3A_3 = vector.broadcast %broadcast_in_dim3A : f32 to vector<16xf32>
    %scan3A = arith.constant 0 : i32
    %scan3A_4 = arith.constant 0 : i32
    %scan3A_5 = arith.constant 64 : i32
    %scan3A_6 = arith.addi %scan3A_4, %scan3A_5 : i32
    %scan3A_7 = arith.constant 1 : i32
    %scan3A_8 = scf.for %scan3A_44 = %scan3A_4 to %scan3A_6 step %scan3A_7 iter_args(%scan3A_45 = %scan3A) -> (i32)  : i32 {
      %mul3A_46 = arith.constant 2 : i32
      %mul3A_47 = arith.muli %scan3A_44, %mul3A_46 : i32
      %add3A_48 = arith.constant 0 : i32
      %add3A_49 = arith.addi %mul3A_47, %add3A_48 : i32
      %swap3A = arith.index_cast %add3A_49 : i32 to index
      %swap3A_50 = arith.constant 0 : index
      %swap3A_51 = tpu.vector_load %arg10[%swap3A, %swap3A_50] {strides = array<i32>} : memref<128x64xf32, #tpu.memory_space<vmem>>, vector<1x16xf32>,
      %swap3A_52 = vector.shape_cast %swap3A_51 : vector<1x16xf32> to vector<16xf32>
      %swap3A_53 = vector.shape_cast %broadcast_in_dim3A_3 : vector<16xf32> to vector<1x16xf32>
      tpu.vector_store %arg10[%swap3A, %swap3A_50], %swap3A_53 {strides = array<i32>} : memref<128x64xf32, #tpu.memory_space<vmem>>, vector<1x16xf32>,
      %swap3A_54 = arith.index_cast %add3A_49 : i32 to index
      %swap3A_55 = arith.constant 16 : index
      %swap3A_56 = tpu.vector_load %arg10[%swap3A_54, %swap3A_55] {strides = array<i32>} : memref<128x64xf32, #tpu.memory_space<vmem>>, vector<1x16xf32>,
      %swap3A_57 = vector.shape_cast %swap3A_56 : vector<1x16xf32> to vector<16xf32>
      %swap3A_58 = vector.shape_cast %broadcast_in_dim3A_3 : vector<16xf32> to vector<1x16xf32>
      tpu.vector_store %arg10[%swap3A_54, %swap3A_55], %swap3A_58 {strides = array<i32>} : memref<128x64xf32, #tpu.memory_space<vmem>>, vector<1x16xf32>,
      %swap3A_59 = arith.index_cast %add3A_49 : i32 to index
      %swap3A_60 = arith.constant 32 : index
      %swap3A_61 = tpu.vector_load %arg10[%swap3A_59, %swap3A_60] {strides = array<i32>} : memref<128x64xf32, #tpu.memory_space<vmem>>, vector<1x16xf32>,
      %swap3A_62 = vector.shape_cast %swap3A_61 : vector<1x16xf32> to vector<16xf32>
      %swap3A_63 = vector.shape_cast %broadcast_in_dim3A_3 : vector<16xf32> to vector<1x16xf32>
      tpu.vector_store %arg10[%swap3A_59, %swap3A_60], %swap3A_63 {strides = array<i32>} : memref<128x64xf32, #tpu.memory_space<vmem>>, vector<1x16xf32>,
      %swap3A_64 = arith.index_cast %add3A_49 : i32 to index
      %swap3A_65 = arith.constant 48 : index
      %swap3A_66 = tpu.vector_load %arg10[%swap3A_64, %swap3A_65] {strides = array<i32>} : memref<128x64xf32, #tpu.memory_space<vmem>>, vector<1x16xf32>,
      %swap3A_67 = vector.shape_cast %swap3A_66 : vector<1x16xf32> to vector<16xf32>
      %swap3A_68 = vector.shape_cast %broadcast_in_dim3A_3 : vector<16xf32> to vector<1x16xf32>
      tpu.vector_store %arg10[%swap3A_64, %swap3A_65], %swap3A_68 {strides = array<i32>} : memref<128x64xf32, #tpu.memory_space<vmem>>, vector<1x16xf32>,
      %mul3A_69 = arith.constant 2 : i32
      %mul3A_70 = arith.muli %scan3A_44, %mul3A_69 : i32
      %add3A_71 = arith.constant 1 : i32
      %add3A_72 = arith.addi %mul3A_70, %add3A_71 : i32
      %swap3A_73 = arith.index_cast %add3A_72 : i32 to index
      %swap3A_74 = arith.constant 0 : index
      %swap3A_75 = tpu.vector_load %arg10[%swap3A_73, %swap3A_74] {strides = array<i32>} : memref<128x64xf32, #tpu.memory_space<vmem>>, vector<1x16xf32>,
      %swap3A_76 = vector.shape_cast %swap3A_75 : vector<1x16xf32> to vector<16xf32>
      %swap3A_77 = vector.shape_cast %broadcast_in_dim3A_3 : vector<16xf32> to vector<1x16xf32>
      tpu.vector_store %arg10[%swap3A_73, %swap3A_74], %swap3A_77 {strides = array<i32>} : memref<128x64xf32, #tpu.memory_space<vmem>>, vector<1x16xf32>,
      %swap3A_78 = arith.index_cast %add3A_72 : i32 to index
      %swap3A_79 = arith.constant 16 : index
      %swap3A_80 = tpu.vector_load %arg10[%swap3A_78, %swap3A_79] {strides = array<i32>} : memref<128x64xf32, #tpu.memory_space<vmem>>, vector<1x16xf32>,
      %swap3A_81 = vector.shape_cast %swap3A_80 : vector<1x16xf32> to vector<16xf32>
      %swap3A_82 = vector.shape_cast %broadcast_in_dim3A_3 : vector<16xf32> to vector<1x16xf32>
      tpu.vector_store %arg10[%swap3A_78, %swap3A_79], %swap3A_82 {strides = array<i32>} : memref<128x64xf32, #tpu.memory_space<vmem>>, vector<1x16xf32>,
      %swap3A_83 = arith.index_cast %add3A_72 : i32 to index
      %swap3A_84 = arith.constant 32 : index
      %swap3A_85 = tpu.vector_load %arg10[%swap3A_83, %swap3A_84] {strides = array<i32>} : memref<128x64xf32, #tpu.memory_space<vmem>>, vector<1x16xf32>,
      %swap3A_86 = vector.shape_cast %swap3A_85 : vector<1x16xf32> to vector<16xf32>
      %swap3A_87 = vector.shape_cast %broadcast_in_dim3A_3 : vector<16xf32> to vector<1x16xf32>
      tpu.vector_store %arg10[%swap3A_83, %swap3A_84], %swap3A_87 {strides = array<i32>} : memref<128x64xf32, #tpu.memory_space<vmem>>, vector<1x16xf32>,
      %swap3A_88 = arith.index_cast %add3A_72 : i32 to index
      %swap3A_89 = arith.constant 48 : index
      %swap3A_90 = tpu.vector_load %arg10[%swap3A_88, %swap3A_89] {strides = array<i32>} : memref<128x64xf32, #tpu.memory_space<vmem>>, vector<1x16xf32>,
      %swap3A_91 = vector.shape_cast %swap3A_90 : vector<1x16xf32> to vector<16xf32>
      %swap3A_92 = vector.shape_cast %broadcast_in_dim3A_3 : vector<16xf32> to vector<1x16xf32>
      tpu.vector_store %arg10[%swap3A_88, %swap3A_89], %swap3A_92 {strides = array<i32>} : memref<128x64xf32, #tpu.memory_space<vmem>>, vector<1x16xf32>,
      %scan3A_93 = arith.constant 0 : i32
      scf.yield %scan3A_93 : i32
    }
    %scan3A_9 = arith.constant 64 : i32
    %dma_start3A = arith.constant 0 : i32
    %dma_start3A_10 = arith.constant 0 : i32
    %dma_start3A_11 = tpu.memref_slice %arg5[%dma_start3A, %dma_start3A_10] : memref<200x128xi32, #tpu.memory_space<vmem>> -> memref<1x128xi32, #tpu.memory_space<vmem>>
    %dma_start3A_12 = tpu.memref_squeeze %dma_start3A_11 : memref<1x128xi32, #tpu.memory_space<vmem>> -> memref<128xi32, #tpu.memory_space<vmem>>
    %dma_start3A_13 = arith.constant 0 : i32
    %dma_start3A_14 = arith.constant 0 : i32
    %dma_start3A_15 = tpu.memref_slice %arg3[%dma_start3A_13, %dma_start3A_14] : memref<1000000x128xf32, #tpu.memory_space<hbm>> -> memref<1000000x128xf32, #tpu.memory_space<hbm>>
    tpu.enqueue_indirect_dma source(%dma_start3A_15 : memref<1000000x128xf32, #tpu.memory_space<hbm>>) target(%arg6 : memref<128x128xf32, #tpu.memory_space<vmem>>) offsets(%dma_start3A_12 : memref<128xi32, #tpu.memory_space<vmem>>) semaphore(%arg11 : memref<!tpu.dma_semaphore, #tpu.memory_space<semaphore_mem>>)
    %dma_start3A_16 = arith.constant 1 : i32
    %dma_start3A_17 = arith.constant 0 : i32
    %dma_start3A_18 = tpu.memref_slice %arg5[%dma_start3A_16, %dma_start3A_17] : memref<200x128xi32, #tpu.memory_space<vmem>> -> memref<1x128xi32, #tpu.memory_space<vmem>>
    %dma_start3A_19 = tpu.memref_squeeze %dma_start3A_18 : memref<1x128xi32, #tpu.memory_space<vmem>> -> memref<128xi32, #tpu.memory_space<vmem>>
    %dma_start3A_20 = arith.constant 0 : i32
    %dma_start3A_21 = arith.constant 0 : i32
    %dma_start3A_22 = tpu.memref_slice %arg3[%dma_start3A_20, %dma_start3A_21] : memref<1000000x128xf32, #tpu.memory_space<hbm>> -> memref<1000000x128xf32, #tpu.memory_space<hbm>>
    tpu.enqueue_indirect_dma source(%dma_start3A_22 : memref<1000000x128xf32, #tpu.memory_space<hbm>>) target(%arg7 : memref<128x128xf32, #tpu.memory_space<vmem>>) offsets(%dma_start3A_19 : memref<128xi32, #tpu.memory_space<vmem>>) semaphore(%arg12 : memref<!tpu.dma_semaphore, #tpu.memory_space<semaphore_mem>>)
    %dma_start3A_23 = arith.constant 2 : i32
    %dma_start3A_24 = arith.constant 0 : i32
    %dma_start3A_25 = tpu.memref_slice %arg5[%dma_start3A_23, %dma_start3A_24] : memref<200x128xi32, #tpu.memory_space<vmem>> -> memref<1x128xi32, #tpu.memory_space<vmem>>
    %dma_start3A_26 = tpu.memref_squeeze %dma_start3A_25 : memref<1x128xi32, #tpu.memory_space<vmem>> -> memref<128xi32, #tpu.memory_space<vmem>>
    %dma_start3A_27 = arith.constant 0 : i32
    %dma_start3A_28 = arith.constant 0 : i32
    %dma_start3A_29 = tpu.memref_slice %arg3[%dma_start3A_27, %dma_start3A_28] : memref<1000000x128xf32, #tpu.memory_space<hbm>> -> memref<1000000x128xf32, #tpu.memory_space<hbm>>
    tpu.enqueue_indirect_dma source(%dma_start3A_29 : memref<1000000x128xf32, #tpu.memory_space<hbm>>) target(%arg8 : memref<128x128xf32, #tpu.memory_space<vmem>>) offsets(%dma_start3A_26 : memref<128xi32, #tpu.memory_space<vmem>>) semaphore(%arg13 : memref<!tpu.dma_semaphore, #tpu.memory_space<semaphore_mem>>)
    %dma_start3A_30 = arith.constant 3 : i32
    %dma_start3A_31 = arith.constant 0 : i32
    %dma_start3A_32 = tpu.memref_slice %arg5[%dma_start3A_30, %dma_start3A_31] : memref<200x128xi32, #tpu.memory_space<vmem>> -> memref<1x128xi32, #tpu.memory_space<vmem>>
    %dma_start3A_33 = tpu.memref_squeeze %dma_start3A_32 : memref<1x128xi32, #tpu.memory_space<vmem>> -> memref<128xi32, #tpu.memory_space<vmem>>
    %dma_start3A_34 = arith.constant 0 : i32
    %dma_start3A_35 = arith.constant 0 : i32
    %dma_start3A_36 = tpu.memref_slice %arg3[%dma_start3A_34, %dma_start3A_35] : memref<1000000x128xf32, #tpu.memory_space<hbm>> -> memref<1000000x128xf32, #tpu.memory_space<hbm>>
    tpu.enqueue_indirect_dma source(%dma_start3A_36 : memref<1000000x128xf32, #tpu.memory_space<hbm>>) target(%arg9 : memref<128x128xf32, #tpu.memory_space<vmem>>) offsets(%dma_start3A_33 : memref<128xi32, #tpu.memory_space<vmem>>) semaphore(%arg14 : memref<!tpu.dma_semaphore, #tpu.memory_space<semaphore_mem>>)
    %scan3A_37 = arith.constant 0 : i32
    %scan3A_38 = arith.constant 0 : i32
    %scan3A_39 = arith.constant 50 : i32
    %scan3A_40 = arith.addi %scan3A_38, %scan3A_39 : i32
    %scan3A_41 = arith.constant 1 : i32
    %scan3A_42 = scf.for %scan3A_44 = %scan3A_38 to %scan3A_40 step %scan3A_41 iter_args(%scan3A_45 = %scan3A_37) -> (i32)  : i32 {
      %mul3A_46 = arith.constant 4 : i32
      %mul3A_47 = arith.muli %scan3A_44, %mul3A_46 : i32
      %add3A_48 = arith.constant 0 : i32
      %add3A_49 = arith.addi %mul3A_47, %add3A_48 : i32
      %dma_wait3A = arith.constant 0 : i32
      %dma_wait3A_50 = tpu.memref_slice %arg5[%add3A_49, %dma_wait3A] : memref<200x128xi32, #tpu.memory_space<vmem>> -> memref<1x128xi32, #tpu.memory_space<vmem>>
      %dma_wait3A_51 = tpu.memref_squeeze %dma_wait3A_50 : memref<1x128xi32, #tpu.memory_space<vmem>> -> memref<128xi32, #tpu.memory_space<vmem>>
      %dma_wait3A_52 = arith.constant 0 : i32
      %dma_wait3A_53 = arith.constant 0 : i32
      %dma_wait3A_54 = tpu.memref_slice %arg3[%dma_wait3A_52, %dma_wait3A_53] : memref<1000000x128xf32, #tpu.memory_space<hbm>> -> memref<1000000x128xf32, #tpu.memory_space<hbm>>
      tpu.wait_indirect_dma semaphore(%arg11 : memref<!tpu.dma_semaphore, #tpu.memory_space<semaphore_mem>>) src(%dma_wait3A_54 : memref<1000000x128xf32, #tpu.memory_space<hbm>>) dst(%arg6 : memref<128x128xf32, #tpu.memory_space<vmem>>)
      %scan3A_55 = arith.constant 0 : i32
      %scan3A_56 = arith.constant 0 : i32
      %scan3A_57 = arith.constant 64 : i32
      %scan3A_58 = arith.addi %scan3A_56, %scan3A_57 : i32
      %scan3A_59 = arith.constant 1 : i32
      %scan3A_60 = scf.for %scan3A_139 = %scan3A_56 to %scan3A_58 step %scan3A_59 iter_args(%scan3A_140 = %scan3A_55) -> (i32)  : i32 {
        %mul3A_141 = arith.constant 2 : i32
        %mul3A_142 = arith.muli %scan3A_139, %mul3A_141 : i32
        %add3A_143 = arith.constant 0 : i32
        %add3A_144 = arith.addi %mul3A_142, %add3A_143 : i32
        %get3A = arith.index_cast %add3A_144 : i32 to index
        %get3A_145 = arith.constant 0 : index
        %get3A_146 = tpu.vector_load %arg6[%get3A, %get3A_145] {strides = array<i32>} : memref<128x128xf32, #tpu.memory_space<vmem>>, vector<1x16xf32>,
        %get3A_147 = vector.shape_cast %get3A_146 : vector<1x16xf32> to vector<16xf32>
        %swap3A = arith.index_cast %add3A_144 : i32 to index
        %swap3A_148 = arith.constant 0 : index
        %swap3A_149 = tpu.vector_load %arg10[%swap3A, %swap3A_148] {strides = array<i32>} : memref<128x64xf32, #tpu.memory_space<vmem>>, vector<1x16xf32>,
        %swap3A_150 = vector.shape_cast %swap3A_149 : vector<1x16xf32> to vector<16xf32>
        %swap3A_151 = vector.shape_cast %get3A_147 : vector<16xf32> to vector<1x16xf32>
        tpu.vector_store %arg10[%swap3A, %swap3A_148], %swap3A_151 {add = true, strides = array<i32>} : memref<128x64xf32, #tpu.memory_space<vmem>>, vector<1x16xf32>,
        %get3A_152 = arith.index_cast %add3A_144 : i32 to index
        %get3A_153 = arith.constant 16 : index
        %get3A_154 = tpu.vector_load %arg6[%get3A_152, %get3A_153] {strides = array<i32>} : memref<128x128xf32, #tpu.memory_space<vmem>>, vector<1x16xf32>,
        %get3A_155 = vector.shape_cast %get3A_154 : vector<1x16xf32> to vector<16xf32>
        %swap3A_156 = arith.index_cast %add3A_144 : i32 to index
        %swap3A_157 = arith.constant 16 : index
        %swap3A_158 = tpu.vector_load %arg10[%swap3A_156, %swap3A_157] {strides = array<i32>} : memref<128x64xf32, #tpu.memory_space<vmem>>, vector<1x16xf32>,
        %swap3A_159 = vector.shape_cast %swap3A_158 : vector<1x16xf32> to vector<16xf32>
        %swap3A_160 = vector.shape_cast %get3A_155 : vector<16xf32> to vector<1x16xf32>
        tpu.vector_store %arg10[%swap3A_156, %swap3A_157], %swap3A_160 {add = true, strides = array<i32>} : memref<128x64xf32, #tpu.memory_space<vmem>>, vector<1x16xf32>,
        %get3A_161 = arith.index_cast %add3A_144 : i32 to index
        %get3A_162 = arith.constant 32 : index
        %get3A_163 = tpu.vector_load %arg6[%get3A_161, %get3A_162] {strides = array<i32>} : memref<128x128xf32, #tpu.memory_space<vmem>>, vector<1x16xf32>,
        %get3A_164 = vector.shape_cast %get3A_163 : vector<1x16xf32> to vector<16xf32>
        %swap3A_165 = arith.index_cast %add3A_144 : i32 to index
        %swap3A_166 = arith.constant 32 : index
        %swap3A_167 = tpu.vector_load %arg10[%swap3A_165, %swap3A_166] {strides = array<i32>} : memref<128x64xf32, #tpu.memory_space<vmem>>, vector<1x16xf32>,
        %swap3A_168 = vector.shape_cast %swap3A_167 : vector<1x16xf32> to vector<16xf32>
        %swap3A_169 = vector.shape_cast %get3A_164 : vector<16xf32> to vector<1x16xf32>
        tpu.vector_store %arg10[%swap3A_165, %swap3A_166], %swap3A_169 {add = true, strides = array<i32>} : memref<128x64xf32, #tpu.memory_space<vmem>>, vector<1x16xf32>,
        %get3A_170 = arith.index_cast %add3A_144 : i32 to index
        %get3A_171 = arith.constant 48 : index
        %get3A_172 = tpu.vector_load %arg6[%get3A_170, %get3A_171] {strides = array<i32>} : memref<128x128xf32, #tpu.memory_space<vmem>>, vector<1x16xf32>,
        %get3A_173 = vector.shape_cast %get3A_172 : vector<1x16xf32> to vector<16xf32>
        %swap3A_174 = arith.index_cast %add3A_144 : i32 to index
        %swap3A_175 = arith.constant 48 : index
        %swap3A_176 = tpu.vector_load %arg10[%swap3A_174, %swap3A_175] {strides = array<i32>} : memref<128x64xf32, #tpu.memory_space<vmem>>, vector<1x16xf32>,
        %swap3A_177 = vector.shape_cast %swap3A_176 : vector<1x16xf32> to vector<16xf32>
        %swap3A_178 = vector.shape_cast %get3A_173 : vector<16xf32> to vector<1x16xf32>
        tpu.vector_store %arg10[%swap3A_174, %swap3A_175], %swap3A_178 {add = true, strides = array<i32>} : memref<128x64xf32, #tpu.memory_space<vmem>>, vector<1x16xf32>,
        %mul3A_179 = arith.constant 2 : i32
        %mul3A_180 = arith.muli %scan3A_139, %mul3A_179 : i32
        %add3A_181 = arith.constant 1 : i32
        %add3A_182 = arith.addi %mul3A_180, %add3A_181 : i32
        %get3A_183 = arith.index_cast %add3A_182 : i32 to index
        %get3A_184 = arith.constant 0 : index
        %get3A_185 = tpu.vector_load %arg6[%get3A_183, %get3A_184] {strides = array<i32>} : memref<128x128xf32, #tpu.memory_space<vmem>>, vector<1x16xf32>,
        %get3A_186 = vector.shape_cast %get3A_185 : vector<1x16xf32> to vector<16xf32>
        %swap3A_187 = arith.index_cast %add3A_182 : i32 to index
        %swap3A_188 = arith.constant 0 : index
        %swap3A_189 = tpu.vector_load %arg10[%swap3A_187, %swap3A_188] {strides = array<i32>} : memref<128x64xf32, #tpu.memory_space<vmem>>, vector<1x16xf32>,
        %swap3A_190 = vector.shape_cast %swap3A_189 : vector<1x16xf32> to vector<16xf32>
        %swap3A_191 = vector.shape_cast %get3A_186 : vector<16xf32> to vector<1x16xf32>
        tpu.vector_store %arg10[%swap3A_187, %swap3A_188], %swap3A_191 {add = true, strides = array<i32>} : memref<128x64xf32, #tpu.memory_space<vmem>>, vector<1x16xf32>,
        %get3A_192 = arith.index_cast %add3A_182 : i32 to index
        %get3A_193 = arith.constant 16 : index
        %get3A_194 = tpu.vector_load %arg6[%get3A_192, %get3A_193] {strides = array<i32>} : memref<128x128xf32, #tpu.memory_space<vmem>>, vector<1x16xf32>,
        %get3A_195 = vector.shape_cast %get3A_194 : vector<1x16xf32> to vector<16xf32>
        %swap3A_196 = arith.index_cast %add3A_182 : i32 to index
        %swap3A_197 = arith.constant 16 : index
        %swap3A_198 = tpu.vector_load %arg10[%swap3A_196, %swap3A_197] {strides = array<i32>} : memref<128x64xf32, #tpu.memory_space<vmem>>, vector<1x16xf32>,
        %swap3A_199 = vector.shape_cast %swap3A_198 : vector<1x16xf32> to vector<16xf32>
        %swap3A_200 = vector.shape_cast %get3A_195 : vector<16xf32> to vector<1x16xf32>
        tpu.vector_store %arg10[%swap3A_196, %swap3A_197], %swap3A_200 {add = true, strides = array<i32>} : memref<128x64xf32, #tpu.memory_space<vmem>>, vector<1x16xf32>,
        %get3A_201 = arith.index_cast %add3A_182 : i32 to index
        %get3A_202 = arith.constant 32 : index
        %get3A_203 = tpu.vector_load %arg6[%get3A_201, %get3A_202] {strides = array<i32>} : memref<128x128xf32, #tpu.memory_space<vmem>>, vector<1x16xf32>,
        %get3A_204 = vector.shape_cast %get3A_203 : vector<1x16xf32> to vector<16xf32>
        %swap3A_205 = arith.index_cast %add3A_182 : i32 to index
        %swap3A_206 = arith.constant 32 : index
        %swap3A_207 = tpu.vector_load %arg10[%swap3A_205, %swap3A_206] {strides = array<i32>} : memref<128x64xf32, #tpu.memory_space<vmem>>, vector<1x16xf32>,
        %swap3A_208 = vector.shape_cast %swap3A_207 : vector<1x16xf32> to vector<16xf32>
        %swap3A_209 = vector.shape_cast %get3A_204 : vector<16xf32> to vector<1x16xf32>
        tpu.vector_store %arg10[%swap3A_205, %swap3A_206], %swap3A_209 {add = true, strides = array<i32>} : memref<128x64xf32, #tpu.memory_space<vmem>>, vector<1x16xf32>,
        %get3A_210 = arith.index_cast %add3A_182 : i32 to index
        %get3A_211 = arith.constant 48 : index
        %get3A_212 = tpu.vector_load %arg6[%get3A_210, %get3A_211] {strides = array<i32>} : memref<128x128xf32, #tpu.memory_space<vmem>>, vector<1x16xf32>,
        %get3A_213 = vector.shape_cast %get3A_212 : vector<1x16xf32> to vector<16xf32>
        %swap3A_214 = arith.index_cast %add3A_182 : i32 to index
        %swap3A_215 = arith.constant 48 : index
        %swap3A_216 = tpu.vector_load %arg10[%swap3A_214, %swap3A_215] {strides = array<i32>} : memref<128x64xf32, #tpu.memory_space<vmem>>, vector<1x16xf32>,
        %swap3A_217 = vector.shape_cast %swap3A_216 : vector<1x16xf32> to vector<16xf32>
        %swap3A_218 = vector.shape_cast %get3A_213 : vector<16xf32> to vector<1x16xf32>
        tpu.vector_store %arg10[%swap3A_214, %swap3A_215], %swap3A_218 {add = true, strides = array<i32>} : memref<128x64xf32, #tpu.memory_space<vmem>>, vector<1x16xf32>,
        %scan3A_219 = arith.constant 0 : i32
        scf.yield %scan3A_219 : i32
      }
      %scan3A_61 = arith.constant 64 : i32
      %add3A_62 = arith.constant 4 : i32
      %add3A_63 = arith.addi %add3A_49, %add3A_62 : i32
      %lt3A = arith.constant 200 : i32
      %lt3A_64 = arith.cmpi slt, %add3A_63, %lt3A : i32
      %convert_element_type3A = arith.extui %lt3A_64 : i1 to i32
      %cond3A = arith.constant 0 : i32
      %cond3A_65 = arith.cmpi ne, %convert_element_type3A, %cond3A : i32
      scf.if %cond3A_65 {
        %add3A_139 = arith.constant 4 : i32
        %add3A_140 = arith.addi %add3A_49, %add3A_139 : i32
        %dma_start3A_141 = arith.constant 0 : i32
        %dma_start3A_142 = tpu.memref_slice %arg5[%add3A_140, %dma_start3A_141] : memref<200x128xi32, #tpu.memory_space<vmem>> -> memref<1x128xi32, #tpu.memory_space<vmem>>
        %dma_start3A_143 = tpu.memref_squeeze %dma_start3A_142 : memref<1x128xi32, #tpu.memory_space<vmem>> -> memref<128xi32, #tpu.memory_space<vmem>>
        %dma_start3A_144 = arith.constant 0 : i32
        %dma_start3A_145 = arith.constant 0 : i32
        %dma_start3A_146 = tpu.memref_slice %arg3[%dma_start3A_144, %dma_start3A_145] : memref<1000000x128xf32, #tpu.memory_space<hbm>> -> memref<1000000x128xf32, #tpu.memory_space<hbm>>
        tpu.enqueue_indirect_dma source(%dma_start3A_146 : memref<1000000x128xf32, #tpu.memory_space<hbm>>) target(%arg6 : memref<128x128xf32, #tpu.memory_space<vmem>>) offsets(%dma_start3A_143 : memref<128xi32, #tpu.memory_space<vmem>>) semaphore(%arg11 : memref<!tpu.dma_semaphore, #tpu.memory_space<semaphore_mem>>)
      } else {
      }
      %mul3A_66 = arith.constant 4 : i32
      %mul3A_67 = arith.muli %scan3A_44, %mul3A_66 : i32
      %add3A_68 = arith.constant 1 : i32
      %add3A_69 = arith.addi %mul3A_67, %add3A_68 : i32
      %dma_wait3A_70 = arith.constant 0 : i32
      %dma_wait3A_71 = tpu.memref_slice %arg5[%add3A_69, %dma_wait3A_70] : memref<200x128xi32, #tpu.memory_space<vmem>> -> memref<1x128xi32, #tpu.memory_space<vmem>>
      %dma_wait3A_72 = tpu.memref_squeeze %dma_wait3A_71 : memref<1x128xi32, #tpu.memory_space<vmem>> -> memref<128xi32, #tpu.memory_space<vmem>>
      %dma_wait3A_73 = arith.constant 0 : i32
      %dma_wait3A_74 = arith.constant 0 : i32
      %dma_wait3A_75 = tpu.memref_slice %arg3[%dma_wait3A_73, %dma_wait3A_74] : memref<1000000x128xf32, #tpu.memory_space<hbm>> -> memref<1000000x128xf32, #tpu.memory_space<hbm>>
      tpu.wait_indirect_dma semaphore(%arg12 : memref<!tpu.dma_semaphore, #tpu.memory_space<semaphore_mem>>) src(%dma_wait3A_75 : memref<1000000x128xf32, #tpu.memory_space<hbm>>) dst(%arg7 : memref<128x128xf32, #tpu.memory_space<vmem>>)
      %scan3A_76 = arith.constant 0 : i32
      %scan3A_77 = arith.constant 0 : i32
      %scan3A_78 = arith.constant 64 : i32
      %scan3A_79 = arith.addi %scan3A_77, %scan3A_78 : i32
      %scan3A_80 = arith.constant 1 : i32
      %scan3A_81 = scf.for %scan3A_139 = %scan3A_77 to %scan3A_79 step %scan3A_80 iter_args(%scan3A_140 = %scan3A_76) -> (i32)  : i32 {
        %mul3A_141 = arith.constant 2 : i32
        %mul3A_142 = arith.muli %scan3A_139, %mul3A_141 : i32
        %add3A_143 = arith.constant 0 : i32
        %add3A_144 = arith.addi %mul3A_142, %add3A_143 : i32
        %get3A = arith.index_cast %add3A_144 : i32 to index
        %get3A_145 = arith.constant 0 : index
        %get3A_146 = tpu.vector_load %arg7[%get3A, %get3A_145] {strides = array<i32>} : memref<128x128xf32, #tpu.memory_space<vmem>>, vector<1x16xf32>,
        %get3A_147 = vector.shape_cast %get3A_146 : vector<1x16xf32> to vector<16xf32>
        %swap3A = arith.index_cast %add3A_144 : i32 to index
        %swap3A_148 = arith.constant 0 : index
        %swap3A_149 = tpu.vector_load %arg10[%swap3A, %swap3A_148] {strides = array<i32>} : memref<128x64xf32, #tpu.memory_space<vmem>>, vector<1x16xf32>,
        %swap3A_150 = vector.shape_cast %swap3A_149 : vector<1x16xf32> to vector<16xf32>
        %swap3A_151 = vector.shape_cast %get3A_147 : vector<16xf32> to vector<1x16xf32>
        tpu.vector_store %arg10[%swap3A, %swap3A_148], %swap3A_151 {add = true, strides = array<i32>} : memref<128x64xf32, #tpu.memory_space<vmem>>, vector<1x16xf32>,
        %get3A_152 = arith.index_cast %add3A_144 : i32 to index
        %get3A_153 = arith.constant 16 : index
        %get3A_154 = tpu.vector_load %arg7[%get3A_152, %get3A_153] {strides = array<i32>} : memref<128x128xf32, #tpu.memory_space<vmem>>, vector<1x16xf32>,
        %get3A_155 = vector.shape_cast %get3A_154 : vector<1x16xf32> to vector<16xf32>
        %swap3A_156 = arith.index_cast %add3A_144 : i32 to index
        %swap3A_157 = arith.constant 16 : index
        %swap3A_158 = tpu.vector_load %arg10[%swap3A_156, %swap3A_157] {strides = array<i32>} : memref<128x64xf32, #tpu.memory_space<vmem>>, vector<1x16xf32>,
        %swap3A_159 = vector.shape_cast %swap3A_158 : vector<1x16xf32> to vector<16xf32>
        %swap3A_160 = vector.shape_cast %get3A_155 : vector<16xf32> to vector<1x16xf32>
        tpu.vector_store %arg10[%swap3A_156, %swap3A_157], %swap3A_160 {add = true, strides = array<i32>} : memref<128x64xf32, #tpu.memory_space<vmem>>, vector<1x16xf32>,
        %get3A_161 = arith.index_cast %add3A_144 : i32 to index
        %get3A_162 = arith.constant 32 : index
        %get3A_163 = tpu.vector_load %arg7[%get3A_161, %get3A_162] {strides = array<i32>} : memref<128x128xf32, #tpu.memory_space<vmem>>, vector<1x16xf32>,
        %get3A_164 = vector.shape_cast %get3A_163 : vector<1x16xf32> to vector<16xf32>
        %swap3A_165 = arith.index_cast %add3A_144 : i32 to index
        %swap3A_166 = arith.constant 32 : index
        %swap3A_167 = tpu.vector_load %arg10[%swap3A_165, %swap3A_166] {strides = array<i32>} : memref<128x64xf32, #tpu.memory_space<vmem>>, vector<1x16xf32>,
        %swap3A_168 = vector.shape_cast %swap3A_167 : vector<1x16xf32> to vector<16xf32>
        %swap3A_169 = vector.shape_cast %get3A_164 : vector<16xf32> to vector<1x16xf32>
        tpu.vector_store %arg10[%swap3A_165, %swap3A_166], %swap3A_169 {add = true, strides = array<i32>} : memref<128x64xf32, #tpu.memory_space<vmem>>, vector<1x16xf32>,
        %get3A_170 = arith.index_cast %add3A_144 : i32 to index
        %get3A_171 = arith.constant 48 : index
        %get3A_172 = tpu.vector_load %arg7[%get3A_170, %get3A_171] {strides = array<i32>} : memref<128x128xf32, #tpu.memory_space<vmem>>, vector<1x16xf32>,
        %get3A_173 = vector.shape_cast %get3A_172 : vector<1x16xf32> to vector<16xf32>
        %swap3A_174 = arith.index_cast %add3A_144 : i32 to index
        %swap3A_175 = arith.constant 48 : index
        %swap3A_176 = tpu.vector_load %arg10[%swap3A_174, %swap3A_175] {strides = array<i32>} : memref<128x64xf32, #tpu.memory_space<vmem>>, vector<1x16xf32>,
        %swap3A_177 = vector.shape_cast %swap3A_176 : vector<1x16xf32> to vector<16xf32>
        %swap3A_178 = vector.shape_cast %get3A_173 : vector<16xf32> to vector<1x16xf32>
        tpu.vector_store %arg10[%swap3A_174, %swap3A_175], %swap3A_178 {add = true, strides = array<i32>} : memref<128x64xf32, #tpu.memory_space<vmem>>, vector<1x16xf32>,
        %mul3A_179 = arith.constant 2 : i32
        %mul3A_180 = arith.muli %scan3A_139, %mul3A_179 : i32
        %add3A_181 = arith.constant 1 : i32
        %add3A_182 = arith.addi %mul3A_180, %add3A_181 : i32
        %get3A_183 = arith.index_cast %add3A_182 : i32 to index
        %get3A_184 = arith.constant 0 : index
        %get3A_185 = tpu.vector_load %arg7[%get3A_183, %get3A_184] {strides = array<i32>} : memref<128x128xf32, #tpu.memory_space<vmem>>, vector<1x16xf32>,
        %get3A_186 = vector.shape_cast %get3A_185 : vector<1x16xf32> to vector<16xf32>
        %swap3A_187 = arith.index_cast %add3A_182 : i32 to index
        %swap3A_188 = arith.constant 0 : index
        %swap3A_189 = tpu.vector_load %arg10[%swap3A_187, %swap3A_188] {strides = array<i32>} : memref<128x64xf32, #tpu.memory_space<vmem>>, vector<1x16xf32>,
        %swap3A_190 = vector.shape_cast %swap3A_189 : vector<1x16xf32> to vector<16xf32>
        %swap3A_191 = vector.shape_cast %get3A_186 : vector<16xf32> to vector<1x16xf32>
        tpu.vector_store %arg10[%swap3A_187, %swap3A_188], %swap3A_191 {add = true, strides = array<i32>} : memref<128x64xf32, #tpu.memory_space<vmem>>, vector<1x16xf32>,
        %get3A_192 = arith.index_cast %add3A_182 : i32 to index
        %get3A_193 = arith.constant 16 : index
        %get3A_194 = tpu.vector_load %arg7[%get3A_192, %get3A_193] {strides = array<i32>} : memref<128x128xf32, #tpu.memory_space<vmem>>, vector<1x16xf32>,
        %get3A_195 = vector.shape_cast %get3A_194 : vector<1x16xf32> to vector<16xf32>
        %swap3A_196 = arith.index_cast %add3A_182 : i32 to index
        %swap3A_197 = arith.constant 16 : index
        %swap3A_198 = tpu.vector_load %arg10[%swap3A_196, %swap3A_197] {strides = array<i32>} : memref<128x64xf32, #tpu.memory_space<vmem>>, vector<1x16xf32>,
        %swap3A_199 = vector.shape_cast %swap3A_198 : vector<1x16xf32> to vector<16xf32>
        %swap3A_200 = vector.shape_cast %get3A_195 : vector<16xf32> to vector<1x16xf32>
        tpu.vector_store %arg10[%swap3A_196, %swap3A_197], %swap3A_200 {add = true, strides = array<i32>} : memref<128x64xf32, #tpu.memory_space<vmem>>, vector<1x16xf32>,
        %get3A_201 = arith.index_cast %add3A_182 : i32 to index
        %get3A_202 = arith.constant 32 : index
        %get3A_203 = tpu.vector_load %arg7[%get3A_201, %get3A_202] {strides = array<i32>} : memref<128x128xf32, #tpu.memory_space<vmem>>, vector<1x16xf32>,
        %get3A_204 = vector.shape_cast %get3A_203 : vector<1x16xf32> to vector<16xf32>
        %swap3A_205 = arith.index_cast %add3A_182 : i32 to index
        %swap3A_206 = arith.constant 32 : index
        %swap3A_207 = tpu.vector_load %arg10[%swap3A_205, %swap3A_206] {strides = array<i32>} : memref<128x64xf32, #tpu.memory_space<vmem>>, vector<1x16xf32>,
        %swap3A_208 = vector.shape_cast %swap3A_207 : vector<1x16xf32> to vector<16xf32>
        %swap3A_209 = vector.shape_cast %get3A_204 : vector<16xf32> to vector<1x16xf32>
        tpu.vector_store %arg10[%swap3A_205, %swap3A_206], %swap3A_209 {add = true, strides = array<i32>} : memref<128x64xf32, #tpu.memory_space<vmem>>, vector<1x16xf32>,
        %get3A_210 = arith.index_cast %add3A_182 : i32 to index
        %get3A_211 = arith.constant 48 : index
        %get3A_212 = tpu.vector_load %arg7[%get3A_210, %get3A_211] {strides = array<i32>} : memref<128x128xf32, #tpu.memory_space<vmem>>, vector<1x16xf32>,
        %get3A_213 = vector.shape_cast %get3A_212 : vector<1x16xf32> to vector<16xf32>
        %swap3A_214 = arith.index_cast %add3A_182 : i32 to index
        %swap3A_215 = arith.constant 48 : index
        %swap3A_216 = tpu.vector_load %arg10[%swap3A_214, %swap3A_215] {strides = array<i32>} : memref<128x64xf32, #tpu.memory_space<vmem>>, vector<1x16xf32>,
        %swap3A_217 = vector.shape_cast %swap3A_216 : vector<1x16xf32> to vector<16xf32>
        %swap3A_218 = vector.shape_cast %get3A_213 : vector<16xf32> to vector<1x16xf32>
        tpu.vector_store %arg10[%swap3A_214, %swap3A_215], %swap3A_218 {add = true, strides = array<i32>} : memref<128x64xf32, #tpu.memory_space<vmem>>, vector<1x16xf32>,
        %scan3A_219 = arith.constant 0 : i32
        scf.yield %scan3A_219 : i32
      }
      %scan3A_82 = arith.constant 64 : i32
      %add3A_83 = arith.constant 4 : i32
      %add3A_84 = arith.addi %add3A_69, %add3A_83 : i32
      %lt3A_85 = arith.constant 200 : i32
      %lt3A_86 = arith.cmpi slt, %add3A_84, %lt3A_85 : i32
      %convert_element_type3A_87 = arith.extui %lt3A_86 : i1 to i32
      %cond3A_88 = arith.constant 0 : i32
      %cond3A_89 = arith.cmpi ne, %convert_element_type3A_87, %cond3A_88 : i32
      scf.if %cond3A_89 {
        %add3A_139 = arith.constant 4 : i32
        %add3A_140 = arith.addi %add3A_69, %add3A_139 : i32
        %dma_start3A_141 = arith.constant 0 : i32
        %dma_start3A_142 = tpu.memref_slice %arg5[%add3A_140, %dma_start3A_141] : memref<200x128xi32, #tpu.memory_space<vmem>> -> memref<1x128xi32, #tpu.memory_space<vmem>>
        %dma_start3A_143 = tpu.memref_squeeze %dma_start3A_142 : memref<1x128xi32, #tpu.memory_space<vmem>> -> memref<128xi32, #tpu.memory_space<vmem>>
        %dma_start3A_144 = arith.constant 0 : i32
        %dma_start3A_145 = arith.constant 0 : i32
        %dma_start3A_146 = tpu.memref_slice %arg3[%dma_start3A_144, %dma_start3A_145] : memref<1000000x128xf32, #tpu.memory_space<hbm>> -> memref<1000000x128xf32, #tpu.memory_space<hbm>>
        tpu.enqueue_indirect_dma source(%dma_start3A_146 : memref<1000000x128xf32, #tpu.memory_space<hbm>>) target(%arg7 : memref<128x128xf32, #tpu.memory_space<vmem>>) offsets(%dma_start3A_143 : memref<128xi32, #tpu.memory_space<vmem>>) semaphore(%arg12 : memref<!tpu.dma_semaphore, #tpu.memory_space<semaphore_mem>>)
      } else {
      }
      %mul3A_90 = arith.constant 4 : i32
      %mul3A_91 = arith.muli %scan3A_44, %mul3A_90 : i32
      %add3A_92 = arith.constant 2 : i32
      %add3A_93 = arith.addi %mul3A_91, %add3A_92 : i32
      %dma_wait3A_94 = arith.constant 0 : i32
      %dma_wait3A_95 = tpu.memref_slice %arg5[%add3A_93, %dma_wait3A_94] : memref<200x128xi32, #tpu.memory_space<vmem>> -> memref<1x128xi32, #tpu.memory_space<vmem>>
      %dma_wait3A_96 = tpu.memref_squeeze %dma_wait3A_95 : memref<1x128xi32, #tpu.memory_space<vmem>> -> memref<128xi32, #tpu.memory_space<vmem>>
      %dma_wait3A_97 = arith.constant 0 : i32
      %dma_wait3A_98 = arith.constant 0 : i32
      %dma_wait3A_99 = tpu.memref_slice %arg3[%dma_wait3A_97, %dma_wait3A_98] : memref<1000000x128xf32, #tpu.memory_space<hbm>> -> memref<1000000x128xf32, #tpu.memory_space<hbm>>
      tpu.wait_indirect_dma semaphore(%arg13 : memref<!tpu.dma_semaphore, #tpu.memory_space<semaphore_mem>>) src(%dma_wait3A_99 : memref<1000000x128xf32, #tpu.memory_space<hbm>>) dst(%arg8 : memref<128x128xf32, #tpu.memory_space<vmem>>)
      %scan3A_100 = arith.constant 0 : i32
      %scan3A_101 = arith.constant 0 : i32
      %scan3A_102 = arith.constant 64 : i32
      %scan3A_103 = arith.addi %scan3A_101, %scan3A_102 : i32
      %scan3A_104 = arith.constant 1 : i32
      %scan3A_105 = scf.for %scan3A_139 = %scan3A_101 to %scan3A_103 step %scan3A_104 iter_args(%scan3A_140 = %scan3A_100) -> (i32)  : i32 {
        %mul3A_141 = arith.constant 2 : i32
        %mul3A_142 = arith.muli %scan3A_139, %mul3A_141 : i32
        %add3A_143 = arith.constant 0 : i32
        %add3A_144 = arith.addi %mul3A_142, %add3A_143 : i32
        %get3A = arith.index_cast %add3A_144 : i32 to index
        %get3A_145 = arith.constant 0 : index
        %get3A_146 = tpu.vector_load %arg8[%get3A, %get3A_145] {strides = array<i32>} : memref<128x128xf32, #tpu.memory_space<vmem>>, vector<1x16xf32>,
        %get3A_147 = vector.shape_cast %get3A_146 : vector<1x16xf32> to vector<16xf32>
        %swap3A = arith.index_cast %add3A_144 : i32 to index
        %swap3A_148 = arith.constant 0 : index
        %swap3A_149 = tpu.vector_load %arg10[%swap3A, %swap3A_148] {strides = array<i32>} : memref<128x64xf32, #tpu.memory_space<vmem>>, vector<1x16xf32>,
        %swap3A_150 = vector.shape_cast %swap3A_149 : vector<1x16xf32> to vector<16xf32>
        %swap3A_151 = vector.shape_cast %get3A_147 : vector<16xf32> to vector<1x16xf32>
        tpu.vector_store %arg10[%swap3A, %swap3A_148], %swap3A_151 {add = true, strides = array<i32>} : memref<128x64xf32, #tpu.memory_space<vmem>>, vector<1x16xf32>,
        %get3A_152 = arith.index_cast %add3A_144 : i32 to index
        %get3A_153 = arith.constant 16 : index
        %get3A_154 = tpu.vector_load %arg8[%get3A_152, %get3A_153] {strides = array<i32>} : memref<128x128xf32, #tpu.memory_space<vmem>>, vector<1x16xf32>,
        %get3A_155 = vector.shape_cast %get3A_154 : vector<1x16xf32> to vector<16xf32>
        %swap3A_156 = arith.index_cast %add3A_144 : i32 to index
        %swap3A_157 = arith.constant 16 : index
        %swap3A_158 = tpu.vector_load %arg10[%swap3A_156, %swap3A_157] {strides = array<i32>} : memref<128x64xf32, #tpu.memory_space<vmem>>, vector<1x16xf32>,
        %swap3A_159 = vector.shape_cast %swap3A_158 : vector<1x16xf32> to vector<16xf32>
        %swap3A_160 = vector.shape_cast %get3A_155 : vector<16xf32> to vector<1x16xf32>
        tpu.vector_store %arg10[%swap3A_156, %swap3A_157], %swap3A_160 {add = true, strides = array<i32>} : memref<128x64xf32, #tpu.memory_space<vmem>>, vector<1x16xf32>,
        %get3A_161 = arith.index_cast %add3A_144 : i32 to index
        %get3A_162 = arith.constant 32 : index
        %get3A_163 = tpu.vector_load %arg8[%get3A_161, %get3A_162] {strides = array<i32>} : memref<128x128xf32, #tpu.memory_space<vmem>>, vector<1x16xf32>,
        %get3A_164 = vector.shape_cast %get3A_163 : vector<1x16xf32> to vector<16xf32>
        %swap3A_165 = arith.index_cast %add3A_144 : i32 to index
        %swap3A_166 = arith.constant 32 : index
        %swap3A_167 = tpu.vector_load %arg10[%swap3A_165, %swap3A_166] {strides = array<i32>} : memref<128x64xf32, #tpu.memory_space<vmem>>, vector<1x16xf32>,
        %swap3A_168 = vector.shape_cast %swap3A_167 : vector<1x16xf32> to vector<16xf32>
        %swap3A_169 = vector.shape_cast %get3A_164 : vector<16xf32> to vector<1x16xf32>
        tpu.vector_store %arg10[%swap3A_165, %swap3A_166], %swap3A_169 {add = true, strides = array<i32>} : memref<128x64xf32, #tpu.memory_space<vmem>>, vector<1x16xf32>,
        %get3A_170 = arith.index_cast %add3A_144 : i32 to index
        %get3A_171 = arith.constant 48 : index
        %get3A_172 = tpu.vector_load %arg8[%get3A_170, %get3A_171] {strides = array<i32>} : memref<128x128xf32, #tpu.memory_space<vmem>>, vector<1x16xf32>,
        %get3A_173 = vector.shape_cast %get3A_172 : vector<1x16xf32> to vector<16xf32>
        %swap3A_174 = arith.index_cast %add3A_144 : i32 to index
        %swap3A_175 = arith.constant 48 : index
        %swap3A_176 = tpu.vector_load %arg10[%swap3A_174, %swap3A_175] {strides = array<i32>} : memref<128x64xf32, #tpu.memory_space<vmem>>, vector<1x16xf32>,
        %swap3A_177 = vector.shape_cast %swap3A_176 : vector<1x16xf32> to vector<16xf32>
        %swap3A_178 = vector.shape_cast %get3A_173 : vector<16xf32> to vector<1x16xf32>
        tpu.vector_store %arg10[%swap3A_174, %swap3A_175], %swap3A_178 {add = true, strides = array<i32>} : memref<128x64xf32, #tpu.memory_space<vmem>>, vector<1x16xf32>,
        %mul3A_179 = arith.constant 2 : i32
        %mul3A_180 = arith.muli %scan3A_139, %mul3A_179 : i32
        %add3A_181 = arith.constant 1 : i32
        %add3A_182 = arith.addi %mul3A_180, %add3A_181 : i32
        %get3A_183 = arith.index_cast %add3A_182 : i32 to index
        %get3A_184 = arith.constant 0 : index
        %get3A_185 = tpu.vector_load %arg8[%get3A_183, %get3A_184] {strides = array<i32>} : memref<128x128xf32, #tpu.memory_space<vmem>>, vector<1x16xf32>,
        %get3A_186 = vector.shape_cast %get3A_185 : vector<1x16xf32> to vector<16xf32>
        %swap3A_187 = arith.index_cast %add3A_182 : i32 to index
        %swap3A_188 = arith.constant 0 : index
        %swap3A_189 = tpu.vector_load %arg10[%swap3A_187, %swap3A_188] {strides = array<i32>} : memref<128x64xf32, #tpu.memory_space<vmem>>, vector<1x16xf32>,
        %swap3A_190 = vector.shape_cast %swap3A_189 : vector<1x16xf32> to vector<16xf32>
        %swap3A_191 = vector.shape_cast %get3A_186 : vector<16xf32> to vector<1x16xf32>
        tpu.vector_store %arg10[%swap3A_187, %swap3A_188], %swap3A_191 {add = true, strides = array<i32>} : memref<128x64xf32, #tpu.memory_space<vmem>>, vector<1x16xf32>,
        %get3A_192 = arith.index_cast %add3A_182 : i32 to index
        %get3A_193 = arith.constant 16 : index
        %get3A_194 = tpu.vector_load %arg8[%get3A_192, %get3A_193] {strides = array<i32>} : memref<128x128xf32, #tpu.memory_space<vmem>>, vector<1x16xf32>,
        %get3A_195 = vector.shape_cast %get3A_194 : vector<1x16xf32> to vector<16xf32>
        %swap3A_196 = arith.index_cast %add3A_182 : i32 to index
        %swap3A_197 = arith.constant 16 : index
        %swap3A_198 = tpu.vector_load %arg10[%swap3A_196, %swap3A_197] {strides = array<i32>} : memref<128x64xf32, #tpu.memory_space<vmem>>, vector<1x16xf32>,
        %swap3A_199 = vector.shape_cast %swap3A_198 : vector<1x16xf32> to vector<16xf32>
        %swap3A_200 = vector.shape_cast %get3A_195 : vector<16xf32> to vector<1x16xf32>
        tpu.vector_store %arg10[%swap3A_196, %swap3A_197], %swap3A_200 {add = true, strides = array<i32>} : memref<128x64xf32, #tpu.memory_space<vmem>>, vector<1x16xf32>,
        %get3A_201 = arith.index_cast %add3A_182 : i32 to index
        %get3A_202 = arith.constant 32 : index
        %get3A_203 = tpu.vector_load %arg8[%get3A_201, %get3A_202] {strides = array<i32>} : memref<128x128xf32, #tpu.memory_space<vmem>>, vector<1x16xf32>,
        %get3A_204 = vector.shape_cast %get3A_203 : vector<1x16xf32> to vector<16xf32>
        %swap3A_205 = arith.index_cast %add3A_182 : i32 to index
        %swap3A_206 = arith.constant 32 : index
        %swap3A_207 = tpu.vector_load %arg10[%swap3A_205, %swap3A_206] {strides = array<i32>} : memref<128x64xf32, #tpu.memory_space<vmem>>, vector<1x16xf32>,
        %swap3A_208 = vector.shape_cast %swap3A_207 : vector<1x16xf32> to vector<16xf32>
        %swap3A_209 = vector.shape_cast %get3A_204 : vector<16xf32> to vector<1x16xf32>
        tpu.vector_store %arg10[%swap3A_205, %swap3A_206], %swap3A_209 {add = true, strides = array<i32>} : memref<128x64xf32, #tpu.memory_space<vmem>>, vector<1x16xf32>,
        %get3A_210 = arith.index_cast %add3A_182 : i32 to index
        %get3A_211 = arith.constant 48 : index
        %get3A_212 = tpu.vector_load %arg8[%get3A_210, %get3A_211] {strides = array<i32>} : memref<128x128xf32, #tpu.memory_space<vmem>>, vector<1x16xf32>,
        %get3A_213 = vector.shape_cast %get3A_212 : vector<1x16xf32> to vector<16xf32>
        %swap3A_214 = arith.index_cast %add3A_182 : i32 to index
        %swap3A_215 = arith.constant 48 : index
        %swap3A_216 = tpu.vector_load %arg10[%swap3A_214, %swap3A_215] {strides = array<i32>} : memref<128x64xf32, #tpu.memory_space<vmem>>, vector<1x16xf32>,
        %swap3A_217 = vector.shape_cast %swap3A_216 : vector<1x16xf32> to vector<16xf32>
        %swap3A_218 = vector.shape_cast %get3A_213 : vector<16xf32> to vector<1x16xf32>
        tpu.vector_store %arg10[%swap3A_214, %swap3A_215], %swap3A_218 {add = true, strides = array<i32>} : memref<128x64xf32, #tpu.memory_space<vmem>>, vector<1x16xf32>,
        %scan3A_219 = arith.constant 0 : i32
        scf.yield %scan3A_219 : i32
      }
      %scan3A_106 = arith.constant 64 : i32
      %add3A_107 = arith.constant 4 : i32
      %add3A_108 = arith.addi %add3A_93, %add3A_107 : i32
      %lt3A_109 = arith.constant 200 : i32
      %lt3A_110 = arith.cmpi slt, %add3A_108, %lt3A_109 : i32
      %convert_element_type3A_111 = arith.extui %lt3A_110 : i1 to i32
      %cond3A_112 = arith.constant 0 : i32
      %cond3A_113 = arith.cmpi ne, %convert_element_type3A_111, %cond3A_112 : i32
      scf.if %cond3A_113 {
        %add3A_139 = arith.constant 4 : i32
        %add3A_140 = arith.addi %add3A_93, %add3A_139 : i32
        %dma_start3A_141 = arith.constant 0 : i32
        %dma_start3A_142 = tpu.memref_slice %arg5[%add3A_140, %dma_start3A_141] : memref<200x128xi32, #tpu.memory_space<vmem>> -> memref<1x128xi32, #tpu.memory_space<vmem>>
        %dma_start3A_143 = tpu.memref_squeeze %dma_start3A_142 : memref<1x128xi32, #tpu.memory_space<vmem>> -> memref<128xi32, #tpu.memory_space<vmem>>
        %dma_start3A_144 = arith.constant 0 : i32
        %dma_start3A_145 = arith.constant 0 : i32
        %dma_start3A_146 = tpu.memref_slice %arg3[%dma_start3A_144, %dma_start3A_145] : memref<1000000x128xf32, #tpu.memory_space<hbm>> -> memref<1000000x128xf32, #tpu.memory_space<hbm>>
        tpu.enqueue_indirect_dma source(%dma_start3A_146 : memref<1000000x128xf32, #tpu.memory_space<hbm>>) target(%arg8 : memref<128x128xf32, #tpu.memory_space<vmem>>) offsets(%dma_start3A_143 : memref<128xi32, #tpu.memory_space<vmem>>) semaphore(%arg13 : memref<!tpu.dma_semaphore, #tpu.memory_space<semaphore_mem>>)
      } else {
      }
      %mul3A_114 = arith.constant 4 : i32
      %mul3A_115 = arith.muli %scan3A_44, %mul3A_114 : i32
      %add3A_116 = arith.constant 3 : i32
      %add3A_117 = arith.addi %mul3A_115, %add3A_116 : i32
      %dma_wait3A_118 = arith.constant 0 : i32
      %dma_wait3A_119 = tpu.memref_slice %arg5[%add3A_117, %dma_wait3A_118] : memref<200x128xi32, #tpu.memory_space<vmem>> -> memref<1x128xi32, #tpu.memory_space<vmem>>
      %dma_wait3A_120 = tpu.memref_squeeze %dma_wait3A_119 : memref<1x128xi32, #tpu.memory_space<vmem>> -> memref<128xi32, #tpu.memory_space<vmem>>
      %dma_wait3A_121 = arith.constant 0 : i32
      %dma_wait3A_122 = arith.constant 0 : i32
      %dma_wait3A_123 = tpu.memref_slice %arg3[%dma_wait3A_121, %dma_wait3A_122] : memref<1000000x128xf32, #tpu.memory_space<hbm>> -> memref<1000000x128xf32, #tpu.memory_space<hbm>>
      tpu.wait_indirect_dma semaphore(%arg14 : memref<!tpu.dma_semaphore, #tpu.memory_space<semaphore_mem>>) src(%dma_wait3A_123 : memref<1000000x128xf32, #tpu.memory_space<hbm>>) dst(%arg9 : memref<128x128xf32, #tpu.memory_space<vmem>>)
      %scan3A_124 = arith.constant 0 : i32
      %scan3A_125 = arith.constant 0 : i32
      %scan3A_126 = arith.constant 64 : i32
      %scan3A_127 = arith.addi %scan3A_125, %scan3A_126 : i32
      %scan3A_128 = arith.constant 1 : i32
      %scan3A_129 = scf.for %scan3A_139 = %scan3A_125 to %scan3A_127 step %scan3A_128 iter_args(%scan3A_140 = %scan3A_124) -> (i32)  : i32 {
        %mul3A_141 = arith.constant 2 : i32
        %mul3A_142 = arith.muli %scan3A_139, %mul3A_141 : i32
        %add3A_143 = arith.constant 0 : i32
        %add3A_144 = arith.addi %mul3A_142, %add3A_143 : i32
        %get3A = arith.index_cast %add3A_144 : i32 to index
        %get3A_145 = arith.constant 0 : index
        %get3A_146 = tpu.vector_load %arg9[%get3A, %get3A_145] {strides = array<i32>} : memref<128x128xf32, #tpu.memory_space<vmem>>, vector<1x16xf32>,
        %get3A_147 = vector.shape_cast %get3A_146 : vector<1x16xf32> to vector<16xf32>
        %swap3A = arith.index_cast %add3A_144 : i32 to index
        %swap3A_148 = arith.constant 0 : index
        %swap3A_149 = tpu.vector_load %arg10[%swap3A, %swap3A_148] {strides = array<i32>} : memref<128x64xf32, #tpu.memory_space<vmem>>, vector<1x16xf32>,
        %swap3A_150 = vector.shape_cast %swap3A_149 : vector<1x16xf32> to vector<16xf32>
        %swap3A_151 = vector.shape_cast %get3A_147 : vector<16xf32> to vector<1x16xf32>
        tpu.vector_store %arg10[%swap3A, %swap3A_148], %swap3A_151 {add = true, strides = array<i32>} : memref<128x64xf32, #tpu.memory_space<vmem>>, vector<1x16xf32>,
        %get3A_152 = arith.index_cast %add3A_144 : i32 to index
        %get3A_153 = arith.constant 16 : index
        %get3A_154 = tpu.vector_load %arg9[%get3A_152, %get3A_153] {strides = array<i32>} : memref<128x128xf32, #tpu.memory_space<vmem>>, vector<1x16xf32>,
        %get3A_155 = vector.shape_cast %get3A_154 : vector<1x16xf32> to vector<16xf32>
        %swap3A_156 = arith.index_cast %add3A_144 : i32 to index
        %swap3A_157 = arith.constant 16 : index
        %swap3A_158 = tpu.vector_load %arg10[%swap3A_156, %swap3A_157] {strides = array<i32>} : memref<128x64xf32, #tpu.memory_space<vmem>>, vector<1x16xf32>,
        %swap3A_159 = vector.shape_cast %swap3A_158 : vector<1x16xf32> to vector<16xf32>
        %swap3A_160 = vector.shape_cast %get3A_155 : vector<16xf32> to vector<1x16xf32>
        tpu.vector_store %arg10[%swap3A_156, %swap3A_157], %swap3A_160 {add = true, strides = array<i32>} : memref<128x64xf32, #tpu.memory_space<vmem>>, vector<1x16xf32>,
        %get3A_161 = arith.index_cast %add3A_144 : i32 to index
        %get3A_162 = arith.constant 32 : index
        %get3A_163 = tpu.vector_load %arg9[%get3A_161, %get3A_162] {strides = array<i32>} : memref<128x128xf32, #tpu.memory_space<vmem>>, vector<1x16xf32>,
        %get3A_164 = vector.shape_cast %get3A_163 : vector<1x16xf32> to vector<16xf32>
        %swap3A_165 = arith.index_cast %add3A_144 : i32 to index
        %swap3A_166 = arith.constant 32 : index
        %swap3A_167 = tpu.vector_load %arg10[%swap3A_165, %swap3A_166] {strides = array<i32>} : memref<128x64xf32, #tpu.memory_space<vmem>>, vector<1x16xf32>,
        %swap3A_168 = vector.shape_cast %swap3A_167 : vector<1x16xf32> to vector<16xf32>
        %swap3A_169 = vector.shape_cast %get3A_164 : vector<16xf32> to vector<1x16xf32>
        tpu.vector_store %arg10[%swap3A_165, %swap3A_166], %swap3A_169 {add = true, strides = array<i32>} : memref<128x64xf32, #tpu.memory_space<vmem>>, vector<1x16xf32>,
        %get3A_170 = arith.index_cast %add3A_144 : i32 to index
        %get3A_171 = arith.constant 48 : index
        %get3A_172 = tpu.vector_load %arg9[%get3A_170, %get3A_171] {strides = array<i32>} : memref<128x128xf32, #tpu.memory_space<vmem>>, vector<1x16xf32>,
        %get3A_173 = vector.shape_cast %get3A_172 : vector<1x16xf32> to vector<16xf32>
        %swap3A_174 = arith.index_cast %add3A_144 : i32 to index
        %swap3A_175 = arith.constant 48 : index
        %swap3A_176 = tpu.vector_load %arg10[%swap3A_174, %swap3A_175] {strides = array<i32>} : memref<128x64xf32, #tpu.memory_space<vmem>>, vector<1x16xf32>,
        %swap3A_177 = vector.shape_cast %swap3A_176 : vector<1x16xf32> to vector<16xf32>
        %swap3A_178 = vector.shape_cast %get3A_173 : vector<16xf32> to vector<1x16xf32>
        tpu.vector_store %arg10[%swap3A_174, %swap3A_175], %swap3A_178 {add = true, strides = array<i32>} : memref<128x64xf32, #tpu.memory_space<vmem>>, vector<1x16xf32>,
        %mul3A_179 = arith.constant 2 : i32
        %mul3A_180 = arith.muli %scan3A_139, %mul3A_179 : i32
        %add3A_181 = arith.constant 1 : i32
        %add3A_182 = arith.addi %mul3A_180, %add3A_181 : i32
        %get3A_183 = arith.index_cast %add3A_182 : i32 to index
        %get3A_184 = arith.constant 0 : index
        %get3A_185 = tpu.vector_load %arg9[%get3A_183, %get3A_184] {strides = array<i32>} : memref<128x128xf32, #tpu.memory_space<vmem>>, vector<1x16xf32>,
        %get3A_186 = vector.shape_cast %get3A_185 : vector<1x16xf32> to vector<16xf32>
        %swap3A_187 = arith.index_cast %add3A_182 : i32 to index
        %swap3A_188 = arith.constant 0 : index
        %swap3A_189 = tpu.vector_load %arg10[%swap3A_187, %swap3A_188] {strides = array<i32>} : memref<128x64xf32, #tpu.memory_space<vmem>>, vector<1x16xf32>,
        %swap3A_190 = vector.shape_cast %swap3A_189 : vector<1x16xf32> to vector<16xf32>
        %swap3A_191 = vector.shape_cast %get3A_186 : vector<16xf32> to vector<1x16xf32>
        tpu.vector_store %arg10[%swap3A_187, %swap3A_188], %swap3A_191 {add = true, strides = array<i32>} : memref<128x64xf32, #tpu.memory_space<vmem>>, vector<1x16xf32>,
        %get3A_192 = arith.index_cast %add3A_182 : i32 to index
        %get3A_193 = arith.constant 16 : index
        %get3A_194 = tpu.vector_load %arg9[%get3A_192, %get3A_193] {strides = array<i32>} : memref<128x128xf32, #tpu.memory_space<vmem>>, vector<1x16xf32>,
        %get3A_195 = vector.shape_cast %get3A_194 : vector<1x16xf32> to vector<16xf32>
        %swap3A_196 = arith.index_cast %add3A_182 : i32 to index
        %swap3A_197 = arith.constant 16 : index
        %swap3A_198 = tpu.vector_load %arg10[%swap3A_196, %swap3A_197] {strides = array<i32>} : memref<128x64xf32, #tpu.memory_space<vmem>>, vector<1x16xf32>,
        %swap3A_199 = vector.shape_cast %swap3A_198 : vector<1x16xf32> to vector<16xf32>
        %swap3A_200 = vector.shape_cast %get3A_195 : vector<16xf32> to vector<1x16xf32>
        tpu.vector_store %arg10[%swap3A_196, %swap3A_197], %swap3A_200 {add = true, strides = array<i32>} : memref<128x64xf32, #tpu.memory_space<vmem>>, vector<1x16xf32>,
        %get3A_201 = arith.index_cast %add3A_182 : i32 to index
        %get3A_202 = arith.constant 32 : index
        %get3A_203 = tpu.vector_load %arg9[%get3A_201, %get3A_202] {strides = array<i32>} : memref<128x128xf32, #tpu.memory_space<vmem>>, vector<1x16xf32>,
        %get3A_204 = vector.shape_cast %get3A_203 : vector<1x16xf32> to vector<16xf32>
        %swap3A_205 = arith.index_cast %add3A_182 : i32 to index
        %swap3A_206 = arith.constant 32 : index
        %swap3A_207 = tpu.vector_load %arg10[%swap3A_205, %swap3A_206] {strides = array<i32>} : memref<128x64xf32, #tpu.memory_space<vmem>>, vector<1x16xf32>,
        %swap3A_208 = vector.shape_cast %swap3A_207 : vector<1x16xf32> to vector<16xf32>
        %swap3A_209 = vector.shape_cast %get3A_204 : vector<16xf32> to vector<1x16xf32>
        tpu.vector_store %arg10[%swap3A_205, %swap3A_206], %swap3A_209 {add = true, strides = array<i32>} : memref<128x64xf32, #tpu.memory_space<vmem>>, vector<1x16xf32>,
        %get3A_210 = arith.index_cast %add3A_182 : i32 to index
        %get3A_211 = arith.constant 48 : index
        %get3A_212 = tpu.vector_load %arg9[%get3A_210, %get3A_211] {strides = array<i32>} : memref<128x128xf32, #tpu.memory_space<vmem>>, vector<1x16xf32>,
        %get3A_213 = vector.shape_cast %get3A_212 : vector<1x16xf32> to vector<16xf32>
        %swap3A_214 = arith.index_cast %add3A_182 : i32 to index
        %swap3A_215 = arith.constant 48 : index
        %swap3A_216 = tpu.vector_load %arg10[%swap3A_214, %swap3A_215] {strides = array<i32>} : memref<128x64xf32, #tpu.memory_space<vmem>>, vector<1x16xf32>,
        %swap3A_217 = vector.shape_cast %swap3A_216 : vector<1x16xf32> to vector<16xf32>
        %swap3A_218 = vector.shape_cast %get3A_213 : vector<16xf32> to vector<1x16xf32>
        tpu.vector_store %arg10[%swap3A_214, %swap3A_215], %swap3A_218 {add = true, strides = array<i32>} : memref<128x64xf32, #tpu.memory_space<vmem>>, vector<1x16xf32>,
        %scan3A_219 = arith.constant 0 : i32
        scf.yield %scan3A_219 : i32
      }
      %scan3A_130 = arith.constant 64 : i32
      %add3A_131 = arith.constant 4 : i32
      %add3A_132 = arith.addi %add3A_117, %add3A_131 : i32
      %lt3A_133 = arith.constant 200 : i32
      %lt3A_134 = arith.cmpi slt, %add3A_132, %lt3A_133 : i32
      %convert_element_type3A_135 = arith.extui %lt3A_134 : i1 to i32
      %cond3A_136 = arith.constant 0 : i32
      %cond3A_137 = arith.cmpi ne, %convert_element_type3A_135, %cond3A_136 : i32
      scf.if %cond3A_137 {
        %add3A_139 = arith.constant 4 : i32
        %add3A_140 = arith.addi %add3A_117, %add3A_139 : i32
        %dma_start3A_141 = arith.constant 0 : i32
        %dma_start3A_142 = tpu.memref_slice %arg5[%add3A_140, %dma_start3A_141] : memref<200x128xi32, #tpu.memory_space<vmem>> -> memref<1x128xi32, #tpu.memory_space<vmem>>
        %dma_start3A_143 = tpu.memref_squeeze %dma_start3A_142 : memref<1x128xi32, #tpu.memory_space<vmem>> -> memref<128xi32, #tpu.memory_space<vmem>>
        %dma_start3A_144 = arith.constant 0 : i32
        %dma_start3A_145 = arith.constant 0 : i32
        %dma_start3A_146 = tpu.memref_slice %arg3[%dma_start3A_144, %dma_start3A_145] : memref<1000000x128xf32, #tpu.memory_space<hbm>> -> memref<1000000x128xf32, #tpu.memory_space<hbm>>
        tpu.enqueue_indirect_dma source(%dma_start3A_146 : memref<1000000x128xf32, #tpu.memory_space<hbm>>) target(%arg9 : memref<128x128xf32, #tpu.memory_space<vmem>>) offsets(%dma_start3A_143 : memref<128xi32, #tpu.memory_space<vmem>>) semaphore(%arg14 : memref<!tpu.dma_semaphore, #tpu.memory_space<semaphore_mem>>)
      } else {
      }
      %scan3A_138 = arith.constant 0 : i32
      scf.yield %scan3A_138 : i32
    }
    %scan3A_43 = arith.constant 50 : i32
    "tpu.region"() ({
      %run_scoped3A = tpu.sem_alloc : memref<!tpu.dma_semaphore, #tpu.memory_space<semaphore_mem>>
      %dma_start3A_44 = arith.constant 0 : i32
      %dma_start3A_45 = tpu.memref_slice %arg4[%mul3A_2, %dma_start3A_44] : memref<4096x64xf32, #tpu.memory_space<hbm>> -> memref<128x64xf32, #tpu.memory_space<hbm>>
      %dma_start3A_46 = arith.constant 0 : i32
      %dma_start3A_47 = tpu.memref_slice %arg4[%mul3A_2, %dma_start3A_46] : memref<4096x64xf32, #tpu.memory_space<hbm>> -> memref<128x64xf32, #tpu.memory_space<hbm>>
      tpu.enqueue_dma source(%arg10 : memref<128x64xf32, #tpu.memory_space<vmem>>) target(%dma_start3A_47 : memref<128x64xf32, #tpu.memory_space<hbm>>) target_semaphore(%run_scoped3A : memref<!tpu.dma_semaphore, #tpu.memory_space<semaphore_mem>>)
      %dma_wait3A = arith.constant 0 : i32
      %dma_wait3A_48 = tpu.memref_slice %arg4[%mul3A_2, %dma_wait3A] : memref<4096x64xf32, #tpu.memory_space<hbm>> -> memref<128x64xf32, #tpu.memory_space<hbm>>
      %dma_wait3A_49 = arith.constant 0 : i32
      %dma_wait3A_50 = tpu.memref_slice %arg4[%mul3A_2, %dma_wait3A_49] : memref<4096x64xf32, #tpu.memory_space<hbm>> -> memref<128x64xf32, #tpu.memory_space<hbm>>
      tpu.wait_dma2 semaphore(%run_scoped3A : memref<!tpu.dma_semaphore, #tpu.memory_space<semaphore_mem>>) src(%arg10 : memref<128x64xf32, #tpu.memory_space<vmem>>) dst(%dma_wait3A_50 : memref<128x64xf32, #tpu.memory_space<hbm>>)
      tpu.yield
    }) : () -> ()
    return
  }
}

module attributes {stable_mosaic.version = 14 : i64} {
  func.func @_mlp_body(%arg0: memref<4096x64xf32, #tpu.memory_space<vmem>>, %arg1: memref<64x128xf32, #tpu.memory_space<vmem>>, %arg2: memref<1x128xf32, #tpu.memory_space<vmem>>, %arg3: memref<128x2xf32, #tpu.memory_space<vmem>>, %arg4: memref<1x2xf32, #tpu.memory_space<vmem>>, %arg5: memref<4096x2xf32, #tpu.memory_space<vmem>>) attributes {dimension_semantics = [], scalar_prefetch = 0 : i64, scratch_operands = 0 : i64, tpu.core_type = #tpu.core_type<tc>} {
    %get3A = arith.constant 0 : index
    %get3A_0 = arith.constant 0 : index
    %get3A_1 = vector.load %arg0[%get3A, %get3A_0] : memref<4096x64xf32, #tpu.memory_space<vmem>>, vector<4096x64xf32>
    %get3A_2 = arith.constant 0 : index
    %get3A_3 = arith.constant 0 : index
    %get3A_4 = vector.load %arg1[%get3A_2, %get3A_3] : memref<64x128xf32, #tpu.memory_space<vmem>>, vector<64x128xf32>
    %dot_general3A = arith.constant dense<0.000000e+00> : vector<4096x128xf32>
    %dot_general3A_5 = tpu.matmul %get3A_1, %get3A_4, %dot_general3A {dimension_numbers = #tpu.dot_dimension_numbers<[1], [0], [0], [1], [0, 0, 1, 1], [], []>, transpose_lhs_hint = false} : vector<4096x64xf32>, vector<64x128xf32>, vector<4096x128xf32> -> vector<4096x128xf32>
    %get3A_6 = arith.constant 0 : index
    %get3A_7 = arith.constant 0 : index
    %get3A_8 = vector.load %arg2[%get3A_6, %get3A_7] : memref<1x128xf32, #tpu.memory_space<vmem>>, vector<1x128xf32>
    %add3A = vector.broadcast %get3A_8 : vector<1x128xf32> to vector<4096x128xf32>
    %add3A_9 = arith.addf %dot_general3A_5, %add3A : vector<4096x128xf32>
    %max3A = arith.constant 0.000000e+00 : f32
    %max3A_10 = vector.broadcast %max3A : f32 to vector<4096x128xf32>
    %max3A_11 = arith.maximumf %add3A_9, %max3A_10 : vector<4096x128xf32>
    %get3A_12 = arith.constant 0 : index
    %get3A_13 = arith.constant 0 : index
    %get3A_14 = vector.load %arg3[%get3A_12, %get3A_13] : memref<128x2xf32, #tpu.memory_space<vmem>>, vector<128x2xf32>
    %dot_general3A_15 = arith.constant dense<0.000000e+00> : vector<4096x2xf32>
    %dot_general3A_16 = tpu.matmul %max3A_11, %get3A_14, %dot_general3A_15 {dimension_numbers = #tpu.dot_dimension_numbers<[1], [0], [0], [1], [0, 0, 1, 1], [], []>, transpose_lhs_hint = false} : vector<4096x128xf32>, vector<128x2xf32>, vector<4096x2xf32> -> vector<4096x2xf32>
    %get3A_17 = arith.constant 0 : index
    %get3A_18 = arith.constant 0 : index
    %get3A_19 = vector.load %arg4[%get3A_17, %get3A_18] : memref<1x2xf32, #tpu.memory_space<vmem>>, vector<1x2xf32>
    %add3A_20 = vector.broadcast %get3A_19 : vector<1x2xf32> to vector<4096x2xf32>
    %add3A_21 = arith.addf %dot_general3A_16, %add3A_20 : vector<4096x2xf32>
    %reduce_max3A = arith.constant dense<0xFF800000> : vector<4096xf32>
    %reduce_max3A_22 = vector.multi_reduction <maximumf>, %add3A_21, %reduce_max3A [1] : vector<4096x2xf32> to vector<4096xf32>
    %broadcast_in_dim3A = vector.shape_cast %reduce_max3A_22 : vector<4096xf32> to vector<4096x1xf32>
    %sub3A = vector.broadcast %broadcast_in_dim3A : vector<4096x1xf32> to vector<4096x2xf32>
    %sub3A_23 = arith.subf %add3A_21, %sub3A : vector<4096x2xf32>
    %exp3A = math.exp %sub3A_23 : vector<4096x2xf32>
    %reduce_sum3A = arith.constant dense<0.000000e+00> : vector<4096xf32>
    %reduce_sum3A_24 = vector.multi_reduction <add>, %exp3A, %reduce_sum3A [1] : vector<4096x2xf32> to vector<4096xf32>
    %broadcast_in_dim3A_25 = vector.shape_cast %reduce_sum3A_24 : vector<4096xf32> to vector<4096x1xf32>
    %log3A = math.log %broadcast_in_dim3A_25 : vector<4096x1xf32>
    %sub3A_26 = vector.broadcast %log3A : vector<4096x1xf32> to vector<4096x2xf32>
    %sub3A_27 = arith.subf %sub3A_23, %sub3A_26 : vector<4096x2xf32>
    %swap3A = arith.constant 0 : index
    %swap3A_28 = arith.constant 0 : index
    %swap3A_29 = vector.load %arg5[%swap3A, %swap3A_28] : memref<4096x2xf32, #tpu.memory_space<vmem>>, vector<4096x2xf32>
    tpu.vector_store %arg5[%swap3A, %swap3A_28], %sub3A_27 {strides = array<i32>} : memref<4096x2xf32, #tpu.memory_space<vmem>>, vector<4096x2xf32>,
    return
  }
}

</mosaic_0001>

<sc_bundles>
// kernel: kernel.5.cloned.1.call-start
scs
__scs_entry_jumppad:
0x0: {  	(pc) =	sbr.rel $0x88, $3  }
0x1: {  	(tag) =	ssettag $0x0;
	lr =	simm.s32 $0x1  }
0x2: {  	[smem:$0x3F9B] =	sst lr;
	_ =	strace $0xD0000000  }
0x3: {  	_ = 	snop  }
0x4: {  	_ = 	snop  }
0x5: {  	_ = 	snop  }
0x6: {  	_ = 	snop  }
0x7: {  	_ = 	snop  }
__scs_overlays_trampoline_lowered:
0x8: {  	[smem:$0x3FAA] =	sst s0  }
0x9: {  	[smem:$0x3FAB] =	sst s1  }
0xa: {  	[smem:$0x3FAC] =	sst s2  }
0xb: {  	[smem:$0x3FAD] =	sst s3  }
0xc: {  	[smem:$0x3FAE] =	sst s4  }
0xd: {  	[smem:$0x3FAF] =	sst s5  }
0xe: {  	[smem:$0x3FB0] =	sst s6  }
0xf: {  	[smem:$0x3FB1] =	sst s7  }
0x10: {  	[smem:$0x3FB2] =	sst s8  }
0x11: {  	[smem:$0x3FB3] =	sst s9;
	s0 =	simm.s32 @!p0 $0x0  }
0x12: {  	s1 =	sld [smem:$0x3F99];
	s0 =	simm.s32 @p0 $0x1  }
0x13: {  	[smem:$0x3FB4] =	sst s0;
	s0 =	simm.s32 @!p1 $0x0  }
0x14: {  	s2 =	sld [smem:$0x3F98];
	s0 =	simm.s32 @p1 $0x1  }
0x15: {  	[smem:$0x3FB5] =	sst s0;
	s0 =	simm.s32 @!p2 $0x0  }
0x16: {  	s3 =	sld [smem:$0x3FDB];
	s0 =	simm.s32 @p2 $0x1  }
0x17: {  	s4 =	simm.s32 $0x1BF5;
	[smem:$0x3FB7] =	sst s0  }
0x18: {  	s0 =	sld [smem:$0x3F9A];
	_ =	swait.ge [sflag:s4], $0x0  }
0x19: {  	s7 =	sld [smem:$0x3F9B]  }
0x1a: {  	s8 =	sadd.s32 $0xFFFFE003, lr  }
0x1b: {  	s9 =	sadd.s32 $0xFFFFFEF7, lr;
	s5 =	simm.s32 $0xFFFFFFFF;
	p2 =	slt.u32 s8, $0xFFFFF086  }
0x1c: {  	p1 =	slt.u32 s9, $0xF7A;
	s5 =	simm.s32 @!p2 $0x0  }
0x1d: {  	s5 =	simm.s32 @p1 $0x1;
	p0 =	seq.s32 s7, s2  }
0x1e: {  	s7 =	smul.u32 @!p0 $0xF7A, s2;
	p2 =	seq.s32 @!p0 s5, $0x0  }
0x1f: {  	s9 =	smul.u32 $0xF7A, s1;
	s8 =	simm.s32 @!p0 $0x1BF5;
	p2 =	por !p2, p0  }
0x20: {  	[sflag:s8] =	ssyncset.s32 @!p0 $0xFFFFF086;
	s6 =	sadd.s32 @!p0 s3, s7;
	s7 =	simm.s32 @!p0 $0x108  }
0x21: {  	s3 =	sadd.s32 s3, s9;
	s6 =	sadd.s32 @!p0 $0x88, s6;
	s7 =	simm.s32 @p2 $0x1082  }
0x22: {  	[simem:s7], [sflag:s8] =	dma.local @!p0 [hbm:s6], $0xF7A  }
0x23: {  	s9 =	sor.u32 $0xD0000000, s2;
	s6 =	simm.s32 $0x108;
	_ =	swait.ge @!p0 [sflag:s8], $0x0  }
0x24: {  	s3 =	sadd.s32 $0x88, s3;
	s6 =	simm.s32 @!p1 $0x1082;
	[sflag:s4] =	ssyncset.s32 $0xFFFFF086  }
0x25: {  	[simem:s6], [sflag:s4] =	dma.local [hbm:s3], $0xF7A  }
0x26: {  	[smem:$0x3F9B] =	sst s1;
	(tag) =	ssettag s2;
	_ =	strace s9  }
0x27: {  	s1 =	sld [smem:$0x3FAB]  }
0x28: {  	s2 =	sld [smem:$0x3FAC]  }
0x29: {  	s4 =	sld [smem:$0x3FAE]  }
0x2a: {  	p0 =	seq.s32 s5, $0x0;
	s5 =	sld [smem:$0x3FAF]  }
0x2b: {  	s6 =	sld [smem:$0x3FB0]  }
0x2c: {  	s7 =	sld [smem:$0x3FB1]  }
0x2d: {  	s3 =	simm.s32 $0x108;
	s8 =	sld [smem:$0x3FB2]  }
0x2e: {  	s3 =	simm.s32 @!p0 $0x1082;
	s9 =	sld [smem:$0x3FB3]  }
0x2f: {  	lr =	sadd.s32 s0, s3;
	s0 =	sld [smem:$0x3FAA]  }
0x30: {  	s3 =	sld [smem:$0x3FAD]  }
0x31: {  	[smem:$0x3FB6] =	sst s10  }
0x32: {  	s10 =	sld [smem:$0x3FB4];
	_ =	sdelay $0x3  }
0x33: {  	p0 =	seq.s32 s10, $0x1;
	s10 =	sld [smem:$0x3FB6];
	_ =	sdelay $0x3  }
0x34: {  	[smem:$0x3FB6] =	sst s10  }
0x35: {  	s10 =	sld [smem:$0x3FB5];
	_ =	sdelay $0x3  }
0x36: {  	p1 =	seq.s32 s10, $0x1;
	s10 =	sld [smem:$0x3FB6];
	_ =	sdelay $0x3  }
0x37: {  	[smem:$0x3FB6] =	sst s10  }
0x38: {  	s10 =	sld [smem:$0x3FB7]  }
0x39: {  	_ = 	snop;
	(pc) =	sbr.ind lr, $3  }
0x3a: {  	_ = 	snop  }
0x3b: {  	_ = 	snop  }
0x3c: {  	p2 =	seq.s32 s10, $0x1;
	s10 =	sld [smem:$0x3FB6]  }
0x3d: {  	_ =	shalt  }
0x3e: {  	_ =	shalt  }
0x3f: {  	_ =	shalt  }
0x40: {  	_ =	shalt  }
0x41: {  	_ =	shalt  }
0x42: {  	_ =	shalt  }
0x43: {  	_ =	shalt  }
0x44: {  	_ =	shalt  }
0x45: {  	_ =	shalt  }
0x46: {  	_ =	shalt  }
0x47: {  	_ =	shalt  }
0x48: {  	_ =	shalt  }
0x49: {  	_ =	shalt  }
0x4a: {  	_ =	shalt  }
0x4b: {  	_ =	shalt  }
0x4c: {  	_ =	shalt  }
0x4d: {  	_ =	shalt  }
0x4e: {  	_ =	shalt  }
0x4f: {  	_ =	shalt  }
0x50: {  	_ =	shalt  }
0x51: {  	_ =	shalt  }
0x52: {  	_ =	shalt  }
0x53: {  	_ =	shalt  }
0x54: {  	_ =	shalt  }
0x55: {  	_ =	shalt  }
0x56: {  	_ =	shalt  }
0x57: {  	_ =	shalt  }
0x58: {  	_ =	shalt  }
0x59: {  	_ =	shalt  }
0x5a: {  	_ =	shalt  }
0x5b: {  	_ =	shalt  }
0x5c: {  	_ =	shalt  }
0x5d: {  	_ =	shalt  }
0x5e: {  	_ =	shalt  }
0x5f: {  	_ =	shalt  }
0x60: {  	_ =	shalt  }
0x61: {  	_ =	shalt  }
0x62: {  	_ =	shalt  }
0x63: {  	_ =	shalt  }
0x64: {  	_ =	shalt  }
0x65: {  	_ =	shalt  }
0x66: {  	_ =	shalt  }
0x67: {  	_ =	shalt  }
0x68: {  	_ =	shalt  }
0x69: {  	_ =	shalt  }
0x6a: {  	_ =	shalt  }
0x6b: {  	_ =	shalt  }
0x6c: {  	_ =	shalt  }
0x6d: {  	_ =	shalt  }
0x6e: {  	_ =	shalt  }
0x6f: {  	_ =	shalt  }
0x70: {  	_ =	shalt  }
0x71: {  	_ =	shalt  }
0x72: {  	_ =	shalt  }
0x73: {  	_ =	shalt  }
0x74: {  	_ =	shalt  }
0x75: {  	_ =	shalt  }
0x76: {  	_ =	shalt  }
0x77: {  	_ =	shalt  }
0x78: {  	_ =	shalt  }
0x79: {  	_ =	shalt  }
0x7a: {  	_ =	shalt  }
0x7b: {  	_ =	shalt  }
0x7c: {  	_ =	shalt  }
0x7d: {  	_ =	shalt  }
0x7e: {  	_ =	shalt  }
0x7f: {  	_ =	shalt  }
0x80: {  	_ =	shalt  }
0x81: {  	_ =	shalt  }
0x82: {  	_ =	shalt  }
0x83: {  	_ =	shalt  }
0x84: {  	_ =	shalt  }
0x85: {  	_ =	shalt  }
0x86: {  	_ =	shalt  }
0x87: {  	_ =	shalt  }
.Lfunc_end0:
.L_simem_size_0:
called_computation_lowered:
.L_overlay_start_0:
0x88: {  	s2 =	sld [smem:$0x3FD9]  }
0x89: {  	s3 =	sld [smem:$0x3FFE];
	_ =	sdelay $0x1  }
0x8a: {  	s1 =	srdreg.scid  }
0x8b: {  	s0 =	sand.u32 $0x1, s1  }
0x8c: {  	s17 =	sshll.u32 s0, $0xA;
	s2 =	sadd.s32 s3, s2  }
0x8d: {  	s2 =	sadd.s32 s2, s17  }
0x8e: {  	[smem:$0x3FC2] =	sst s2  }
0x8f: {  	_ = 	snop  }
0x90: {  	s2 =	sld [smem:$0x3FC8]  }
0x91: {  	s18 =	sld [smem:$0x3FD0];
	(tm) =	ssettm $0x1  }
0x92: {  	s4 =	sld [smem:$0x3FFB];
	_ =	sdelay $0x3  }
0x93: {  	_ =	strace s4  }
0x94: {  	s4 =	sld [smem:$0x3FFC];
	_ =	sdelay $0x3  }
0x95: {  	_ =	strace s4  }
0x96: {  	s4 =	sld [smem:$0x3FFD];
	_ =	sdelay $0x3  }
0x97: {  	_ =	strace s4  }
0x98: {  	_ =	strace $0x8FFFFFFF  }
0x99: {  	s19 =	sld [smem:$0x3FDB];
	_ =	sdelay $0x1  }
0x9a: {  	s5 =	simm.s32 $_scs_section_size  }
0x9b: {  	s6 =	simm.s32 $_size__tile_overlayer_lowered;
	s7 =	simm.s32 $_tile_overlayer_lowered  }
0x9c: {  	s22 =	simm.s32 $0x1BFF;
	s21 =	sshll.u32 s7, $0x1;
	s4 =	sadd.s32 s5, s19  }
0x9d: {  	s8 =	simm.s32 $0x0;
	s20 =	sshll.u32 s6, $0x1;
	s6 =	sadd.s32 s21, s4  }
0x9e: {  	[timem:s8], [sflag:s22] =	dma.local [hbm:s6], s20  }
0x9f: {  	_ =	swait.ge [sflag:s22], s20  }
0xa0: {  	s5 =	ssub.s32 $0x0, s20;
	[sflag:s22] =	ssyncset.done $0x0  }
0xa1: {  	[sflag:s22] =	ssyncadd.s32 s5;
	_ =	sdelay $0x1  }
0xa2: {  	s23 =	simm.s32 $0x1B8B  }
0xa3: {  	_ =	swait.ge [sflag:s23], $0x1  }
0xa4: {  	[sflag:s23] =	ssyncset.done $0x0  }
0xa5: {  	s25 =	simm.s32 $0x1B8E;
	s24 =	sld [smem:$0x3FFE];
	[sflag:s23] =	ssyncadd.s32 $0xFFFFFFFF  }
0xa6: {  	s26 =	simm.s32 $execute0_lowered;
	[smem:$0x3FD2] =	sst s25  }
0xa7: {  	s6 =	sshll.u32 s26, $0x1;
	_ =	strace $0x80000046;
	[dreg:$0x1] =	wrdreg $0xFFFFFFFF  }
0xa8: {  	s28 =	simm.s32 $_size_execute0_lowered;
	s4 =	sadd.s32 s4, s6;
	[dreg:$0x0] =	wrdreg $0x0  }
0xa9: {  	s6 =	sshll.u32 s28, $0x1;
	[dreg:$0x2] =	wrdreg s4  }
0xaa: {  	[dreg:$0x3] =	wrdreg s6  }
0xab: {  	[dreg:$0x4] =	wrdreg $0xC0  }
0xac: {  	_ =	task [dreg:s8], $0x5FFFF  }
0xad: {  	[dreg:$0x1] =	wrdreg $0xFFFFFFFF  }
0xae: {  	[dreg:$0x0] =	wrdreg $0x60  }
0xaf: {  	[dreg:$0x2] =	wrdreg s2  }
0xb0: {  	[dreg:$0x3] =	wrdreg s18  }
0xb1: {  	[dreg:$0x4] =	wrdreg s24  }
0xb2: {  	[dreg:$0x5] =	wrdreg $0x9  }
0xb3: {  	_ =	task.clear_ibuf [dreg:s8], $0x6FFFF;
	_ =	strace $0x90000046  }
0xb4: {  	s29 =	simm.s32 $0x9;
	_ =	strace $0x80000048  }
0xb5: {  	_ =	swait.ge [sflag:s29], $0x1  }
0xb6: {  	[sflag:s29] =	ssyncadd.s32 $0xFFFFFFFF  }
0xb7: {  	_ =	strace $0x90000048  }
0xb8: {  	_ =	sfence  }
0xb9: {  	s30 =	sld [smem:$0x0];
	_ =	sdelay $0x2  }
0xba: {  	s31 =	sshll.u32 s1, $0xD;
	s1 =	sshrl.u32 s1, $0x2  }
0xbb: {  	s3 =	sand.u32 $0x4000, s31;
	s1 =	sadd.s32 s1, s30  }
0xbc: {  	s0 =	sor.u32 s3, s0;
	s1 =	sshll.u32 s1, $0x11  }
0xbd: {  	s0 =	sor.u32 s1, s0  }
0xbe: {  	s0 =	sadd.s32 $0x8F2B, s0  }
0xbf: {  	[sflag:s0] =	ssyncadd.remote.s32 $0x1  }
0xc0: {  	_ =	sfence.sel $0xFFFF  }
0xc1: {  	[dreg:$0x0] =	wrdreg $0xFFFFFFFF;
	(pc) =	sbr.abs _section_cstart, $3  }
0xc2: {  	[dreg:$0x1] =	wrdreg $0xFFFFFFFF  }
0xc3: {  	_ =	task.clear_ibuf [dreg:s8], $0x2FFFF;
	_ =	strace $0x9FFFFFFF  }
0xc4: {  	(tm) =	ssettm $0x7FFFFFFF  }
0xc5: {  	_ =	shalt  }
tec
execute0_lowered:
.L_overlay_start_1:
0x0: {  	(tag) =	ssettag $0x1  }
0x1: {  	s1 =	rddreg [dreg:$0x0];
	s0 =	srdreg.scid  }
0x2: {  	s9 =	stileid.u32;
	s2 =	rddreg [dreg:$0x2];
	s4 =	simm.s32 $0x0  }
0x3: {  	s14 =	simm.s32 $0x400;
	s15 =	simm.s32 $0x7A1400;
	s19 =	simm.s32 $0x1  }
0x4: {  	s20 =	simm.s32 $0x1A000;
	s21 =	simm.s32 $0x8000;
	s22 =	simm.s32 $0x2  }
0x5: {  	s23 =	simm.s32 $0xC000;
	s24 =	simm.s32 $0x3;
	s25 =	simm.s32 $0x10000  }
0x6: {  	s28 =	simm.s32 $0x14000;
	s31 =	simm.s32 $0x7;
	s0 =	sand.u32 $0x1, s0  }
0x7: {  	s3 =	sshll.u32 s9, $0x1;
	[smem:$0x7FF] =	sst s4;
	s5 =	sadd.s32 $0x1200, s2  }
0x8: {  	p0 =	slt.u32 s9, $0x2;
	s2 =	sadd.s32 $0xF43200, s2;
	s3 =	sor.u32 s0, s3  }
0x9: {  	_ =	strace $0x80000047;
	s0 =	ssub.s32 $0x2, s0;
	s6 =	smul.u32 $0xF4, s3  }
0xa: {  	[dreg:$0x8] =	wrdreg s2;
	s7 =	smin.u32 s3, $0x4;
	s8 =	sshrl.u32 s0, $0x1  }
0xb: {  	s2 =	simm.s32 $0x8;
	s0 =	ssub.s32 s0, s8;
	s6 =	sadd.s32 s7, s6  }
0xc: {  	s7 =	simm.s32 $0xF5;
	s0 =	smax.u32 s0, $0x1;
	s26 =	sshll.u32 s6, $0x7  }
.Ltmp0:
0xd: {  	[dreg:$0x9] =	wrdreg s0;
	s29 =	sadd.s32 s1, s26;
	(pc) =	sbr.rel .LBB2_1-.Ltmp0, $4  }
0xe: {  	v0 =	vlaneseq.u32;
	s7 =	simm.s32 @!p0 $0xF4;
	s9 =	sadd.s32 $0x80, s29;
	[dreg:$0x4] =	wrdreg s29  }
0xf: {  	v1 =	vmul.u32 $0x80, v0;
	p0 =	sne.s32 s3, $0x1F;
	s30 =	sadd.s32 $0x100, s29;
	[dreg:$0x5] =	wrdreg s9  }
0x10: {  	v2 =	vmul.u32 $0xFFFFFFFF, v0;
	s3 =	simm.s32 $0x9;
	s8 =	sadd.s32 $0x180, s29;
	[dreg:$0x6] =	wrdreg s30  }
0x11: {  	v3 =	vor.u32 $0x800, v1;
	v4 =	vor.u32 $0x1000, v1;
	v5 =	vor.u32 $0x1800, v1;
	s0 =	simm.s32 $0x0;
	s26 =	simm.s32 $0x4;
	[dreg:$0x7] =	wrdreg s8  }
.LBB2_33:
0x12: {  	s0 =	sadd.s32 $0x1, s0;
	s8 =	rddreg [dreg:$0x9]  }
0x13: {  	p1 =	sne.s32 s0, s8  }
.Ltmp1:
0x14: {  	_ = 	snop;
	(pc) =	sbr.rel @!p1 .LBB2_34-.Ltmp1, $1  }
0x15: {  	_ =	sdelay $0x3  }
.LBB2_1:
0x16: {  	s8 =	rddreg [dreg:$0x4]  }
0x17: {  	[tilespmem:s4], [sflag:$0x1] =	stream.strided.gather [hbm4b:s8+s14], $0x2000, s15, s14, $0x38;
	[tilespmem:$0x1C000] =	vst v63  }
0x18: {  	s16 =	rddreg [dreg:$0x5];
	s9 =	simm.s32 $0x2000  }
0x19: {  	[tilespmem:s9], [sflag:$0x2] =	stream.strided.gather [hbm4b:s16+s14], $0x2000, s15, s14, $0x38;
	[tilespmem:$0x1C000] =	vst v63  }
.Ltmp2:
0x1a: {  	_ = 	snop;
	(pc) =	sbr.rel .LBB2_2-.Ltmp2, $4  }
0x1b: {  	s17 =	rddreg [dreg:$0x6];
	s18 =	simm.s32 $0x4000  }
0x1c: {  	[tilespmem:s18], [sflag:$0x3] =	stream.strided.gather [hbm4b:s17+s14], $0x2000, s15, s14, $0x38;
	[tilespmem:$0x1C000] =	vst v63  }
0x1d: {  	s29 =	rddreg [dreg:$0x7];
	s30 =	simm.s32 $0x6000;
	s16 =	simm.s32 $0x0  }
0x1e: {  	[tilespmem:s30], [sflag:$0x4] =	stream.strided.gather [hbm4b:s29+s14], $0x2000, s15, s14, $0x38;
	[tilespmem:$0x1C000] =	vst v63  }
.LBB2_26:
0x1f: {  	s16 =	sadd.s32 $0x1, s16  }
0x20: {  	p1 =	sne.s32 s16, $0x3E  }
.Ltmp3:
0x21: {  	_ = 	snop;
	(pc) =	sbr.rel @!p1 .LBB2_27-.Ltmp3, $1  }
0x22: {  	_ =	sdelay $0x3  }
.LBB2_2:
0x23: {  	s17 =	sshll.u32 s16, $0x2  }
0x24: {  	p1 =	sge.u32 s17, s7  }
.Ltmp4:
0x25: {  	_ = 	snop;
	(pc) =	sbr.rel @p1 .LBB2_8-.Ltmp4, $1  }
0x26: {  	_ =	sdelay $0x3  }
0x27: {  	_ =	swait.ge [sflag:s19], $0x2000  }
0x28: {  	p1 =	seq.s32 s16, $0x0;
	[sflag:s19] =	ssyncset.done $0x0  }
0x29: {  	s9 =	simm.s32 @!p1 $0x5;
	[sflag:s19] =	ssyncadd.s32 $0xFFFFE000  }
0x2a: {  	s18 =	sadd.s32 s6, s17;
	_ =	swait.ge @!p1 [sflag:s9], $0x4000  }
0x2b: {  	s12 =	simm.s32 $0x0;
	s10 =	simm.s32 $0x1A100;
	[sflag:s9] =	ssyncset.done @!p1 $0x0  }
0x2c: {  	s11 =	simm.s32 $0x0;
	[sflag:s9] =	ssyncadd.s32 @!p1 $0xFFFFC000;
	s9 =	simm.s32 $0x100  }
.LBB2_4:
0x2d: {  	v6 =	vld [tilespmem:s9+$0xFFFFFF00]  }
0x2e: {  	v7 =	vld [tilespmem:s9+$0xFFFFFF10]  }
0x2f: {  	v8 =	vld [tilespmem:s9+$0xFFFFFF20]  }
0x30: {  	v10 =	vadd.s32 s11, v0;
	v12 =	vld [tilespmem:s9+$0xFFFFFF50]  }
0x31: {  	v9 =	vld [tilespmem:s9+$0xFFFFFF30];
	v10 =	vand.u32 $0xF, v10  }
0x32: {  	v11 =	vld [tilespmem:s9+$0xFFFFFF40];
	v6 =	vperm.xlane v6, v10  }
0x33: {  	v13 =	vld [tilespmem:s9+$0xFFFFFF60];
	v7 =	vperm.xlane v7, v10  }
0x34: {  	v14 =	vld [tilespmem:s9+$0xFFFFFF70];
	v8 =	vperm.xlane v8, v10;
	[tilespmem:s10+$0xFFFFFF00] =	vst v6  }
0x35: {  	v42 =	vperm.xlane v12, v10;
	[tilespmem:s10+$0xFFFFFF10] =	vst v7  }
0x36: {  	v6 =	vperm.xlane v9, v10;
	[tilespmem:s10+$0xFFFFFF20] =	vst v8  }
0x37: {  	v7 =	vperm.xlane v11, v10;
	[tilespmem:s10+$0xFFFFFF50] =	vst v42  }
0x38: {  	[tilespmem:s10+$0xFFFFFF30] =	vst v6;
	v6 =	vperm.xlane v13, v10  }
0x39: {  	[tilespmem:s10+$0xFFFFFF40] =	vst v7;
	v7 =	vperm.xlane v14, v10  }
0x3a: {  	[tilespmem:s10+$0xFFFFFF60] =	vst v6  }
0x3b: {  	[tilespmem:s10+$0xFFFFFF70] =	vst v7  }
0x3c: {  	v6 =	vld [tilespmem:s9+$0xFFFFFF80]  }
0x3d: {  	v7 =	vld [tilespmem:s9+$0xFFFFFF90]  }
0x3e: {  	s13 =	sadd.s32 $0x1, s11;
	v8 =	vld [tilespmem:s9+$0xFFFFFFA0]  }
0x3f: {  	v44 =	vadd.s32 s13, v0;
	v46 =	vld [tilespmem:s9+$0xFFFFFFD0]  }
0x40: {  	v10 =	vand.u32 $0xF, v44;
	v43 =	vld [tilespmem:s9+$0xFFFFFFB0]  }
0x41: {  	v45 =	vld [tilespmem:s9+$0xFFFFFFC0];
	v6 =	vperm.xlane v6, v10  }
0x42: {  	v47 =	vld [tilespmem:s9+$0xFFFFFFE0];
	v7 =	vperm.xlane v7, v10  }
0x43: {  	v48 =	vld [tilespmem:s9+$0xFFFFFFF0];
	v8 =	vperm.xlane v8, v10;
	[tilespmem:s10+$0xFFFFFF80] =	vst v6  }
0x44: {  	v49 =	vperm.xlane v46, v10;
	[tilespmem:s10+$0xFFFFFF90] =	vst v7  }
0x45: {  	v6 =	vperm.xlane v43, v10;
	[tilespmem:s10+$0xFFFFFFA0] =	vst v8  }
0x46: {  	v7 =	vperm.xlane v45, v10;
	[tilespmem:s10+$0xFFFFFFD0] =	vst v49  }
0x47: {  	[tilespmem:s10+$0xFFFFFFB0] =	vst v6;
	v6 =	vperm.xlane v47, v10  }
0x48: {  	[tilespmem:s10+$0xFFFFFFC0] =	vst v7;
	v7 =	vperm.xlane v48, v10  }
0x49: {  	[tilespmem:s10+$0xFFFFFFE0] =	vst v6  }
0x4a: {  	[tilespmem:s10+$0xFFFFFFF0] =	vst v7  }
0x4b: {  	v6 =	vld [tilespmem:s9+$0x0]  }
0x4c: {  	v7 =	vld [tilespmem:s9+$0x10]  }
0x4d: {  	s29 =	sadd.s32 $0x2, s11;
	v8 =	vld [tilespmem:s9+$0x20]  }
0x4e: {  	v51 =	vadd.s32 s29, v0;
	v53 =	vld [tilespmem:s9+$0x50]  }
0x4f: {  	v10 =	vand.u32 $0xF, v51;
	v50 =	vld [tilespmem:s9+$0x30]  }
0x50: {  	v52 =	vld [tilespmem:s9+$0x40];
	v6 =	vperm.xlane v6, v10  }
0x51: {  	v54 =	vld [tilespmem:s9+$0x60];
	v7 =	vperm.xlane v7, v10  }
0x52: {  	v55 =	vld [tilespmem:s9+$0x70];
	v8 =	vperm.xlane v8, v10;
	[tilespmem:s10+$0x0] =	vst v6  }
0x53: {  	v56 =	vperm.xlane v53, v10;
	[tilespmem:s10+$0x10] =	vst v7  }
0x54: {  	v6 =	vperm.xlane v50, v10;
	[tilespmem:s10+$0x20] =	vst v8  }
0x55: {  	v7 =	vperm.xlane v52, v10;
	[tilespmem:s10+$0x50] =	vst v56  }
0x56: {  	[tilespmem:s10+$0x30] =	vst v6;
	v6 =	vperm.xlane v54, v10  }
0x57: {  	[tilespmem:s10+$0x40] =	vst v7;
	v7 =	vperm.xlane v55, v10  }
0x58: {  	[tilespmem:s10+$0x60] =	vst v6  }
0x59: {  	[tilespmem:s10+$0x70] =	vst v7  }
0x5a: {  	v6 =	vld [tilespmem:s9+$0x80]  }
0x5b: {  	v7 =	vld [tilespmem:s9+$0x90]  }
0x5c: {  	s30 =	sadd.s32 $0x3, s11;
	v8 =	vld [tilespmem:s9+$0xA0]  }
0x5d: {  	v58 =	vadd.s32 s30, v0;
	v60 =	vld [tilespmem:s9+$0xD0]  }
0x5e: {  	v10 =	vand.u32 $0xF, v58;
	v57 =	vld [tilespmem:s9+$0xB0]  }
0x5f: {  	v59 =	vld [tilespmem:s9+$0xC0];
	v6 =	vperm.xlane v6, v10  }
0x60: {  	v61 =	vld [tilespmem:s9+$0xE0];
	v7 =	vperm.xlane v7, v10  }
0x61: {  	v62 =	vld [tilespmem:s9+$0xF0];
	v8 =	vperm.xlane v8, v10;
	[tilespmem:s10+$0x80] =	vst v6  }
0x62: {  	v63 =	vperm.xlane v60, v10;
	[tilespmem:s10+$0x90] =	vst v7  }
0x63: {  	p1 =	sne.s32 s11, $0x3C;
	v6 =	vperm.xlane v57, v10;
	[tilespmem:s10+$0xA0] =	vst v8  }
.Ltmp5:
0x64: {  	v7 =	vperm.xlane v59, v10;
	[tilespmem:s10+$0xD0] =	vst v63;
	(pc) =	sbr.rel @p1 .LBB2_4-.Ltmp5, $4  }
0x65: {  	[tilespmem:s10+$0xB0] =	vst v6;
	v6 =	vperm.xlane v61, v10  }
0x66: {  	[tilespmem:s10+$0xC0] =	vst v7;
	v7 =	vperm.xlane v62, v10  }
0x67: {  	[tilespmem:s10+$0xE0] =	vst v6  }
0x68: {  	s11 =	sadd.s32 $0x4, s11;
	s9 =	sadd.s32 $0x200, s9;
	[tilespmem:s10+$0xF0] =	vst v7;
	s10 =	sadd.s32 $0x200, s10  }
0x69: {  	v6 =	vadd.s32 s12, v2  }
0x6a: {  	s9 =	sand.u32 $0x70, s12;
	v6 =	vand.u32 $0xF, v6  }
0x6b: {  	v6 =	vor.u32 s9, v6  }
0x6c: {  	v7 =	vor.u32 v1, v6  }
0x6d: {  	v8 =	vor.u32 v4, v6  }
0x6e: {  	v9 =	vor.u32 v5, v6  }
0x6f: {  	v6 =	vor.u32 v3, v6;
	_ =	sdelay $0x1  }
0x70: {  	s10 =	simm.s32 $0x1;
	v7 =	vld.idx.msk [tilespmem:v7+s20+$0x0], $0xffff  }
0x71: {  	v10 =	vadd.s32 s10, v2;
	v8 =	vld.idx.msk [tilespmem:v8+s20+$0x0], $0xffff  }
0x72: {  	v10 =	vand.u32 $0xF, v10;
	v9 =	vld.idx.msk [tilespmem:v9+s20+$0x0], $0xffff  }
0x73: {  	v10 =	vor.u32 s9, v10;
	v6 =	vld.idx.msk [tilespmem:v6+s20+$0x0], $0xffff  }
0x74: {  	s9 =	simm.s32 $0x8080;
	v11 =	vor.u32 v1, v10  }
0x75: {  	[tilespmem:s9+$0xFFFFFF80] =	vst v7;
	v7 =	vor.u32 v5, v10  }
0x76: {  	[tilespmem:s9+$0xFFFFFFA0] =	vst v8;
	v8 =	vor.u32 v3, v10  }
0x77: {  	[tilespmem:s9+$0xFFFFFFB0] =	vst v9  }
0x78: {  	[tilespmem:s9+$0xFFFFFF90] =	vst v6;
	v9 =	vor.u32 v4, v10  }
0x79: {  	v6 =	vld.idx.msk [tilespmem:v11+s20+$0x0], $0xffff  }
0x7a: {  	s11 =	simm.s32 $0x2;
	v7 =	vld.idx.msk [tilespmem:v7+s20+$0x0], $0xffff  }
0x7b: {  	s13 =	simm.s32 $0x4;
	s12 =	simm.s32 $0x8080;
	s10 =	sand.u32 $0x70, s11;
	v10 =	vadd.s32 s11, v2;
	v8 =	vld.idx.msk [tilespmem:v8+s20+$0x0], $0xffff  }
.LBB2_6:
0x7c: {  	s8 =	sand.u32 $0x70, s13  }
0x7d: {  	v10 =	vand.u32 $0xF, v10;
	v9 =	vld.idx.msk [tilespmem:v9+s20+$0x0], $0xffff;
	s9 =	sadd.s32 $0x100, s9;
	s29 =	smov.u32 s13;
	s30 =	sadd.s32 $0x2, s13  }
0x7e: {  	p1 =	sne.s32 s13, $0x7E;
	v10 =	vor.u32 s10, v10  }
0x7f: {  	v11 =	vor.u32 v1, v10;
	v12 =	vor.u32 v3, v10;
	v13 =	vor.u32 v4, v10  }
0x80: {  	v10 =	vor.u32 v5, v10;
	[tilespmem:s12+$0x0] =	vst v6  }
0x81: {  	[tilespmem:s12+$0x30] =	vst v7  }
0x82: {  	[tilespmem:s12+$0x10] =	vst v8  }
0x83: {  	[tilespmem:s12+$0x20] =	vst v9;
	s12 =	smov.u32 s9  }
0x84: {  	v6 =	vld.idx.msk [tilespmem:v11+s20+$0x0], $0xffff  }
0x85: {  	s13 =	sadd.s32 $0x1, s11;
	s11 =	smov.u32 s29;
	v7 =	vld.idx.msk [tilespmem:v13+s20+$0x0], $0xffff  }
0x86: {  	v9 =	vadd.s32 s13, v2;
	v8 =	vld.idx.msk [tilespmem:v10+s20+$0x0], $0xffff  }
0x87: {  	v9 =	vand.u32 $0xF, v9;
	v10 =	vld.idx.msk [tilespmem:v12+s20+$0x0], $0xffff  }
0x88: {  	v9 =	vor.u32 s10, v9;
	s10 =	smov.u32 s8  }
0x89: {  	v11 =	vor.u32 v1, v9  }
0x8a: {  	v12 =	vor.u32 v5, v9;
	[tilespmem:s9+$0xFFFFFF80] =	vst v6  }
0x8b: {  	v13 =	vor.u32 v3, v9;
	v9 =	vor.u32 v4, v9;
	[tilespmem:s9+$0xFFFFFFA0] =	vst v7  }
.Ltmp6:
0x8c: {  	[tilespmem:s9+$0xFFFFFFB0] =	vst v8;
	(pc) =	sbr.rel @p1 .LBB2_6-.Ltmp6, $4  }
0x8d: {  	[tilespmem:s9+$0xFFFFFF90] =	vst v10  }
0x8e: {  	v6 =	vld.idx.msk [tilespmem:v11+s20+$0x0], $0xffff  }
0x8f: {  	v7 =	vld.idx.msk [tilespmem:v12+s20+$0x0], $0xffff  }
0x90: {  	s13 =	smov.u32 s30;
	v10 =	vadd.s32 s11, v2;
	v8 =	vld.idx.msk [tilespmem:v13+s20+$0x0], $0xffff  }
0x91: {  	_ =	sdelay $0x2  }
0x92: {  	v10 =	vand.u32 $0xF, v10  }
0x93: {  	v9 =	vld.idx.msk [tilespmem:v9+s20+$0x0], $0xffff;
	v10 =	vor.u32 s10, v10  }
0x94: {  	v11 =	vor.u32 v1, v10  }
0x95: {  	v12 =	vor.u32 v4, v10;
	[tilespmem:s12+$0x0] =	vst v6  }
0x96: {  	v6 =	vor.u32 v5, v10;
	[tilespmem:s12+$0x30] =	vst v7  }
0x97: {  	v7 =	vor.u32 v3, v10;
	[tilespmem:s12+$0x10] =	vst v8  }
0x98: {  	[tilespmem:s12+$0x20] =	vst v9  }
0x99: {  	s8 =	sadd.s32 $0x1, s11;
	v8 =	vld.idx.msk [tilespmem:v11+s20+$0x0], $0xffff  }
0x9a: {  	v58 =	vadd.s32 s8, v2;
	v9 =	vld.idx.msk [tilespmem:v12+s20+$0x0], $0xffff  }
0x9b: {  	v10 =	vand.u32 $0xF, v58;
	v6 =	vld.idx.msk [tilespmem:v6+s20+$0x0], $0xffff  }
0x9c: {  	v10 =	vor.u32 s10, v10;
	v7 =	vld.idx.msk [tilespmem:v7+s20+$0x0], $0xffff  }
0x9d: {  	s13 =	sadd.s32 $0x100, s9;
	v59 =	vor.u32 v1, v10  }
0x9e: {  	v60 =	vor.u32 v5, v10;
	[tilespmem:s13+$0xFFFFFF80] =	vst v8  }
0x9f: {  	v61 =	vor.u32 v3, v10;
	[tilespmem:s13+$0xFFFFFFA0] =	vst v9  }
0xa0: {  	v10 =	vor.u32 v4, v10;
	[tilespmem:s13+$0xFFFFFFB0] =	vst v6  }
0xa1: {  	[tilespmem:s13+$0xFFFFFF90] =	vst v7  }
0xa2: {  	v6 =	vld.idx.msk [tilespmem:v59+s20+$0x0], $0xffff  }
0xa3: {  	v7 =	vld.idx.msk [tilespmem:v60+s20+$0x0], $0xffff  }
0xa4: {  	v62 =	vld.idx.msk [tilespmem:v61+s20+$0x0], $0xffff  }
0xa5: {  	v63 =	vld.idx.msk [tilespmem:v10+s20+$0x0], $0xffff  }
0xa6: {  	s8 =	sadd.s32 $0x4, s17  }
0xa7: {  	p1 =	sge.u32 s8, s7;
	[tilespmem:s13+$0x0] =	vst v6  }
0xa8: {  	s29 =	sshll.u32 s18, $0xB;
	s8 =	sadd.s32 @!p1 s6, s8;
	[tilespmem:s13+$0x30] =	vst v7  }
0xa9: {  	s9 =	sand.u32 $0x1FFFF800, s29;
	s8 =	sshll.u32 @!p1 s8, $0x7;
	[tilespmem:s13+$0x10] =	vst v62  }
0xaa: {  	s30 =	sadd.s32 s5, s9;
	s9 =	simm.s32 @!p1 $0x400;
	s8 =	sand.u32 @!p1 $0x1FFFFF80, s8;
	[tilespmem:s13+$0x20] =	vst v63  }
0xab: {  	[hbm4b:s30+s4] =	stream.linear.scatter [tilespmem:s21], [sflag:$0x5], $0x4000, $0x38;
	[tilespmem:$0x1C000] =	vst v63  }
0xac: {  	s11 =	simm.s32 @!p1 $0x0;
	s10 =	simm.s32 @!p1 $0x7A1400;
	s8 =	sadd.s32 @!p1 s1, s8  }
0xad: {  	[tilespmem:s11], [sflag:$0x1] =	stream.strided.gather @!p1 [hbm4b:s8+s9], $0x2000, s10, s9, $0x38;
	[tilespmem:$0x1C000] =	vst v63  }
.LBB2_8:
0xae: {  	s9 =	sor.u32 $0x1, s17  }
0xaf: {  	p1 =	sge.u32 s9, s7  }
.Ltmp7:
0xb0: {  	_ = 	snop;
	(pc) =	sbr.rel @p1 .LBB2_14-.Ltmp7, $1  }
0xb1: {  	_ =	sdelay $0x3  }
0xb2: {  	_ =	swait.ge [sflag:s22], $0x2000  }
0xb3: {  	p1 =	seq.s32 s16, $0x0;
	[sflag:s22] =	ssyncset.done $0x0  }
0xb4: {  	s8 =	simm.s32 @!p1 $0x6;
	[sflag:s22] =	ssyncadd.s32 $0xFFFFE000  }
0xb5: {  	s18 =	sadd.s32 s6, s9;
	_ =	swait.ge @!p1 [sflag:s8], $0x4000  }
0xb6: {  	s12 =	simm.s32 $0x0;
	s9 =	simm.s32 $0x2100;
	[sflag:s8] =	ssyncset.done @!p1 $0x0  }
0xb7: {  	s10 =	simm.s32 $0x1A100;
	s11 =	simm.s32 $0x0;
	[sflag:s8] =	ssyncadd.s32 @!p1 $0xFFFFC000  }
.LBB2_10:
0xb8: {  	v6 =	vld [tilespmem:s9+$0xFFFFFF00]  }
0xb9: {  	v7 =	vld [tilespmem:s9+$0xFFFFFF10]  }
0xba: {  	v8 =	vld [tilespmem:s9+$0xFFFFFF20]  }
0xbb: {  	v10 =	vadd.s32 s11, v0;
	v12 =	vld [tilespmem:s9+$0xFFFFFF50]  }
0xbc: {  	v9 =	vld [tilespmem:s9+$0xFFFFFF30];
	v10 =	vand.u32 $0xF, v10  }
0xbd: {  	v11 =	vld [tilespmem:s9+$0xFFFFFF40];
	v6 =	vperm.xlane v6, v10  }
0xbe: {  	v13 =	vld [tilespmem:s9+$0xFFFFFF60];
	v7 =	vperm.xlane v7, v10  }
0xbf: {  	v14 =	vld [tilespmem:s9+$0xFFFFFF70];
	v8 =	vperm.xlane v8, v10;
	[tilespmem:s10+$0xFFFFFF00] =	vst v6  }
0xc0: {  	v42 =	vperm.xlane v12, v10;
	[tilespmem:s10+$0xFFFFFF10] =	vst v7  }
0xc1: {  	v6 =	vperm.xlane v9, v10;
	[tilespmem:s10+$0xFFFFFF20] =	vst v8  }
0xc2: {  	v7 =	vperm.xlane v11, v10;
	[tilespmem:s10+$0xFFFFFF50] =	vst v42  }
0xc3: {  	[tilespmem:s10+$0xFFFFFF30] =	vst v6;
	v6 =	vperm.xlane v13, v10  }
0xc4: {  	[tilespmem:s10+$0xFFFFFF40] =	vst v7;
	v7 =	vperm.xlane v14, v10  }
0xc5: {  	[tilespmem:s10+$0xFFFFFF60] =	vst v6  }
0xc6: {  	[tilespmem:s10+$0xFFFFFF70] =	vst v7  }
0xc7: {  	v6 =	vld [tilespmem:s9+$0xFFFFFF80]  }
0xc8: {  	v7 =	vld [tilespmem:s9+$0xFFFFFF90]  }
0xc9: {  	s8 =	sadd.s32 $0x1, s11;
	v8 =	vld [tilespmem:s9+$0xFFFFFFA0]  }
0xca: {  	v44 =	vadd.s32 s8, v0;
	v46 =	vld [tilespmem:s9+$0xFFFFFFD0]  }
0xcb: {  	v10 =	vand.u32 $0xF, v44;
	v43 =	vld [tilespmem:s9+$0xFFFFFFB0]  }
0xcc: {  	v45 =	vld [tilespmem:s9+$0xFFFFFFC0];
	v6 =	vperm.xlane v6, v10  }
0xcd: {  	v47 =	vld [tilespmem:s9+$0xFFFFFFE0];
	v7 =	vperm.xlane v7, v10  }
0xce: {  	v48 =	vld [tilespmem:s9+$0xFFFFFFF0];
	v8 =	vperm.xlane v8, v10;
	[tilespmem:s10+$0xFFFFFF80] =	vst v6  }
0xcf: {  	v49 =	vperm.xlane v46, v10;
	[tilespmem:s10+$0xFFFFFF90] =	vst v7  }
0xd0: {  	v6 =	vperm.xlane v43, v10;
	[tilespmem:s10+$0xFFFFFFA0] =	vst v8  }
0xd1: {  	v7 =	vperm.xlane v45, v10;
	[tilespmem:s10+$0xFFFFFFD0] =	vst v49  }
0xd2: {  	[tilespmem:s10+$0xFFFFFFB0] =	vst v6;
	v6 =	vperm.xlane v47, v10  }
0xd3: {  	[tilespmem:s10+$0xFFFFFFC0] =	vst v7;
	v7 =	vperm.xlane v48, v10  }
0xd4: {  	[tilespmem:s10+$0xFFFFFFE0] =	vst v6  }
0xd5: {  	[tilespmem:s10+$0xFFFFFFF0] =	vst v7  }
0xd6: {  	v6 =	vld [tilespmem:s9+$0x0]  }
0xd7: {  	v7 =	vld [tilespmem:s9+$0x10]  }
0xd8: {  	s29 =	sadd.s32 $0x2, s11;
	v8 =	vld [tilespmem:s9+$0x20]  }
0xd9: {  	v51 =	vadd.s32 s29, v0;
	v53 =	vld [tilespmem:s9+$0x50]  }
0xda: {  	v10 =	vand.u32 $0xF, v51;
	v50 =	vld [tilespmem:s9+$0x30]  }
0xdb: {  	v52 =	vld [tilespmem:s9+$0x40];
	v6 =	vperm.xlane v6, v10  }
0xdc: {  	v54 =	vld [tilespmem:s9+$0x60];
	v7 =	vperm.xlane v7, v10  }
0xdd: {  	v55 =	vld [tilespmem:s9+$0x70];
	v8 =	vperm.xlane v8, v10;
	[tilespmem:s10+$0x0] =	vst v6  }
0xde: {  	v56 =	vperm.xlane v53, v10;
	[tilespmem:s10+$0x10] =	vst v7  }
0xdf: {  	v6 =	vperm.xlane v50, v10;
	[tilespmem:s10+$0x20] =	vst v8  }
0xe0: {  	v7 =	vperm.xlane v52, v10;
	[tilespmem:s10+$0x50] =	vst v56  }
0xe1: {  	[tilespmem:s10+$0x30] =	vst v6;
	v6 =	vperm.xlane v54, v10  }
0xe2: {  	[tilespmem:s10+$0x40] =	vst v7;
	v7 =	vperm.xlane v55, v10  }
0xe3: {  	[tilespmem:s10+$0x60] =	vst v6  }
0xe4: {  	[tilespmem:s10+$0x70] =	vst v7  }
0xe5: {  	v6 =	vld [tilespmem:s9+$0x80]  }
0xe6: {  	v7 =	vld [tilespmem:s9+$0x90]  }
0xe7: {  	s30 =	sadd.s32 $0x3, s11;
	v8 =	vld [tilespmem:s9+$0xA0]  }
0xe8: {  	v58 =	vadd.s32 s30, v0;
	v60 =	vld [tilespmem:s9+$0xD0]  }
0xe9: {  	v10 =	vand.u32 $0xF, v58;
	v57 =	vld [tilespmem:s9+$0xB0]  }
0xea: {  	v59 =	vld [tilespmem:s9+$0xC0];
	v6 =	vperm.xlane v6, v10  }
0xeb: {  	v61 =	vld [tilespmem:s9+$0xE0];
	v7 =	vperm.xlane v7, v10  }
0xec: {  	v62 =	vld [tilespmem:s9+$0xF0];
	v8 =	vperm.xlane v8, v10;
	[tilespmem:s10+$0x80] =	vst v6  }
0xed: {  	v63 =	vperm.xlane v60, v10;
	[tilespmem:s10+$0x90] =	vst v7  }
0xee: {  	p1 =	sne.s32 s11, $0x3C;
	v6 =	vperm.xlane v57, v10;
	[tilespmem:s10+$0xA0] =	vst v8  }
.Ltmp8:
0xef: {  	v7 =	vperm.xlane v59, v10;
	[tilespmem:s10+$0xD0] =	vst v63;
	(pc) =	sbr.rel @p1 .LBB2_10-.Ltmp8, $4  }
0xf0: {  	[tilespmem:s10+$0xB0] =	vst v6;
	v6 =	vperm.xlane v61, v10  }
0xf1: {  	[tilespmem:s10+$0xC0] =	vst v7;
	v7 =	vperm.xlane v62, v10  }
0xf2: {  	[tilespmem:s10+$0xE0] =	vst v6  }
0xf3: {  	s11 =	sadd.s32 $0x4, s11;
	s9 =	sadd.s32 $0x200, s9;
	[tilespmem:s10+$0xF0] =	vst v7;
	s10 =	sadd.s32 $0x200, s10  }
0xf4: {  	v6 =	vadd.s32 s12, v2  }
0xf5: {  	s8 =	sand.u32 $0x70, s12;
	v6 =	vand.u32 $0xF, v6  }
0xf6: {  	v6 =	vor.u32 s8, v6  }
0xf7: {  	v7 =	vor.u32 v1, v6  }
0xf8: {  	v8 =	vor.u32 v4, v6  }
0xf9: {  	v9 =	vor.u32 v5, v6  }
0xfa: {  	v6 =	vor.u32 v3, v6;
	_ =	sdelay $0x1  }
0xfb: {  	s9 =	simm.s32 $0x1;
	v7 =	vld.idx.msk [tilespmem:v7+s20+$0x0], $0xffff  }
0xfc: {  	v10 =	vadd.s32 s9, v2;
	v8 =	vld.idx.msk [tilespmem:v8+s20+$0x0], $0xffff  }
0xfd: {  	v10 =	vand.u32 $0xF, v10;
	v9 =	vld.idx.msk [tilespmem:v9+s20+$0x0], $0xffff  }
0xfe: {  	v10 =	vor.u32 s8, v10;
	v6 =	vld.idx.msk [tilespmem:v6+s20+$0x0], $0xffff  }
0xff: {  	s9 =	simm.s32 $0xC080;
	v11 =	vor.u32 v1, v10  }
0x100: {  	[tilespmem:s9+$0xFFFFFF80] =	vst v7;
	v7 =	vor.u32 v5, v10  }
0x101: {  	[tilespmem:s9+$0xFFFFFFA0] =	vst v8;
	v8 =	vor.u32 v3, v10  }
0x102: {  	[tilespmem:s9+$0xFFFFFFB0] =	vst v9  }
0x103: {  	[tilespmem:s9+$0xFFFFFF90] =	vst v6;
	v9 =	vor.u32 v4, v10  }
0x104: {  	v6 =	vld.idx.msk [tilespmem:v11+s20+$0x0], $0xffff  }
0x105: {  	s11 =	simm.s32 $0x2;
	v7 =	vld.idx.msk [tilespmem:v7+s20+$0x0], $0xffff  }
0x106: {  	s13 =	simm.s32 $0x4;
	s12 =	simm.s32 $0xC080;
	s10 =	sand.u32 $0x70, s11;
	v10 =	vadd.s32 s11, v2;
	v8 =	vld.idx.msk [tilespmem:v8+s20+$0x0], $0xffff  }
.LBB2_12:
0x107: {  	s8 =	sand.u32 $0x70, s13  }
0x108: {  	v10 =	vand.u32 $0xF, v10;
	v9 =	vld.idx.msk [tilespmem:v9+s20+$0x0], $0xffff;
	s9 =	sadd.s32 $0x100, s9;
	s29 =	smov.u32 s13;
	s30 =	sadd.s32 $0x2, s13  }
0x109: {  	p1 =	sne.s32 s13, $0x7E;
	v10 =	vor.u32 s10, v10  }
0x10a: {  	v11 =	vor.u32 v1, v10;
	v12 =	vor.u32 v3, v10;
	v13 =	vor.u32 v4, v10  }
0x10b: {  	v10 =	vor.u32 v5, v10;
	[tilespmem:s12+$0x0] =	vst v6  }
0x10c: {  	[tilespmem:s12+$0x30] =	vst v7  }
0x10d: {  	[tilespmem:s12+$0x10] =	vst v8  }
0x10e: {  	[tilespmem:s12+$0x20] =	vst v9;
	s12 =	smov.u32 s9  }
0x10f: {  	v6 =	vld.idx.msk [tilespmem:v11+s20+$0x0], $0xffff  }
0x110: {  	s13 =	sadd.s32 $0x1, s11;
	s11 =	smov.u32 s29;
	v7 =	vld.idx.msk [tilespmem:v13+s20+$0x0], $0xffff  }
0x111: {  	v9 =	vadd.s32 s13, v2;
	v8 =	vld.idx.msk [tilespmem:v10+s20+$0x0], $0xffff  }
0x112: {  	v9 =	vand.u32 $0xF, v9;
	v10 =	vld.idx.msk [tilespmem:v12+s20+$0x0], $0xffff  }
0x113: {  	v9 =	vor.u32 s10, v9;
	s10 =	smov.u32 s8  }
0x114: {  	v11 =	vor.u32 v1, v9  }
0x115: {  	v12 =	vor.u32 v5, v9;
	[tilespmem:s9+$0xFFFFFF80] =	vst v6  }
0x116: {  	v13 =	vor.u32 v3, v9;
	v9 =	vor.u32 v4, v9;
	[tilespmem:s9+$0xFFFFFFA0] =	vst v7  }
.Ltmp9:
0x117: {  	[tilespmem:s9+$0xFFFFFFB0] =	vst v8;
	(pc) =	sbr.rel @p1 .LBB2_12-.Ltmp9, $4  }
0x118: {  	[tilespmem:s9+$0xFFFFFF90] =	vst v10  }
0x119: {  	v6 =	vld.idx.msk [tilespmem:v11+s20+$0x0], $0xffff  }
0x11a: {  	v7 =	vld.idx.msk [tilespmem:v12+s20+$0x0], $0xffff  }
0x11b: {  	s13 =	smov.u32 s30;
	v10 =	vadd.s32 s11, v2;
	v8 =	vld.idx.msk [tilespmem:v13+s20+$0x0], $0xffff  }
0x11c: {  	_ =	sdelay $0x2  }
0x11d: {  	v10 =	vand.u32 $0xF, v10  }
0x11e: {  	v9 =	vld.idx.msk [tilespmem:v9+s20+$0x0], $0xffff;
	v10 =	vor.u32 s10, v10  }
0x11f: {  	v11 =	vor.u32 v1, v10  }
0x120: {  	v12 =	vor.u32 v4, v10;
	[tilespmem:s12+$0x0] =	vst v6  }
0x121: {  	v6 =	vor.u32 v5, v10;
	[tilespmem:s12+$0x30] =	vst v7  }
0x122: {  	v7 =	vor.u32 v3, v10;
	[tilespmem:s12+$0x10] =	vst v8  }
0x123: {  	[tilespmem:s12+$0x20] =	vst v9  }
0x124: {  	s8 =	sadd.s32 $0x1, s11;
	v8 =	vld.idx.msk [tilespmem:v11+s20+$0x0], $0xffff  }
0x125: {  	v58 =	vadd.s32 s8, v2;
	v9 =	vld.idx.msk [tilespmem:v12+s20+$0x0], $0xffff  }
0x126: {  	v10 =	vand.u32 $0xF, v58;
	v6 =	vld.idx.msk [tilespmem:v6+s20+$0x0], $0xffff  }
0x127: {  	v10 =	vor.u32 s10, v10;
	v7 =	vld.idx.msk [tilespmem:v7+s20+$0x0], $0xffff  }
0x128: {  	s13 =	sadd.s32 $0x100, s9;
	v59 =	vor.u32 v1, v10  }
0x129: {  	v60 =	vor.u32 v5, v10;
	[tilespmem:s13+$0xFFFFFF80] =	vst v8  }
0x12a: {  	v61 =	vor.u32 v3, v10;
	[tilespmem:s13+$0xFFFFFFA0] =	vst v9  }
0x12b: {  	v10 =	vor.u32 v4, v10;
	[tilespmem:s13+$0xFFFFFFB0] =	vst v6  }
0x12c: {  	[tilespmem:s13+$0xFFFFFF90] =	vst v7  }
0x12d: {  	v6 =	vld.idx.msk [tilespmem:v59+s20+$0x0], $0xffff  }
0x12e: {  	v7 =	vld.idx.msk [tilespmem:v60+s20+$0x0], $0xffff  }
0x12f: {  	v62 =	vld.idx.msk [tilespmem:v61+s20+$0x0], $0xffff  }
0x130: {  	v63 =	vld.idx.msk [tilespmem:v10+s20+$0x0], $0xffff  }
0x131: {  	s8 =	sadd.s32 $0x5, s17  }
0x132: {  	p1 =	sge.u32 s8, s7;
	[tilespmem:s13+$0x0] =	vst v6  }
0x133: {  	s29 =	sshll.u32 s18, $0xB;
	s8 =	sadd.s32 @!p1 s6, s8;
	[tilespmem:s13+$0x30] =	vst v7  }
0x134: {  	s9 =	sand.u32 $0x1FFFF800, s29;
	s8 =	sshll.u32 @!p1 s8, $0x7;
	[tilespmem:s13+$0x10] =	vst v62  }
0x135: {  	s30 =	sadd.s32 s5, s9;
	s9 =	simm.s32 @!p1 $0x400;
	s8 =	sand.u32 @!p1 $0x1FFFFF80, s8;
	[tilespmem:s13+$0x20] =	vst v63  }
0x136: {  	[hbm4b:s30+s4] =	stream.linear.scatter [tilespmem:s23], [sflag:$0x6], $0x4000, $0x38;
	[tilespmem:$0x1C000] =	vst v63  }
0x137: {  	s11 =	simm.s32 @!p1 $0x2000;
	s10 =	simm.s32 @!p1 $0x7A1400;
	s8 =	sadd.s32 @!p1 s1, s8  }
0x138: {  	[tilespmem:s11], [sflag:$0x2] =	stream.strided.gather @!p1 [hbm4b:s8+s9], $0x2000, s10, s9, $0x38;
	[tilespmem:$0x1C000] =	vst v63  }
.LBB2_14:
0x139: {  	s9 =	sor.u32 $0x2, s17  }
0x13a: {  	p1 =	sge.u32 s9, s7  }
.Ltmp10:
0x13b: {  	_ = 	snop;
	(pc) =	sbr.rel @p1 .LBB2_20-.Ltmp10, $1  }
0x13c: {  	_ =	sdelay $0x3  }
0x13d: {  	_ =	swait.ge [sflag:s24], $0x2000  }
0x13e: {  	p1 =	seq.s32 s16, $0x0;
	[sflag:s24] =	ssyncset.done $0x0  }
0x13f: {  	s8 =	simm.s32 @!p1 $0x7;
	[sflag:s24] =	ssyncadd.s32 $0xFFFFE000  }
0x140: {  	s18 =	sadd.s32 s6, s9;
	_ =	swait.ge @!p1 [sflag:s8], $0x4000  }
0x141: {  	s12 =	simm.s32 $0x0;
	s9 =	simm.s32 $0x4100;
	[sflag:s8] =	ssyncset.done @!p1 $0x0  }
0x142: {  	s10 =	simm.s32 $0x1A100;
	s11 =	simm.s32 $0x0;
	[sflag:s8] =	ssyncadd.s32 @!p1 $0xFFFFC000  }
.LBB2_16:
0x143: {  	v6 =	vld [tilespmem:s9+$0xFFFFFF00]  }
0x144: {  	v7 =	vld [tilespmem:s9+$0xFFFFFF10]  }
0x145: {  	v8 =	vld [tilespmem:s9+$0xFFFFFF20]  }
0x146: {  	v10 =	vadd.s32 s11, v0;
	v12 =	vld [tilespmem:s9+$0xFFFFFF50]  }
0x147: {  	v9 =	vld [tilespmem:s9+$0xFFFFFF30];
	v10 =	vand.u32 $0xF, v10  }
0x148: {  	v11 =	vld [tilespmem:s9+$0xFFFFFF40];
	v6 =	vperm.xlane v6, v10  }
0x149: {  	v13 =	vld [tilespmem:s9+$0xFFFFFF60];
	v7 =	vperm.xlane v7, v10  }
0x14a: {  	v14 =	vld [tilespmem:s9+$0xFFFFFF70];
	v8 =	vperm.xlane v8, v10;
	[tilespmem:s10+$0xFFFFFF00] =	vst v6  }
0x14b: {  	v42 =	vperm.xlane v12, v10;
	[tilespmem:s10+$0xFFFFFF10] =	vst v7  }
0x14c: {  	v6 =	vperm.xlane v9, v10;
	[tilespmem:s10+$0xFFFFFF20] =	vst v8  }
0x14d: {  	v7 =	vperm.xlane v11, v10;
	[tilespmem:s10+$0xFFFFFF50] =	vst v42  }
0x14e: {  	[tilespmem:s10+$0xFFFFFF30] =	vst v6;
	v6 =	vperm.xlane v13, v10  }
0x14f: {  	[tilespmem:s10+$0xFFFFFF40] =	vst v7;
	v7 =	vperm.xlane v14, v10  }
0x150: {  	[tilespmem:s10+$0xFFFFFF60] =	vst v6  }
0x151: {  	[tilespmem:s10+$0xFFFFFF70] =	vst v7  }
0x152: {  	v6 =	vld [tilespmem:s9+$0xFFFFFF80]  }
0x153: {  	v7 =	vld [tilespmem:s9+$0xFFFFFF90]  }
0x154: {  	s8 =	sadd.s32 $0x1, s11;
	v8 =	vld [tilespmem:s9+$0xFFFFFFA0]  }
0x155: {  	v44 =	vadd.s32 s8, v0;
	v46 =	vld [tilespmem:s9+$0xFFFFFFD0]  }
0x156: {  	v10 =	vand.u32 $0xF, v44;
	v43 =	vld [tilespmem:s9+$0xFFFFFFB0]  }
0x157: {  	v45 =	vld [tilespmem:s9+$0xFFFFFFC0];
	v6 =	vperm.xlane v6, v10  }
0x158: {  	v47 =	vld [tilespmem:s9+$0xFFFFFFE0];
	v7 =	vperm.xlane v7, v10  }
0x159: {  	v48 =	vld [tilespmem:s9+$0xFFFFFFF0];
	v8 =	vperm.xlane v8, v10;
	[tilespmem:s10+$0xFFFFFF80] =	vst v6  }
0x15a: {  	v49 =	vperm.xlane v46, v10;
	[tilespmem:s10+$0xFFFFFF90] =	vst v7  }
0x15b: {  	v6 =	vperm.xlane v43, v10;
	[tilespmem:s10+$0xFFFFFFA0] =	vst v8  }
0x15c: {  	v7 =	vperm.xlane v45, v10;
	[tilespmem:s10+$0xFFFFFFD0] =	vst v49  }
0x15d: {  	[tilespmem:s10+$0xFFFFFFB0] =	vst v6;
	v6 =	vperm.xlane v47, v10  }
0x15e: {  	[tilespmem:s10+$0xFFFFFFC0] =	vst v7;
	v7 =	vperm.xlane v48, v10  }
0x15f: {  	[tilespmem:s10+$0xFFFFFFE0] =	vst v6  }
0x160: {  	[tilespmem:s10+$0xFFFFFFF0] =	vst v7  }
0x161: {  	v6 =	vld [tilespmem:s9+$0x0]  }
0x162: {  	v7 =	vld [tilespmem:s9+$0x10]  }
0x163: {  	s29 =	sadd.s32 $0x2, s11;
	v8 =	vld [tilespmem:s9+$0x20]  }
0x164: {  	v51 =	vadd.s32 s29, v0;
	v53 =	vld [tilespmem:s9+$0x50]  }
0x165: {  	v10 =	vand.u32 $0xF, v51;
	v50 =	vld [tilespmem:s9+$0x30]  }
0x166: {  	v52 =	vld [tilespmem:s9+$0x40];
	v6 =	vperm.xlane v6, v10  }
0x167: {  	v54 =	vld [tilespmem:s9+$0x60];
	v7 =	vperm.xlane v7, v10  }
0x168: {  	v55 =	vld [tilespmem:s9+$0x70];
	v8 =	vperm.xlane v8, v10;
	[tilespmem:s10+$0x0] =	vst v6  }
0x169: {  	v56 =	vperm.xlane v53, v10;
	[tilespmem:s10+$0x10] =	vst v7  }
0x16a: {  	v6 =	vperm.xlane v50, v10;
	[tilespmem:s10+$0x20] =	vst v8  }
0x16b: {  	v7 =	vperm.xlane v52, v10;
	[tilespmem:s10+$0x50] =	vst v56  }
0x16c: {  	[tilespmem:s10+$0x30] =	vst v6;
	v6 =	vperm.xlane v54, v10  }
0x16d: {  	[tilespmem:s10+$0x40] =	vst v7;
	v7 =	vperm.xlane v55, v10  }
0x16e: {  	[tilespmem:s10+$0x60] =	vst v6  }
0x16f: {  	[tilespmem:s10+$0x70] =	vst v7  }
0x170: {  	v6 =	vld [tilespmem:s9+$0x80]  }
0x171: {  	v7 =	vld [tilespmem:s9+$0x90]  }
0x172: {  	s30 =	sadd.s32 $0x3, s11;
	v8 =	vld [tilespmem:s9+$0xA0]  }
0x173: {  	v58 =	vadd.s32 s30, v0;
	v60 =	vld [tilespmem:s9+$0xD0]  }
0x174: {  	v10 =	vand.u32 $0xF, v58;
	v57 =	vld [tilespmem:s9+$0xB0]  }
0x175: {  	v59 =	vld [tilespmem:s9+$0xC0];
	v6 =	vperm.xlane v6, v10  }
0x176: {  	v61 =	vld [tilespmem:s9+$0xE0];
	v7 =	vperm.xlane v7, v10  }
0x177: {  	v62 =	vld [tilespmem:s9+$0xF0];
	v8 =	vperm.xlane v8, v10;
	[tilespmem:s10+$0x80] =	vst v6  }
0x178: {  	v63 =	vperm.xlane v60, v10;
	[tilespmem:s10+$0x90] =	vst v7  }
0x179: {  	p1 =	sne.s32 s11, $0x3C;
	v6 =	vperm.xlane v57, v10;
	[tilespmem:s10+$0xA0] =	vst v8  }
.Ltmp11:
0x17a: {  	v7 =	vperm.xlane v59, v10;
	[tilespmem:s10+$0xD0] =	vst v63;
	(pc) =	sbr.rel @p1 .LBB2_16-.Ltmp11, $4  }
0x17b: {  	[tilespmem:s10+$0xB0] =	vst v6;
	v6 =	vperm.xlane v61, v10  }
0x17c: {  	[tilespmem:s10+$0xC0] =	vst v7;
	v7 =	vperm.xlane v62, v10  }
0x17d: {  	[tilespmem:s10+$0xE0] =	vst v6  }
0x17e: {  	s11 =	sadd.s32 $0x4, s11;
	s9 =	sadd.s32 $0x200, s9;
	[tilespmem:s10+$0xF0] =	vst v7;
	s10 =	sadd.s32 $0x200, s10  }
0x17f: {  	v6 =	vadd.s32 s12, v2  }
0x180: {  	s8 =	sand.u32 $0x70, s12;
	v6 =	vand.u32 $0xF, v6  }
0x181: {  	v6 =	vor.u32 s8, v6  }
0x182: {  	v7 =	vor.u32 v1, v6  }
0x183: {  	v8 =	vor.u32 v4, v6  }
0x184: {  	v9 =	vor.u32 v5, v6  }
0x185: {  	v6 =	vor.u32 v3, v6;
	_ =	sdelay $0x1  }
0x186: {  	s9 =	simm.s32 $0x1;
	v7 =	vld.idx.msk [tilespmem:v7+s20+$0x0], $0xffff  }
0x187: {  	v10 =	vadd.s32 s9, v2;
	v8 =	vld.idx.msk [tilespmem:v8+s20+$0x0], $0xffff  }
0x188: {  	v10 =	vand.u32 $0xF, v10;
	v9 =	vld.idx.msk [tilespmem:v9+s20+$0x0], $0xffff  }
0x189: {  	v10 =	vor.u32 s8, v10;
	v6 =	vld.idx.msk [tilespmem:v6+s20+$0x0], $0xffff  }
0x18a: {  	s9 =	simm.s32 $0x10080;
	v11 =	vor.u32 v1, v10  }
0x18b: {  	[tilespmem:s9+$0xFFFFFF80] =	vst v7;
	v7 =	vor.u32 v5, v10  }
0x18c: {  	[tilespmem:s9+$0xFFFFFFA0] =	vst v8;
	v8 =	vor.u32 v3, v10  }
0x18d: {  	[tilespmem:s9+$0xFFFFFFB0] =	vst v9  }
0x18e: {  	[tilespmem:s9+$0xFFFFFF90] =	vst v6;
	v9 =	vor.u32 v4, v10  }
0x18f: {  	v6 =	vld.idx.msk [tilespmem:v11+s20+$0x0], $0xffff  }
0x190: {  	s11 =	simm.s32 $0x2;
	v7 =	vld.idx.msk [tilespmem:v7+s20+$0x0], $0xffff  }
0x191: {  	s13 =	simm.s32 $0x4;
	s12 =	simm.s32 $0x10080;
	s10 =	sand.u32 $0x70, s11;
	v10 =	vadd.s32 s11, v2;
	v8 =	vld.idx.msk [tilespmem:v8+s20+$0x0], $0xffff  }
.LBB2_18:
0x192: {  	s8 =	sand.u32 $0x70, s13  }
0x193: {  	v10 =	vand.u32 $0xF, v10;
	v9 =	vld.idx.msk [tilespmem:v9+s20+$0x0], $0xffff;
	s9 =	sadd.s32 $0x100, s9;
	s29 =	smov.u32 s13;
	s30 =	sadd.s32 $0x2, s13  }
0x194: {  	p1 =	sne.s32 s13, $0x7E;
	v10 =	vor.u32 s10, v10  }
0x195: {  	v11 =	vor.u32 v1, v10;
	v12 =	vor.u32 v3, v10;
	v13 =	vor.u32 v4, v10  }
0x196: {  	v10 =	vor.u32 v5, v10;
	[tilespmem:s12+$0x0] =	vst v6  }
0x197: {  	[tilespmem:s12+$0x30] =	vst v7  }
0x198: {  	[tilespmem:s12+$0x10] =	vst v8  }
0x199: {  	[tilespmem:s12+$0x20] =	vst v9;
	s12 =	smov.u32 s9  }
0x19a: {  	v6 =	vld.idx.msk [tilespmem:v11+s20+$0x0], $0xffff  }
0x19b: {  	s13 =	sadd.s32 $0x1, s11;
	s11 =	smov.u32 s29;
	v7 =	vld.idx.msk [tilespmem:v13+s20+$0x0], $0xffff  }
0x19c: {  	v9 =	vadd.s32 s13, v2;
	v8 =	vld.idx.msk [tilespmem:v10+s20+$0x0], $0xffff  }
0x19d: {  	v9 =	vand.u32 $0xF, v9;
	v10 =	vld.idx.msk [tilespmem:v12+s20+$0x0], $0xffff  }
0x19e: {  	v9 =	vor.u32 s10, v9;
	s10 =	smov.u32 s8  }
0x19f: {  	v11 =	vor.u32 v1, v9  }
0x1a0: {  	v12 =	vor.u32 v5, v9;
	[tilespmem:s9+$0xFFFFFF80] =	vst v6  }
0x1a1: {  	v13 =	vor.u32 v3, v9;
	v9 =	vor.u32 v4, v9;
	[tilespmem:s9+$0xFFFFFFA0] =	vst v7  }
.Ltmp12:
0x1a2: {  	[tilespmem:s9+$0xFFFFFFB0] =	vst v8;
	(pc) =	sbr.rel @p1 .LBB2_18-.Ltmp12, $4  }
0x1a3: {  	[tilespmem:s9+$0xFFFFFF90] =	vst v10  }
0x1a4: {  	v6 =	vld.idx.msk [tilespmem:v11+s20+$0x0], $0xffff  }
0x1a5: {  	v7 =	vld.idx.msk [tilespmem:v12+s20+$0x0], $0xffff  }
0x1a6: {  	s13 =	smov.u32 s30;
	v10 =	vadd.s32 s11, v2;
	v8 =	vld.idx.msk [tilespmem:v13+s20+$0x0], $0xffff  }
0x1a7: {  	_ =	sdelay $0x2  }
0x1a8: {  	v10 =	vand.u32 $0xF, v10  }
0x1a9: {  	v9 =	vld.idx.msk [tilespmem:v9+s20+$0x0], $0xffff;
	v10 =	vor.u32 s10, v10  }
0x1aa: {  	v11 =	vor.u32 v1, v10  }
0x1ab: {  	v12 =	vor.u32 v4, v10;
	[tilespmem:s12+$0x0] =	vst v6  }
0x1ac: {  	v6 =	vor.u32 v5, v10;
	[tilespmem:s12+$0x30] =	vst v7  }
0x1ad: {  	v7 =	vor.u32 v3, v10;
	[tilespmem:s12+$0x10] =	vst v8  }
0x1ae: {  	[tilespmem:s12+$0x20] =	vst v9  }
0x1af: {  	s8 =	sadd.s32 $0x1, s11;
	v8 =	vld.idx.msk [tilespmem:v11+s20+$0x0], $0xffff  }
0x1b0: {  	v58 =	vadd.s32 s8, v2;
	v9 =	vld.idx.msk [tilespmem:v12+s20+$0x0], $0xffff  }
0x1b1: {  	v10 =	vand.u32 $0xF, v58;
	v6 =	vld.idx.msk [tilespmem:v6+s20+$0x0], $0xffff  }
0x1b2: {  	v10 =	vor.u32 s10, v10;
	v7 =	vld.idx.msk [tilespmem:v7+s20+$0x0], $0xffff  }
0x1b3: {  	s13 =	sadd.s32 $0x100, s9;
	v59 =	vor.u32 v1, v10  }
0x1b4: {  	v60 =	vor.u32 v5, v10;
	[tilespmem:s13+$0xFFFFFF80] =	vst v8  }
0x1b5: {  	v61 =	vor.u32 v3, v10;
	[tilespmem:s13+$0xFFFFFFA0] =	vst v9  }
0x1b6: {  	v10 =	vor.u32 v4, v10;
	[tilespmem:s13+$0xFFFFFFB0] =	vst v6  }
0x1b7: {  	[tilespmem:s13+$0xFFFFFF90] =	vst v7  }
0x1b8: {  	v6 =	vld.idx.msk [tilespmem:v59+s20+$0x0], $0xffff  }
0x1b9: {  	v7 =	vld.idx.msk [tilespmem:v60+s20+$0x0], $0xffff  }
0x1ba: {  	v62 =	vld.idx.msk [tilespmem:v61+s20+$0x0], $0xffff  }
0x1bb: {  	v63 =	vld.idx.msk [tilespmem:v10+s20+$0x0], $0xffff  }
0x1bc: {  	s8 =	sadd.s32 $0x6, s17  }
0x1bd: {  	p1 =	sge.u32 s8, s7;
	[tilespmem:s13+$0x0] =	vst v6  }
0x1be: {  	s29 =	sshll.u32 s18, $0xB;
	s8 =	sadd.s32 @!p1 s6, s8;
	[tilespmem:s13+$0x30] =	vst v7  }
0x1bf: {  	s9 =	sand.u32 $0x1FFFF800, s29;
	s8 =	sshll.u32 @!p1 s8, $0x7;
	[tilespmem:s13+$0x10] =	vst v62  }
0x1c0: {  	s30 =	sadd.s32 s5, s9;
	s9 =	simm.s32 @!p1 $0x400;
	s8 =	sand.u32 @!p1 $0x1FFFFF80, s8;
	[tilespmem:s13+$0x20] =	vst v63  }
0x1c1: {  	[hbm4b:s30+s4] =	stream.linear.scatter [tilespmem:s25], [sflag:$0x7], $0x4000, $0x38;
	[tilespmem:$0x1C000] =	vst v63  }
0x1c2: {  	s11 =	simm.s32 @!p1 $0x4000;
	s10 =	simm.s32 @!p1 $0x7A1400;
	s8 =	sadd.s32 @!p1 s1, s8  }
0x1c3: {  	[tilespmem:s11], [sflag:$0x3] =	stream.strided.gather @!p1 [hbm4b:s8+s9], $0x2000, s10, s9, $0x38;
	[tilespmem:$0x1C000] =	vst v63  }
.LBB2_20:
0x1c4: {  	s9 =	sor.u32 $0x3, s17  }
0x1c5: {  	p1 =	sge.u32 s9, s7  }
.Ltmp13:
0x1c6: {  	_ = 	snop;
	(pc) =	sbr.rel @p1 .LBB2_26-.Ltmp13, $1  }
0x1c7: {  	_ =	sdelay $0x3  }
0x1c8: {  	_ =	swait.ge [sflag:s26], $0x2000  }
0x1c9: {  	p1 =	seq.s32 s16, $0x0;
	[sflag:s26] =	ssyncset.done $0x0  }
0x1ca: {  	s8 =	simm.s32 @!p1 $0x8;
	[sflag:s26] =	ssyncadd.s32 $0xFFFFE000  }
0x1cb: {  	s18 =	sadd.s32 s6, s9;
	_ =	swait.ge @!p1 [sflag:s8], $0x4000  }
0x1cc: {  	s12 =	simm.s32 $0x0;
	s9 =	simm.s32 $0x6100;
	[sflag:s8] =	ssyncset.done @!p1 $0x0  }
0x1cd: {  	s10 =	simm.s32 $0x1A100;
	s11 =	simm.s32 $0x0;
	[sflag:s8] =	ssyncadd.s32 @!p1 $0xFFFFC000  }
.LBB2_22:
0x1ce: {  	v6 =	vld [tilespmem:s9+$0xFFFFFF00]  }
0x1cf: {  	v7 =	vld [tilespmem:s9+$0xFFFFFF10]  }
0x1d0: {  	v8 =	vld [tilespmem:s9+$0xFFFFFF20]  }
0x1d1: {  	v10 =	vadd.s32 s11, v0;
	v12 =	vld [tilespmem:s9+$0xFFFFFF50]  }
0x1d2: {  	v9 =	vld [tilespmem:s9+$0xFFFFFF30];
	v10 =	vand.u32 $0xF, v10  }
0x1d3: {  	v11 =	vld [tilespmem:s9+$0xFFFFFF40];
	v6 =	vperm.xlane v6, v10  }
0x1d4: {  	v13 =	vld [tilespmem:s9+$0xFFFFFF60];
	v7 =	vperm.xlane v7, v10  }
0x1d5: {  	v14 =	vld [tilespmem:s9+$0xFFFFFF70];
	v8 =	vperm.xlane v8, v10;
	[tilespmem:s10+$0xFFFFFF00] =	vst v6  }
0x1d6: {  	v42 =	vperm.xlane v12, v10;
	[tilespmem:s10+$0xFFFFFF10] =	vst v7  }
0x1d7: {  	v6 =	vperm.xlane v9, v10;
	[tilespmem:s10+$0xFFFFFF20] =	vst v8  }
0x1d8: {  	v7 =	vperm.xlane v11, v10;
	[tilespmem:s10+$0xFFFFFF50] =	vst v42  }
0x1d9: {  	[tilespmem:s10+$0xFFFFFF30] =	vst v6;
	v6 =	vperm.xlane v13, v10  }
0x1da: {  	[tilespmem:s10+$0xFFFFFF40] =	vst v7;
	v7 =	vperm.xlane v14, v10  }
0x1db: {  	[tilespmem:s10+$0xFFFFFF60] =	vst v6  }
0x1dc: {  	[tilespmem:s10+$0xFFFFFF70] =	vst v7  }
0x1dd: {  	v6 =	vld [tilespmem:s9+$0xFFFFFF80]  }
0x1de: {  	v7 =	vld [tilespmem:s9+$0xFFFFFF90]  }
0x1df: {  	s8 =	sadd.s32 $0x1, s11;
	v8 =	vld [tilespmem:s9+$0xFFFFFFA0]  }
0x1e0: {  	v44 =	vadd.s32 s8, v0;
	v46 =	vld [tilespmem:s9+$0xFFFFFFD0]  }
0x1e1: {  	v10 =	vand.u32 $0xF, v44;
	v43 =	vld [tilespmem:s9+$0xFFFFFFB0]  }
0x1e2: {  	v45 =	vld [tilespmem:s9+$0xFFFFFFC0];
	v6 =	vperm.xlane v6, v10  }
0x1e3: {  	v47 =	vld [tilespmem:s9+$0xFFFFFFE0];
	v7 =	vperm.xlane v7, v10  }
0x1e4: {  	v48 =	vld [tilespmem:s9+$0xFFFFFFF0];
	v8 =	vperm.xlane v8, v10;
	[tilespmem:s10+$0xFFFFFF80] =	vst v6  }
0x1e5: {  	v49 =	vperm.xlane v46, v10;
	[tilespmem:s10+$0xFFFFFF90] =	vst v7  }
0x1e6: {  	v6 =	vperm.xlane v43, v10;
	[tilespmem:s10+$0xFFFFFFA0] =	vst v8  }
0x1e7: {  	v7 =	vperm.xlane v45, v10;
	[tilespmem:s10+$0xFFFFFFD0] =	vst v49  }
0x1e8: {  	[tilespmem:s10+$0xFFFFFFB0] =	vst v6;
	v6 =	vperm.xlane v47, v10  }
0x1e9: {  	[tilespmem:s10+$0xFFFFFFC0] =	vst v7;
	v7 =	vperm.xlane v48, v10  }
0x1ea: {  	[tilespmem:s10+$0xFFFFFFE0] =	vst v6  }
0x1eb: {  	[tilespmem:s10+$0xFFFFFFF0] =	vst v7  }
0x1ec: {  	v6 =	vld [tilespmem:s9+$0x0]  }
0x1ed: {  	v7 =	vld [tilespmem:s9+$0x10]  }
0x1ee: {  	s29 =	sadd.s32 $0x2, s11;
	v8 =	vld [tilespmem:s9+$0x20]  }
0x1ef: {  	v51 =	vadd.s32 s29, v0;
	v53 =	vld [tilespmem:s9+$0x50]  }
0x1f0: {  	v10 =	vand.u32 $0xF, v51;
	v50 =	vld [tilespmem:s9+$0x30]  }
0x1f1: {  	v52 =	vld [tilespmem:s9+$0x40];
	v6 =	vperm.xlane v6, v10  }
0x1f2: {  	v54 =	vld [tilespmem:s9+$0x60];
	v7 =	vperm.xlane v7, v10  }
0x1f3: {  	v55 =	vld [tilespmem:s9+$0x70];
	v8 =	vperm.xlane v8, v10;
	[tilespmem:s10+$0x0] =	vst v6  }
0x1f4: {  	v56 =	vperm.xlane v53, v10;
	[tilespmem:s10+$0x10] =	vst v7  }
0x1f5: {  	v6 =	vperm.xlane v50, v10;
	[tilespmem:s10+$0x20] =	vst v8  }
0x1f6: {  	v7 =	vperm.xlane v52, v10;
	[tilespmem:s10+$0x50] =	vst v56  }
0x1f7: {  	[tilespmem:s10+$0x30] =	vst v6;
	v6 =	vperm.xlane v54, v10  }
0x1f8: {  	[tilespmem:s10+$0x40] =	vst v7;
	v7 =	vperm.xlane v55, v10  }
0x1f9: {  	[tilespmem:s10+$0x60] =	vst v6  }
0x1fa: {  	[tilespmem:s10+$0x70] =	vst v7  }
0x1fb: {  	v6 =	vld [tilespmem:s9+$0x80]  }
0x1fc: {  	v7 =	vld [tilespmem:s9+$0x90]  }
0x1fd: {  	s30 =	sadd.s32 $0x3, s11;
	v8 =	vld [tilespmem:s9+$0xA0]  }
0x1fe: {  	v58 =	vadd.s32 s30, v0;
	v60 =	vld [tilespmem:s9+$0xD0]  }
0x1ff: {  	v10 =	vand.u32 $0xF, v58;
	v57 =	vld [tilespmem:s9+$0xB0]  }
0x200: {  	v59 =	vld [tilespmem:s9+$0xC0];
	v6 =	vperm.xlane v6, v10  }
0x201: {  	v61 =	vld [tilespmem:s9+$0xE0];
	v7 =	vperm.xlane v7, v10  }
0x202: {  	v62 =	vld [tilespmem:s9+$0xF0];
	v8 =	vperm.xlane v8, v10;
	[tilespmem:s10+$0x80] =	vst v6  }
0x203: {  	v63 =	vperm.xlane v60, v10;
	[tilespmem:s10+$0x90] =	vst v7  }
0x204: {  	p1 =	sne.s32 s11, $0x3C;
	v6 =	vperm.xlane v57, v10;
	[tilespmem:s10+$0xA0] =	vst v8  }
.Ltmp14:
0x205: {  	v7 =	vperm.xlane v59, v10;
	[tilespmem:s10+$0xD0] =	vst v63;
	(pc) =	sbr.rel @p1 .LBB2_22-.Ltmp14, $4  }
0x206: {  	[tilespmem:s10+$0xB0] =	vst v6;
	v6 =	vperm.xlane v61, v10  }
0x207: {  	[tilespmem:s10+$0xC0] =	vst v7;
	v7 =	vperm.xlane v62, v10  }
0x208: {  	[tilespmem:s10+$0xE0] =	vst v6  }
0x209: {  	s11 =	sadd.s32 $0x4, s11;
	s9 =	sadd.s32 $0x200, s9;
	[tilespmem:s10+$0xF0] =	vst v7;
	s10 =	sadd.s32 $0x200, s10  }
0x20a: {  	v6 =	vadd.s32 s12, v2  }
0x20b: {  	s8 =	sand.u32 $0x70, s12;
	v6 =	vand.u32 $0xF, v6  }
0x20c: {  	v6 =	vor.u32 s8, v6  }
0x20d: {  	v7 =	vor.u32 v1, v6  }
0x20e: {  	v8 =	vor.u32 v4, v6  }
0x20f: {  	v9 =	vor.u32 v5, v6  }
0x210: {  	v6 =	vor.u32 v3, v6;
	_ =	sdelay $0x1  }
0x211: {  	s9 =	simm.s32 $0x1;
	v7 =	vld.idx.msk [tilespmem:v7+s20+$0x0], $0xffff  }
0x212: {  	v10 =	vadd.s32 s9, v2;
	v8 =	vld.idx.msk [tilespmem:v8+s20+$0x0], $0xffff  }
0x213: {  	v10 =	vand.u32 $0xF, v10;
	v9 =	vld.idx.msk [tilespmem:v9+s20+$0x0], $0xffff  }
0x214: {  	v10 =	vor.u32 s8, v10;
	v6 =	vld.idx.msk [tilespmem:v6+s20+$0x0], $0xffff  }
0x215: {  	s9 =	simm.s32 $0x14080;
	v11 =	vor.u32 v1, v10  }
0x216: {  	[tilespmem:s9+$0xFFFFFF80] =	vst v7;
	v7 =	vor.u32 v5, v10  }
0x217: {  	[tilespmem:s9+$0xFFFFFFA0] =	vst v8;
	v8 =	vor.u32 v3, v10  }
0x218: {  	[tilespmem:s9+$0xFFFFFFB0] =	vst v9  }
0x219: {  	[tilespmem:s9+$0xFFFFFF90] =	vst v6;
	v9 =	vor.u32 v4, v10  }
0x21a: {  	v6 =	vld.idx.msk [tilespmem:v11+s20+$0x0], $0xffff  }
0x21b: {  	s11 =	simm.s32 $0x2;
	v7 =	vld.idx.msk [tilespmem:v7+s20+$0x0], $0xffff  }
0x21c: {  	s13 =	simm.s32 $0x4;
	s12 =	simm.s32 $0x14080;
	s10 =	sand.u32 $0x70, s11;
	v10 =	vadd.s32 s11, v2;
	v8 =	vld.idx.msk [tilespmem:v8+s20+$0x0], $0xffff  }
.LBB2_24:
0x21d: {  	s8 =	sand.u32 $0x70, s13  }
0x21e: {  	v10 =	vand.u32 $0xF, v10;
	v9 =	vld.idx.msk [tilespmem:v9+s20+$0x0], $0xffff;
	s9 =	sadd.s32 $0x100, s9;
	s29 =	smov.u32 s13;
	s30 =	sadd.s32 $0x2, s13  }
0x21f: {  	p1 =	sne.s32 s13, $0x7E;
	v10 =	vor.u32 s10, v10  }
0x220: {  	v11 =	vor.u32 v1, v10;
	v12 =	vor.u32 v3, v10;
	v13 =	vor.u32 v4, v10  }
0x221: {  	v10 =	vor.u32 v5, v10;
	[tilespmem:s12+$0x0] =	vst v6  }
0x222: {  	[tilespmem:s12+$0x30] =	vst v7  }
0x223: {  	[tilespmem:s12+$0x10] =	vst v8  }
0x224: {  	[tilespmem:s12+$0x20] =	vst v9;
	s12 =	smov.u32 s9  }
0x225: {  	v6 =	vld.idx.msk [tilespmem:v11+s20+$0x0], $0xffff  }
0x226: {  	s13 =	sadd.s32 $0x1, s11;
	s11 =	smov.u32 s29;
	v7 =	vld.idx.msk [tilespmem:v13+s20+$0x0], $0xffff  }
0x227: {  	v9 =	vadd.s32 s13, v2;
	v8 =	vld.idx.msk [tilespmem:v10+s20+$0x0], $0xffff  }
0x228: {  	v9 =	vand.u32 $0xF, v9;
	v10 =	vld.idx.msk [tilespmem:v12+s20+$0x0], $0xffff  }
0x229: {  	v9 =	vor.u32 s10, v9;
	s10 =	smov.u32 s8  }
0x22a: {  	v11 =	vor.u32 v1, v9  }
0x22b: {  	v12 =	vor.u32 v5, v9;
	[tilespmem:s9+$0xFFFFFF80] =	vst v6  }
0x22c: {  	v13 =	vor.u32 v3, v9;
	v9 =	vor.u32 v4, v9;
	[tilespmem:s9+$0xFFFFFFA0] =	vst v7  }
.Ltmp15:
0x22d: {  	[tilespmem:s9+$0xFFFFFFB0] =	vst v8;
	(pc) =	sbr.rel @p1 .LBB2_24-.Ltmp15, $4  }
0x22e: {  	[tilespmem:s9+$0xFFFFFF90] =	vst v10  }
0x22f: {  	v6 =	vld.idx.msk [tilespmem:v11+s20+$0x0], $0xffff  }
0x230: {  	v7 =	vld.idx.msk [tilespmem:v12+s20+$0x0], $0xffff  }
0x231: {  	s13 =	smov.u32 s30;
	v10 =	vadd.s32 s11, v2;
	v8 =	vld.idx.msk [tilespmem:v13+s20+$0x0], $0xffff  }
0x232: {  	_ =	sdelay $0x2  }
0x233: {  	v10 =	vand.u32 $0xF, v10  }
0x234: {  	v9 =	vld.idx.msk [tilespmem:v9+s20+$0x0], $0xffff;
	v10 =	vor.u32 s10, v10  }
0x235: {  	v11 =	vor.u32 v1, v10  }
0x236: {  	v12 =	vor.u32 v4, v10;
	[tilespmem:s12+$0x0] =	vst v6  }
0x237: {  	v6 =	vor.u32 v5, v10;
	[tilespmem:s12+$0x30] =	vst v7  }
0x238: {  	v7 =	vor.u32 v3, v10;
	[tilespmem:s12+$0x10] =	vst v8  }
0x239: {  	[tilespmem:s12+$0x20] =	vst v9  }
0x23a: {  	s8 =	sadd.s32 $0x1, s11;
	v8 =	vld.idx.msk [tilespmem:v11+s20+$0x0], $0xffff  }
0x23b: {  	v58 =	vadd.s32 s8, v2;
	v9 =	vld.idx.msk [tilespmem:v12+s20+$0x0], $0xffff  }
0x23c: {  	v10 =	vand.u32 $0xF, v58;
	v6 =	vld.idx.msk [tilespmem:v6+s20+$0x0], $0xffff  }
0x23d: {  	v10 =	vor.u32 s10, v10;
	v7 =	vld.idx.msk [tilespmem:v7+s20+$0x0], $0xffff  }
0x23e: {  	s13 =	sadd.s32 $0x100, s9;
	v59 =	vor.u32 v1, v10  }
0x23f: {  	v60 =	vor.u32 v5, v10;
	[tilespmem:s13+$0xFFFFFF80] =	vst v8  }
0x240: {  	v61 =	vor.u32 v3, v10;
	[tilespmem:s13+$0xFFFFFFA0] =	vst v9  }
0x241: {  	v10 =	vor.u32 v4, v10;
	[tilespmem:s13+$0xFFFFFFB0] =	vst v6  }
0x242: {  	[tilespmem:s13+$0xFFFFFF90] =	vst v7  }
0x243: {  	v6 =	vld.idx.msk [tilespmem:v59+s20+$0x0], $0xffff  }
0x244: {  	v7 =	vld.idx.msk [tilespmem:v60+s20+$0x0], $0xffff  }
0x245: {  	v62 =	vld.idx.msk [tilespmem:v61+s20+$0x0], $0xffff  }
0x246: {  	v63 =	vld.idx.msk [tilespmem:v10+s20+$0x0], $0xffff  }
0x247: {  	s8 =	sadd.s32 $0x7, s17  }
0x248: {  	p1 =	sge.u32 s8, s7;
	[tilespmem:s13+$0x0] =	vst v6  }
0x249: {  	s29 =	sshll.u32 s18, $0xB;
	s8 =	sadd.s32 @!p1 s6, s8;
	[tilespmem:s13+$0x30] =	vst v7  }
.Ltmp16:
0x24a: {  	s9 =	sand.u32 $0x1FFFF800, s29;
	s8 =	sshll.u32 @!p1 s8, $0x7;
	[tilespmem:s13+$0x10] =	vst v62;
	(pc) =	sbr.rel .LBB2_26-.Ltmp16, $4  }
0x24b: {  	s30 =	sadd.s32 s5, s9;
	s9 =	simm.s32 @!p1 $0x400;
	s8 =	sand.u32 @!p1 $0x1FFFFF80, s8;
	[tilespmem:s13+$0x20] =	vst v63  }
0x24c: {  	[hbm4b:s30+s4] =	stream.linear.scatter [tilespmem:s28], [sflag:$0x8], $0x4000, $0x38;
	[tilespmem:$0x1C000] =	vst v63  }
0x24d: {  	s11 =	simm.s32 @!p1 $0x6000;
	s10 =	simm.s32 @!p1 $0x7A1400;
	s8 =	sadd.s32 @!p1 s1, s8  }
0x24e: {  	[tilespmem:s11], [sflag:$0x4] =	stream.strided.gather @!p1 [hbm4b:s8+s9], $0x2000, s10, s9, $0x38;
	[tilespmem:$0x1C000] =	vst v63  }
.LBB2_27:
0x24f: {  	s8 =	simm.s32 $0x5  }
0x250: {  	_ =	swait.ge [sflag:s8], $0x4000  }
0x251: {  	[sflag:s8] =	ssyncset.done $0x0  }
0x252: {  	s30 =	simm.s32 $0x6;
	[sflag:s8] =	ssyncadd.s32 $0xFFFFC000  }
0x253: {  	_ =	swait.ge [sflag:s30], $0x4000  }
0x254: {  	[sflag:s30] =	ssyncset.done $0x0  }
0x255: {  	[sflag:s30] =	ssyncadd.s32 $0xFFFFC000  }
0x256: {  	_ =	swait.ge [sflag:s31], $0x4000  }
.Ltmp17:
0x257: {  	[sflag:s31] =	ssyncset.done $0x0;
	(pc) =	sbr.rel @p0 .LBB2_33-.Ltmp17, $4  }
0x258: {  	[sflag:s31] =	ssyncadd.s32 $0xFFFFC000  }
0x259: {  	_ =	swait.ge [sflag:s2], $0x4000  }
0x25a: {  	[sflag:s2] =	ssyncset.done $0x0  }
0x25b: {  	[sflag:s2] =	ssyncadd.s32 $0xFFFFC000  }
0x25c: {  	s16 =	simm.s32 $0x0;
	s8 =	rddreg [dreg:$0x1];
	s9 =	simm.s32 $0x18000  }
0x25d: {  	[tilespmem:s9], [sflag:$0x9] =	stream.linear.gather [hbm4b:s8+s16], $0x2000, $0x38;
	[tilespmem:$0x1C000] =	vst v63  }
0x25e: {  	_ =	swait.ge [sflag:s3], $0x2000  }
0x25f: {  	[sflag:s3] =	ssyncset.done $0x0  }
0x260: {  	s17 =	simm.s32 $0x18100;
	[sflag:s3] =	ssyncadd.s32 $0xFFFFE000  }
0x261: {  	v6 =	vld [tilespmem:s17+$0xFFFFFF30]  }
0x262: {  	v7 =	vld [tilespmem:s17+$0xFFFFFF10]  }
0x263: {  	v8 =	vld [tilespmem:s17+$0xFFFFFF20]  }
0x264: {  	v9 =	vadd.s32 s16, v0;
	v10 =	vld [tilespmem:s17+$0xFFFFFF00]  }
0x265: {  	v9 =	vand.u32 $0xF, v9  }
0x266: {  	v6 =	vperm.xlane v6, v9  }
0x267: {  	s18 =	simm.s32 $0x1A100;
	v7 =	vperm.xlane v7, v9  }
0x268: {  	v8 =	vperm.xlane v8, v9;
	[tilespmem:s18+$0xFFFFFF30] =	vst v6  }
0x269: {  	v6 =	vperm.xlane v10, v9;
	[tilespmem:s18+$0xFFFFFF10] =	vst v7  }
0x26a: {  	[tilespmem:s18+$0xFFFFFF20] =	vst v8  }
0x26b: {  	[tilespmem:s18+$0xFFFFFF00] =	vst v6  }
0x26c: {  	v6 =	vld [tilespmem:s17+$0xFFFFFFA0]  }
0x26d: {  	v7 =	vld [tilespmem:s17+$0xFFFFFF90]  }
0x26e: {  	s29 =	simm.s32 $0x1;
	v8 =	vld [tilespmem:s17+$0xFFFFFF80]  }
0x26f: {  	v60 =	vadd.s32 s29, v0;
	v61 =	vld [tilespmem:s17+$0xFFFFFFB0]  }
0x270: {  	v9 =	vand.u32 $0xF, v60  }
0x271: {  	v6 =	vperm.xlane v6, v9  }
0x272: {  	v7 =	vperm.xlane v7, v9  }
0x273: {  	v8 =	vperm.xlane v8, v9;
	[tilespmem:s18+$0xFFFFFFA0] =	vst v6  }
0x274: {  	v6 =	vperm.xlane v61, v9;
	[tilespmem:s18+$0xFFFFFF90] =	vst v7  }
0x275: {  	[tilespmem:s18+$0xFFFFFF80] =	vst v8  }
0x276: {  	[tilespmem:s18+$0xFFFFFFB0] =	vst v6  }
0x277: {  	v6 =	vld [tilespmem:s17+$0x0]  }
0x278: {  	v7 =	vld [tilespmem:s17+$0x10]  }
0x279: {  	s30 =	simm.s32 $0x2;
	v8 =	vld [tilespmem:s17+$0x20]  }
0x27a: {  	v62 =	vadd.s32 s30, v0;
	v63 =	vld [tilespmem:s17+$0x30]  }
0x27b: {  	v9 =	vand.u32 $0xF, v62  }
0x27c: {  	v6 =	vperm.xlane v6, v9  }
0x27d: {  	v7 =	vperm.xlane v7, v9  }
0x27e: {  	v8 =	vperm.xlane v8, v9;
	[tilespmem:s18+$0x0] =	vst v6  }
0x27f: {  	v6 =	vperm.xlane v63, v9;
	[tilespmem:s18+$0x10] =	vst v7  }
0x280: {  	[tilespmem:s18+$0x20] =	vst v8  }
0x281: {  	s10 =	simm.s32 $0x18100;
	[tilespmem:s18+$0x30] =	vst v6  }
0x282: {  	s11 =	simm.s32 $0x0;
	s12 =	simm.s32 $0x1A100;
	s9 =	simm.s32 $0x4;
	v6 =	vld [tilespmem:s17+$0xB0]  }
.LBB2_29:
0x283: {  	p1 =	sne.s32 s9, $0x3C;
	v7 =	vld [tilespmem:s17+$0xA0];
	s10 =	sadd.s32 $0x200, s10;
	s18 =	sadd.s32 $0x200, s18  }
0x284: {  	s8 =	sadd.s32 $0x3, s11;
	s11 =	smov.u32 s9;
	s9 =	sadd.s32 $0x4, s9;
	v8 =	vld [tilespmem:s17+$0x90]  }
0x285: {  	v9 =	vadd.s32 s8, v0;
	v10 =	vld [tilespmem:s17+$0x80];
	s17 =	smov.u32 s10  }
0x286: {  	v9 =	vand.u32 $0xF, v9  }
0x287: {  	v6 =	vperm.xlane v6, v9  }
0x288: {  	v7 =	vperm.xlane v7, v9  }
0x289: {  	v8 =	vperm.xlane v8, v9;
	[tilespmem:s12+$0xB0] =	vst v6  }
0x28a: {  	v6 =	vperm.xlane v10, v9;
	[tilespmem:s12+$0xA0] =	vst v7  }
0x28b: {  	[tilespmem:s12+$0x90] =	vst v8  }
0x28c: {  	[tilespmem:s12+$0x80] =	vst v6;
	s12 =	smov.u32 s18  }
0x28d: {  	v6 =	vld [tilespmem:s10+$0xFFFFFF30]  }
0x28e: {  	v7 =	vld [tilespmem:s10+$0xFFFFFF10]  }
0x28f: {  	v8 =	vld [tilespmem:s10+$0xFFFFFF20]  }
0x290: {  	v9 =	vadd.s32 s11, v0;
	v10 =	vld [tilespmem:s10+$0xFFFFFF00]  }
0x291: {  	v9 =	vand.u32 $0xF, v9  }
0x292: {  	v6 =	vperm.xlane v6, v9  }
0x293: {  	v7 =	vperm.xlane v7, v9  }
0x294: {  	v8 =	vperm.xlane v8, v9;
	[tilespmem:s18+$0xFFFFFF30] =	vst v6  }
0x295: {  	v6 =	vperm.xlane v10, v9;
	[tilespmem:s18+$0xFFFFFF10] =	vst v7  }
0x296: {  	[tilespmem:s18+$0xFFFFFF20] =	vst v8  }
0x297: {  	[tilespmem:s18+$0xFFFFFF00] =	vst v6  }
0x298: {  	v6 =	vld [tilespmem:s10+$0xFFFFFFA0]  }
0x299: {  	v7 =	vld [tilespmem:s10+$0xFFFFFF90]  }
0x29a: {  	s8 =	sadd.s32 $0x1, s11;
	v8 =	vld [tilespmem:s10+$0xFFFFFF80]  }
0x29b: {  	v9 =	vadd.s32 s8, v0;
	v10 =	vld [tilespmem:s10+$0xFFFFFFB0]  }
0x29c: {  	v9 =	vand.u32 $0xF, v9  }
0x29d: {  	v6 =	vperm.xlane v6, v9  }
0x29e: {  	v7 =	vperm.xlane v7, v9  }
0x29f: {  	v8 =	vperm.xlane v8, v9;
	[tilespmem:s18+$0xFFFFFFA0] =	vst v6  }
0x2a0: {  	v6 =	vperm.xlane v10, v9;
	[tilespmem:s18+$0xFFFFFF90] =	vst v7  }
0x2a1: {  	[tilespmem:s18+$0xFFFFFF80] =	vst v8  }
0x2a2: {  	[tilespmem:s18+$0xFFFFFFB0] =	vst v6  }
0x2a3: {  	v6 =	vld [tilespmem:s10+$0x0]  }
0x2a4: {  	v7 =	vld [tilespmem:s10+$0x10]  }
0x2a5: {  	s8 =	sadd.s32 $0x2, s11;
	v8 =	vld [tilespmem:s10+$0x20]  }
0x2a6: {  	v9 =	vadd.s32 s8, v0;
	v10 =	vld [tilespmem:s10+$0x30]  }
0x2a7: {  	v9 =	vand.u32 $0xF, v9  }
0x2a8: {  	v6 =	vperm.xlane v6, v9  }
0x2a9: {  	v7 =	vperm.xlane v7, v9  }
.Ltmp18:
0x2aa: {  	v8 =	vperm.xlane v8, v9;
	[tilespmem:s18+$0x0] =	vst v6;
	(pc) =	sbr.rel @p1 .LBB2_29-.Ltmp18, $4  }
0x2ab: {  	v6 =	vperm.xlane v10, v9;
	[tilespmem:s18+$0x10] =	vst v7  }
0x2ac: {  	[tilespmem:s18+$0x20] =	vst v8  }
0x2ad: {  	[tilespmem:s18+$0x30] =	vst v6  }
0x2ae: {  	v6 =	vld [tilespmem:s10+$0xB0]  }
0x2af: {  	v7 =	vld [tilespmem:s17+$0xA0]  }
0x2b0: {  	s8 =	sadd.s32 $0x3, s11;
	v8 =	vld [tilespmem:s17+$0x90]  }
0x2b1: {  	v10 =	vld [tilespmem:s17+$0x80];
	v11 =	vadd.s32 s16, v2;
	v9 =	vadd.s32 s8, v0  }
0x2b2: {  	s30 =	sand.u32 $0x30, s16;
	v11 =	vand.u32 $0xF, v11;
	v9 =	vand.u32 $0xF, v9  }
0x2b3: {  	v11 =	vor.u32 s30, v11;
	v6 =	vperm.xlane v6, v9  }
0x2b4: {  	v12 =	vor.u32 v1, v11;
	v7 =	vperm.xlane v7, v9  }
0x2b5: {  	v8 =	vperm.xlane v8, v9;
	[tilespmem:s12+$0xB0] =	vst v6  }
0x2b6: {  	v9 =	vperm.xlane v10, v9;
	v6 =	vor.u32 v4, v11;
	[tilespmem:s12+$0xA0] =	vst v7  }
0x2b7: {  	v7 =	vor.u32 v5, v11;
	[tilespmem:s12+$0x90] =	vst v8  }
0x2b8: {  	v8 =	vor.u32 v3, v11;
	[tilespmem:s12+$0x80] =	vst v9  }
0x2b9: {  	v9 =	vld.idx.msk [tilespmem:v12+s20+$0x0], $0xffff  }
0x2ba: {  	s9 =	simm.s32 $0x1  }
0x2bb: {  	v10 =	vadd.s32 s9, v2;
	v6 =	vld.idx.msk [tilespmem:v6+s20+$0x0], $0xffff  }
0x2bc: {  	v10 =	vand.u32 $0xF, v10;
	v7 =	vld.idx.msk [tilespmem:v7+s20+$0x0], $0xffff  }
0x2bd: {  	s9 =	simm.s32 $0x8080;
	v10 =	vor.u32 s30, v10;
	v8 =	vld.idx.msk [tilespmem:v8+s20+$0x0], $0xffff  }
0x2be: {  	[tilespmem:s9+$0xFFFFFF80] =	vst v9;
	v9 =	vor.u32 v5, v10;
	_ =	sdelay $0x1  }
0x2bf: {  	v11 =	vor.u32 v1, v10;
	[tilespmem:s9+$0xFFFFFFA0] =	vst v6  }
0x2c0: {  	v63 =	vor.u32 v3, v10;
	[tilespmem:s9+$0xFFFFFFB0] =	vst v7  }
0x2c1: {  	[tilespmem:s9+$0xFFFFFF90] =	vst v8  }
0x2c2: {  	v7 =	vld.idx.msk [tilespmem:v9+s20+$0x0], $0xffff;
	v9 =	vor.u32 v4, v10;
	_ =	sdelay $0x1  }
0x2c3: {  	s11 =	simm.s32 $0x2;
	v6 =	vld.idx.msk [tilespmem:v11+s20+$0x0], $0xffff  }
0x2c4: {  	s13 =	simm.s32 $0x4;
	s10 =	sand.u32 $0x30, s11;
	s12 =	simm.s32 $0x8080;
	v10 =	vadd.s32 s11, v2;
	v8 =	vld.idx.msk [tilespmem:v63+s20+$0x0], $0xffff  }
.LBB2_31:
0x2c5: {  	s8 =	sand.u32 $0x30, s13  }
0x2c6: {  	v10 =	vand.u32 $0xF, v10;
	v9 =	vld.idx.msk [tilespmem:v9+s20+$0x0], $0xffff;
	s9 =	sadd.s32 $0x100, s9;
	s16 =	smov.u32 s13;
	s17 =	sadd.s32 $0x2, s13  }
0x2c7: {  	p1 =	sne.s32 s13, $0x3E;
	v10 =	vor.u32 s10, v10  }
0x2c8: {  	v11 =	vor.u32 v1, v10;
	v12 =	vor.u32 v3, v10;
	v13 =	vor.u32 v4, v10  }
0x2c9: {  	v10 =	vor.u32 v5, v10;
	[tilespmem:s12+$0x0] =	vst v6  }
0x2ca: {  	[tilespmem:s12+$0x30] =	vst v7  }
0x2cb: {  	[tilespmem:s12+$0x10] =	vst v8  }
0x2cc: {  	[tilespmem:s12+$0x20] =	vst v9;
	s12 =	smov.u32 s9  }
0x2cd: {  	v6 =	vld.idx.msk [tilespmem:v11+s20+$0x0], $0xffff  }
0x2ce: {  	s13 =	sadd.s32 $0x1, s11;
	s11 =	smov.u32 s16;
	v7 =	vld.idx.msk [tilespmem:v13+s20+$0x0], $0xffff  }
0x2cf: {  	v9 =	vadd.s32 s13, v2;
	v8 =	vld.idx.msk [tilespmem:v10+s20+$0x0], $0xffff  }
0x2d0: {  	v9 =	vand.u32 $0xF, v9;
	v10 =	vld.idx.msk [tilespmem:v12+s20+$0x0], $0xffff  }
0x2d1: {  	v9 =	vor.u32 s10, v9;
	s10 =	smov.u32 s8  }
0x2d2: {  	v11 =	vor.u32 v1, v9  }
0x2d3: {  	v12 =	vor.u32 v5, v9;
	[tilespmem:s9+$0xFFFFFF80] =	vst v6  }
0x2d4: {  	v13 =	vor.u32 v3, v9;
	v9 =	vor.u32 v4, v9;
	[tilespmem:s9+$0xFFFFFFA0] =	vst v7  }
.Ltmp19:
0x2d5: {  	[tilespmem:s9+$0xFFFFFFB0] =	vst v8;
	(pc) =	sbr.rel @p1 .LBB2_31-.Ltmp19, $4  }
0x2d6: {  	[tilespmem:s9+$0xFFFFFF90] =	vst v10  }
0x2d7: {  	v6 =	vld.idx.msk [tilespmem:v11+s20+$0x0], $0xffff  }
0x2d8: {  	v7 =	vld.idx.msk [tilespmem:v12+s20+$0x0], $0xffff  }
0x2d9: {  	s13 =	smov.u32 s17;
	v10 =	vadd.s32 s11, v2;
	v8 =	vld.idx.msk [tilespmem:v13+s20+$0x0], $0xffff  }
0x2da: {  	_ =	sdelay $0x2  }
0x2db: {  	v10 =	vand.u32 $0xF, v10  }
0x2dc: {  	v9 =	vld.idx.msk [tilespmem:v9+s20+$0x0], $0xffff;
	v10 =	vor.u32 s10, v10  }
0x2dd: {  	v11 =	vor.u32 v1, v10  }
0x2de: {  	v12 =	vor.u32 v4, v10;
	[tilespmem:s12+$0x0] =	vst v6  }
0x2df: {  	v6 =	vor.u32 v5, v10;
	[tilespmem:s12+$0x30] =	vst v7  }
0x2e0: {  	v7 =	vor.u32 v3, v10;
	[tilespmem:s12+$0x10] =	vst v8  }
0x2e1: {  	[tilespmem:s12+$0x20] =	vst v9  }
0x2e2: {  	s8 =	sadd.s32 $0x1, s11;
	v8 =	vld.idx.msk [tilespmem:v11+s20+$0x0], $0xffff  }
0x2e3: {  	v58 =	vadd.s32 s8, v2;
	v9 =	vld.idx.msk [tilespmem:v12+s20+$0x0], $0xffff  }
0x2e4: {  	v10 =	vand.u32 $0xF, v58;
	v6 =	vld.idx.msk [tilespmem:v6+s20+$0x0], $0xffff  }
0x2e5: {  	v10 =	vor.u32 s10, v10;
	v7 =	vld.idx.msk [tilespmem:v7+s20+$0x0], $0xffff  }
0x2e6: {  	s29 =	sadd.s32 $0x100, s9;
	v59 =	vor.u32 v1, v10  }
0x2e7: {  	v60 =	vor.u32 v5, v10;
	[tilespmem:s29+$0xFFFFFF80] =	vst v8  }
0x2e8: {  	v61 =	vor.u32 v3, v10;
	[tilespmem:s29+$0xFFFFFFA0] =	vst v9  }
0x2e9: {  	v10 =	vor.u32 v4, v10;
	[tilespmem:s29+$0xFFFFFFB0] =	vst v6  }
0x2ea: {  	[tilespmem:s29+$0xFFFFFF90] =	vst v7  }
0x2eb: {  	v6 =	vld.idx.msk [tilespmem:v59+s20+$0x0], $0xffff  }
0x2ec: {  	v7 =	vld.idx.msk [tilespmem:v60+s20+$0x0], $0xffff  }
0x2ed: {  	v62 =	vld.idx.msk [tilespmem:v61+s20+$0x0], $0xffff  }
0x2ee: {  	v63 =	vld.idx.msk [tilespmem:v10+s20+$0x0], $0xffff;
	_ =	sdelay $0x1  }
0x2ef: {  	[tilespmem:s29+$0x0] =	vst v6  }
0x2f0: {  	[tilespmem:s29+$0x30] =	vst v7  }
0x2f1: {  	[tilespmem:s29+$0x10] =	vst v62  }
.Ltmp20:
0x2f2: {  	s30 =	rddreg [dreg:$0x8];
	[tilespmem:s29+$0x20] =	vst v63;
	(pc) =	sbr.rel .LBB2_33-.Ltmp20, $4  }
0x2f3: {  	[hbm4b:s30+s4] =	stream.linear.scatter [tilespmem:s21], [sflag:$0x9], $0x2000, $0x38;
	[tilespmem:$0x1C000] =	vst v63  }
0x2f4: {  	_ =	swait.ge [sflag:s3], $0x2000  }
0x2f5: {  	[sflag:s3] =	ssyncset.done $0x0  }
0x2f6: {  	[sflag:s3] =	ssyncadd.s32 $0xFFFFE000  }
.LBB2_34:
0x2f7: {  	_ =	sfence.sel $0x180000  }
0x2f8: {  	[bflag:$0x0] =	sbarrier.arrive $0xFFFF  }
0x2f9: {  	_ =	strace $0x90000047  }
0x2fa: {  	s0 =	stileid.u32;
	[bflag:$0x2] =	sbarrier.arrive $0xFFFF  }
0x2fb: {  	p0 =	sne.s32 s0, $0x0;
	s0 =	rddreg [dreg:$0x3]  }
0x2fc: {  	s0 =	sadd.s32 @!p0 $0x100000, s0  }
0x2fd: {  	[sflag:s0] =	ssyncadd.tile.s32 @!p0 $0x1;
	_ =	shalt  }
.Lfunc_end2:
_tile_overlayer_lowered:
.L_overlay_start_2:
0x2fe: {  	(tag) =	ssettag $0x2  }
0x2ff: {  	s0 =	rddreg [dreg:$0x0];
	s2 =	stileid.u32  }
0x300: {  	s1 =	rddreg [dreg:$0x1];
	p0 =	sne.s32 s2, $0x0  }
0x301: {  	s3 =	rddreg [dreg:$0x2];
	[bflag:$0x3] =	sbarrier.arrive $0xFFFF;
	s2 =	simm.s32 @!p0 $0x1C09  }
0x302: {  	[timem:s3], [sflag:s2] =	dma.local @!p0 [hbm:s0], s1  }
0x303: {  	s0 =	simm.s32 @!p0 $0x9  }
0x304: {  	_ =	swait.ge @!p0 [sflag:s0], s1  }
0x305: {  	s1 =	ssub.s32 @!p0 $0x0, s1;
	[sflag:s0] =	ssyncset.done @!p0 $0x0  }
0x306: {  	[sflag:s0] =	ssyncadd.s32 @!p0 s1  }
0x307: {  	[bflag:$0x3] =	sbarrier.arrive $0xFFFF  }
0x308: {  	_ =	shalt  }

// kernel: kernel.8.cloned.1.call-start
scs
__scs_entry_jumppad:
0x0: {  	(pc) =	sbr.rel $0x88, $3  }
0x1: {  	(tag) =	ssettag $0x0;
	lr =	simm.s32 $0x1  }
0x2: {  	[smem:$0x3F9B] =	sst lr;
	_ =	strace $0xD0000000  }
0x3: {  	_ = 	snop  }
0x4: {  	_ = 	snop  }
0x5: {  	_ = 	snop  }
0x6: {  	_ = 	snop  }
0x7: {  	_ = 	snop  }
__scs_overlays_trampoline_lowered:
0x8: {  	[smem:$0x3FAA] =	sst s0  }
0x9: {  	[smem:$0x3FAB] =	sst s1  }
0xa: {  	[smem:$0x3FAC] =	sst s2  }
0xb: {  	[smem:$0x3FAD] =	sst s3  }
0xc: {  	[smem:$0x3FAE] =	sst s4  }
0xd: {  	[smem:$0x3FAF] =	sst s5  }
0xe: {  	[smem:$0x3FB0] =	sst s6  }
0xf: {  	[smem:$0x3FB1] =	sst s7  }
0x10: {  	[smem:$0x3FB2] =	sst s8  }
0x11: {  	[smem:$0x3FB3] =	sst s9;
	s0 =	simm.s32 @!p0 $0x0  }
0x12: {  	s1 =	sld [smem:$0x3F99];
	s0 =	simm.s32 @p0 $0x1  }
0x13: {  	[smem:$0x3FB4] =	sst s0;
	s0 =	simm.s32 @!p1 $0x0  }
0x14: {  	s2 =	sld [smem:$0x3F98];
	s0 =	simm.s32 @p1 $0x1  }
0x15: {  	[smem:$0x3FB5] =	sst s0;
	s0 =	simm.s32 @!p2 $0x0  }
0x16: {  	s3 =	sld [smem:$0x3FDB];
	s0 =	simm.s32 @p2 $0x1  }
0x17: {  	s4 =	simm.s32 $0x1BF5;
	[smem:$0x3FB7] =	sst s0  }
0x18: {  	s0 =	sld [smem:$0x3F9A];
	_ =	swait.ge [sflag:s4], $0x0  }
0x19: {  	s7 =	sld [smem:$0x3F9B]  }
0x1a: {  	s8 =	sadd.s32 $0xFFFFE003, lr  }
0x1b: {  	s9 =	sadd.s32 $0xFFFFFEF7, lr;
	s5 =	simm.s32 $0xFFFFFFFF;
	p2 =	slt.u32 s8, $0xFFFFF086  }
0x1c: {  	p1 =	slt.u32 s9, $0xF7A;
	s5 =	simm.s32 @!p2 $0x0  }
0x1d: {  	s5 =	simm.s32 @p1 $0x1;
	p0 =	seq.s32 s7, s2  }
0x1e: {  	s7 =	smul.u32 @!p0 $0xF7A, s2;
	p2 =	seq.s32 @!p0 s5, $0x0  }
0x1f: {  	s9 =	smul.u32 $0xF7A, s1;
	s8 =	simm.s32 @!p0 $0x1BF5;
	p2 =	por !p2, p0  }
0x20: {  	[sflag:s8] =	ssyncset.s32 @!p0 $0xFFFFF086;
	s6 =	sadd.s32 @!p0 s3, s7;
	s7 =	simm.s32 @!p0 $0x108  }
0x21: {  	s3 =	sadd.s32 s3, s9;
	s6 =	sadd.s32 @!p0 $0x88, s6;
	s7 =	simm.s32 @p2 $0x1082  }
0x22: {  	[simem:s7], [sflag:s8] =	dma.local @!p0 [hbm:s6], $0xF7A  }
0x23: {  	s9 =	sor.u32 $0xD0000000, s2;
	s6 =	simm.s32 $0x108;
	_ =	swait.ge @!p0 [sflag:s8], $0x0  }
0x24: {  	s3 =	sadd.s32 $0x88, s3;
	s6 =	simm.s32 @!p1 $0x1082;
	[sflag:s4] =	ssyncset.s32 $0xFFFFF086  }
0x25: {  	[simem:s6], [sflag:s4] =	dma.local [hbm:s3], $0xF7A  }
0x26: {  	[smem:$0x3F9B] =	sst s1;
	(tag) =	ssettag s2;
	_ =	strace s9  }
0x27: {  	s1 =	sld [smem:$0x3FAB]  }
0x28: {  	s2 =	sld [smem:$0x3FAC]  }
0x29: {  	s4 =	sld [smem:$0x3FAE]  }
0x2a: {  	p0 =	seq.s32 s5, $0x0;
	s5 =	sld [smem:$0x3FAF]  }
0x2b: {  	s6 =	sld [smem:$0x3FB0]  }
0x2c: {  	s7 =	sld [smem:$0x3FB1]  }
0x2d: {  	s3 =	simm.s32 $0x108;
	s8 =	sld [smem:$0x3FB2]  }
0x2e: {  	s3 =	simm.s32 @!p0 $0x1082;
	s9 =	sld [smem:$0x3FB3]  }
0x2f: {  	lr =	sadd.s32 s0, s3;
	s0 =	sld [smem:$0x3FAA]  }
0x30: {  	s3 =	sld [smem:$0x3FAD]  }
0x31: {  	[smem:$0x3FB6] =	sst s10  }
0x32: {  	s10 =	sld [smem:$0x3FB4];
	_ =	sdelay $0x3  }
0x33: {  	p0 =	seq.s32 s10, $0x1;
	s10 =	sld [smem:$0x3FB6];
	_ =	sdelay $0x3  }
0x34: {  	[smem:$0x3FB6] =	sst s10  }
0x35: {  	s10 =	sld [smem:$0x3FB5];
	_ =	sdelay $0x3  }
0x36: {  	p1 =	seq.s32 s10, $0x1;
	s10 =	sld [smem:$0x3FB6];
	_ =	sdelay $0x3  }
0x37: {  	[smem:$0x3FB6] =	sst s10  }
0x38: {  	s10 =	sld [smem:$0x3FB7]  }
0x39: {  	_ = 	snop;
	(pc) =	sbr.ind lr, $3  }
0x3a: {  	_ = 	snop  }
0x3b: {  	_ = 	snop  }
0x3c: {  	p2 =	seq.s32 s10, $0x1;
	s10 =	sld [smem:$0x3FB6]  }
0x3d: {  	_ =	shalt  }
0x3e: {  	_ =	shalt  }
0x3f: {  	_ =	shalt  }
0x40: {  	_ =	shalt  }
0x41: {  	_ =	shalt  }
0x42: {  	_ =	shalt  }
0x43: {  	_ =	shalt  }
0x44: {  	_ =	shalt  }
0x45: {  	_ =	shalt  }
0x46: {  	_ =	shalt  }
0x47: {  	_ =	shalt  }
0x48: {  	_ =	shalt  }
0x49: {  	_ =	shalt  }
0x4a: {  	_ =	shalt  }
0x4b: {  	_ =	shalt  }
0x4c: {  	_ =	shalt  }
0x4d: {  	_ =	shalt  }
0x4e: {  	_ =	shalt  }
0x4f: {  	_ =	shalt  }
0x50: {  	_ =	shalt  }
0x51: {  	_ =	shalt  }
0x52: {  	_ =	shalt  }
0x53: {  	_ =	shalt  }
0x54: {  	_ =	shalt  }
0x55: {  	_ =	shalt  }
0x56: {  	_ =	shalt  }
0x57: {  	_ =	shalt  }
0x58: {  	_ =	shalt  }
0x59: {  	_ =	shalt  }
0x5a: {  	_ =	shalt  }
0x5b: {  	_ =	shalt  }
0x5c: {  	_ =	shalt  }
0x5d: {  	_ =	shalt  }
0x5e: {  	_ =	shalt  }
0x5f: {  	_ =	shalt  }
0x60: {  	_ =	shalt  }
0x61: {  	_ =	shalt  }
0x62: {  	_ =	shalt  }
0x63: {  	_ =	shalt  }
0x64: {  	_ =	shalt  }
0x65: {  	_ =	shalt  }
0x66: {  	_ =	shalt  }
0x67: {  	_ =	shalt  }
0x68: {  	_ =	shalt  }
0x69: {  	_ =	shalt  }
0x6a: {  	_ =	shalt  }
0x6b: {  	_ =	shalt  }
0x6c: {  	_ =	shalt  }
0x6d: {  	_ =	shalt  }
0x6e: {  	_ =	shalt  }
0x6f: {  	_ =	shalt  }
0x70: {  	_ =	shalt  }
0x71: {  	_ =	shalt  }
0x72: {  	_ =	shalt  }
0x73: {  	_ =	shalt  }
0x74: {  	_ =	shalt  }
0x75: {  	_ =	shalt  }
0x76: {  	_ =	shalt  }
0x77: {  	_ =	shalt  }
0x78: {  	_ =	shalt  }
0x79: {  	_ =	shalt  }
0x7a: {  	_ =	shalt  }
0x7b: {  	_ =	shalt  }
0x7c: {  	_ =	shalt  }
0x7d: {  	_ =	shalt  }
0x7e: {  	_ =	shalt  }
0x7f: {  	_ =	shalt  }
0x80: {  	_ =	shalt  }
0x81: {  	_ =	shalt  }
0x82: {  	_ =	shalt  }
0x83: {  	_ =	shalt  }
0x84: {  	_ =	shalt  }
0x85: {  	_ =	shalt  }
0x86: {  	_ =	shalt  }
0x87: {  	_ =	shalt  }
.Lfunc_end0:
.L_simem_size_0:
called_computation.1_lowered:
.L_overlay_start_0:
0x88: {  	s2 =	sld [smem:$0x3FD9]  }
0x89: {  	s3 =	sld [smem:$0x3FFE];
	_ =	sdelay $0x1  }
0x8a: {  	s1 =	srdreg.scid  }
0x8b: {  	s0 =	sand.u32 $0x1, s1  }
0x8c: {  	s17 =	sshll.u32 s0, $0xA;
	s2 =	sadd.s32 s3, s2  }
0x8d: {  	s2 =	sadd.s32 s2, s17  }
0x8e: {  	[smem:$0x3FC2] =	sst s2  }
0x8f: {  	_ = 	snop  }
0x90: {  	s2 =	sld [smem:$0x3FC9];
	(tm) =	ssettm $0x1  }
0x91: {  	s18 =	sld [smem:$0x3FFB];
	_ =	sdelay $0x3  }
0x92: {  	_ =	strace s18  }
0x93: {  	s3 =	sld [smem:$0x3FFC];
	_ =	sdelay $0x3  }
0x94: {  	_ =	strace s3  }
0x95: {  	s3 =	sld [smem:$0x3FFD];
	_ =	sdelay $0x3  }
0x96: {  	_ =	strace s3  }
0x97: {  	_ =	strace $0x8FFFFFFF  }
0x98: {  	s19 =	sld [smem:$0x3FDB];
	_ =	sdelay $0x1  }
0x99: {  	s4 =	simm.s32 $_scs_section_size  }
0x9a: {  	s5 =	simm.s32 $_size__tile_overlayer_lowered;
	s6 =	simm.s32 $_tile_overlayer_lowered  }
0x9b: {  	s22 =	simm.s32 $0x1BFF;
	s21 =	sshll.u32 s6, $0x1;
	s3 =	sadd.s32 s4, s19  }
0x9c: {  	s7 =	simm.s32 $0x0;
	s20 =	sshll.u32 s5, $0x1;
	s5 =	sadd.s32 s21, s3  }
0x9d: {  	[timem:s7], [sflag:s22] =	dma.local [hbm:s5], s20  }
0x9e: {  	_ =	swait.ge [sflag:s22], s20  }
0x9f: {  	s4 =	ssub.s32 $0x0, s20;
	[sflag:s22] =	ssyncset.done $0x0  }
0xa0: {  	[sflag:s22] =	ssyncadd.s32 s4;
	_ =	sdelay $0x1  }
0xa1: {  	s23 =	simm.s32 $0x1B8B  }
0xa2: {  	_ =	swait.ge [sflag:s23], $0x1  }
0xa3: {  	[sflag:s23] =	ssyncset.done $0x0  }
0xa4: {  	s25 =	simm.s32 $0x1B8E;
	s24 =	sld [smem:$0x3FFE];
	[sflag:s23] =	ssyncadd.s32 $0xFFFFFFFF  }
0xa5: {  	s26 =	simm.s32 $execute0_lowered;
	[smem:$0x3FD2] =	sst s25  }
0xa6: {  	s5 =	sshll.u32 s26, $0x1;
	_ =	strace $0x80000049;
	[dreg:$0x1] =	wrdreg $0xFFFFFFFF  }
0xa7: {  	s28 =	simm.s32 $_size_execute0_lowered;
	s3 =	sadd.s32 s3, s5;
	[dreg:$0x0] =	wrdreg $0x0  }
0xa8: {  	s5 =	sshll.u32 s28, $0x1;
	[dreg:$0x2] =	wrdreg s3  }
0xa9: {  	[dreg:$0x3] =	wrdreg s5  }
0xaa: {  	[dreg:$0x4] =	wrdreg $0xC0  }
0xab: {  	_ =	task [dreg:s7], $0x5FFFF  }
0xac: {  	[dreg:$0x1] =	wrdreg $0xFFFFFFFF  }
0xad: {  	[dreg:$0x0] =	wrdreg $0x60  }
0xae: {  	[dreg:$0x2] =	wrdreg s2  }
0xaf: {  	[dreg:$0x3] =	wrdreg s24  }
0xb0: {  	[dreg:$0x4] =	wrdreg $0x9  }
0xb1: {  	_ =	task.clear_ibuf [dreg:s7], $0x5FFFF;
	_ =	strace $0x90000049  }
0xb2: {  	s29 =	simm.s32 $0x9;
	_ =	strace $0x8000004B  }
0xb3: {  	_ =	swait.ge [sflag:s29], $0x1  }
0xb4: {  	[sflag:s29] =	ssyncadd.s32 $0xFFFFFFFF  }
0xb5: {  	_ =	strace $0x9000004B  }
0xb6: {  	_ =	sfence  }
0xb7: {  	s30 =	sld [smem:$0x0];
	_ =	sdelay $0x2  }
0xb8: {  	s31 =	sshll.u32 s1, $0xD;
	s1 =	sshrl.u32 s1, $0x2  }
0xb9: {  	s3 =	sand.u32 $0x4000, s31;
	s1 =	sadd.s32 s1, s30  }
0xba: {  	s0 =	sor.u32 s3, s0;
	s1 =	sshll.u32 s1, $0x11  }
0xbb: {  	s0 =	sor.u32 s1, s0  }
0xbc: {  	s0 =	sadd.s32 $0x8F2B, s0  }
0xbd: {  	[sflag:s0] =	ssyncadd.remote.s32 $0x1  }
0xbe: {  	_ =	sfence.sel $0xFFFF  }
0xbf: {  	[dreg:$0x0] =	wrdreg $0xFFFFFFFF;
	(pc) =	sbr.abs _section_cstart, $3  }
0xc0: {  	[dreg:$0x1] =	wrdreg $0xFFFFFFFF  }
0xc1: {  	_ =	task.clear_ibuf [dreg:s7], $0x2FFFF;
	_ =	strace $0x9FFFFFFF  }
0xc2: {  	(tm) =	ssettm $0x7FFFFFFF  }
0xc3: {  	_ =	shalt  }
tec
execute0_lowered:
.L_overlay_start_1:
0x0: {  	(tag) =	ssettag $0x1  }
0x1: {  	s4 =	rddreg [dreg:$0x0]  }
0x2: {  	s5 =	rddreg [dreg:$0x1]  }
0x3: {  	s0 =	rddreg [dreg:$0x2];
	s3 =	srdreg.scid;
	s2 =	simm.s32 $0x0  }
0x4: {  	s1 =	stileid.u32;
	s10 =	simm.s32 $0x80;
	s11 =	simm.s32 $0x6400  }
0x5: {  	s12 =	simm.s32 $0xA400;
	s13 =	simm.s32 $0x100;
	s14 =	simm.s32 $0xE400  }
0x6: {  	s15 =	simm.s32 $0x180;
	s16 =	simm.s32 $0x12400;
	s17 =	simm.s32 $0x1  }
0x7: {  	s18 =	simm.s32 $0x2;
	s19 =	simm.s32 $0x3;
	s20 =	simm.s32 $0x4  }
0x8: {  	s21 =	simm.s32 $0x16400;
	s22 =	simm.s32 $0x0;
	s3 =	sand.u32 $0x1, s3  }
0x9: {  	[smem:$0x7FF] =	sst s2;
	s6 =	sshll.u32 s1, $0x8;
	s7 =	sshll.u32 s3, $0x7  }
.Ltmp0:
0xa: {  	_ =	strace $0x8000004A;
	s31 =	ssub.s32 $0x2, s3;
	(pc) =	sbr.rel .LBB2_1-.Ltmp0, $4  }
0xb: {  	s3 =	sadd.s32 $0x1200, s5;
	s6 =	sor.u32 s7, s6;
	s9 =	sshrl.u32 s31, $0x1  }
0xc: {  	s8 =	sshll.u32 s6, $0x4;
	s7 =	ssub.s32 s31, s9;
	s4 =	sadd.s32 s4, s6  }
0xd: {  	s9 =	simm.s32 $0x5;
	s5 =	sadd.s32 s8, s5;
	s6 =	smax.u32 s7, $0x1  }
0xe: {  	v0 =	vimm.f32 $0.0e+00;
	s7 =	simm.s32 $0x400;
	s8 =	simm.s32 $0x8000;
	s5 =	sadd.s32 $0xF43600, s5  }
.LBB2_14:
0xf: {  	s22 =	sadd.s32 $0x1, s22  }
0x10: {  	p0 =	sne.s32 s22, s6  }
.Ltmp1:
0x11: {  	_ = 	snop;
	(pc) =	sbr.rel @!p0 .LBB2_15-.Ltmp1, $4  }
0x12: {  	[hbm4b:s5+s2] =	stream.linear.scatter [tilespmem:s21], [sflag:$0x5], $0x4000, $0x38;
	[tilespmem:$0x1A400] =	vst v63  }
0x13: {  	_ =	swait.ge [sflag:s9], $0x4000  }
0x14: {  	[sflag:s9] =	ssyncset.done $0x0  }
0x15: {  	[sflag:s9] =	ssyncadd.s32 $0xFFFFC000  }
.LBB2_1:
0x16: {  	[tilespmem:s2], [sflag:$0x5] =	stream.strided.gather [hbm4b:s4+s7], $0x6400, s8, s7, $0x38;
	[tilespmem:$0x1A400] =	vst v63  }
0x17: {  	_ =	swait.ge [sflag:s9], $0x6400  }
0x18: {  	[sflag:s9] =	ssyncset.done $0x0  }
0x19: {  	s23 =	simm.s32 $0x0;
	s24 =	simm.s32 $0x400;
	[sflag:s9] =	ssyncadd.s32 $0xFFFF9C00  }
.LBB2_2:
0x1a: {  	p0 =	sne.s32 s24, $0xFC00;
	[tilespmem:s23+$0x164B0] =	vst v0  }
0x1b: {  	[tilespmem:s23+$0x16400] =	vst v0  }
0x1c: {  	[tilespmem:s23+$0x16410] =	vst v0  }
.Ltmp2:
0x1d: {  	[tilespmem:s23+$0x16420] =	vst v0;
	(pc) =	sbr.rel @p0 .LBB2_2-.Ltmp2, $4  }
0x1e: {  	[tilespmem:s23+$0x16430] =	vst v0  }
0x1f: {  	[tilespmem:s23+$0x16480] =	vst v0  }
0x20: {  	[tilespmem:s23+$0x16490] =	vst v0  }
0x21: {  	[tilespmem:s23+$0x164A0] =	vst v0;
	s23 =	sshra.s32 s24, $0x2;
	s24 =	sadd.s32 $0x400, s24  }
0x22: {  	[tilespmem:s23+$0x164B0] =	vst v0  }
0x23: {  	[tilespmem:s23+$0x16400] =	vst v0  }
0x24: {  	[tilespmem:s23+$0x16410] =	vst v0  }
0x25: {  	[tilespmem:s23+$0x16420] =	vst v0  }
0x26: {  	[tilespmem:s23+$0x16430] =	vst v0  }
0x27: {  	[tilespmem:s23+$0x16480] =	vst v0  }
0x28: {  	[tilespmem:s23+$0x16490] =	vst v0  }
0x29: {  	[tilespmem:s23+$0x164A0] =	vst v0;
	s23 =	simm.s32 $0x0  }
0x2a: {  	[tilespmem:s11], [sflag:$0x1] =	stream.indirect.gather [hbm4b:s3+s10], $0x80, s23, s10, $0xb8;
	[tilespmem:$0x1A400] =	vst v63  }
0x2b: {  	_ = 	snop  }
0x2c: {  	[tilespmem:s12], [sflag:$0x2] =	stream.indirect.gather [hbm4b:s3+s10], $0x80, s10, s10, $0xb8;
	[tilespmem:$0x1A400] =	vst v63  }
0x2d: {  	_ = 	snop  }
0x2e: {  	[tilespmem:s14], [sflag:$0x3] =	stream.indirect.gather [hbm4b:s3+s10], $0x80, s13, s10, $0xb8;
	[tilespmem:$0x1A400] =	vst v63  }
0x2f: {  	_ = 	snop  }
0x30: {  	[tilespmem:s16], [sflag:$0x4] =	stream.indirect.gather [hbm4b:s3+s10], $0x80, s15, s10, $0xb8;
	[tilespmem:$0x1A400] =	vst v63  }
.LBB2_4:
0x31: {  	_ =	swait.ge [sflag:s17], $0x4000  }
0x32: {  	[sflag:s17] =	ssyncset.done $0x0  }
0x33: {  	s26 =	simm.s32 $0x0;
	s24 =	simm.s32 $0x400;
	[sflag:s17] =	ssyncadd.s32 $0xFFFFC000  }
.LBB2_5:
0x34: {  	p0 =	sne.s32 s24, $0xFC00;
	v1 =	vld [tilespmem:s26+$0x64B0]  }
0x35: {  	v2 =	vld [tilespmem:s26+$0x6400]  }
0x36: {  	v3 =	vld [tilespmem:s26+$0x6410]  }
0x37: {  	v4 =	vld [tilespmem:s26+$0x6420]  }
0x38: {  	v5 =	vld [tilespmem:s26+$0x6430]  }
0x39: {  	[tilespmem:s26+$0x164B0] =	vst.add.f32.msk $0xffff, v1  }
0x3a: {  	v1 =	vld [tilespmem:s26+$0x6480]  }
0x3b: {  	v6 =	vld [tilespmem:s26+$0x6490]  }
0x3c: {  	v7 =	vld [tilespmem:s26+$0x64A0]  }
0x3d: {  	[tilespmem:s26+$0x16400] =	vst.add.f32.msk $0xffff, v2  }
0x3e: {  	[tilespmem:s26+$0x16410] =	vst.add.f32.msk $0xffff, v3  }
.Ltmp3:
0x3f: {  	[tilespmem:s26+$0x16420] =	vst.add.f32.msk $0xffff, v4;
	(pc) =	sbr.rel @p0 .LBB2_5-.Ltmp3, $4  }
0x40: {  	[tilespmem:s26+$0x16430] =	vst.add.f32.msk $0xffff, v5  }
0x41: {  	[tilespmem:s26+$0x16480] =	vst.add.f32.msk $0xffff, v1  }
0x42: {  	[tilespmem:s26+$0x16490] =	vst.add.f32.msk $0xffff, v6  }
0x43: {  	[tilespmem:s26+$0x164A0] =	vst.add.f32.msk $0xffff, v7;
	s26 =	sshra.s32 s24, $0x2;
	s24 =	sadd.s32 $0x400, s24  }
0x44: {  	v1 =	vld [tilespmem:s26+$0x64B0]  }
0x45: {  	v2 =	vld [tilespmem:s26+$0x6400]  }
0x46: {  	v3 =	vld [tilespmem:s26+$0x6410]  }
0x47: {  	v4 =	vld [tilespmem:s26+$0x6420]  }
0x48: {  	v5 =	vld [tilespmem:s26+$0x6430]  }
0x49: {  	v6 =	vld [tilespmem:s26+$0x6490]  }
0x4a: {  	v7 =	vld [tilespmem:s26+$0x64A0]  }
0x4b: {  	[tilespmem:s26+$0x164B0] =	vst.add.f32.msk $0xffff, v1  }
0x4c: {  	v1 =	vld [tilespmem:s26+$0x6480]  }
0x4d: {  	[tilespmem:s26+$0x16400] =	vst.add.f32.msk $0xffff, v2  }
0x4e: {  	[tilespmem:s26+$0x16410] =	vst.add.f32.msk $0xffff, v3  }
0x4f: {  	[tilespmem:s26+$0x16420] =	vst.add.f32.msk $0xffff, v4  }
0x50: {  	[tilespmem:s26+$0x16430] =	vst.add.f32.msk $0xffff, v5  }
0x51: {  	s24 =	sshll.u32 s23, $0xB;
	p0 =	seq.s32 s23, $0x31;
	[tilespmem:s26+$0x16490] =	vst.add.f32.msk $0xffff, v6  }
0x52: {  	s25 =	sshrl.u32 @!p0 s24, $0x2;
	[tilespmem:s26+$0x164A0] =	vst.add.f32.msk $0xffff, v7  }
0x53: {  	s28 =	simm.s32 @!p0 $0x80;
	s29 =	simm.s32 @!p0 $0x6400;
	[tilespmem:s26+$0x16480] =	vst.add.f32.msk $0xffff, v1;
	s26 =	sadd.s32 @!p0 $0x200, s25  }
0x54: {  	[tilespmem:s29], [sflag:$0x1] =	stream.indirect.gather @!p0 [hbm4b:s3+s28], $0x80, s26, s28, $0xb8;
	[tilespmem:$0x1A400] =	vst v63  }
0x55: {  	_ =	swait.ge [sflag:s18], $0x4000  }
0x56: {  	[sflag:s18] =	ssyncset.done $0x0  }
0x57: {  	s26 =	simm.s32 $0x0;
	s28 =	simm.s32 $0x400;
	[sflag:s18] =	ssyncadd.s32 $0xFFFFC000  }
.LBB2_7:
0x58: {  	p1 =	sne.s32 s28, $0xFC00;
	v1 =	vld [tilespmem:s26+$0xA4B0]  }
0x59: {  	v2 =	vld [tilespmem:s26+$0xA400]  }
0x5a: {  	v3 =	vld [tilespmem:s26+$0xA410]  }
0x5b: {  	v4 =	vld [tilespmem:s26+$0xA420]  }
0x5c: {  	v5 =	vld [tilespmem:s26+$0xA430]  }
0x5d: {  	[tilespmem:s26+$0x164B0] =	vst.add.f32.msk $0xffff, v1  }
0x5e: {  	v1 =	vld [tilespmem:s26+$0xA480]  }
0x5f: {  	v6 =	vld [tilespmem:s26+$0xA490]  }
0x60: {  	v7 =	vld [tilespmem:s26+$0xA4A0]  }
0x61: {  	[tilespmem:s26+$0x16400] =	vst.add.f32.msk $0xffff, v2  }
0x62: {  	[tilespmem:s26+$0x16410] =	vst.add.f32.msk $0xffff, v3  }
.Ltmp4:
0x63: {  	[tilespmem:s26+$0x16420] =	vst.add.f32.msk $0xffff, v4;
	(pc) =	sbr.rel @p1 .LBB2_7-.Ltmp4, $4  }
0x64: {  	[tilespmem:s26+$0x16430] =	vst.add.f32.msk $0xffff, v5  }
0x65: {  	[tilespmem:s26+$0x16480] =	vst.add.f32.msk $0xffff, v1  }
0x66: {  	[tilespmem:s26+$0x16490] =	vst.add.f32.msk $0xffff, v6  }
0x67: {  	[tilespmem:s26+$0x164A0] =	vst.add.f32.msk $0xffff, v7;
	s26 =	sshra.s32 s28, $0x2;
	s28 =	sadd.s32 $0x400, s28  }
0x68: {  	v1 =	vld [tilespmem:s26+$0xA4B0]  }
0x69: {  	v2 =	vld [tilespmem:s26+$0xA400]  }
0x6a: {  	v3 =	vld [tilespmem:s26+$0xA410]  }
0x6b: {  	v4 =	vld [tilespmem:s26+$0xA420]  }
0x6c: {  	v5 =	vld [tilespmem:s26+$0xA430]  }
0x6d: {  	v6 =	vld [tilespmem:s26+$0xA490]  }
0x6e: {  	v7 =	vld [tilespmem:s26+$0xA4A0]  }
0x6f: {  	[tilespmem:s26+$0x164B0] =	vst.add.f32.msk $0xffff, v1  }
0x70: {  	v1 =	vld [tilespmem:s26+$0xA480]  }
0x71: {  	[tilespmem:s26+$0x16400] =	vst.add.f32.msk $0xffff, v2  }
0x72: {  	[tilespmem:s26+$0x16410] =	vst.add.f32.msk $0xffff, v3  }
0x73: {  	[tilespmem:s26+$0x16420] =	vst.add.f32.msk $0xffff, v4  }
0x74: {  	[tilespmem:s26+$0x16430] =	vst.add.f32.msk $0xffff, v5  }
0x75: {  	[tilespmem:s26+$0x16490] =	vst.add.f32.msk $0xffff, v6  }
0x76: {  	[tilespmem:s26+$0x164A0] =	vst.add.f32.msk $0xffff, v7  }
0x77: {  	s28 =	simm.s32 @!p0 $0x80;
	s29 =	simm.s32 @!p0 $0xA400;
	[tilespmem:s26+$0x16480] =	vst.add.f32.msk $0xffff, v1;
	s26 =	sadd.s32 @!p0 $0x280, s25  }
0x78: {  	[tilespmem:s29], [sflag:$0x2] =	stream.indirect.gather @!p0 [hbm4b:s3+s28], $0x80, s26, s28, $0xb8;
	[tilespmem:$0x1A400] =	vst v63  }
0x79: {  	_ =	swait.ge [sflag:s19], $0x4000  }
0x7a: {  	[sflag:s19] =	ssyncset.done $0x0  }
0x7b: {  	s26 =	simm.s32 $0x0;
	s28 =	simm.s32 $0x400;
	[sflag:s19] =	ssyncadd.s32 $0xFFFFC000  }
.LBB2_9:
0x7c: {  	p1 =	sne.s32 s28, $0xFC00;
	v1 =	vld [tilespmem:s26+$0xE4B0]  }
0x7d: {  	v2 =	vld [tilespmem:s26+$0xE400]  }
0x7e: {  	v3 =	vld [tilespmem:s26+$0xE410]  }
0x7f: {  	v4 =	vld [tilespmem:s26+$0xE420]  }
0x80: {  	v5 =	vld [tilespmem:s26+$0xE430]  }
0x81: {  	[tilespmem:s26+$0x164B0] =	vst.add.f32.msk $0xffff, v1  }
0x82: {  	v1 =	vld [tilespmem:s26+$0xE480]  }
0x83: {  	v6 =	vld [tilespmem:s26+$0xE490]  }
0x84: {  	v7 =	vld [tilespmem:s26+$0xE4A0]  }
0x85: {  	[tilespmem:s26+$0x16400] =	vst.add.f32.msk $0xffff, v2  }
0x86: {  	[tilespmem:s26+$0x16410] =	vst.add.f32.msk $0xffff, v3  }
.Ltmp5:
0x87: {  	[tilespmem:s26+$0x16420] =	vst.add.f32.msk $0xffff, v4;
	(pc) =	sbr.rel @p1 .LBB2_9-.Ltmp5, $4  }
0x88: {  	[tilespmem:s26+$0x16430] =	vst.add.f32.msk $0xffff, v5  }
0x89: {  	[tilespmem:s26+$0x16480] =	vst.add.f32.msk $0xffff, v1  }
0x8a: {  	[tilespmem:s26+$0x16490] =	vst.add.f32.msk $0xffff, v6  }
0x8b: {  	[tilespmem:s26+$0x164A0] =	vst.add.f32.msk $0xffff, v7;
	s26 =	sshra.s32 s28, $0x2;
	s28 =	sadd.s32 $0x400, s28  }
0x8c: {  	v1 =	vld [tilespmem:s26+$0xE4B0]  }
0x8d: {  	v2 =	vld [tilespmem:s26+$0xE400]  }
0x8e: {  	v3 =	vld [tilespmem:s26+$0xE410]  }
0x8f: {  	v4 =	vld [tilespmem:s26+$0xE420]  }
0x90: {  	v5 =	vld [tilespmem:s26+$0xE430]  }
0x91: {  	v6 =	vld [tilespmem:s26+$0xE490]  }
0x92: {  	v7 =	vld [tilespmem:s26+$0xE4A0]  }
0x93: {  	[tilespmem:s26+$0x164B0] =	vst.add.f32.msk $0xffff, v1  }
0x94: {  	v1 =	vld [tilespmem:s26+$0xE480]  }
0x95: {  	[tilespmem:s26+$0x16400] =	vst.add.f32.msk $0xffff, v2  }
0x96: {  	[tilespmem:s26+$0x16410] =	vst.add.f32.msk $0xffff, v3  }
0x97: {  	[tilespmem:s26+$0x16420] =	vst.add.f32.msk $0xffff, v4  }
0x98: {  	[tilespmem:s26+$0x16430] =	vst.add.f32.msk $0xffff, v5  }
0x99: {  	[tilespmem:s26+$0x16490] =	vst.add.f32.msk $0xffff, v6  }
0x9a: {  	[tilespmem:s26+$0x164A0] =	vst.add.f32.msk $0xffff, v7  }
0x9b: {  	s25 =	sadd.s32 @!p0 $0x300, s25;
	s28 =	simm.s32 @!p0 $0xE400;
	[tilespmem:s26+$0x16480] =	vst.add.f32.msk $0xffff, v1;
	s26 =	simm.s32 @!p0 $0x80  }
0x9c: {  	[tilespmem:s28], [sflag:$0x3] =	stream.indirect.gather @!p0 [hbm4b:s3+s26], $0x80, s25, s26, $0xb8;
	[tilespmem:$0x1A400] =	vst v63  }
0x9d: {  	_ =	swait.ge [sflag:s20], $0x4000  }
0x9e: {  	[sflag:s20] =	ssyncset.done $0x0  }
0x9f: {  	s25 =	simm.s32 $0x0;
	s26 =	simm.s32 $0x400;
	[sflag:s20] =	ssyncadd.s32 $0xFFFFC000  }
.LBB2_11:
0xa0: {  	p1 =	sne.s32 s26, $0xFC00;
	v1 =	vld [tilespmem:s25+$0x124B0]  }
0xa1: {  	v2 =	vld [tilespmem:s25+$0x12400]  }
0xa2: {  	v3 =	vld [tilespmem:s25+$0x12410]  }
0xa3: {  	v4 =	vld [tilespmem:s25+$0x12420]  }
0xa4: {  	v5 =	vld [tilespmem:s25+$0x12430]  }
0xa5: {  	[tilespmem:s25+$0x164B0] =	vst.add.f32.msk $0xffff, v1  }
0xa6: {  	v1 =	vld [tilespmem:s25+$0x12480]  }
0xa7: {  	v6 =	vld [tilespmem:s25+$0x12490]  }
0xa8: {  	v7 =	vld [tilespmem:s25+$0x124A0]  }
0xa9: {  	[tilespmem:s25+$0x16400] =	vst.add.f32.msk $0xffff, v2  }
0xaa: {  	[tilespmem:s25+$0x16410] =	vst.add.f32.msk $0xffff, v3  }
.Ltmp6:
0xab: {  	[tilespmem:s25+$0x16420] =	vst.add.f32.msk $0xffff, v4;
	(pc) =	sbr.rel @p1 .LBB2_11-.Ltmp6, $4  }
0xac: {  	[tilespmem:s25+$0x16430] =	vst.add.f32.msk $0xffff, v5  }
0xad: {  	[tilespmem:s25+$0x16480] =	vst.add.f32.msk $0xffff, v1  }
0xae: {  	[tilespmem:s25+$0x16490] =	vst.add.f32.msk $0xffff, v6  }
0xaf: {  	[tilespmem:s25+$0x164A0] =	vst.add.f32.msk $0xffff, v7;
	s25 =	sshra.s32 s26, $0x2;
	s26 =	sadd.s32 $0x400, s26  }
0xb0: {  	v1 =	vld [tilespmem:s25+$0x124B0]  }
0xb1: {  	v2 =	vld [tilespmem:s25+$0x12400]  }
0xb2: {  	v3 =	vld [tilespmem:s25+$0x12410]  }
0xb3: {  	v4 =	vld [tilespmem:s25+$0x12420]  }
0xb4: {  	v5 =	vld [tilespmem:s25+$0x12430]  }
0xb5: {  	v6 =	vld [tilespmem:s25+$0x12490]  }
0xb6: {  	v7 =	vld [tilespmem:s25+$0x124A0]  }
0xb7: {  	[tilespmem:s25+$0x164B0] =	vst.add.f32.msk $0xffff, v1  }
0xb8: {  	v1 =	vld [tilespmem:s25+$0x12480]  }
0xb9: {  	[tilespmem:s25+$0x16400] =	vst.add.f32.msk $0xffff, v2  }
0xba: {  	[tilespmem:s25+$0x16410] =	vst.add.f32.msk $0xffff, v3  }
.Ltmp7:
0xbb: {  	[tilespmem:s25+$0x16420] =	vst.add.f32.msk $0xffff, v4;
	(pc) =	sbr.rel @p0 .LBB2_14-.Ltmp7, $4  }
0xbc: {  	[tilespmem:s25+$0x16430] =	vst.add.f32.msk $0xffff, v5  }
0xbd: {  	[tilespmem:s25+$0x16490] =	vst.add.f32.msk $0xffff, v6  }
0xbe: {  	[tilespmem:s25+$0x164A0] =	vst.add.f32.msk $0xffff, v7  }
0xbf: {  	[tilespmem:s25+$0x16480] =	vst.add.f32.msk $0xffff, v1  }
.Ltmp8:
0xc0: {  	(pc) =	sbr.rel .LBB2_4-.Ltmp8, $4  }
0xc1: {  	_ = 	snop  }
0xc2: {  	s24 =	sshrl.u32 s24, $0x2  }
0xc3: {  	s23 =	sadd.s32 $0x1, s23;
	s24 =	sadd.s32 $0x380, s24  }
0xc4: {  	[tilespmem:s16], [sflag:$0x4] =	stream.indirect.gather [hbm4b:s3+s10], $0x80, s24, s10, $0xb8;
	[tilespmem:$0x1A400] =	vst v63  }
.LBB2_15:
0xc5: {  	_ =	sfence.sel $0x180000  }
0xc6: {  	[bflag:$0x0] =	sbarrier.arrive $0xFFFF  }
0xc7: {  	p0 =	sne.s32 s1, $0x0;
	_ =	strace $0x9000004A  }
0xc8: {  	s0 =	sadd.s32 @!p0 $0x100000, s0;
	[bflag:$0x2] =	sbarrier.arrive $0xFFFF  }
0xc9: {  	[sflag:s0] =	ssyncadd.tile.s32 @!p0 $0x1;
	_ =	shalt  }
.Lfunc_end2:
_tile_overlayer_lowered:
.L_overlay_start_2:
0xca: {  	(tag) =	ssettag $0x2  }
0xcb: {  	s0 =	rddreg [dreg:$0x0];
	s2 =	stileid.u32  }
0xcc: {  	s1 =	rddreg [dreg:$0x1];
	p0 =	sne.s32 s2, $0x0  }
0xcd: {  	s3 =	rddreg [dreg:$0x2];
	[bflag:$0x3] =	sbarrier.arrive $0xFFFF;
	s2 =	simm.s32 @!p0 $0x1C05  }
0xce: {  	[timem:s3], [sflag:s2] =	dma.local @!p0 [hbm:s0], s1  }
0xcf: {  	s0 =	simm.s32 @!p0 $0x5  }
0xd0: {  	_ =	swait.ge @!p0 [sflag:s0], s1  }
0xd1: {  	s1 =	ssub.s32 @!p0 $0x0, s1;
	[sflag:s0] =	ssyncset.done @!p0 $0x0  }
0xd2: {  	[sflag:s0] =	ssyncadd.s32 @!p0 s1  }
0xd3: {  	[bflag:$0x3] =	sbarrier.arrive $0xFFFF  }
0xd4: {  	_ =	shalt  }

</sc_bundles>
